<compile_context>
chip_gen: v7x
topology: tpu7x:2x2x1
jax: 0.10.2.dev20260603
libtpu: 0.0.44.dev20260713+nightly
codegen_flags: <defaults>
</compile_context>

<pallas_src>
import functools

import jax
import jax.numpy as jnp
from jax import lax
from jax.experimental import pallas as pl
from jax.experimental.pallas import tpu as pltpu
from jax.experimental.pallas import tpu_sc as plsc

N = 10000
E = 320000
D = 128
H = 128
C = 10
NG = 64

NC = 2
NS = 16
NW = NC * NS
EW = E // NW
K = 80
J = EW // K
JP = 64
KD = 80
JD = EW // KD
SB = 640
SBL = N - SB * (NS - 1)
DW = 8

_mesh = plsc.VectorSubcoreMesh(
    core_axis_name="c", subcore_axis_name="s", num_cores=NC, num_subcores=NS)



@functools.partial(
    pl.kernel,
    out_type=jax.ShapeDtypeStruct((NC, N, DW), jnp.float32),
    mesh=_mesh,
    scratch_types=[
        pltpu.VMEM((JD, KD), jnp.int32),
        pltpu.VMEM((KD, DW), jnp.float32),
        pltpu.VMEM_SHARED((N, DW), jnp.float32),
    ],
)
def _deg_kernel(edge_hbm, zeros_hbm, degp_hbm, dst_v, ones_v, acc_sh):
    c = lax.axis_index("c")
    s = lax.axis_index("s")
    w = s * NC + c

    @pl.when(s < NS - 1)
    def _():
        pltpu.sync_copy(zeros_hbm, acc_sh.at[pl.ds(s * 640, 640)])

    @pl.when(s == NS - 1)
    def _():
        pltpu.sync_copy(zeros_hbm.at[pl.ds(0, 400)],
                        acc_sh.at[pl.ds((NS - 1) * 640, 400)])

    pltpu.sync_copy(edge_hbm.at[1, w], dst_v)
    for i in range(KD // 16):
        ones_v[pl.ds(i * 16, 16), :] = jnp.ones((16, DW), jnp.float32)
    plsc.subcore_barrier()

    def body(j, carry):
        pltpu.sync_copy(ones_v, acc_sh.at[dst_v.at[j]], add=True)
        return carry

    lax.fori_loop(0, JD, body, 0)
    plsc.subcore_barrier()

    @pl.when(s < NS - 1)
    def _():
        pltpu.sync_copy(acc_sh.at[pl.ds(s * 640, 640)],
                        degp_hbm.at[c, pl.ds(s * 640, 640)])

    @pl.when(s == NS - 1)
    def _():
        pltpu.sync_copy(acc_sh.at[pl.ds((NS - 1) * 640, 400)],
                        degp_hbm.at[c, pl.ds((NS - 1) * 640, 400)])


@functools.partial(
    pl.kernel,
    out_type=jax.ShapeDtypeStruct((NC, N, H), jnp.float32),
    mesh=_mesh,
    scratch_types=[
        pltpu.VMEM((JP, K), jnp.int32),
        pltpu.VMEM((JP, K), jnp.int32),
        pltpu.VMEM((K, H), jnp.float32),
        pltpu.VMEM((K, H), jnp.float32),
        pltpu.VMEM_SHARED((N, H), jnp.float32),
        pltpu.SemaphoreType.DMA,
        pltpu.SemaphoreType.DMA,
        pltpu.SemaphoreType.DMA,
        pltpu.SemaphoreType.DMA,
    ],
)
def _msg_kernel(hs_hbm, edge_hbm, zeros_hbm, acc_hbm,
                src_v, dst_v, rows0_v, rows1_v, acc_sh,
                sem0, sem1, ssem0, ssem1):
    c = lax.axis_index("c")
    s = lax.axis_index("s")
    w = s * NC + c

    @pl.when(s < NS - 1)
    def _():
        pltpu.sync_copy(zeros_hbm, acc_sh.at[pl.ds(s * SB, SB)])

    @pl.when(s == NS - 1)
    def _():
        pltpu.sync_copy(zeros_hbm.at[pl.ds(0, SBL)],
                        acc_sh.at[pl.ds((NS - 1) * SB, SBL)])

    plsc.subcore_barrier()

    def wait_gather(buf, sem):
        pltpu.make_async_copy(hs_hbm.at[src_v.at[0]], buf, sem).wait()

    def wait_scatter(buf, sem):
        pltpu.make_async_copy(buf, acc_sh.at[dst_v.at[0]], sem).wait()

    def run_phase(base, count):
        pltpu.sync_copy(edge_hbm.at[0, w, pl.ds(base, count)],
                        src_v.at[pl.ds(0, count)])
        pltpu.sync_copy(edge_hbm.at[1, w, pl.ds(base, count)],
                        dst_v.at[pl.ds(0, count)])
        pltpu.async_copy(hs_hbm.at[src_v.at[0]], rows0_v, sem0)
        pltpu.async_copy(hs_hbm.at[src_v.at[1]], rows1_v, sem1)
        wait_gather(rows0_v, sem0)
        pltpu.async_copy(rows0_v, acc_sh.at[dst_v.at[0]], ssem0, add=True)

        def body(j, carry):
            even = (j % 2) == 0

            @pl.when(even)
            def _():
                wait_scatter(rows1_v, ssem1)
                pltpu.async_copy(hs_hbm.at[src_v.at[j + 1]], rows1_v, sem1)
                wait_gather(rows0_v, sem0)
                pltpu.async_copy(rows0_v, acc_sh.at[dst_v.at[j]], ssem0,
                                 add=True)

            @pl.when(jnp.logical_not(even))
            def _():
                wait_scatter(rows0_v, ssem0)
                pltpu.async_copy(hs_hbm.at[src_v.at[j + 1]], rows0_v, sem0)
                wait_gather(rows1_v, sem1)
                pltpu.async_copy(rows1_v, acc_sh.at[dst_v.at[j]], ssem1,
                                 add=True)

            return carry

        lax.fori_loop(1, count - 1, body, 0)
        if (count - 1) % 2:
            wait_gather(rows1_v, sem1)
            pltpu.async_copy(rows1_v, acc_sh.at[dst_v.at[count - 1]], ssem1,
                             add=True)
            wait_scatter(rows0_v, ssem0)
            wait_scatter(rows1_v, ssem1)
        else:
            wait_gather(rows0_v, sem0)
            pltpu.async_copy(rows0_v, acc_sh.at[dst_v.at[count - 1]], ssem0,
                             add=True)
            wait_scatter(rows1_v, ssem1)
            wait_scatter(rows0_v, ssem0)

    run_phase(0, JP)
    run_phase(JP, J - JP)
    plsc.subcore_barrier()

    @pl.when(s < NS - 1)
    def _():
        pltpu.sync_copy(acc_sh.at[pl.ds(s * SB, SB)],
                        acc_hbm.at[c, pl.ds(s * SB, SB)])

    @pl.when(s == NS - 1)
    def _():
        pltpu.sync_copy(acc_sh.at[pl.ds((NS - 1) * SB, SBL)],
                        acc_hbm.at[c, pl.ds((NS - 1) * SB, SBL)])



def _dis(degp_ref):
    return lax.rsqrt(degp_ref[0, :, 0:1] + degp_ref[1, :, 0:1] + 1.0)


def _dense_in_body(degp_ref, x_ref, w_ref, b_ref, hs_ref):
    hh = jnp.dot(x_ref[...], w_ref[...],
                 preferred_element_type=jnp.float32) + b_ref[...]
    hs_ref[...] = hh * _dis(degp_ref)


def _dense_mid_body(acc_ref, hs_ref, degp_ref, g_ref, be_ref, w_ref, b_ref,
                    out_ref):
    dis = _dis(degp_ref)
    z = (acc_ref[0] + acc_ref[1] + hs_ref[...]) * dis
    mu = jnp.mean(z, axis=0, keepdims=True)
    var = jnp.mean((z - mu) ** 2, axis=0, keepdims=True)
    h = (z - mu) * lax.rsqrt(var + 1e-5) * g_ref[...] + be_ref[...]
    h = jnp.maximum(h, 0.0)
    hh = jnp.dot(h, w_ref[...],
                 preferred_element_type=jnp.float32) + b_ref[...]
    out_ref[...] = hh * dis


def _dense_out_body(acc_ref, hs_ref, degp_ref, g_ref, be_ref, batch_ref,
                    wc1_ref, bc1_ref, wc2_ref, bc2_ref, out_ref):
    z = (acc_ref[0] + acc_ref[1] + hs_ref[...]) * _dis(degp_ref)
    mu = jnp.mean(z, axis=0, keepdims=True)
    var = jnp.mean((z - mu) ** 2, axis=0, keepdims=True)
    h = (z - mu) * lax.rsqrt(var + 1e-5) * g_ref[...] + be_ref[...]
    h = jnp.maximum(h, 0.0)
    gi = lax.broadcasted_iota(jnp.int32, (NG, N), 0)
    onehot = (gi == batch_ref[...]).astype(jnp.float32)
    pool = jnp.dot(onehot, h, preferred_element_type=jnp.float32)
    c1 = jnp.maximum(
        jnp.dot(pool, wc1_ref[...], preferred_element_type=jnp.float32)
        + bc1_ref[...], 0.0)
    out_ref[...] = jnp.dot(c1, wc2_ref[...],
                           preferred_element_type=jnp.float32) + bc2_ref[...]


def kernel(x, edge_index, batch, W1, b1, g1, be1, W2, b2, g2, be2,
           W3, b3, g3, be3, Wc1, bc1, Wc2, bc2):
    f32 = jnp.float32
    i32 = jnp.int32
    ei = edge_index.astype(i32)
    edge_r = ei.reshape(2, NW, J, K)
    edge_d = ei.reshape(2, NW, JD, KD)
    zeros_deg = jnp.zeros((640, DW), f32)
    zeros_rows = jnp.zeros((SB, H), f32)
    batch2d = batch.astype(i32).reshape(1, N)

    degp = _deg_kernel(edge_d, zeros_deg)

    dense_in = pl.pallas_call(
        _dense_in_body,
        out_shape=jax.ShapeDtypeStruct((N, H), f32))
    hs = dense_in(degp, x, W1, b1.reshape(1, H))

    dense_mid = pl.pallas_call(
        _dense_mid_body,
        out_shape=jax.ShapeDtypeStruct((N, H), f32))
    for (g, be, W, b) in ((g1, be1, W2, b2), (g2, be2, W3, b3)):
        acc = _msg_kernel(hs, edge_r, zeros_rows)
        hs = dense_mid(acc, hs, degp, g.reshape(1, H), be.reshape(1, H),
                       W, b.reshape(1, H))

    acc = _msg_kernel(hs, edge_r, zeros_rows)
    dense_out = pl.pallas_call(
        _dense_out_body,
        out_shape=jax.ShapeDtypeStruct((NG, C), f32))
    out = dense_out(acc, hs, degp, g3.reshape(1, H), be3.reshape(1, H),
                    batch2d, Wc1, bc1.reshape(1, H), Wc2, bc2.reshape(1, C))
    return out

# --- scband reference (transcript-rebuilt; emitter-appended) ---
"""Pipeline reference for scband-graph-classifier-67095979098699 (READ-ONLY COPY).

The authoritative reference and input builder live on the scoring server;
editing this copy changes nothing except your own understanding.
"""

import jax, jax.numpy as jnp
import numpy as np

N = 10000
E = 320000
D = 128
H = 128
C = 10
NG = 64

def setup_inputs(seed: int = 0):
    key = jax.random.key(seed)
    ks = jax.random.split(key, 16)
    x = jax.random.normal(ks[0], (N, D), dtype=jnp.float32)
    edge_index = jax.random.randint(ks[1], (2, E), 0, N)
    batch = jnp.sort(jax.random.randint(ks[2], (N,), 0, NG))
    batch = batch.at[-1].set(NG - 1)
    s_in = 1.0 / np.sqrt(D)
    s_h = 1.0 / np.sqrt(H)
    inp = {"x": x, "edge_index": edge_index, "batch": batch}
    inp["W1"] = jax.random.normal(ks[3], (D, H), dtype=jnp.float32) * s_in
    inp["b1"] = jnp.zeros((H,), jnp.float32)
    inp["g1"] = jnp.ones((H,), jnp.float32)
    inp["be1"] = jnp.zeros((H,), jnp.float32)
    inp["W2"] = jax.random.normal(ks[4], (H, H), dtype=jnp.float32) * s_h
    inp["b2"] = jnp.zeros((H,), jnp.float32)
    inp["g2"] = jnp.ones((H,), jnp.float32)
    inp["be2"] = jnp.zeros((H,), jnp.float32)
    inp["W3"] = jax.random.normal(ks[5], (H, H), dtype=jnp.float32) * s_h
    inp["b3"] = jnp.zeros((H,), jnp.float32)
    inp["g3"] = jnp.ones((H,), jnp.float32)
    inp["be3"] = jnp.zeros((H,), jnp.float32)
    inp["Wc1"] = jax.random.normal(ks[6], (H, H), dtype=jnp.float32) * s_h
    inp["bc1"] = jnp.zeros((H,), jnp.float32)
    inp["Wc2"] = jax.random.normal(ks[7], (H, C), dtype=jnp.float32) * s_h
    inp["bc2"] = jnp.zeros((C,), jnp.float32)
    return inp

def reference(x, edge_index, batch, W1, b1, g1, be1, W2, b2, g2, be2, W3, b3, g3, be3, Wc1, bc1, Wc2, bc2):
    n = x.shape[0]
    src = edge_index[0]
    dst = edge_index[1]
    loop = jnp.arange(n)
    src_a = jnp.concatenate([src, loop])
    dst_a = jnp.concatenate([dst, loop])
    deg = jnp.zeros((n,), jnp.float32).at[dst_a].add(1.0)
    norm = (deg[src_a] * deg[dst_a]) ** -0.5
    norm = jnp.where(jnp.isinf(norm), 0.0, norm)

    def gcn(h, W, b):
        hh = h @ W + b
        msg = hh[src_a] * norm[:, None]
        return jnp.zeros((n, hh.shape[1]), jnp.float32).at[dst_a].add(msg)

    def bn(h, g, be):
        mu = h.mean(axis=0)
        var = ((h - mu) ** 2).mean(axis=0)
        return (h - mu) / jnp.sqrt(var + 1e-5) * g + be

    h = x
    for (W, b, g, be) in ((W1, b1, g1, be1), (W2, b2, g2, be2), (W3, b3, g3, be3)):
        h = jax.nn.relu(bn(gcn(h, W, b), g, be))

    ng = NG
    pool = jnp.zeros((ng, h.shape[1]), jnp.float32).at[batch].add(h)
    out = jax.nn.relu(pool @ Wc1 + bc1) @ Wc2 + bc2
    return out

if __name__ == "__main__":
    import jax
    _d = setup_inputs()
    print(jax.jit(kernel)(*tuple(_d.values())))

</pallas_src>

<mosaic_0001>
#map = affine_map<(d0, d1) -> (0, 0, 0, 0)>
#map1 = affine_map<(d0, d1) -> (0, 0)>
#map2 = affine_map<(d0, d1) -> (0, 0, 0)>
module attributes {stable_mosaic.version = 14 : i64} {
  func.func @_deg_kernel(%arg0: i32, %arg1: i32, %arg2: memref<2x32x125x80xi32, #tpu.memory_space<hbm>>, %arg3: memref<640x8xf32, #tpu.memory_space<hbm>>, %arg4: memref<2x10000x8xf32, #tpu.memory_space<hbm>>, %arg5: memref<125x80xi32, #tpu.memory_space<vmem>>, %arg6: memref<80x8xf32, #tpu.memory_space<vmem>>, %arg7: memref<10000x8xf32, #tpu.memory_space<vmem_shared>>) attributes {dimension_semantics = [#tpu.dimension_semantics<core_parallel>, #tpu.dimension_semantics<subcore_parallel>], iteration_bounds = array<i64: 2, 16>, scalar_prefetch = 0 : i64, scratch_operands = 3 : i64, tpu.core_type = #tpu.core_type<sc_vector_subcore>, window_params = [{transform_indices = #map}, {transform_indices = #map1}, {transform_indices = #map2}]} {
    %mul3A = arith.constant 2 : i32
    %mul3A_0 = arith.muli %arg1, %mul3A : i32
    %add3A = arith.addi %mul3A_0, %arg0 : i32
    %lt3A = arith.constant 15 : i32
    %lt3A_1 = arith.cmpi slt, %arg1, %lt3A : i32
    %convert_element_type3A = arith.extui %lt3A_1 : i1 to i32
    %cond3A = arith.constant 0 : i32
    %cond3A_2 = arith.cmpi ne, %convert_element_type3A, %cond3A : i32
    scf.if %cond3A_2 {
      %mul3A_56 = arith.constant 640 : i32
      %mul3A_57 = arith.muli %arg1, %mul3A_56 : i32
      "tpu.region"() ({
        %run_scoped3A_58 = tpu.sem_alloc : memref<!tpu.dma_semaphore, #tpu.memory_space<semaphore_mem>>
        %dma_start3A = arith.constant 0 : i32
        %dma_start3A_59 = tpu.memref_slice %arg7[%mul3A_57, %dma_start3A] : memref<10000x8xf32, #tpu.memory_space<vmem_shared>> -> memref<640x8xf32, #tpu.memory_space<vmem_shared>>
        tpu.enqueue_dma source(%arg3 : memref<640x8xf32, #tpu.memory_space<hbm>>) target(%dma_start3A_59 : memref<640x8xf32, #tpu.memory_space<vmem_shared>>) target_semaphore(%run_scoped3A_58 : memref<!tpu.dma_semaphore, #tpu.memory_space<semaphore_mem>>)
        %dma_wait3A = arith.constant 0 : i32
        %dma_wait3A_60 = tpu.memref_slice %arg7[%mul3A_57, %dma_wait3A] : memref<10000x8xf32, #tpu.memory_space<vmem_shared>> -> memref<640x8xf32, #tpu.memory_space<vmem_shared>>
        tpu.wait_dma2 semaphore(%run_scoped3A_58 : memref<!tpu.dma_semaphore, #tpu.memory_space<semaphore_mem>>) src(%arg3 : memref<640x8xf32, #tpu.memory_space<hbm>>) dst(%dma_wait3A_60 : memref<640x8xf32, #tpu.memory_space<vmem_shared>>)
        tpu.yield
      }) : () -> ()
    } else {
    }
    %eq3A = arith.constant 15 : i32
    %eq3A_3 = arith.cmpi eq, %arg1, %eq3A : i32
    %convert_element_type3A_4 = arith.extui %eq3A_3 : i1 to i32
    %cond3A_5 = arith.constant 0 : i32
    %cond3A_6 = arith.cmpi ne, %convert_element_type3A_4, %cond3A_5 : i32
    scf.if %cond3A_6 {
      "tpu.region"() ({
        %run_scoped3A_56 = tpu.sem_alloc : memref<!tpu.dma_semaphore, #tpu.memory_space<semaphore_mem>>
        %dma_start3A = arith.constant 9600 : i32
        %dma_start3A_57 = arith.constant 0 : i32
        %dma_start3A_58 = tpu.memref_slice %arg7[%dma_start3A, %dma_start3A_57] : memref<10000x8xf32, #tpu.memory_space<vmem_shared>> -> memref<400x8xf32, #tpu.memory_space<vmem_shared>>
        %dma_start3A_59 = arith.constant 0 : i32
        %dma_start3A_60 = arith.constant 0 : i32
        %dma_start3A_61 = tpu.memref_slice %arg3[%dma_start3A_59, %dma_start3A_60] : memref<640x8xf32, #tpu.memory_space<hbm>> -> memref<400x8xf32, #tpu.memory_space<hbm>>
        tpu.enqueue_dma source(%dma_start3A_61 : memref<400x8xf32, #tpu.memory_space<hbm>>) target(%dma_start3A_58 : memref<400x8xf32, #tpu.memory_space<vmem_shared>>) target_semaphore(%run_scoped3A_56 : memref<!tpu.dma_semaphore, #tpu.memory_space<semaphore_mem>>)
        %dma_wait3A = arith.constant 9600 : i32
        %dma_wait3A_62 = arith.constant 0 : i32
        %dma_wait3A_63 = tpu.memref_slice %arg7[%dma_wait3A, %dma_wait3A_62] : memref<10000x8xf32, #tpu.memory_space<vmem_shared>> -> memref<400x8xf32, #tpu.memory_space<vmem_shared>>
        %dma_wait3A_64 = arith.constant 0 : i32
        %dma_wait3A_65 = arith.constant 0 : i32
        %dma_wait3A_66 = tpu.memref_slice %arg3[%dma_wait3A_64, %dma_wait3A_65] : memref<640x8xf32, #tpu.memory_space<hbm>> -> memref<400x8xf32, #tpu.memory_space<hbm>>
        tpu.wait_dma2 semaphore(%run_scoped3A_56 : memref<!tpu.dma_semaphore, #tpu.memory_space<semaphore_mem>>) src(%dma_wait3A_66 : memref<400x8xf32, #tpu.memory_space<hbm>>) dst(%dma_wait3A_63 : memref<400x8xf32, #tpu.memory_space<vmem_shared>>)
        tpu.yield
      }) : () -> ()
    } else {
    }
    %run_scoped3A = arith.constant 1 : i32
    "tpu.region"() ({
      %run_scoped3A_56 = tpu.sem_alloc : memref<!tpu.dma_semaphore, #tpu.memory_space<semaphore_mem>>
      %dma_start3A = arith.constant 0 : i32
      %dma_start3A_57 = arith.constant 0 : i32
      %dma_start3A_58 = tpu.memref_slice %arg2[%run_scoped3A, %add3A, %dma_start3A, %dma_start3A_57] : memref<2x32x125x80xi32, #tpu.memory_space<hbm>> -> memref<1x1x125x80xi32, #tpu.memory_space<hbm>>
      %dma_start3A_59 = tpu.memref_squeeze %dma_start3A_58 : memref<1x1x125x80xi32, #tpu.memory_space<hbm>> -> memref<125x80xi32, #tpu.memory_space<hbm>>
      %dma_start3A_60 = arith.constant 0 : i32
      %dma_start3A_61 = arith.constant 0 : i32
      %dma_start3A_62 = tpu.memref_slice %arg2[%run_scoped3A, %add3A, %dma_start3A_60, %dma_start3A_61] : memref<2x32x125x80xi32, #tpu.memory_space<hbm>> -> memref<1x1x125x80xi32, #tpu.memory_space<hbm>>
      %dma_start3A_63 = tpu.memref_squeeze %dma_start3A_62 : memref<1x1x125x80xi32, #tpu.memory_space<hbm>> -> memref<125x80xi32, #tpu.memory_space<hbm>>
      tpu.enqueue_dma source(%dma_start3A_63 : memref<125x80xi32, #tpu.memory_space<hbm>>) target(%arg5 : memref<125x80xi32, #tpu.memory_space<vmem>>) target_semaphore(%run_scoped3A_56 : memref<!tpu.dma_semaphore, #tpu.memory_space<semaphore_mem>>)
      %dma_wait3A = arith.constant 0 : i32
      %dma_wait3A_64 = arith.constant 0 : i32
      %dma_wait3A_65 = tpu.memref_slice %arg2[%run_scoped3A, %add3A, %dma_wait3A, %dma_wait3A_64] : memref<2x32x125x80xi32, #tpu.memory_space<hbm>> -> memref<1x1x125x80xi32, #tpu.memory_space<hbm>>
      %dma_wait3A_66 = tpu.memref_squeeze %dma_wait3A_65 : memref<1x1x125x80xi32, #tpu.memory_space<hbm>> -> memref<125x80xi32, #tpu.memory_space<hbm>>
      %dma_wait3A_67 = arith.constant 0 : i32
      %dma_wait3A_68 = arith.constant 0 : i32
      %dma_wait3A_69 = tpu.memref_slice %arg2[%run_scoped3A, %add3A, %dma_wait3A_67, %dma_wait3A_68] : memref<2x32x125x80xi32, #tpu.memory_space<hbm>> -> memref<1x1x125x80xi32, #tpu.memory_space<hbm>>
      %dma_wait3A_70 = tpu.memref_squeeze %dma_wait3A_69 : memref<1x1x125x80xi32, #tpu.memory_space<hbm>> -> memref<125x80xi32, #tpu.memory_space<hbm>>
      tpu.wait_dma2 semaphore(%run_scoped3A_56 : memref<!tpu.dma_semaphore, #tpu.memory_space<semaphore_mem>>) src(%dma_wait3A_70 : memref<125x80xi32, #tpu.memory_space<hbm>>) dst(%arg5 : memref<125x80xi32, #tpu.memory_space<vmem>>)
      tpu.yield
    }) : () -> ()
    %broadcast_in_dim3A = arith.constant 1.000000e+00 : f32
    %broadcast_in_dim3A_7 = vector.broadcast %broadcast_in_dim3A : f32 to vector<16x8xf32>
    %swap3A = arith.constant 0 : index
    %swap3A_8 = arith.constant 0 : index
    %swap3A_9 = tpu.vector_load %arg6[%swap3A, %swap3A_8] {strides = array<i32>} : memref<80x8xf32, #tpu.memory_space<vmem>>, vector<16x8xf32>,
    %swap3A_10 = vector.shape_cast %swap3A_9 : vector<16x8xf32> to vector<16x8xf32>
    %swap3A_11 = vector.shape_cast %broadcast_in_dim3A_7 : vector<16x8xf32> to vector<16x8xf32>
    tpu.vector_store %arg6[%swap3A, %swap3A_8], %swap3A_11 {strides = array<i32>} : memref<80x8xf32, #tpu.memory_space<vmem>>, vector<16x8xf32>,
    %broadcast_in_dim3A_12 = arith.constant 1.000000e+00 : f32
    %broadcast_in_dim3A_13 = vector.broadcast %broadcast_in_dim3A_12 : f32 to vector<16x8xf32>
    %swap3A_14 = arith.constant 16 : index
    %swap3A_15 = arith.constant 0 : index
    %swap3A_16 = tpu.vector_load %arg6[%swap3A_14, %swap3A_15] {strides = array<i32>} : memref<80x8xf32, #tpu.memory_space<vmem>>, vector<16x8xf32>,
    %swap3A_17 = vector.shape_cast %swap3A_16 : vector<16x8xf32> to vector<16x8xf32>
    %swap3A_18 = vector.shape_cast %broadcast_in_dim3A_13 : vector<16x8xf32> to vector<16x8xf32>
    tpu.vector_store %arg6[%swap3A_14, %swap3A_15], %swap3A_18 {strides = array<i32>} : memref<80x8xf32, #tpu.memory_space<vmem>>, vector<16x8xf32>,
    %broadcast_in_dim3A_19 = arith.constant 1.000000e+00 : f32
    %broadcast_in_dim3A_20 = vector.broadcast %broadcast_in_dim3A_19 : f32 to vector<16x8xf32>
    %swap3A_21 = arith.constant 32 : index
    %swap3A_22 = arith.constant 0 : index
    %swap3A_23 = tpu.vector_load %arg6[%swap3A_21, %swap3A_22] {strides = array<i32>} : memref<80x8xf32, #tpu.memory_space<vmem>>, vector<16x8xf32>,
    %swap3A_24 = vector.shape_cast %swap3A_23 : vector<16x8xf32> to vector<16x8xf32>
    %swap3A_25 = vector.shape_cast %broadcast_in_dim3A_20 : vector<16x8xf32> to vector<16x8xf32>
    tpu.vector_store %arg6[%swap3A_21, %swap3A_22], %swap3A_25 {strides = array<i32>} : memref<80x8xf32, #tpu.memory_space<vmem>>, vector<16x8xf32>,
    %broadcast_in_dim3A_26 = arith.constant 1.000000e+00 : f32
    %broadcast_in_dim3A_27 = vector.broadcast %broadcast_in_dim3A_26 : f32 to vector<16x8xf32>
    %swap3A_28 = arith.constant 48 : index
    %swap3A_29 = arith.constant 0 : index
    %swap3A_30 = tpu.vector_load %arg6[%swap3A_28, %swap3A_29] {strides = array<i32>} : memref<80x8xf32, #tpu.memory_space<vmem>>, vector<16x8xf32>,
    %swap3A_31 = vector.shape_cast %swap3A_30 : vector<16x8xf32> to vector<16x8xf32>
    %swap3A_32 = vector.shape_cast %broadcast_in_dim3A_27 : vector<16x8xf32> to vector<16x8xf32>
    tpu.vector_store %arg6[%swap3A_28, %swap3A_29], %swap3A_32 {strides = array<i32>} : memref<80x8xf32, #tpu.memory_space<vmem>>, vector<16x8xf32>,
    %broadcast_in_dim3A_33 = arith.constant 1.000000e+00 : f32
    %broadcast_in_dim3A_34 = vector.broadcast %broadcast_in_dim3A_33 : f32 to vector<16x8xf32>
    %swap3A_35 = arith.constant 64 : index
    %swap3A_36 = arith.constant 0 : index
    %swap3A_37 = tpu.vector_load %arg6[%swap3A_35, %swap3A_36] {strides = array<i32>} : memref<80x8xf32, #tpu.memory_space<vmem>>, vector<16x8xf32>,
    %swap3A_38 = vector.shape_cast %swap3A_37 : vector<16x8xf32> to vector<16x8xf32>
    %swap3A_39 = vector.shape_cast %broadcast_in_dim3A_34 : vector<16x8xf32> to vector<16x8xf32>
    tpu.vector_store %arg6[%swap3A_35, %swap3A_36], %swap3A_39 {strides = array<i32>} : memref<80x8xf32, #tpu.memory_space<vmem>>, vector<16x8xf32>,
    %barrier3A = arith.constant 0 : index
    tpu.barrier barrier_id(%barrier3A)
    %scan3A = arith.constant 0 : i32
    %scan3A_40 = arith.constant 0 : i32
    %scan3A_41 = arith.constant 125 : i32
    %scan3A_42 = arith.addi %scan3A_40, %scan3A_41 : i32
    %scan3A_43 = arith.constant 1 : i32
    scf.for %scan3A_56 = %scan3A_40 to %scan3A_42 step %scan3A_43  : i32 {
      "tpu.region"() ({
        %run_scoped3A_57 = tpu.sem_alloc : memref<!tpu.dma_semaphore, #tpu.memory_space<semaphore_mem>>
        %dma_start3A = arith.constant 0 : i32
        %dma_start3A_58 = tpu.memref_slice %arg5[%scan3A_56, %dma_start3A] : memref<125x80xi32, #tpu.memory_space<vmem>> -> memref<1x80xi32, #tpu.memory_space<vmem>>
        %dma_start3A_59 = tpu.memref_squeeze %dma_start3A_58 : memref<1x80xi32, #tpu.memory_space<vmem>> -> memref<80xi32, #tpu.memory_space<vmem>>
        %dma_start3A_60 = arith.constant 0 : i32
        %dma_start3A_61 = arith.constant 0 : i32
        %dma_start3A_62 = tpu.memref_slice %arg7[%dma_start3A_60, %dma_start3A_61] : memref<10000x8xf32, #tpu.memory_space<vmem_shared>> -> memref<10000x8xf32, #tpu.memory_space<vmem_shared>>
        tpu.enqueue_indirect_dma source(%arg6 : memref<80x8xf32, #tpu.memory_space<vmem>>) target(%dma_start3A_62 : memref<10000x8xf32, #tpu.memory_space<vmem_shared>>) offsets(%dma_start3A_59 : memref<80xi32, #tpu.memory_space<vmem>>) semaphore(%run_scoped3A_57 : memref<!tpu.dma_semaphore, #tpu.memory_space<semaphore_mem>>) {add = true}
        %dma_wait3A = arith.constant 0 : i32
        %dma_wait3A_63 = tpu.memref_slice %arg5[%scan3A_56, %dma_wait3A] : memref<125x80xi32, #tpu.memory_space<vmem>> -> memref<1x80xi32, #tpu.memory_space<vmem>>
        %dma_wait3A_64 = tpu.memref_squeeze %dma_wait3A_63 : memref<1x80xi32, #tpu.memory_space<vmem>> -> memref<80xi32, #tpu.memory_space<vmem>>
        %dma_wait3A_65 = arith.constant 0 : i32
        %dma_wait3A_66 = arith.constant 0 : i32
        %dma_wait3A_67 = tpu.memref_slice %arg7[%dma_wait3A_65, %dma_wait3A_66] : memref<10000x8xf32, #tpu.memory_space<vmem_shared>> -> memref<10000x8xf32, #tpu.memory_space<vmem_shared>>
        tpu.wait_indirect_dma semaphore(%run_scoped3A_57 : memref<!tpu.dma_semaphore, #tpu.memory_space<semaphore_mem>>) src(%arg6 : memref<80x8xf32, #tpu.memory_space<vmem>>) dst(%dma_wait3A_67 : memref<10000x8xf32, #tpu.memory_space<vmem_shared>>)
        tpu.yield
      }) : () -> ()
    }
    %scan3A_44 = arith.constant 125 : i32
    %barrier3A_45 = arith.constant 0 : index
    tpu.barrier barrier_id(%barrier3A_45)
    %lt3A_46 = arith.constant 15 : i32
    %lt3A_47 = arith.cmpi slt, %arg1, %lt3A_46 : i32
    %convert_element_type3A_48 = arith.extui %lt3A_47 : i1 to i32
    %cond3A_49 = arith.constant 0 : i32
    %cond3A_50 = arith.cmpi ne, %convert_element_type3A_48, %cond3A_49 : i32
    scf.if %cond3A_50 {
      %mul3A_56 = arith.constant 640 : i32
      %mul3A_57 = arith.muli %arg1, %mul3A_56 : i32
      %mul3A_58 = arith.constant 640 : i32
      %mul3A_59 = arith.muli %arg1, %mul3A_58 : i32
      "tpu.region"() ({
        %run_scoped3A_60 = tpu.sem_alloc : memref<!tpu.dma_semaphore, #tpu.memory_space<semaphore_mem>>
        %dma_start3A = arith.constant 0 : i32
        %dma_start3A_61 = tpu.memref_slice %arg4[%arg0, %mul3A_59, %dma_start3A] : memref<2x10000x8xf32, #tpu.memory_space<hbm>> -> memref<1x640x8xf32, #tpu.memory_space<hbm>>
        %dma_start3A_62 = tpu.memref_squeeze %dma_start3A_61 : memref<1x640x8xf32, #tpu.memory_space<hbm>> -> memref<640x8xf32, #tpu.memory_space<hbm>>
        %dma_start3A_63 = arith.constant 0 : i32
        %dma_start3A_64 = tpu.memref_slice %arg7[%mul3A_57, %dma_start3A_63] : memref<10000x8xf32, #tpu.memory_space<vmem_shared>> -> memref<640x8xf32, #tpu.memory_space<vmem_shared>>
        tpu.enqueue_dma source(%dma_start3A_64 : memref<640x8xf32, #tpu.memory_space<vmem_shared>>) target(%dma_start3A_62 : memref<640x8xf32, #tpu.memory_space<hbm>>) target_semaphore(%run_scoped3A_60 : memref<!tpu.dma_semaphore, #tpu.memory_space<semaphore_mem>>)
        %dma_wait3A = arith.constant 0 : i32
        %dma_wait3A_65 = tpu.memref_slice %arg4[%arg0, %mul3A_59, %dma_wait3A] : memref<2x10000x8xf32, #tpu.memory_space<hbm>> -> memref<1x640x8xf32, #tpu.memory_space<hbm>>
        %dma_wait3A_66 = tpu.memref_squeeze %dma_wait3A_65 : memref<1x640x8xf32, #tpu.memory_space<hbm>> -> memref<640x8xf32, #tpu.memory_space<hbm>>
        %dma_wait3A_67 = arith.constant 0 : i32
        %dma_wait3A_68 = tpu.memref_slice %arg7[%mul3A_57, %dma_wait3A_67] : memref<10000x8xf32, #tpu.memory_space<vmem_shared>> -> memref<640x8xf32, #tpu.memory_space<vmem_shared>>
        tpu.wait_dma2 semaphore(%run_scoped3A_60 : memref<!tpu.dma_semaphore, #tpu.memory_space<semaphore_mem>>) src(%dma_wait3A_68 : memref<640x8xf32, #tpu.memory_space<vmem_shared>>) dst(%dma_wait3A_66 : memref<640x8xf32, #tpu.memory_space<hbm>>)
        tpu.yield
      }) : () -> ()
    } else {
    }
    %eq3A_51 = arith.constant 15 : i32
    %eq3A_52 = arith.cmpi eq, %arg1, %eq3A_51 : i32
    %convert_element_type3A_53 = arith.extui %eq3A_52 : i1 to i32
    %cond3A_54 = arith.constant 0 : i32
    %cond3A_55 = arith.cmpi ne, %convert_element_type3A_53, %cond3A_54 : i32
    scf.if %cond3A_55 {
      "tpu.region"() ({
        %run_scoped3A_56 = tpu.sem_alloc : memref<!tpu.dma_semaphore, #tpu.memory_space<semaphore_mem>>
        %dma_start3A = arith.constant 9600 : i32
        %dma_start3A_57 = arith.constant 0 : i32
        %dma_start3A_58 = tpu.memref_slice %arg4[%arg0, %dma_start3A, %dma_start3A_57] : memref<2x10000x8xf32, #tpu.memory_space<hbm>> -> memref<1x400x8xf32, #tpu.memory_space<hbm>>
        %dma_start3A_59 = tpu.memref_squeeze %dma_start3A_58 : memref<1x400x8xf32, #tpu.memory_space<hbm>> -> memref<400x8xf32, #tpu.memory_space<hbm>>
        %dma_start3A_60 = arith.constant 9600 : i32
        %dma_start3A_61 = arith.constant 0 : i32
        %dma_start3A_62 = tpu.memref_slice %arg7[%dma_start3A_60, %dma_start3A_61] : memref<10000x8xf32, #tpu.memory_space<vmem_shared>> -> memref<400x8xf32, #tpu.memory_space<vmem_shared>>
        tpu.enqueue_dma source(%dma_start3A_62 : memref<400x8xf32, #tpu.memory_space<vmem_shared>>) target(%dma_start3A_59 : memref<400x8xf32, #tpu.memory_space<hbm>>) target_semaphore(%run_scoped3A_56 : memref<!tpu.dma_semaphore, #tpu.memory_space<semaphore_mem>>)
        %dma_wait3A = arith.constant 9600 : i32
        %dma_wait3A_63 = arith.constant 0 : i32
        %dma_wait3A_64 = tpu.memref_slice %arg4[%arg0, %dma_wait3A, %dma_wait3A_63] : memref<2x10000x8xf32, #tpu.memory_space<hbm>> -> memref<1x400x8xf32, #tpu.memory_space<hbm>>
        %dma_wait3A_65 = tpu.memref_squeeze %dma_wait3A_64 : memref<1x400x8xf32, #tpu.memory_space<hbm>> -> memref<400x8xf32, #tpu.memory_space<hbm>>
        %dma_wait3A_66 = arith.constant 9600 : i32
        %dma_wait3A_67 = arith.constant 0 : i32
        %dma_wait3A_68 = tpu.memref_slice %arg7[%dma_wait3A_66, %dma_wait3A_67] : memref<10000x8xf32, #tpu.memory_space<vmem_shared>> -> memref<400x8xf32, #tpu.memory_space<vmem_shared>>
        tpu.wait_dma2 semaphore(%run_scoped3A_56 : memref<!tpu.dma_semaphore, #tpu.memory_space<semaphore_mem>>) src(%dma_wait3A_68 : memref<400x8xf32, #tpu.memory_space<vmem_shared>>) dst(%dma_wait3A_65 : memref<400x8xf32, #tpu.memory_space<hbm>>)
        tpu.yield
      }) : () -> ()
    } else {
    }
    return
  }
}

#map = affine_map<(d0, d1) -> (0, 0)>
#map1 = affine_map<(d0, d1) -> (0, 0, 0, 0)>
#map2 = affine_map<(d0, d1) -> (0, 0, 0)>
module attributes {stable_mosaic.version = 14 : i64} {
  func.func @_msg_kernel(%arg0: i32, %arg1: i32, %arg2: memref<10000x128xf32, #tpu.memory_space<hbm>>, %arg3: memref<2x32x125x80xi32, #tpu.memory_space<hbm>>, %arg4: memref<640x128xf32, #tpu.memory_space<hbm>>, %arg5: memref<2x10000x128xf32, #tpu.memory_space<hbm>>, %arg6: memref<64x80xi32, #tpu.memory_space<vmem>>, %arg7: memref<64x80xi32, #tpu.memory_space<vmem>>, %arg8: memref<80x128xf32, #tpu.memory_space<vmem>>, %arg9: memref<80x128xf32, #tpu.memory_space<vmem>>, %arg10: memref<10000x128xf32, #tpu.memory_space<vmem_shared>>, %arg11: memref<!tpu.dma_semaphore, #tpu.memory_space<semaphore_mem>>, %arg12: memref<!tpu.dma_semaphore, #tpu.memory_space<semaphore_mem>>, %arg13: memref<!tpu.dma_semaphore, #tpu.memory_space<semaphore_mem>>, %arg14: memref<!tpu.dma_semaphore, #tpu.memory_space<semaphore_mem>>) attributes {dimension_semantics = [#tpu.dimension_semantics<core_parallel>, #tpu.dimension_semantics<subcore_parallel>], iteration_bounds = array<i64: 2, 16>, scalar_prefetch = 0 : i64, scratch_operands = 9 : i64, tpu.core_type = #tpu.core_type<sc_vector_subcore>, window_params = [{transform_indices = #map}, {transform_indices = #map1}, {transform_indices = #map}, {transform_indices = #map2}]} {
    %mul3A = arith.constant 2 : i32
    %mul3A_0 = arith.muli %arg1, %mul3A : i32
    %add3A = arith.addi %mul3A_0, %arg0 : i32
    %lt3A = arith.constant 15 : i32
    %lt3A_1 = arith.cmpi slt, %arg1, %lt3A : i32
    %convert_element_type3A = arith.extui %lt3A_1 : i1 to i32
    %cond3A = arith.constant 0 : i32
    %cond3A_2 = arith.cmpi ne, %convert_element_type3A, %cond3A : i32
    scf.if %cond3A_2 {
      %mul3A_142 = arith.constant 640 : i32
      %mul3A_143 = arith.muli %arg1, %mul3A_142 : i32
      "tpu.region"() ({
        %run_scoped3A_144 = tpu.sem_alloc : memref<!tpu.dma_semaphore, #tpu.memory_space<semaphore_mem>>
        %dma_start3A_145 = arith.constant 0 : i32
        %dma_start3A_146 = tpu.memref_slice %arg10[%mul3A_143, %dma_start3A_145] : memref<10000x128xf32, #tpu.memory_space<vmem_shared>> -> memref<640x128xf32, #tpu.memory_space<vmem_shared>>
        tpu.enqueue_dma source(%arg4 : memref<640x128xf32, #tpu.memory_space<hbm>>) target(%dma_start3A_146 : memref<640x128xf32, #tpu.memory_space<vmem_shared>>) target_semaphore(%run_scoped3A_144 : memref<!tpu.dma_semaphore, #tpu.memory_space<semaphore_mem>>)
        %dma_wait3A_147 = arith.constant 0 : i32
        %dma_wait3A_148 = tpu.memref_slice %arg10[%mul3A_143, %dma_wait3A_147] : memref<10000x128xf32, #tpu.memory_space<vmem_shared>> -> memref<640x128xf32, #tpu.memory_space<vmem_shared>>
        tpu.wait_dma2 semaphore(%run_scoped3A_144 : memref<!tpu.dma_semaphore, #tpu.memory_space<semaphore_mem>>) src(%arg4 : memref<640x128xf32, #tpu.memory_space<hbm>>) dst(%dma_wait3A_148 : memref<640x128xf32, #tpu.memory_space<vmem_shared>>)
        tpu.yield
      }) : () -> ()
    } else {
    }
    %eq3A = arith.constant 15 : i32
    %eq3A_3 = arith.cmpi eq, %arg1, %eq3A : i32
    %convert_element_type3A_4 = arith.extui %eq3A_3 : i1 to i32
    %cond3A_5 = arith.constant 0 : i32
    %cond3A_6 = arith.cmpi ne, %convert_element_type3A_4, %cond3A_5 : i32
    scf.if %cond3A_6 {
      "tpu.region"() ({
        %run_scoped3A_142 = tpu.sem_alloc : memref<!tpu.dma_semaphore, #tpu.memory_space<semaphore_mem>>
        %dma_start3A_143 = arith.constant 9600 : i32
        %dma_start3A_144 = arith.constant 0 : i32
        %dma_start3A_145 = tpu.memref_slice %arg10[%dma_start3A_143, %dma_start3A_144] : memref<10000x128xf32, #tpu.memory_space<vmem_shared>> -> memref<400x128xf32, #tpu.memory_space<vmem_shared>>
        %dma_start3A_146 = arith.constant 0 : i32
        %dma_start3A_147 = arith.constant 0 : i32
        %dma_start3A_148 = tpu.memref_slice %arg4[%dma_start3A_146, %dma_start3A_147] : memref<640x128xf32, #tpu.memory_space<hbm>> -> memref<400x128xf32, #tpu.memory_space<hbm>>
        tpu.enqueue_dma source(%dma_start3A_148 : memref<400x128xf32, #tpu.memory_space<hbm>>) target(%dma_start3A_145 : memref<400x128xf32, #tpu.memory_space<vmem_shared>>) target_semaphore(%run_scoped3A_142 : memref<!tpu.dma_semaphore, #tpu.memory_space<semaphore_mem>>)
        %dma_wait3A_149 = arith.constant 9600 : i32
        %dma_wait3A_150 = arith.constant 0 : i32
        %dma_wait3A_151 = tpu.memref_slice %arg10[%dma_wait3A_149, %dma_wait3A_150] : memref<10000x128xf32, #tpu.memory_space<vmem_shared>> -> memref<400x128xf32, #tpu.memory_space<vmem_shared>>
        %dma_wait3A_152 = arith.constant 0 : i32
        %dma_wait3A_153 = arith.constant 0 : i32
        %dma_wait3A_154 = tpu.memref_slice %arg4[%dma_wait3A_152, %dma_wait3A_153] : memref<640x128xf32, #tpu.memory_space<hbm>> -> memref<400x128xf32, #tpu.memory_space<hbm>>
        tpu.wait_dma2 semaphore(%run_scoped3A_142 : memref<!tpu.dma_semaphore, #tpu.memory_space<semaphore_mem>>) src(%dma_wait3A_154 : memref<400x128xf32, #tpu.memory_space<hbm>>) dst(%dma_wait3A_151 : memref<400x128xf32, #tpu.memory_space<vmem_shared>>)
        tpu.yield
      }) : () -> ()
    } else {
    }
    %barrier3A = arith.constant 0 : index
    tpu.barrier barrier_id(%barrier3A)
    %run_scoped3A = arith.constant 0 : i32
    "tpu.region"() ({
      %run_scoped3A_142 = tpu.sem_alloc : memref<!tpu.dma_semaphore, #tpu.memory_space<semaphore_mem>>
      %dma_start3A_143 = arith.constant 0 : i32
      %dma_start3A_144 = arith.constant 0 : i32
      %dma_start3A_145 = tpu.memref_slice %arg6[%dma_start3A_143, %dma_start3A_144] : memref<64x80xi32, #tpu.memory_space<vmem>> -> memref<64x80xi32, #tpu.memory_space<vmem>>
      %dma_start3A_146 = arith.constant 0 : i32
      %dma_start3A_147 = arith.constant 0 : i32
      %dma_start3A_148 = tpu.memref_slice %arg3[%run_scoped3A, %add3A, %dma_start3A_146, %dma_start3A_147] : memref<2x32x125x80xi32, #tpu.memory_space<hbm>> -> memref<1x1x64x80xi32, #tpu.memory_space<hbm>>
      %dma_start3A_149 = tpu.memref_squeeze %dma_start3A_148 : memref<1x1x64x80xi32, #tpu.memory_space<hbm>> -> memref<64x80xi32, #tpu.memory_space<hbm>>
      %dma_start3A_150 = arith.constant 0 : i32
      %dma_start3A_151 = arith.constant 0 : i32
      %dma_start3A_152 = tpu.memref_slice %arg6[%dma_start3A_150, %dma_start3A_151] : memref<64x80xi32, #tpu.memory_space<vmem>> -> memref<64x80xi32, #tpu.memory_space<vmem>>
      %dma_start3A_153 = arith.constant 0 : i32
      %dma_start3A_154 = arith.constant 0 : i32
      %dma_start3A_155 = tpu.memref_slice %arg3[%run_scoped3A, %add3A, %dma_start3A_153, %dma_start3A_154] : memref<2x32x125x80xi32, #tpu.memory_space<hbm>> -> memref<1x1x64x80xi32, #tpu.memory_space<hbm>>
      %dma_start3A_156 = tpu.memref_squeeze %dma_start3A_155 : memref<1x1x64x80xi32, #tpu.memory_space<hbm>> -> memref<64x80xi32, #tpu.memory_space<hbm>>
      tpu.enqueue_dma source(%dma_start3A_156 : memref<64x80xi32, #tpu.memory_space<hbm>>) target(%dma_start3A_152 : memref<64x80xi32, #tpu.memory_space<vmem>>) target_semaphore(%run_scoped3A_142 : memref<!tpu.dma_semaphore, #tpu.memory_space<semaphore_mem>>)
      %dma_wait3A_157 = arith.constant 0 : i32
      %dma_wait3A_158 = arith.constant 0 : i32
      %dma_wait3A_159 = tpu.memref_slice %arg6[%dma_wait3A_157, %dma_wait3A_158] : memref<64x80xi32, #tpu.memory_space<vmem>> -> memref<64x80xi32, #tpu.memory_space<vmem>>
      %dma_wait3A_160 = arith.constant 0 : i32
      %dma_wait3A_161 = arith.constant 0 : i32
      %dma_wait3A_162 = tpu.memref_slice %arg3[%run_scoped3A, %add3A, %dma_wait3A_160, %dma_wait3A_161] : memref<2x32x125x80xi32, #tpu.memory_space<hbm>> -> memref<1x1x64x80xi32, #tpu.memory_space<hbm>>
      %dma_wait3A_163 = tpu.memref_squeeze %dma_wait3A_162 : memref<1x1x64x80xi32, #tpu.memory_space<hbm>> -> memref<64x80xi32, #tpu.memory_space<hbm>>
      %dma_wait3A_164 = arith.constant 0 : i32
      %dma_wait3A_165 = arith.constant 0 : i32
      %dma_wait3A_166 = tpu.memref_slice %arg6[%dma_wait3A_164, %dma_wait3A_165] : memref<64x80xi32, #tpu.memory_space<vmem>> -> memref<64x80xi32, #tpu.memory_space<vmem>>
      %dma_wait3A_167 = arith.constant 0 : i32
      %dma_wait3A_168 = arith.constant 0 : i32
      %dma_wait3A_169 = tpu.memref_slice %arg3[%run_scoped3A, %add3A, %dma_wait3A_167, %dma_wait3A_168] : memref<2x32x125x80xi32, #tpu.memory_space<hbm>> -> memref<1x1x64x80xi32, #tpu.memory_space<hbm>>
      %dma_wait3A_170 = tpu.memref_squeeze %dma_wait3A_169 : memref<1x1x64x80xi32, #tpu.memory_space<hbm>> -> memref<64x80xi32, #tpu.memory_space<hbm>>
      tpu.wait_dma2 semaphore(%run_scoped3A_142 : memref<!tpu.dma_semaphore, #tpu.memory_space<semaphore_mem>>) src(%dma_wait3A_170 : memref<64x80xi32, #tpu.memory_space<hbm>>) dst(%dma_wait3A_166 : memref<64x80xi32, #tpu.memory_space<vmem>>)
      tpu.yield
    }) : () -> ()
    %run_scoped3A_7 = arith.constant 1 : i32
    "tpu.region"() ({
      %run_scoped3A_142 = tpu.sem_alloc : memref<!tpu.dma_semaphore, #tpu.memory_space<semaphore_mem>>
      %dma_start3A_143 = arith.constant 0 : i32
      %dma_start3A_144 = arith.constant 0 : i32
      %dma_start3A_145 = tpu.memref_slice %arg7[%dma_start3A_143, %dma_start3A_144] : memref<64x80xi32, #tpu.memory_space<vmem>> -> memref<64x80xi32, #tpu.memory_space<vmem>>
      %dma_start3A_146 = arith.constant 0 : i32
      %dma_start3A_147 = arith.constant 0 : i32
      %dma_start3A_148 = tpu.memref_slice %arg3[%run_scoped3A_7, %add3A, %dma_start3A_146, %dma_start3A_147] : memref<2x32x125x80xi32, #tpu.memory_space<hbm>> -> memref<1x1x64x80xi32, #tpu.memory_space<hbm>>
      %dma_start3A_149 = tpu.memref_squeeze %dma_start3A_148 : memref<1x1x64x80xi32, #tpu.memory_space<hbm>> -> memref<64x80xi32, #tpu.memory_space<hbm>>
      %dma_start3A_150 = arith.constant 0 : i32
      %dma_start3A_151 = arith.constant 0 : i32
      %dma_start3A_152 = tpu.memref_slice %arg7[%dma_start3A_150, %dma_start3A_151] : memref<64x80xi32, #tpu.memory_space<vmem>> -> memref<64x80xi32, #tpu.memory_space<vmem>>
      %dma_start3A_153 = arith.constant 0 : i32
      %dma_start3A_154 = arith.constant 0 : i32
      %dma_start3A_155 = tpu.memref_slice %arg3[%run_scoped3A_7, %add3A, %dma_start3A_153, %dma_start3A_154] : memref<2x32x125x80xi32, #tpu.memory_space<hbm>> -> memref<1x1x64x80xi32, #tpu.memory_space<hbm>>
      %dma_start3A_156 = tpu.memref_squeeze %dma_start3A_155 : memref<1x1x64x80xi32, #tpu.memory_space<hbm>> -> memref<64x80xi32, #tpu.memory_space<hbm>>
      tpu.enqueue_dma source(%dma_start3A_156 : memref<64x80xi32, #tpu.memory_space<hbm>>) target(%dma_start3A_152 : memref<64x80xi32, #tpu.memory_space<vmem>>) target_semaphore(%run_scoped3A_142 : memref<!tpu.dma_semaphore, #tpu.memory_space<semaphore_mem>>)
      %dma_wait3A_157 = arith.constant 0 : i32
      %dma_wait3A_158 = arith.constant 0 : i32
      %dma_wait3A_159 = tpu.memref_slice %arg7[%dma_wait3A_157, %dma_wait3A_158] : memref<64x80xi32, #tpu.memory_space<vmem>> -> memref<64x80xi32, #tpu.memory_space<vmem>>
      %dma_wait3A_160 = arith.constant 0 : i32
      %dma_wait3A_161 = arith.constant 0 : i32
      %dma_wait3A_162 = tpu.memref_slice %arg3[%run_scoped3A_7, %add3A, %dma_wait3A_160, %dma_wait3A_161] : memref<2x32x125x80xi32, #tpu.memory_space<hbm>> -> memref<1x1x64x80xi32, #tpu.memory_space<hbm>>
      %dma_wait3A_163 = tpu.memref_squeeze %dma_wait3A_162 : memref<1x1x64x80xi32, #tpu.memory_space<hbm>> -> memref<64x80xi32, #tpu.memory_space<hbm>>
      %dma_wait3A_164 = arith.constant 0 : i32
      %dma_wait3A_165 = arith.constant 0 : i32
      %dma_wait3A_166 = tpu.memref_slice %arg7[%dma_wait3A_164, %dma_wait3A_165] : memref<64x80xi32, #tpu.memory_space<vmem>> -> memref<64x80xi32, #tpu.memory_space<vmem>>
      %dma_wait3A_167 = arith.constant 0 : i32
      %dma_wait3A_168 = arith.constant 0 : i32
      %dma_wait3A_169 = tpu.memref_slice %arg3[%run_scoped3A_7, %add3A, %dma_wait3A_167, %dma_wait3A_168] : memref<2x32x125x80xi32, #tpu.memory_space<hbm>> -> memref<1x1x64x80xi32, #tpu.memory_space<hbm>>
      %dma_wait3A_170 = tpu.memref_squeeze %dma_wait3A_169 : memref<1x1x64x80xi32, #tpu.memory_space<hbm>> -> memref<64x80xi32, #tpu.memory_space<hbm>>
      tpu.wait_dma2 semaphore(%run_scoped3A_142 : memref<!tpu.dma_semaphore, #tpu.memory_space<semaphore_mem>>) src(%dma_wait3A_170 : memref<64x80xi32, #tpu.memory_space<hbm>>) dst(%dma_wait3A_166 : memref<64x80xi32, #tpu.memory_space<vmem>>)
      tpu.yield
    }) : () -> ()
    %dma_start3A = arith.constant 0 : i32
    %dma_start3A_8 = arith.constant 0 : i32
    %dma_start3A_9 = tpu.memref_slice %arg6[%dma_start3A, %dma_start3A_8] : memref<64x80xi32, #tpu.memory_space<vmem>> -> memref<1x80xi32, #tpu.memory_space<vmem>>
    %dma_start3A_10 = tpu.memref_squeeze %dma_start3A_9 : memref<1x80xi32, #tpu.memory_space<vmem>> -> memref<80xi32, #tpu.memory_space<vmem>>
    %dma_start3A_11 = arith.constant 0 : i32
    %dma_start3A_12 = arith.constant 0 : i32
    %dma_start3A_13 = tpu.memref_slice %arg2[%dma_start3A_11, %dma_start3A_12] : memref<10000x128xf32, #tpu.memory_space<hbm>> -> memref<10000x128xf32, #tpu.memory_space<hbm>>
    tpu.enqueue_indirect_dma source(%dma_start3A_13 : memref<10000x128xf32, #tpu.memory_space<hbm>>) target(%arg8 : memref<80x128xf32, #tpu.memory_space<vmem>>) offsets(%dma_start3A_10 : memref<80xi32, #tpu.memory_space<vmem>>) semaphore(%arg11 : memref<!tpu.dma_semaphore, #tpu.memory_space<semaphore_mem>>)
    %dma_start3A_14 = arith.constant 1 : i32
    %dma_start3A_15 = arith.constant 0 : i32
    %dma_start3A_16 = tpu.memref_slice %arg6[%dma_start3A_14, %dma_start3A_15] : memref<64x80xi32, #tpu.memory_space<vmem>> -> memref<1x80xi32, #tpu.memory_space<vmem>>
    %dma_start3A_17 = tpu.memref_squeeze %dma_start3A_16 : memref<1x80xi32, #tpu.memory_space<vmem>> -> memref<80xi32, #tpu.memory_space<vmem>>
    %dma_start3A_18 = arith.constant 0 : i32
    %dma_start3A_19 = arith.constant 0 : i32
    %dma_start3A_20 = tpu.memref_slice %arg2[%dma_start3A_18, %dma_start3A_19] : memref<10000x128xf32, #tpu.memory_space<hbm>> -> memref<10000x128xf32, #tpu.memory_space<hbm>>
    tpu.enqueue_indirect_dma source(%dma_start3A_20 : memref<10000x128xf32, #tpu.memory_space<hbm>>) target(%arg9 : memref<80x128xf32, #tpu.memory_space<vmem>>) offsets(%dma_start3A_17 : memref<80xi32, #tpu.memory_space<vmem>>) semaphore(%arg12 : memref<!tpu.dma_semaphore, #tpu.memory_space<semaphore_mem>>)
    %dma_wait3A = arith.constant 0 : i32
    %dma_wait3A_21 = arith.constant 0 : i32
    %dma_wait3A_22 = tpu.memref_slice %arg6[%dma_wait3A, %dma_wait3A_21] : memref<64x80xi32, #tpu.memory_space<vmem>> -> memref<1x80xi32, #tpu.memory_space<vmem>>
    %dma_wait3A_23 = tpu.memref_squeeze %dma_wait3A_22 : memref<1x80xi32, #tpu.memory_space<vmem>> -> memref<80xi32, #tpu.memory_space<vmem>>
    %dma_wait3A_24 = arith.constant 0 : i32
    %dma_wait3A_25 = arith.constant 0 : i32
    %dma_wait3A_26 = tpu.memref_slice %arg2[%dma_wait3A_24, %dma_wait3A_25] : memref<10000x128xf32, #tpu.memory_space<hbm>> -> memref<10000x128xf32, #tpu.memory_space<hbm>>
    tpu.wait_indirect_dma semaphore(%arg11 : memref<!tpu.dma_semaphore, #tpu.memory_space<semaphore_mem>>) src(%dma_wait3A_26 : memref<10000x128xf32, #tpu.memory_space<hbm>>) dst(%arg8 : memref<80x128xf32, #tpu.memory_space<vmem>>)
    %dma_start3A_27 = arith.constant 0 : i32
    %dma_start3A_28 = arith.constant 0 : i32
    %dma_start3A_29 = tpu.memref_slice %arg7[%dma_start3A_27, %dma_start3A_28] : memref<64x80xi32, #tpu.memory_space<vmem>> -> memref<1x80xi32, #tpu.memory_space<vmem>>
    %dma_start3A_30 = tpu.memref_squeeze %dma_start3A_29 : memref<1x80xi32, #tpu.memory_space<vmem>> -> memref<80xi32, #tpu.memory_space<vmem>>
    %dma_start3A_31 = arith.constant 0 : i32
    %dma_start3A_32 = arith.constant 0 : i32
    %dma_start3A_33 = tpu.memref_slice %arg10[%dma_start3A_31, %dma_start3A_32] : memref<10000x128xf32, #tpu.memory_space<vmem_shared>> -> memref<10000x128xf32, #tpu.memory_space<vmem_shared>>
    tpu.enqueue_indirect_dma source(%arg8 : memref<80x128xf32, #tpu.memory_space<vmem>>) target(%dma_start3A_33 : memref<10000x128xf32, #tpu.memory_space<vmem_shared>>) offsets(%dma_start3A_30 : memref<80xi32, #tpu.memory_space<vmem>>) semaphore(%arg13 : memref<!tpu.dma_semaphore, #tpu.memory_space<semaphore_mem>>) {add = true}
    %scan3A = arith.constant 0 : i32
    %scan3A_34 = arith.constant 1 : i32
    %scan3A_35 = arith.constant 62 : i32
    %scan3A_36 = arith.addi %scan3A_34, %scan3A_35 : i32
    %scan3A_37 = arith.constant 1 : i32
    scf.for %scan3A_142 = %scan3A_34 to %scan3A_36 step %scan3A_37  : i32 {
      %jit3A = arith.constant 2 : i32
      %eq3A_143 = arith.constant 0 : i32
      %eq3A_144 = arith.cmpi eq, %jit3A, %eq3A_143 : i32
      %jit3A_145 = arith.constant 1 : i32
      %select_n3A = arith.select %eq3A_144, %jit3A_145, %jit3A : i32
      %rem3A = arith.remsi %scan3A_142, %select_n3A : i32
      %ne3A = arith.constant 0 : i32
      %ne3A_146 = arith.cmpi ne, %rem3A, %ne3A : i32
      %lt3A_147 = arith.constant 0 : i32
      %lt3A_148 = arith.cmpi slt, %rem3A, %lt3A_147 : i32
      %lt3A_149 = arith.constant 0 : i32
      %lt3A_150 = arith.cmpi slt, %select_n3A, %lt3A_149 : i32
      %ne3A_151 = arith.xori %lt3A_148, %lt3A_150 : i1
      %and3A = arith.andi %ne3A_151, %ne3A_146 : i1
      %add3A_152 = arith.addi %rem3A, %select_n3A : i32
      %select_n3A_153 = arith.select %and3A, %add3A_152, %rem3A : i32
      %eq3A_154 = arith.constant 0 : i32
      %eq3A_155 = arith.cmpi eq, %select_n3A_153, %eq3A_154 : i32
      %convert_element_type3A_156 = arith.extui %eq3A_155 : i1 to i32
      %cond3A_157 = arith.constant 0 : i32
      %cond3A_158 = arith.cmpi ne, %convert_element_type3A_156, %cond3A_157 : i32
      scf.if %cond3A_158 {
        %dma_wait3A_163 = arith.constant 0 : i32
        %dma_wait3A_164 = arith.constant 0 : i32
        %dma_wait3A_165 = tpu.memref_slice %arg7[%dma_wait3A_163, %dma_wait3A_164] : memref<64x80xi32, #tpu.memory_space<vmem>> -> memref<1x80xi32, #tpu.memory_space<vmem>>
        %dma_wait3A_166 = tpu.memref_squeeze %dma_wait3A_165 : memref<1x80xi32, #tpu.memory_space<vmem>> -> memref<80xi32, #tpu.memory_space<vmem>>
        %dma_wait3A_167 = arith.constant 0 : i32
        %dma_wait3A_168 = arith.constant 0 : i32
        %dma_wait3A_169 = tpu.memref_slice %arg10[%dma_wait3A_167, %dma_wait3A_168] : memref<10000x128xf32, #tpu.memory_space<vmem_shared>> -> memref<10000x128xf32, #tpu.memory_space<vmem_shared>>
        tpu.wait_indirect_dma semaphore(%arg14 : memref<!tpu.dma_semaphore, #tpu.memory_space<semaphore_mem>>) src(%arg9 : memref<80x128xf32, #tpu.memory_space<vmem>>) dst(%dma_wait3A_169 : memref<10000x128xf32, #tpu.memory_space<vmem_shared>>)
        %add3A_170 = arith.constant 1 : i32
        %add3A_171 = arith.addi %scan3A_142, %add3A_170 : i32
        %dma_start3A_172 = arith.constant 0 : i32
        %dma_start3A_173 = tpu.memref_slice %arg6[%add3A_171, %dma_start3A_172] : memref<64x80xi32, #tpu.memory_space<vmem>> -> memref<1x80xi32, #tpu.memory_space<vmem>>
        %dma_start3A_174 = tpu.memref_squeeze %dma_start3A_173 : memref<1x80xi32, #tpu.memory_space<vmem>> -> memref<80xi32, #tpu.memory_space<vmem>>
        %dma_start3A_175 = arith.constant 0 : i32
        %dma_start3A_176 = arith.constant 0 : i32
        %dma_start3A_177 = tpu.memref_slice %arg2[%dma_start3A_175, %dma_start3A_176] : memref<10000x128xf32, #tpu.memory_space<hbm>> -> memref<10000x128xf32, #tpu.memory_space<hbm>>
        tpu.enqueue_indirect_dma source(%dma_start3A_177 : memref<10000x128xf32, #tpu.memory_space<hbm>>) target(%arg9 : memref<80x128xf32, #tpu.memory_space<vmem>>) offsets(%dma_start3A_174 : memref<80xi32, #tpu.memory_space<vmem>>) semaphore(%arg12 : memref<!tpu.dma_semaphore, #tpu.memory_space<semaphore_mem>>)
        %dma_wait3A_178 = arith.constant 0 : i32
        %dma_wait3A_179 = arith.constant 0 : i32
        %dma_wait3A_180 = tpu.memref_slice %arg6[%dma_wait3A_178, %dma_wait3A_179] : memref<64x80xi32, #tpu.memory_space<vmem>> -> memref<1x80xi32, #tpu.memory_space<vmem>>
        %dma_wait3A_181 = tpu.memref_squeeze %dma_wait3A_180 : memref<1x80xi32, #tpu.memory_space<vmem>> -> memref<80xi32, #tpu.memory_space<vmem>>
        %dma_wait3A_182 = arith.constant 0 : i32
        %dma_wait3A_183 = arith.constant 0 : i32
        %dma_wait3A_184 = tpu.memref_slice %arg2[%dma_wait3A_182, %dma_wait3A_183] : memref<10000x128xf32, #tpu.memory_space<hbm>> -> memref<10000x128xf32, #tpu.memory_space<hbm>>
        tpu.wait_indirect_dma semaphore(%arg11 : memref<!tpu.dma_semaphore, #tpu.memory_space<semaphore_mem>>) src(%dma_wait3A_184 : memref<10000x128xf32, #tpu.memory_space<hbm>>) dst(%arg8 : memref<80x128xf32, #tpu.memory_space<vmem>>)
        %dma_start3A_185 = arith.constant 0 : i32
        %dma_start3A_186 = tpu.memref_slice %arg7[%scan3A_142, %dma_start3A_185] : memref<64x80xi32, #tpu.memory_space<vmem>> -> memref<1x80xi32, #tpu.memory_space<vmem>>
        %dma_start3A_187 = tpu.memref_squeeze %dma_start3A_186 : memref<1x80xi32, #tpu.memory_space<vmem>> -> memref<80xi32, #tpu.memory_space<vmem>>
        %dma_start3A_188 = arith.constant 0 : i32
        %dma_start3A_189 = arith.constant 0 : i32
        %dma_start3A_190 = tpu.memref_slice %arg10[%dma_start3A_188, %dma_start3A_189] : memref<10000x128xf32, #tpu.memory_space<vmem_shared>> -> memref<10000x128xf32, #tpu.memory_space<vmem_shared>>
        tpu.enqueue_indirect_dma source(%arg8 : memref<80x128xf32, #tpu.memory_space<vmem>>) target(%dma_start3A_190 : memref<10000x128xf32, #tpu.memory_space<vmem_shared>>) offsets(%dma_start3A_187 : memref<80xi32, #tpu.memory_space<vmem>>) semaphore(%arg13 : memref<!tpu.dma_semaphore, #tpu.memory_space<semaphore_mem>>) {add = true}
      } else {
      }
      %not3A = arith.constant true
      %not3A_159 = arith.xori %eq3A_155, %not3A : i1
      %convert_element_type3A_160 = arith.extui %not3A_159 : i1 to i32
      %cond3A_161 = arith.constant 0 : i32
      %cond3A_162 = arith.cmpi ne, %convert_element_type3A_160, %cond3A_161 : i32
      scf.if %cond3A_162 {
        %dma_wait3A_163 = arith.constant 0 : i32
        %dma_wait3A_164 = arith.constant 0 : i32
        %dma_wait3A_165 = tpu.memref_slice %arg7[%dma_wait3A_163, %dma_wait3A_164] : memref<64x80xi32, #tpu.memory_space<vmem>> -> memref<1x80xi32, #tpu.memory_space<vmem>>
        %dma_wait3A_166 = tpu.memref_squeeze %dma_wait3A_165 : memref<1x80xi32, #tpu.memory_space<vmem>> -> memref<80xi32, #tpu.memory_space<vmem>>
        %dma_wait3A_167 = arith.constant 0 : i32
        %dma_wait3A_168 = arith.constant 0 : i32
        %dma_wait3A_169 = tpu.memref_slice %arg10[%dma_wait3A_167, %dma_wait3A_168] : memref<10000x128xf32, #tpu.memory_space<vmem_shared>> -> memref<10000x128xf32, #tpu.memory_space<vmem_shared>>
        tpu.wait_indirect_dma semaphore(%arg13 : memref<!tpu.dma_semaphore, #tpu.memory_space<semaphore_mem>>) src(%arg8 : memref<80x128xf32, #tpu.memory_space<vmem>>) dst(%dma_wait3A_169 : memref<10000x128xf32, #tpu.memory_space<vmem_shared>>)
        %add3A_170 = arith.constant 1 : i32
        %add3A_171 = arith.addi %scan3A_142, %add3A_170 : i32
        %dma_start3A_172 = arith.constant 0 : i32
        %dma_start3A_173 = tpu.memref_slice %arg6[%add3A_171, %dma_start3A_172] : memref<64x80xi32, #tpu.memory_space<vmem>> -> memref<1x80xi32, #tpu.memory_space<vmem>>
        %dma_start3A_174 = tpu.memref_squeeze %dma_start3A_173 : memref<1x80xi32, #tpu.memory_space<vmem>> -> memref<80xi32, #tpu.memory_space<vmem>>
        %dma_start3A_175 = arith.constant 0 : i32
        %dma_start3A_176 = arith.constant 0 : i32
        %dma_start3A_177 = tpu.memref_slice %arg2[%dma_start3A_175, %dma_start3A_176] : memref<10000x128xf32, #tpu.memory_space<hbm>> -> memref<10000x128xf32, #tpu.memory_space<hbm>>
        tpu.enqueue_indirect_dma source(%dma_start3A_177 : memref<10000x128xf32, #tpu.memory_space<hbm>>) target(%arg8 : memref<80x128xf32, #tpu.memory_space<vmem>>) offsets(%dma_start3A_174 : memref<80xi32, #tpu.memory_space<vmem>>) semaphore(%arg11 : memref<!tpu.dma_semaphore, #tpu.memory_space<semaphore_mem>>)
        %dma_wait3A_178 = arith.constant 0 : i32
        %dma_wait3A_179 = arith.constant 0 : i32
        %dma_wait3A_180 = tpu.memref_slice %arg6[%dma_wait3A_178, %dma_wait3A_179] : memref<64x80xi32, #tpu.memory_space<vmem>> -> memref<1x80xi32, #tpu.memory_space<vmem>>
        %dma_wait3A_181 = tpu.memref_squeeze %dma_wait3A_180 : memref<1x80xi32, #tpu.memory_space<vmem>> -> memref<80xi32, #tpu.memory_space<vmem>>
        %dma_wait3A_182 = arith.constant 0 : i32
        %dma_wait3A_183 = arith.constant 0 : i32
        %dma_wait3A_184 = tpu.memref_slice %arg2[%dma_wait3A_182, %dma_wait3A_183] : memref<10000x128xf32, #tpu.memory_space<hbm>> -> memref<10000x128xf32, #tpu.memory_space<hbm>>
        tpu.wait_indirect_dma semaphore(%arg12 : memref<!tpu.dma_semaphore, #tpu.memory_space<semaphore_mem>>) src(%dma_wait3A_184 : memref<10000x128xf32, #tpu.memory_space<hbm>>) dst(%arg9 : memref<80x128xf32, #tpu.memory_space<vmem>>)
        %dma_start3A_185 = arith.constant 0 : i32
        %dma_start3A_186 = tpu.memref_slice %arg7[%scan3A_142, %dma_start3A_185] : memref<64x80xi32, #tpu.memory_space<vmem>> -> memref<1x80xi32, #tpu.memory_space<vmem>>
        %dma_start3A_187 = tpu.memref_squeeze %dma_start3A_186 : memref<1x80xi32, #tpu.memory_space<vmem>> -> memref<80xi32, #tpu.memory_space<vmem>>
        %dma_start3A_188 = arith.constant 0 : i32
        %dma_start3A_189 = arith.constant 0 : i32
        %dma_start3A_190 = tpu.memref_slice %arg10[%dma_start3A_188, %dma_start3A_189] : memref<10000x128xf32, #tpu.memory_space<vmem_shared>> -> memref<10000x128xf32, #tpu.memory_space<vmem_shared>>
        tpu.enqueue_indirect_dma source(%arg9 : memref<80x128xf32, #tpu.memory_space<vmem>>) target(%dma_start3A_190 : memref<10000x128xf32, #tpu.memory_space<vmem_shared>>) offsets(%dma_start3A_187 : memref<80xi32, #tpu.memory_space<vmem>>) semaphore(%arg14 : memref<!tpu.dma_semaphore, #tpu.memory_space<semaphore_mem>>) {add = true}
      } else {
      }
    }
    %scan3A_38 = arith.constant 62 : i32
    %dma_wait3A_39 = arith.constant 0 : i32
    %dma_wait3A_40 = arith.constant 0 : i32
    %dma_wait3A_41 = tpu.memref_slice %arg6[%dma_wait3A_39, %dma_wait3A_40] : memref<64x80xi32, #tpu.memory_space<vmem>> -> memref<1x80xi32, #tpu.memory_space<vmem>>
    %dma_wait3A_42 = tpu.memref_squeeze %dma_wait3A_41 : memref<1x80xi32, #tpu.memory_space<vmem>> -> memref<80xi32, #tpu.memory_space<vmem>>
    %dma_wait3A_43 = arith.constant 0 : i32
    %dma_wait3A_44 = arith.constant 0 : i32
    %dma_wait3A_45 = tpu.memref_slice %arg2[%dma_wait3A_43, %dma_wait3A_44] : memref<10000x128xf32, #tpu.memory_space<hbm>> -> memref<10000x128xf32, #tpu.memory_space<hbm>>
    tpu.wait_indirect_dma semaphore(%arg12 : memref<!tpu.dma_semaphore, #tpu.memory_space<semaphore_mem>>) src(%dma_wait3A_45 : memref<10000x128xf32, #tpu.memory_space<hbm>>) dst(%arg9 : memref<80x128xf32, #tpu.memory_space<vmem>>)
    %dma_start3A_46 = arith.constant 63 : i32
    %dma_start3A_47 = arith.constant 0 : i32
    %dma_start3A_48 = tpu.memref_slice %arg7[%dma_start3A_46, %dma_start3A_47] : memref<64x80xi32, #tpu.memory_space<vmem>> -> memref<1x80xi32, #tpu.memory_space<vmem>>
    %dma_start3A_49 = tpu.memref_squeeze %dma_start3A_48 : memref<1x80xi32, #tpu.memory_space<vmem>> -> memref<80xi32, #tpu.memory_space<vmem>>
    %dma_start3A_50 = arith.constant 0 : i32
    %dma_start3A_51 = arith.constant 0 : i32
    %dma_start3A_52 = tpu.memref_slice %arg10[%dma_start3A_50, %dma_start3A_51] : memref<10000x128xf32, #tpu.memory_space<vmem_shared>> -> memref<10000x128xf32, #tpu.memory_space<vmem_shared>>
    tpu.enqueue_indirect_dma source(%arg9 : memref<80x128xf32, #tpu.memory_space<vmem>>) target(%dma_start3A_52 : memref<10000x128xf32, #tpu.memory_space<vmem_shared>>) offsets(%dma_start3A_49 : memref<80xi32, #tpu.memory_space<vmem>>) semaphore(%arg14 : memref<!tpu.dma_semaphore, #tpu.memory_space<semaphore_mem>>) {add = true}
    %dma_wait3A_53 = arith.constant 0 : i32
    %dma_wait3A_54 = arith.constant 0 : i32
    %dma_wait3A_55 = tpu.memref_slice %arg7[%dma_wait3A_53, %dma_wait3A_54] : memref<64x80xi32, #tpu.memory_space<vmem>> -> memref<1x80xi32, #tpu.memory_space<vmem>>
    %dma_wait3A_56 = tpu.memref_squeeze %dma_wait3A_55 : memref<1x80xi32, #tpu.memory_space<vmem>> -> memref<80xi32, #tpu.memory_space<vmem>>
    %dma_wait3A_57 = arith.constant 0 : i32
    %dma_wait3A_58 = arith.constant 0 : i32
    %dma_wait3A_59 = tpu.memref_slice %arg10[%dma_wait3A_57, %dma_wait3A_58] : memref<10000x128xf32, #tpu.memory_space<vmem_shared>> -> memref<10000x128xf32, #tpu.memory_space<vmem_shared>>
    tpu.wait_indirect_dma semaphore(%arg13 : memref<!tpu.dma_semaphore, #tpu.memory_space<semaphore_mem>>) src(%arg8 : memref<80x128xf32, #tpu.memory_space<vmem>>) dst(%dma_wait3A_59 : memref<10000x128xf32, #tpu.memory_space<vmem_shared>>)
    %dma_wait3A_60 = arith.constant 0 : i32
    %dma_wait3A_61 = arith.constant 0 : i32
    %dma_wait3A_62 = tpu.memref_slice %arg7[%dma_wait3A_60, %dma_wait3A_61] : memref<64x80xi32, #tpu.memory_space<vmem>> -> memref<1x80xi32, #tpu.memory_space<vmem>>
    %dma_wait3A_63 = tpu.memref_squeeze %dma_wait3A_62 : memref<1x80xi32, #tpu.memory_space<vmem>> -> memref<80xi32, #tpu.memory_space<vmem>>
    %dma_wait3A_64 = arith.constant 0 : i32
    %dma_wait3A_65 = arith.constant 0 : i32
    %dma_wait3A_66 = tpu.memref_slice %arg10[%dma_wait3A_64, %dma_wait3A_65] : memref<10000x128xf32, #tpu.memory_space<vmem_shared>> -> memref<10000x128xf32, #tpu.memory_space<vmem_shared>>
    tpu.wait_indirect_dma semaphore(%arg14 : memref<!tpu.dma_semaphore, #tpu.memory_space<semaphore_mem>>) src(%arg9 : memref<80x128xf32, #tpu.memory_space<vmem>>) dst(%dma_wait3A_66 : memref<10000x128xf32, #tpu.memory_space<vmem_shared>>)
    %run_scoped3A_67 = arith.constant 0 : i32
    "tpu.region"() ({
      %run_scoped3A_142 = tpu.sem_alloc : memref<!tpu.dma_semaphore, #tpu.memory_space<semaphore_mem>>
      %dma_start3A_143 = arith.constant 0 : i32
      %dma_start3A_144 = arith.constant 0 : i32
      %dma_start3A_145 = tpu.memref_slice %arg6[%dma_start3A_143, %dma_start3A_144] : memref<64x80xi32, #tpu.memory_space<vmem>> -> memref<61x80xi32, #tpu.memory_space<vmem>>
      %dma_start3A_146 = arith.constant 64 : i32
      %dma_start3A_147 = arith.constant 0 : i32
      %dma_start3A_148 = tpu.memref_slice %arg3[%run_scoped3A_67, %add3A, %dma_start3A_146, %dma_start3A_147] : memref<2x32x125x80xi32, #tpu.memory_space<hbm>> -> memref<1x1x61x80xi32, #tpu.memory_space<hbm>>
      %dma_start3A_149 = tpu.memref_squeeze %dma_start3A_148 : memref<1x1x61x80xi32, #tpu.memory_space<hbm>> -> memref<61x80xi32, #tpu.memory_space<hbm>>
      %dma_start3A_150 = arith.constant 0 : i32
      %dma_start3A_151 = arith.constant 0 : i32
      %dma_start3A_152 = tpu.memref_slice %arg6[%dma_start3A_150, %dma_start3A_151] : memref<64x80xi32, #tpu.memory_space<vmem>> -> memref<61x80xi32, #tpu.memory_space<vmem>>
      %dma_start3A_153 = arith.constant 64 : i32
      %dma_start3A_154 = arith.constant 0 : i32
      %dma_start3A_155 = tpu.memref_slice %arg3[%run_scoped3A_67, %add3A, %dma_start3A_153, %dma_start3A_154] : memref<2x32x125x80xi32, #tpu.memory_space<hbm>> -> memref<1x1x61x80xi32, #tpu.memory_space<hbm>>
      %dma_start3A_156 = tpu.memref_squeeze %dma_start3A_155 : memref<1x1x61x80xi32, #tpu.memory_space<hbm>> -> memref<61x80xi32, #tpu.memory_space<hbm>>
      tpu.enqueue_dma source(%dma_start3A_156 : memref<61x80xi32, #tpu.memory_space<hbm>>) target(%dma_start3A_152 : memref<61x80xi32, #tpu.memory_space<vmem>>) target_semaphore(%run_scoped3A_142 : memref<!tpu.dma_semaphore, #tpu.memory_space<semaphore_mem>>)
      %dma_wait3A_157 = arith.constant 0 : i32
      %dma_wait3A_158 = arith.constant 0 : i32
      %dma_wait3A_159 = tpu.memref_slice %arg6[%dma_wait3A_157, %dma_wait3A_158] : memref<64x80xi32, #tpu.memory_space<vmem>> -> memref<61x80xi32, #tpu.memory_space<vmem>>
      %dma_wait3A_160 = arith.constant 64 : i32
      %dma_wait3A_161 = arith.constant 0 : i32
      %dma_wait3A_162 = tpu.memref_slice %arg3[%run_scoped3A_67, %add3A, %dma_wait3A_160, %dma_wait3A_161] : memref<2x32x125x80xi32, #tpu.memory_space<hbm>> -> memref<1x1x61x80xi32, #tpu.memory_space<hbm>>
      %dma_wait3A_163 = tpu.memref_squeeze %dma_wait3A_162 : memref<1x1x61x80xi32, #tpu.memory_space<hbm>> -> memref<61x80xi32, #tpu.memory_space<hbm>>
      %dma_wait3A_164 = arith.constant 0 : i32
      %dma_wait3A_165 = arith.constant 0 : i32
      %dma_wait3A_166 = tpu.memref_slice %arg6[%dma_wait3A_164, %dma_wait3A_165] : memref<64x80xi32, #tpu.memory_space<vmem>> -> memref<61x80xi32, #tpu.memory_space<vmem>>
      %dma_wait3A_167 = arith.constant 64 : i32
      %dma_wait3A_168 = arith.constant 0 : i32
      %dma_wait3A_169 = tpu.memref_slice %arg3[%run_scoped3A_67, %add3A, %dma_wait3A_167, %dma_wait3A_168] : memref<2x32x125x80xi32, #tpu.memory_space<hbm>> -> memref<1x1x61x80xi32, #tpu.memory_space<hbm>>
      %dma_wait3A_170 = tpu.memref_squeeze %dma_wait3A_169 : memref<1x1x61x80xi32, #tpu.memory_space<hbm>> -> memref<61x80xi32, #tpu.memory_space<hbm>>
      tpu.wait_dma2 semaphore(%run_scoped3A_142 : memref<!tpu.dma_semaphore, #tpu.memory_space<semaphore_mem>>) src(%dma_wait3A_170 : memref<61x80xi32, #tpu.memory_space<hbm>>) dst(%dma_wait3A_166 : memref<61x80xi32, #tpu.memory_space<vmem>>)
      tpu.yield
    }) : () -> ()
    %run_scoped3A_68 = arith.constant 1 : i32
    "tpu.region"() ({
      %run_scoped3A_142 = tpu.sem_alloc : memref<!tpu.dma_semaphore, #tpu.memory_space<semaphore_mem>>
      %dma_start3A_143 = arith.constant 0 : i32
      %dma_start3A_144 = arith.constant 0 : i32
      %dma_start3A_145 = tpu.memref_slice %arg7[%dma_start3A_143, %dma_start3A_144] : memref<64x80xi32, #tpu.memory_space<vmem>> -> memref<61x80xi32, #tpu.memory_space<vmem>>
      %dma_start3A_146 = arith.constant 64 : i32
      %dma_start3A_147 = arith.constant 0 : i32
      %dma_start3A_148 = tpu.memref_slice %arg3[%run_scoped3A_68, %add3A, %dma_start3A_146, %dma_start3A_147] : memref<2x32x125x80xi32, #tpu.memory_space<hbm>> -> memref<1x1x61x80xi32, #tpu.memory_space<hbm>>
      %dma_start3A_149 = tpu.memref_squeeze %dma_start3A_148 : memref<1x1x61x80xi32, #tpu.memory_space<hbm>> -> memref<61x80xi32, #tpu.memory_space<hbm>>
      %dma_start3A_150 = arith.constant 0 : i32
      %dma_start3A_151 = arith.constant 0 : i32
      %dma_start3A_152 = tpu.memref_slice %arg7[%dma_start3A_150, %dma_start3A_151] : memref<64x80xi32, #tpu.memory_space<vmem>> -> memref<61x80xi32, #tpu.memory_space<vmem>>
      %dma_start3A_153 = arith.constant 64 : i32
      %dma_start3A_154 = arith.constant 0 : i32
      %dma_start3A_155 = tpu.memref_slice %arg3[%run_scoped3A_68, %add3A, %dma_start3A_153, %dma_start3A_154] : memref<2x32x125x80xi32, #tpu.memory_space<hbm>> -> memref<1x1x61x80xi32, #tpu.memory_space<hbm>>
      %dma_start3A_156 = tpu.memref_squeeze %dma_start3A_155 : memref<1x1x61x80xi32, #tpu.memory_space<hbm>> -> memref<61x80xi32, #tpu.memory_space<hbm>>
      tpu.enqueue_dma source(%dma_start3A_156 : memref<61x80xi32, #tpu.memory_space<hbm>>) target(%dma_start3A_152 : memref<61x80xi32, #tpu.memory_space<vmem>>) target_semaphore(%run_scoped3A_142 : memref<!tpu.dma_semaphore, #tpu.memory_space<semaphore_mem>>)
      %dma_wait3A_157 = arith.constant 0 : i32
      %dma_wait3A_158 = arith.constant 0 : i32
      %dma_wait3A_159 = tpu.memref_slice %arg7[%dma_wait3A_157, %dma_wait3A_158] : memref<64x80xi32, #tpu.memory_space<vmem>> -> memref<61x80xi32, #tpu.memory_space<vmem>>
      %dma_wait3A_160 = arith.constant 64 : i32
      %dma_wait3A_161 = arith.constant 0 : i32
      %dma_wait3A_162 = tpu.memref_slice %arg3[%run_scoped3A_68, %add3A, %dma_wait3A_160, %dma_wait3A_161] : memref<2x32x125x80xi32, #tpu.memory_space<hbm>> -> memref<1x1x61x80xi32, #tpu.memory_space<hbm>>
      %dma_wait3A_163 = tpu.memref_squeeze %dma_wait3A_162 : memref<1x1x61x80xi32, #tpu.memory_space<hbm>> -> memref<61x80xi32, #tpu.memory_space<hbm>>
      %dma_wait3A_164 = arith.constant 0 : i32
      %dma_wait3A_165 = arith.constant 0 : i32
      %dma_wait3A_166 = tpu.memref_slice %arg7[%dma_wait3A_164, %dma_wait3A_165] : memref<64x80xi32, #tpu.memory_space<vmem>> -> memref<61x80xi32, #tpu.memory_space<vmem>>
      %dma_wait3A_167 = arith.constant 64 : i32
      %dma_wait3A_168 = arith.constant 0 : i32
      %dma_wait3A_169 = tpu.memref_slice %arg3[%run_scoped3A_68, %add3A, %dma_wait3A_167, %dma_wait3A_168] : memref<2x32x125x80xi32, #tpu.memory_space<hbm>> -> memref<1x1x61x80xi32, #tpu.memory_space<hbm>>
      %dma_wait3A_170 = tpu.memref_squeeze %dma_wait3A_169 : memref<1x1x61x80xi32, #tpu.memory_space<hbm>> -> memref<61x80xi32, #tpu.memory_space<hbm>>
      tpu.wait_dma2 semaphore(%run_scoped3A_142 : memref<!tpu.dma_semaphore, #tpu.memory_space<semaphore_mem>>) src(%dma_wait3A_170 : memref<61x80xi32, #tpu.memory_space<hbm>>) dst(%dma_wait3A_166 : memref<61x80xi32, #tpu.memory_space<vmem>>)
      tpu.yield
    }) : () -> ()
    %dma_start3A_69 = arith.constant 0 : i32
    %dma_start3A_70 = arith.constant 0 : i32
    %dma_start3A_71 = tpu.memref_slice %arg6[%dma_start3A_69, %dma_start3A_70] : memref<64x80xi32, #tpu.memory_space<vmem>> -> memref<1x80xi32, #tpu.memory_space<vmem>>
    %dma_start3A_72 = tpu.memref_squeeze %dma_start3A_71 : memref<1x80xi32, #tpu.memory_space<vmem>> -> memref<80xi32, #tpu.memory_space<vmem>>
    %dma_start3A_73 = arith.constant 0 : i32
    %dma_start3A_74 = arith.constant 0 : i32
    %dma_start3A_75 = tpu.memref_slice %arg2[%dma_start3A_73, %dma_start3A_74] : memref<10000x128xf32, #tpu.memory_space<hbm>> -> memref<10000x128xf32, #tpu.memory_space<hbm>>
    tpu.enqueue_indirect_dma source(%dma_start3A_75 : memref<10000x128xf32, #tpu.memory_space<hbm>>) target(%arg8 : memref<80x128xf32, #tpu.memory_space<vmem>>) offsets(%dma_start3A_72 : memref<80xi32, #tpu.memory_space<vmem>>) semaphore(%arg11 : memref<!tpu.dma_semaphore, #tpu.memory_space<semaphore_mem>>)
    %dma_start3A_76 = arith.constant 1 : i32
    %dma_start3A_77 = arith.constant 0 : i32
    %dma_start3A_78 = tpu.memref_slice %arg6[%dma_start3A_76, %dma_start3A_77] : memref<64x80xi32, #tpu.memory_space<vmem>> -> memref<1x80xi32, #tpu.memory_space<vmem>>
    %dma_start3A_79 = tpu.memref_squeeze %dma_start3A_78 : memref<1x80xi32, #tpu.memory_space<vmem>> -> memref<80xi32, #tpu.memory_space<vmem>>
    %dma_start3A_80 = arith.constant 0 : i32
    %dma_start3A_81 = arith.constant 0 : i32
    %dma_start3A_82 = tpu.memref_slice %arg2[%dma_start3A_80, %dma_start3A_81] : memref<10000x128xf32, #tpu.memory_space<hbm>> -> memref<10000x128xf32, #tpu.memory_space<hbm>>
    tpu.enqueue_indirect_dma source(%dma_start3A_82 : memref<10000x128xf32, #tpu.memory_space<hbm>>) target(%arg9 : memref<80x128xf32, #tpu.memory_space<vmem>>) offsets(%dma_start3A_79 : memref<80xi32, #tpu.memory_space<vmem>>) semaphore(%arg12 : memref<!tpu.dma_semaphore, #tpu.memory_space<semaphore_mem>>)
    %dma_wait3A_83 = arith.constant 0 : i32
    %dma_wait3A_84 = arith.constant 0 : i32
    %dma_wait3A_85 = tpu.memref_slice %arg6[%dma_wait3A_83, %dma_wait3A_84] : memref<64x80xi32, #tpu.memory_space<vmem>> -> memref<1x80xi32, #tpu.memory_space<vmem>>
    %dma_wait3A_86 = tpu.memref_squeeze %dma_wait3A_85 : memref<1x80xi32, #tpu.memory_space<vmem>> -> memref<80xi32, #tpu.memory_space<vmem>>
    %dma_wait3A_87 = arith.constant 0 : i32
    %dma_wait3A_88 = arith.constant 0 : i32
    %dma_wait3A_89 = tpu.memref_slice %arg2[%dma_wait3A_87, %dma_wait3A_88] : memref<10000x128xf32, #tpu.memory_space<hbm>> -> memref<10000x128xf32, #tpu.memory_space<hbm>>
    tpu.wait_indirect_dma semaphore(%arg11 : memref<!tpu.dma_semaphore, #tpu.memory_space<semaphore_mem>>) src(%dma_wait3A_89 : memref<10000x128xf32, #tpu.memory_space<hbm>>) dst(%arg8 : memref<80x128xf32, #tpu.memory_space<vmem>>)
    %dma_start3A_90 = arith.constant 0 : i32
    %dma_start3A_91 = arith.constant 0 : i32
    %dma_start3A_92 = tpu.memref_slice %arg7[%dma_start3A_90, %dma_start3A_91] : memref<64x80xi32, #tpu.memory_space<vmem>> -> memref<1x80xi32, #tpu.memory_space<vmem>>
    %dma_start3A_93 = tpu.memref_squeeze %dma_start3A_92 : memref<1x80xi32, #tpu.memory_space<vmem>> -> memref<80xi32, #tpu.memory_space<vmem>>
    %dma_start3A_94 = arith.constant 0 : i32
    %dma_start3A_95 = arith.constant 0 : i32
    %dma_start3A_96 = tpu.memref_slice %arg10[%dma_start3A_94, %dma_start3A_95] : memref<10000x128xf32, #tpu.memory_space<vmem_shared>> -> memref<10000x128xf32, #tpu.memory_space<vmem_shared>>
    tpu.enqueue_indirect_dma source(%arg8 : memref<80x128xf32, #tpu.memory_space<vmem>>) target(%dma_start3A_96 : memref<10000x128xf32, #tpu.memory_space<vmem_shared>>) offsets(%dma_start3A_93 : memref<80xi32, #tpu.memory_space<vmem>>) semaphore(%arg13 : memref<!tpu.dma_semaphore, #tpu.memory_space<semaphore_mem>>) {add = true}
    %scan3A_97 = arith.constant 0 : i32
    %scan3A_98 = arith.constant 1 : i32
    %scan3A_99 = arith.constant 59 : i32
    %scan3A_100 = arith.addi %scan3A_98, %scan3A_99 : i32
    %scan3A_101 = arith.constant 1 : i32
    scf.for %scan3A_142 = %scan3A_98 to %scan3A_100 step %scan3A_101  : i32 {
      %jit3A = arith.constant 2 : i32
      %eq3A_143 = arith.constant 0 : i32
      %eq3A_144 = arith.cmpi eq, %jit3A, %eq3A_143 : i32
      %jit3A_145 = arith.constant 1 : i32
      %select_n3A = arith.select %eq3A_144, %jit3A_145, %jit3A : i32
      %rem3A = arith.remsi %scan3A_142, %select_n3A : i32
      %ne3A = arith.constant 0 : i32
      %ne3A_146 = arith.cmpi ne, %rem3A, %ne3A : i32
      %lt3A_147 = arith.constant 0 : i32
      %lt3A_148 = arith.cmpi slt, %rem3A, %lt3A_147 : i32
      %lt3A_149 = arith.constant 0 : i32
      %lt3A_150 = arith.cmpi slt, %select_n3A, %lt3A_149 : i32
      %ne3A_151 = arith.xori %lt3A_148, %lt3A_150 : i1
      %and3A = arith.andi %ne3A_151, %ne3A_146 : i1
      %add3A_152 = arith.addi %rem3A, %select_n3A : i32
      %select_n3A_153 = arith.select %and3A, %add3A_152, %rem3A : i32
      %eq3A_154 = arith.constant 0 : i32
      %eq3A_155 = arith.cmpi eq, %select_n3A_153, %eq3A_154 : i32
      %convert_element_type3A_156 = arith.extui %eq3A_155 : i1 to i32
      %cond3A_157 = arith.constant 0 : i32
      %cond3A_158 = arith.cmpi ne, %convert_element_type3A_156, %cond3A_157 : i32
      scf.if %cond3A_158 {
        %dma_wait3A_163 = arith.constant 0 : i32
        %dma_wait3A_164 = arith.constant 0 : i32
        %dma_wait3A_165 = tpu.memref_slice %arg7[%dma_wait3A_163, %dma_wait3A_164] : memref<64x80xi32, #tpu.memory_space<vmem>> -> memref<1x80xi32, #tpu.memory_space<vmem>>
        %dma_wait3A_166 = tpu.memref_squeeze %dma_wait3A_165 : memref<1x80xi32, #tpu.memory_space<vmem>> -> memref<80xi32, #tpu.memory_space<vmem>>
        %dma_wait3A_167 = arith.constant 0 : i32
        %dma_wait3A_168 = arith.constant 0 : i32
        %dma_wait3A_169 = tpu.memref_slice %arg10[%dma_wait3A_167, %dma_wait3A_168] : memref<10000x128xf32, #tpu.memory_space<vmem_shared>> -> memref<10000x128xf32, #tpu.memory_space<vmem_shared>>
        tpu.wait_indirect_dma semaphore(%arg14 : memref<!tpu.dma_semaphore, #tpu.memory_space<semaphore_mem>>) src(%arg9 : memref<80x128xf32, #tpu.memory_space<vmem>>) dst(%dma_wait3A_169 : memref<10000x128xf32, #tpu.memory_space<vmem_shared>>)
        %add3A_170 = arith.constant 1 : i32
        %add3A_171 = arith.addi %scan3A_142, %add3A_170 : i32
        %dma_start3A_172 = arith.constant 0 : i32
        %dma_start3A_173 = tpu.memref_slice %arg6[%add3A_171, %dma_start3A_172] : memref<64x80xi32, #tpu.memory_space<vmem>> -> memref<1x80xi32, #tpu.memory_space<vmem>>
        %dma_start3A_174 = tpu.memref_squeeze %dma_start3A_173 : memref<1x80xi32, #tpu.memory_space<vmem>> -> memref<80xi32, #tpu.memory_space<vmem>>
        %dma_start3A_175 = arith.constant 0 : i32
        %dma_start3A_176 = arith.constant 0 : i32
        %dma_start3A_177 = tpu.memref_slice %arg2[%dma_start3A_175, %dma_start3A_176] : memref<10000x128xf32, #tpu.memory_space<hbm>> -> memref<10000x128xf32, #tpu.memory_space<hbm>>
        tpu.enqueue_indirect_dma source(%dma_start3A_177 : memref<10000x128xf32, #tpu.memory_space<hbm>>) target(%arg9 : memref<80x128xf32, #tpu.memory_space<vmem>>) offsets(%dma_start3A_174 : memref<80xi32, #tpu.memory_space<vmem>>) semaphore(%arg12 : memref<!tpu.dma_semaphore, #tpu.memory_space<semaphore_mem>>)
        %dma_wait3A_178 = arith.constant 0 : i32
        %dma_wait3A_179 = arith.constant 0 : i32
        %dma_wait3A_180 = tpu.memref_slice %arg6[%dma_wait3A_178, %dma_wait3A_179] : memref<64x80xi32, #tpu.memory_space<vmem>> -> memref<1x80xi32, #tpu.memory_space<vmem>>
        %dma_wait3A_181 = tpu.memref_squeeze %dma_wait3A_180 : memref<1x80xi32, #tpu.memory_space<vmem>> -> memref<80xi32, #tpu.memory_space<vmem>>
        %dma_wait3A_182 = arith.constant 0 : i32
        %dma_wait3A_183 = arith.constant 0 : i32
        %dma_wait3A_184 = tpu.memref_slice %arg2[%dma_wait3A_182, %dma_wait3A_183] : memref<10000x128xf32, #tpu.memory_space<hbm>> -> memref<10000x128xf32, #tpu.memory_space<hbm>>
        tpu.wait_indirect_dma semaphore(%arg11 : memref<!tpu.dma_semaphore, #tpu.memory_space<semaphore_mem>>) src(%dma_wait3A_184 : memref<10000x128xf32, #tpu.memory_space<hbm>>) dst(%arg8 : memref<80x128xf32, #tpu.memory_space<vmem>>)
        %dma_start3A_185 = arith.constant 0 : i32
        %dma_start3A_186 = tpu.memref_slice %arg7[%scan3A_142, %dma_start3A_185] : memref<64x80xi32, #tpu.memory_space<vmem>> -> memref<1x80xi32, #tpu.memory_space<vmem>>
        %dma_start3A_187 = tpu.memref_squeeze %dma_start3A_186 : memref<1x80xi32, #tpu.memory_space<vmem>> -> memref<80xi32, #tpu.memory_space<vmem>>
        %dma_start3A_188 = arith.constant 0 : i32
        %dma_start3A_189 = arith.constant 0 : i32
        %dma_start3A_190 = tpu.memref_slice %arg10[%dma_start3A_188, %dma_start3A_189] : memref<10000x128xf32, #tpu.memory_space<vmem_shared>> -> memref<10000x128xf32, #tpu.memory_space<vmem_shared>>
        tpu.enqueue_indirect_dma source(%arg8 : memref<80x128xf32, #tpu.memory_space<vmem>>) target(%dma_start3A_190 : memref<10000x128xf32, #tpu.memory_space<vmem_shared>>) offsets(%dma_start3A_187 : memref<80xi32, #tpu.memory_space<vmem>>) semaphore(%arg13 : memref<!tpu.dma_semaphore, #tpu.memory_space<semaphore_mem>>) {add = true}
      } else {
      }
      %not3A = arith.constant true
      %not3A_159 = arith.xori %eq3A_155, %not3A : i1
      %convert_element_type3A_160 = arith.extui %not3A_159 : i1 to i32
      %cond3A_161 = arith.constant 0 : i32
      %cond3A_162 = arith.cmpi ne, %convert_element_type3A_160, %cond3A_161 : i32
      scf.if %cond3A_162 {
        %dma_wait3A_163 = arith.constant 0 : i32
        %dma_wait3A_164 = arith.constant 0 : i32
        %dma_wait3A_165 = tpu.memref_slice %arg7[%dma_wait3A_163, %dma_wait3A_164] : memref<64x80xi32, #tpu.memory_space<vmem>> -> memref<1x80xi32, #tpu.memory_space<vmem>>
        %dma_wait3A_166 = tpu.memref_squeeze %dma_wait3A_165 : memref<1x80xi32, #tpu.memory_space<vmem>> -> memref<80xi32, #tpu.memory_space<vmem>>
        %dma_wait3A_167 = arith.constant 0 : i32
        %dma_wait3A_168 = arith.constant 0 : i32
        %dma_wait3A_169 = tpu.memref_slice %arg10[%dma_wait3A_167, %dma_wait3A_168] : memref<10000x128xf32, #tpu.memory_space<vmem_shared>> -> memref<10000x128xf32, #tpu.memory_space<vmem_shared>>
        tpu.wait_indirect_dma semaphore(%arg13 : memref<!tpu.dma_semaphore, #tpu.memory_space<semaphore_mem>>) src(%arg8 : memref<80x128xf32, #tpu.memory_space<vmem>>) dst(%dma_wait3A_169 : memref<10000x128xf32, #tpu.memory_space<vmem_shared>>)
        %add3A_170 = arith.constant 1 : i32
        %add3A_171 = arith.addi %scan3A_142, %add3A_170 : i32
        %dma_start3A_172 = arith.constant 0 : i32
        %dma_start3A_173 = tpu.memref_slice %arg6[%add3A_171, %dma_start3A_172] : memref<64x80xi32, #tpu.memory_space<vmem>> -> memref<1x80xi32, #tpu.memory_space<vmem>>
        %dma_start3A_174 = tpu.memref_squeeze %dma_start3A_173 : memref<1x80xi32, #tpu.memory_space<vmem>> -> memref<80xi32, #tpu.memory_space<vmem>>
        %dma_start3A_175 = arith.constant 0 : i32
        %dma_start3A_176 = arith.constant 0 : i32
        %dma_start3A_177 = tpu.memref_slice %arg2[%dma_start3A_175, %dma_start3A_176] : memref<10000x128xf32, #tpu.memory_space<hbm>> -> memref<10000x128xf32, #tpu.memory_space<hbm>>
        tpu.enqueue_indirect_dma source(%dma_start3A_177 : memref<10000x128xf32, #tpu.memory_space<hbm>>) target(%arg8 : memref<80x128xf32, #tpu.memory_space<vmem>>) offsets(%dma_start3A_174 : memref<80xi32, #tpu.memory_space<vmem>>) semaphore(%arg11 : memref<!tpu.dma_semaphore, #tpu.memory_space<semaphore_mem>>)
        %dma_wait3A_178 = arith.constant 0 : i32
        %dma_wait3A_179 = arith.constant 0 : i32
        %dma_wait3A_180 = tpu.memref_slice %arg6[%dma_wait3A_178, %dma_wait3A_179] : memref<64x80xi32, #tpu.memory_space<vmem>> -> memref<1x80xi32, #tpu.memory_space<vmem>>
        %dma_wait3A_181 = tpu.memref_squeeze %dma_wait3A_180 : memref<1x80xi32, #tpu.memory_space<vmem>> -> memref<80xi32, #tpu.memory_space<vmem>>
        %dma_wait3A_182 = arith.constant 0 : i32
        %dma_wait3A_183 = arith.constant 0 : i32
        %dma_wait3A_184 = tpu.memref_slice %arg2[%dma_wait3A_182, %dma_wait3A_183] : memref<10000x128xf32, #tpu.memory_space<hbm>> -> memref<10000x128xf32, #tpu.memory_space<hbm>>
        tpu.wait_indirect_dma semaphore(%arg12 : memref<!tpu.dma_semaphore, #tpu.memory_space<semaphore_mem>>) src(%dma_wait3A_184 : memref<10000x128xf32, #tpu.memory_space<hbm>>) dst(%arg9 : memref<80x128xf32, #tpu.memory_space<vmem>>)
        %dma_start3A_185 = arith.constant 0 : i32
        %dma_start3A_186 = tpu.memref_slice %arg7[%scan3A_142, %dma_start3A_185] : memref<64x80xi32, #tpu.memory_space<vmem>> -> memref<1x80xi32, #tpu.memory_space<vmem>>
        %dma_start3A_187 = tpu.memref_squeeze %dma_start3A_186 : memref<1x80xi32, #tpu.memory_space<vmem>> -> memref<80xi32, #tpu.memory_space<vmem>>
        %dma_start3A_188 = arith.constant 0 : i32
        %dma_start3A_189 = arith.constant 0 : i32
        %dma_start3A_190 = tpu.memref_slice %arg10[%dma_start3A_188, %dma_start3A_189] : memref<10000x128xf32, #tpu.memory_space<vmem_shared>> -> memref<10000x128xf32, #tpu.memory_space<vmem_shared>>
        tpu.enqueue_indirect_dma source(%arg9 : memref<80x128xf32, #tpu.memory_space<vmem>>) target(%dma_start3A_190 : memref<10000x128xf32, #tpu.memory_space<vmem_shared>>) offsets(%dma_start3A_187 : memref<80xi32, #tpu.memory_space<vmem>>) semaphore(%arg14 : memref<!tpu.dma_semaphore, #tpu.memory_space<semaphore_mem>>) {add = true}
      } else {
      }
    }
    %scan3A_102 = arith.constant 59 : i32
    %dma_wait3A_103 = arith.constant 0 : i32
    %dma_wait3A_104 = arith.constant 0 : i32
    %dma_wait3A_105 = tpu.memref_slice %arg6[%dma_wait3A_103, %dma_wait3A_104] : memref<64x80xi32, #tpu.memory_space<vmem>> -> memref<1x80xi32, #tpu.memory_space<vmem>>
    %dma_wait3A_106 = tpu.memref_squeeze %dma_wait3A_105 : memref<1x80xi32, #tpu.memory_space<vmem>> -> memref<80xi32, #tpu.memory_space<vmem>>
    %dma_wait3A_107 = arith.constant 0 : i32
    %dma_wait3A_108 = arith.constant 0 : i32
    %dma_wait3A_109 = tpu.memref_slice %arg2[%dma_wait3A_107, %dma_wait3A_108] : memref<10000x128xf32, #tpu.memory_space<hbm>> -> memref<10000x128xf32, #tpu.memory_space<hbm>>
    tpu.wait_indirect_dma semaphore(%arg11 : memref<!tpu.dma_semaphore, #tpu.memory_space<semaphore_mem>>) src(%dma_wait3A_109 : memref<10000x128xf32, #tpu.memory_space<hbm>>) dst(%arg8 : memref<80x128xf32, #tpu.memory_space<vmem>>)
    %dma_start3A_110 = arith.constant 60 : i32
    %dma_start3A_111 = arith.constant 0 : i32
    %dma_start3A_112 = tpu.memref_slice %arg7[%dma_start3A_110, %dma_start3A_111] : memref<64x80xi32, #tpu.memory_space<vmem>> -> memref<1x80xi32, #tpu.memory_space<vmem>>
    %dma_start3A_113 = tpu.memref_squeeze %dma_start3A_112 : memref<1x80xi32, #tpu.memory_space<vmem>> -> memref<80xi32, #tpu.memory_space<vmem>>
    %dma_start3A_114 = arith.constant 0 : i32
    %dma_start3A_115 = arith.constant 0 : i32
    %dma_start3A_116 = tpu.memref_slice %arg10[%dma_start3A_114, %dma_start3A_115] : memref<10000x128xf32, #tpu.memory_space<vmem_shared>> -> memref<10000x128xf32, #tpu.memory_space<vmem_shared>>
    tpu.enqueue_indirect_dma source(%arg8 : memref<80x128xf32, #tpu.memory_space<vmem>>) target(%dma_start3A_116 : memref<10000x128xf32, #tpu.memory_space<vmem_shared>>) offsets(%dma_start3A_113 : memref<80xi32, #tpu.memory_space<vmem>>) semaphore(%arg13 : memref<!tpu.dma_semaphore, #tpu.memory_space<semaphore_mem>>) {add = true}
    %dma_wait3A_117 = arith.constant 0 : i32
    %dma_wait3A_118 = arith.constant 0 : i32
    %dma_wait3A_119 = tpu.memref_slice %arg7[%dma_wait3A_117, %dma_wait3A_118] : memref<64x80xi32, #tpu.memory_space<vmem>> -> memref<1x80xi32, #tpu.memory_space<vmem>>
    %dma_wait3A_120 = tpu.memref_squeeze %dma_wait3A_119 : memref<1x80xi32, #tpu.memory_space<vmem>> -> memref<80xi32, #tpu.memory_space<vmem>>
    %dma_wait3A_121 = arith.constant 0 : i32
    %dma_wait3A_122 = arith.constant 0 : i32
    %dma_wait3A_123 = tpu.memref_slice %arg10[%dma_wait3A_121, %dma_wait3A_122] : memref<10000x128xf32, #tpu.memory_space<vmem_shared>> -> memref<10000x128xf32, #tpu.memory_space<vmem_shared>>
    tpu.wait_indirect_dma semaphore(%arg14 : memref<!tpu.dma_semaphore, #tpu.memory_space<semaphore_mem>>) src(%arg9 : memref<80x128xf32, #tpu.memory_space<vmem>>) dst(%dma_wait3A_123 : memref<10000x128xf32, #tpu.memory_space<vmem_shared>>)
    %dma_wait3A_124 = arith.constant 0 : i32
    %dma_wait3A_125 = arith.constant 0 : i32
    %dma_wait3A_126 = tpu.memref_slice %arg7[%dma_wait3A_124, %dma_wait3A_125] : memref<64x80xi32, #tpu.memory_space<vmem>> -> memref<1x80xi32, #tpu.memory_space<vmem>>
    %dma_wait3A_127 = tpu.memref_squeeze %dma_wait3A_126 : memref<1x80xi32, #tpu.memory_space<vmem>> -> memref<80xi32, #tpu.memory_space<vmem>>
    %dma_wait3A_128 = arith.constant 0 : i32
    %dma_wait3A_129 = arith.constant 0 : i32
    %dma_wait3A_130 = tpu.memref_slice %arg10[%dma_wait3A_128, %dma_wait3A_129] : memref<10000x128xf32, #tpu.memory_space<vmem_shared>> -> memref<10000x128xf32, #tpu.memory_space<vmem_shared>>
    tpu.wait_indirect_dma semaphore(%arg13 : memref<!tpu.dma_semaphore, #tpu.memory_space<semaphore_mem>>) src(%arg8 : memref<80x128xf32, #tpu.memory_space<vmem>>) dst(%dma_wait3A_130 : memref<10000x128xf32, #tpu.memory_space<vmem_shared>>)
    %barrier3A_131 = arith.constant 0 : index
    tpu.barrier barrier_id(%barrier3A_131)
    %lt3A_132 = arith.constant 15 : i32
    %lt3A_133 = arith.cmpi slt, %arg1, %lt3A_132 : i32
    %convert_element_type3A_134 = arith.extui %lt3A_133 : i1 to i32
    %cond3A_135 = arith.constant 0 : i32
    %cond3A_136 = arith.cmpi ne, %convert_element_type3A_134, %cond3A_135 : i32
    scf.if %cond3A_136 {
      %mul3A_142 = arith.constant 640 : i32
      %mul3A_143 = arith.muli %arg1, %mul3A_142 : i32
      %mul3A_144 = arith.constant 640 : i32
      %mul3A_145 = arith.muli %arg1, %mul3A_144 : i32
      "tpu.region"() ({
        %run_scoped3A_146 = tpu.sem_alloc : memref<!tpu.dma_semaphore, #tpu.memory_space<semaphore_mem>>
        %dma_start3A_147 = arith.constant 0 : i32
        %dma_start3A_148 = tpu.memref_slice %arg5[%arg0, %mul3A_145, %dma_start3A_147] : memref<2x10000x128xf32, #tpu.memory_space<hbm>> -> memref<1x640x128xf32, #tpu.memory_space<hbm>>
        %dma_start3A_149 = tpu.memref_squeeze %dma_start3A_148 : memref<1x640x128xf32, #tpu.memory_space<hbm>> -> memref<640x128xf32, #tpu.memory_space<hbm>>
        %dma_start3A_150 = arith.constant 0 : i32
        %dma_start3A_151 = tpu.memref_slice %arg10[%mul3A_143, %dma_start3A_150] : memref<10000x128xf32, #tpu.memory_space<vmem_shared>> -> memref<640x128xf32, #tpu.memory_space<vmem_shared>>
        tpu.enqueue_dma source(%dma_start3A_151 : memref<640x128xf32, #tpu.memory_space<vmem_shared>>) target(%dma_start3A_149 : memref<640x128xf32, #tpu.memory_space<hbm>>) target_semaphore(%run_scoped3A_146 : memref<!tpu.dma_semaphore, #tpu.memory_space<semaphore_mem>>)
        %dma_wait3A_152 = arith.constant 0 : i32
        %dma_wait3A_153 = tpu.memref_slice %arg5[%arg0, %mul3A_145, %dma_wait3A_152] : memref<2x10000x128xf32, #tpu.memory_space<hbm>> -> memref<1x640x128xf32, #tpu.memory_space<hbm>>
        %dma_wait3A_154 = tpu.memref_squeeze %dma_wait3A_153 : memref<1x640x128xf32, #tpu.memory_space<hbm>> -> memref<640x128xf32, #tpu.memory_space<hbm>>
        %dma_wait3A_155 = arith.constant 0 : i32
        %dma_wait3A_156 = tpu.memref_slice %arg10[%mul3A_143, %dma_wait3A_155] : memref<10000x128xf32, #tpu.memory_space<vmem_shared>> -> memref<640x128xf32, #tpu.memory_space<vmem_shared>>
        tpu.wait_dma2 semaphore(%run_scoped3A_146 : memref<!tpu.dma_semaphore, #tpu.memory_space<semaphore_mem>>) src(%dma_wait3A_156 : memref<640x128xf32, #tpu.memory_space<vmem_shared>>) dst(%dma_wait3A_154 : memref<640x128xf32, #tpu.memory_space<hbm>>)
        tpu.yield
      }) : () -> ()
    } else {
    }
    %eq3A_137 = arith.constant 15 : i32
    %eq3A_138 = arith.cmpi eq, %arg1, %eq3A_137 : i32
    %convert_element_type3A_139 = arith.extui %eq3A_138 : i1 to i32
    %cond3A_140 = arith.constant 0 : i32
    %cond3A_141 = arith.cmpi ne, %convert_element_type3A_139, %cond3A_140 : i32
    scf.if %cond3A_141 {
      "tpu.region"() ({
        %run_scoped3A_142 = tpu.sem_alloc : memref<!tpu.dma_semaphore, #tpu.memory_space<semaphore_mem>>
        %dma_start3A_143 = arith.constant 9600 : i32
        %dma_start3A_144 = arith.constant 0 : i32
        %dma_start3A_145 = tpu.memref_slice %arg5[%arg0, %dma_start3A_143, %dma_start3A_144] : memref<2x10000x128xf32, #tpu.memory_space<hbm>> -> memref<1x400x128xf32, #tpu.memory_space<hbm>>
        %dma_start3A_146 = tpu.memref_squeeze %dma_start3A_145 : memref<1x400x128xf32, #tpu.memory_space<hbm>> -> memref<400x128xf32, #tpu.memory_space<hbm>>
        %dma_start3A_147 = arith.constant 9600 : i32
        %dma_start3A_148 = arith.constant 0 : i32
        %dma_start3A_149 = tpu.memref_slice %arg10[%dma_start3A_147, %dma_start3A_148] : memref<10000x128xf32, #tpu.memory_space<vmem_shared>> -> memref<400x128xf32, #tpu.memory_space<vmem_shared>>
        tpu.enqueue_dma source(%dma_start3A_149 : memref<400x128xf32, #tpu.memory_space<vmem_shared>>) target(%dma_start3A_146 : memref<400x128xf32, #tpu.memory_space<hbm>>) target_semaphore(%run_scoped3A_142 : memref<!tpu.dma_semaphore, #tpu.memory_space<semaphore_mem>>)
        %dma_wait3A_150 = arith.constant 9600 : i32
        %dma_wait3A_151 = arith.constant 0 : i32
        %dma_wait3A_152 = tpu.memref_slice %arg5[%arg0, %dma_wait3A_150, %dma_wait3A_151] : memref<2x10000x128xf32, #tpu.memory_space<hbm>> -> memref<1x400x128xf32, #tpu.memory_space<hbm>>
        %dma_wait3A_153 = tpu.memref_squeeze %dma_wait3A_152 : memref<1x400x128xf32, #tpu.memory_space<hbm>> -> memref<400x128xf32, #tpu.memory_space<hbm>>
        %dma_wait3A_154 = arith.constant 9600 : i32
        %dma_wait3A_155 = arith.constant 0 : i32
        %dma_wait3A_156 = tpu.memref_slice %arg10[%dma_wait3A_154, %dma_wait3A_155] : memref<10000x128xf32, #tpu.memory_space<vmem_shared>> -> memref<400x128xf32, #tpu.memory_space<vmem_shared>>
        tpu.wait_dma2 semaphore(%run_scoped3A_142 : memref<!tpu.dma_semaphore, #tpu.memory_space<semaphore_mem>>) src(%dma_wait3A_156 : memref<400x128xf32, #tpu.memory_space<vmem_shared>>) dst(%dma_wait3A_153 : memref<400x128xf32, #tpu.memory_space<hbm>>)
        tpu.yield
      }) : () -> ()
    } else {
    }
    return
  }
}

#map = affine_map<(d0, d1) -> (0, 0)>
#map1 = affine_map<(d0, d1) -> (0, 0, 0, 0)>
#map2 = affine_map<(d0, d1) -> (0, 0, 0)>
module attributes {stable_mosaic.version = 14 : i64} {
  func.func @_msg_kernel(%arg0: i32, %arg1: i32, %arg2: memref<10000x128xf32, #tpu.memory_space<hbm>>, %arg3: memref<2x32x125x80xi32, #tpu.memory_space<hbm>>, %arg4: memref<640x128xf32, #tpu.memory_space<hbm>>, %arg5: memref<2x10000x128xf32, #tpu.memory_space<hbm>>, %arg6: memref<64x80xi32, #tpu.memory_space<vmem>>, %arg7: memref<64x80xi32, #tpu.memory_space<vmem>>, %arg8: memref<80x128xf32, #tpu.memory_space<vmem>>, %arg9: memref<80x128xf32, #tpu.memory_space<vmem>>, %arg10: memref<10000x128xf32, #tpu.memory_space<vmem_shared>>, %arg11: memref<!tpu.dma_semaphore, #tpu.memory_space<semaphore_mem>>, %arg12: memref<!tpu.dma_semaphore, #tpu.memory_space<semaphore_mem>>, %arg13: memref<!tpu.dma_semaphore, #tpu.memory_space<semaphore_mem>>, %arg14: memref<!tpu.dma_semaphore, #tpu.memory_space<semaphore_mem>>) attributes {dimension_semantics = [#tpu.dimension_semantics<core_parallel>, #tpu.dimension_semantics<subcore_parallel>], iteration_bounds = array<i64: 2, 16>, scalar_prefetch = 0 : i64, scratch_operands = 9 : i64, tpu.core_type = #tpu.core_type<sc_vector_subcore>, window_params = [{transform_indices = #map}, {transform_indices = #map1}, {transform_indices = #map}, {transform_indices = #map2}]} {
    %mul3A = arith.constant 2 : i32
    %mul3A_0 = arith.muli %arg1, %mul3A : i32
    %add3A = arith.addi %mul3A_0, %arg0 : i32
    %lt3A = arith.constant 15 : i32
    %lt3A_1 = arith.cmpi slt, %arg1, %lt3A : i32
    %convert_element_type3A = arith.extui %lt3A_1 : i1 to i32
    %cond3A = arith.constant 0 : i32
    %cond3A_2 = arith.cmpi ne, %convert_element_type3A, %cond3A : i32
    scf.if %cond3A_2 {
      %mul3A_142 = arith.constant 640 : i32
      %mul3A_143 = arith.muli %arg1, %mul3A_142 : i32
      "tpu.region"() ({
        %run_scoped3A_144 = tpu.sem_alloc : memref<!tpu.dma_semaphore, #tpu.memory_space<semaphore_mem>>
        %dma_start3A_145 = arith.constant 0 : i32
        %dma_start3A_146 = tpu.memref_slice %arg10[%mul3A_143, %dma_start3A_145] : memref<10000x128xf32, #tpu.memory_space<vmem_shared>> -> memref<640x128xf32, #tpu.memory_space<vmem_shared>>
        tpu.enqueue_dma source(%arg4 : memref<640x128xf32, #tpu.memory_space<hbm>>) target(%dma_start3A_146 : memref<640x128xf32, #tpu.memory_space<vmem_shared>>) target_semaphore(%run_scoped3A_144 : memref<!tpu.dma_semaphore, #tpu.memory_space<semaphore_mem>>)
        %dma_wait3A_147 = arith.constant 0 : i32
        %dma_wait3A_148 = tpu.memref_slice %arg10[%mul3A_143, %dma_wait3A_147] : memref<10000x128xf32, #tpu.memory_space<vmem_shared>> -> memref<640x128xf32, #tpu.memory_space<vmem_shared>>
        tpu.wait_dma2 semaphore(%run_scoped3A_144 : memref<!tpu.dma_semaphore, #tpu.memory_space<semaphore_mem>>) src(%arg4 : memref<640x128xf32, #tpu.memory_space<hbm>>) dst(%dma_wait3A_148 : memref<640x128xf32, #tpu.memory_space<vmem_shared>>)
        tpu.yield
      }) : () -> ()
    } else {
    }
    %eq3A = arith.constant 15 : i32
    %eq3A_3 = arith.cmpi eq, %arg1, %eq3A : i32
    %convert_element_type3A_4 = arith.extui %eq3A_3 : i1 to i32
    %cond3A_5 = arith.constant 0 : i32
    %cond3A_6 = arith.cmpi ne, %convert_element_type3A_4, %cond3A_5 : i32
    scf.if %cond3A_6 {
      "tpu.region"() ({
        %run_scoped3A_142 = tpu.sem_alloc : memref<!tpu.dma_semaphore, #tpu.memory_space<semaphore_mem>>
        %dma_start3A_143 = arith.constant 9600 : i32
        %dma_start3A_144 = arith.constant 0 : i32
        %dma_start3A_145 = tpu.memref_slice %arg10[%dma_start3A_143, %dma_start3A_144] : memref<10000x128xf32, #tpu.memory_space<vmem_shared>> -> memref<400x128xf32, #tpu.memory_space<vmem_shared>>
        %dma_start3A_146 = arith.constant 0 : i32
        %dma_start3A_147 = arith.constant 0 : i32
        %dma_start3A_148 = tpu.memref_slice %arg4[%dma_start3A_146, %dma_start3A_147] : memref<640x128xf32, #tpu.memory_space<hbm>> -> memref<400x128xf32, #tpu.memory_space<hbm>>
        tpu.enqueue_dma source(%dma_start3A_148 : memref<400x128xf32, #tpu.memory_space<hbm>>) target(%dma_start3A_145 : memref<400x128xf32, #tpu.memory_space<vmem_shared>>) target_semaphore(%run_scoped3A_142 : memref<!tpu.dma_semaphore, #tpu.memory_space<semaphore_mem>>)
        %dma_wait3A_149 = arith.constant 9600 : i32
        %dma_wait3A_150 = arith.constant 0 : i32
        %dma_wait3A_151 = tpu.memref_slice %arg10[%dma_wait3A_149, %dma_wait3A_150] : memref<10000x128xf32, #tpu.memory_space<vmem_shared>> -> memref<400x128xf32, #tpu.memory_space<vmem_shared>>
        %dma_wait3A_152 = arith.constant 0 : i32
        %dma_wait3A_153 = arith.constant 0 : i32
        %dma_wait3A_154 = tpu.memref_slice %arg4[%dma_wait3A_152, %dma_wait3A_153] : memref<640x128xf32, #tpu.memory_space<hbm>> -> memref<400x128xf32, #tpu.memory_space<hbm>>
        tpu.wait_dma2 semaphore(%run_scoped3A_142 : memref<!tpu.dma_semaphore, #tpu.memory_space<semaphore_mem>>) src(%dma_wait3A_154 : memref<400x128xf32, #tpu.memory_space<hbm>>) dst(%dma_wait3A_151 : memref<400x128xf32, #tpu.memory_space<vmem_shared>>)
        tpu.yield
      }) : () -> ()
    } else {
    }
    %barrier3A = arith.constant 0 : index
    tpu.barrier barrier_id(%barrier3A)
    %run_scoped3A = arith.constant 0 : i32
    "tpu.region"() ({
      %run_scoped3A_142 = tpu.sem_alloc : memref<!tpu.dma_semaphore, #tpu.memory_space<semaphore_mem>>
      %dma_start3A_143 = arith.constant 0 : i32
      %dma_start3A_144 = arith.constant 0 : i32
      %dma_start3A_145 = tpu.memref_slice %arg6[%dma_start3A_143, %dma_start3A_144] : memref<64x80xi32, #tpu.memory_space<vmem>> -> memref<64x80xi32, #tpu.memory_space<vmem>>
      %dma_start3A_146 = arith.constant 0 : i32
      %dma_start3A_147 = arith.constant 0 : i32
      %dma_start3A_148 = tpu.memref_slice %arg3[%run_scoped3A, %add3A, %dma_start3A_146, %dma_start3A_147] : memref<2x32x125x80xi32, #tpu.memory_space<hbm>> -> memref<1x1x64x80xi32, #tpu.memory_space<hbm>>
      %dma_start3A_149 = tpu.memref_squeeze %dma_start3A_148 : memref<1x1x64x80xi32, #tpu.memory_space<hbm>> -> memref<64x80xi32, #tpu.memory_space<hbm>>
      %dma_start3A_150 = arith.constant 0 : i32
      %dma_start3A_151 = arith.constant 0 : i32
      %dma_start3A_152 = tpu.memref_slice %arg6[%dma_start3A_150, %dma_start3A_151] : memref<64x80xi32, #tpu.memory_space<vmem>> -> memref<64x80xi32, #tpu.memory_space<vmem>>
      %dma_start3A_153 = arith.constant 0 : i32
      %dma_start3A_154 = arith.constant 0 : i32
      %dma_start3A_155 = tpu.memref_slice %arg3[%run_scoped3A, %add3A, %dma_start3A_153, %dma_start3A_154] : memref<2x32x125x80xi32, #tpu.memory_space<hbm>> -> memref<1x1x64x80xi32, #tpu.memory_space<hbm>>
      %dma_start3A_156 = tpu.memref_squeeze %dma_start3A_155 : memref<1x1x64x80xi32, #tpu.memory_space<hbm>> -> memref<64x80xi32, #tpu.memory_space<hbm>>
      tpu.enqueue_dma source(%dma_start3A_156 : memref<64x80xi32, #tpu.memory_space<hbm>>) target(%dma_start3A_152 : memref<64x80xi32, #tpu.memory_space<vmem>>) target_semaphore(%run_scoped3A_142 : memref<!tpu.dma_semaphore, #tpu.memory_space<semaphore_mem>>)
      %dma_wait3A_157 = arith.constant 0 : i32
      %dma_wait3A_158 = arith.constant 0 : i32
      %dma_wait3A_159 = tpu.memref_slice %arg6[%dma_wait3A_157, %dma_wait3A_158] : memref<64x80xi32, #tpu.memory_space<vmem>> -> memref<64x80xi32, #tpu.memory_space<vmem>>
      %dma_wait3A_160 = arith.constant 0 : i32
      %dma_wait3A_161 = arith.constant 0 : i32
      %dma_wait3A_162 = tpu.memref_slice %arg3[%run_scoped3A, %add3A, %dma_wait3A_160, %dma_wait3A_161] : memref<2x32x125x80xi32, #tpu.memory_space<hbm>> -> memref<1x1x64x80xi32, #tpu.memory_space<hbm>>
      %dma_wait3A_163 = tpu.memref_squeeze %dma_wait3A_162 : memref<1x1x64x80xi32, #tpu.memory_space<hbm>> -> memref<64x80xi32, #tpu.memory_space<hbm>>
      %dma_wait3A_164 = arith.constant 0 : i32
      %dma_wait3A_165 = arith.constant 0 : i32
      %dma_wait3A_166 = tpu.memref_slice %arg6[%dma_wait3A_164, %dma_wait3A_165] : memref<64x80xi32, #tpu.memory_space<vmem>> -> memref<64x80xi32, #tpu.memory_space<vmem>>
      %dma_wait3A_167 = arith.constant 0 : i32
      %dma_wait3A_168 = arith.constant 0 : i32
      %dma_wait3A_169 = tpu.memref_slice %arg3[%run_scoped3A, %add3A, %dma_wait3A_167, %dma_wait3A_168] : memref<2x32x125x80xi32, #tpu.memory_space<hbm>> -> memref<1x1x64x80xi32, #tpu.memory_space<hbm>>
      %dma_wait3A_170 = tpu.memref_squeeze %dma_wait3A_169 : memref<1x1x64x80xi32, #tpu.memory_space<hbm>> -> memref<64x80xi32, #tpu.memory_space<hbm>>
      tpu.wait_dma2 semaphore(%run_scoped3A_142 : memref<!tpu.dma_semaphore, #tpu.memory_space<semaphore_mem>>) src(%dma_wait3A_170 : memref<64x80xi32, #tpu.memory_space<hbm>>) dst(%dma_wait3A_166 : memref<64x80xi32, #tpu.memory_space<vmem>>)
      tpu.yield
    }) : () -> ()
    %run_scoped3A_7 = arith.constant 1 : i32
    "tpu.region"() ({
      %run_scoped3A_142 = tpu.sem_alloc : memref<!tpu.dma_semaphore, #tpu.memory_space<semaphore_mem>>
      %dma_start3A_143 = arith.constant 0 : i32
      %dma_start3A_144 = arith.constant 0 : i32
      %dma_start3A_145 = tpu.memref_slice %arg7[%dma_start3A_143, %dma_start3A_144] : memref<64x80xi32, #tpu.memory_space<vmem>> -> memref<64x80xi32, #tpu.memory_space<vmem>>
      %dma_start3A_146 = arith.constant 0 : i32
      %dma_start3A_147 = arith.constant 0 : i32
      %dma_start3A_148 = tpu.memref_slice %arg3[%run_scoped3A_7, %add3A, %dma_start3A_146, %dma_start3A_147] : memref<2x32x125x80xi32, #tpu.memory_space<hbm>> -> memref<1x1x64x80xi32, #tpu.memory_space<hbm>>
      %dma_start3A_149 = tpu.memref_squeeze %dma_start3A_148 : memref<1x1x64x80xi32, #tpu.memory_space<hbm>> -> memref<64x80xi32, #tpu.memory_space<hbm>>
      %dma_start3A_150 = arith.constant 0 : i32
      %dma_start3A_151 = arith.constant 0 : i32
      %dma_start3A_152 = tpu.memref_slice %arg7[%dma_start3A_150, %dma_start3A_151] : memref<64x80xi32, #tpu.memory_space<vmem>> -> memref<64x80xi32, #tpu.memory_space<vmem>>
      %dma_start3A_153 = arith.constant 0 : i32
      %dma_start3A_154 = arith.constant 0 : i32
      %dma_start3A_155 = tpu.memref_slice %arg3[%run_scoped3A_7, %add3A, %dma_start3A_153, %dma_start3A_154] : memref<2x32x125x80xi32, #tpu.memory_space<hbm>> -> memref<1x1x64x80xi32, #tpu.memory_space<hbm>>
      %dma_start3A_156 = tpu.memref_squeeze %dma_start3A_155 : memref<1x1x64x80xi32, #tpu.memory_space<hbm>> -> memref<64x80xi32, #tpu.memory_space<hbm>>
      tpu.enqueue_dma source(%dma_start3A_156 : memref<64x80xi32, #tpu.memory_space<hbm>>) target(%dma_start3A_152 : memref<64x80xi32, #tpu.memory_space<vmem>>) target_semaphore(%run_scoped3A_142 : memref<!tpu.dma_semaphore, #tpu.memory_space<semaphore_mem>>)
      %dma_wait3A_157 = arith.constant 0 : i32
      %dma_wait3A_158 = arith.constant 0 : i32
      %dma_wait3A_159 = tpu.memref_slice %arg7[%dma_wait3A_157, %dma_wait3A_158] : memref<64x80xi32, #tpu.memory_space<vmem>> -> memref<64x80xi32, #tpu.memory_space<vmem>>
      %dma_wait3A_160 = arith.constant 0 : i32
      %dma_wait3A_161 = arith.constant 0 : i32
      %dma_wait3A_162 = tpu.memref_slice %arg3[%run_scoped3A_7, %add3A, %dma_wait3A_160, %dma_wait3A_161] : memref<2x32x125x80xi32, #tpu.memory_space<hbm>> -> memref<1x1x64x80xi32, #tpu.memory_space<hbm>>
      %dma_wait3A_163 = tpu.memref_squeeze %dma_wait3A_162 : memref<1x1x64x80xi32, #tpu.memory_space<hbm>> -> memref<64x80xi32, #tpu.memory_space<hbm>>
      %dma_wait3A_164 = arith.constant 0 : i32
      %dma_wait3A_165 = arith.constant 0 : i32
      %dma_wait3A_166 = tpu.memref_slice %arg7[%dma_wait3A_164, %dma_wait3A_165] : memref<64x80xi32, #tpu.memory_space<vmem>> -> memref<64x80xi32, #tpu.memory_space<vmem>>
      %dma_wait3A_167 = arith.constant 0 : i32
      %dma_wait3A_168 = arith.constant 0 : i32
      %dma_wait3A_169 = tpu.memref_slice %arg3[%run_scoped3A_7, %add3A, %dma_wait3A_167, %dma_wait3A_168] : memref<2x32x125x80xi32, #tpu.memory_space<hbm>> -> memref<1x1x64x80xi32, #tpu.memory_space<hbm>>
      %dma_wait3A_170 = tpu.memref_squeeze %dma_wait3A_169 : memref<1x1x64x80xi32, #tpu.memory_space<hbm>> -> memref<64x80xi32, #tpu.memory_space<hbm>>
      tpu.wait_dma2 semaphore(%run_scoped3A_142 : memref<!tpu.dma_semaphore, #tpu.memory_space<semaphore_mem>>) src(%dma_wait3A_170 : memref<64x80xi32, #tpu.memory_space<hbm>>) dst(%dma_wait3A_166 : memref<64x80xi32, #tpu.memory_space<vmem>>)
      tpu.yield
    }) : () -> ()
    %dma_start3A = arith.constant 0 : i32
    %dma_start3A_8 = arith.constant 0 : i32
    %dma_start3A_9 = tpu.memref_slice %arg6[%dma_start3A, %dma_start3A_8] : memref<64x80xi32, #tpu.memory_space<vmem>> -> memref<1x80xi32, #tpu.memory_space<vmem>>
    %dma_start3A_10 = tpu.memref_squeeze %dma_start3A_9 : memref<1x80xi32, #tpu.memory_space<vmem>> -> memref<80xi32, #tpu.memory_space<vmem>>
    %dma_start3A_11 = arith.constant 0 : i32
    %dma_start3A_12 = arith.constant 0 : i32
    %dma_start3A_13 = tpu.memref_slice %arg2[%dma_start3A_11, %dma_start3A_12] : memref<10000x128xf32, #tpu.memory_space<hbm>> -> memref<10000x128xf32, #tpu.memory_space<hbm>>
    tpu.enqueue_indirect_dma source(%dma_start3A_13 : memref<10000x128xf32, #tpu.memory_space<hbm>>) target(%arg8 : memref<80x128xf32, #tpu.memory_space<vmem>>) offsets(%dma_start3A_10 : memref<80xi32, #tpu.memory_space<vmem>>) semaphore(%arg11 : memref<!tpu.dma_semaphore, #tpu.memory_space<semaphore_mem>>)
    %dma_start3A_14 = arith.constant 1 : i32
    %dma_start3A_15 = arith.constant 0 : i32
    %dma_start3A_16 = tpu.memref_slice %arg6[%dma_start3A_14, %dma_start3A_15] : memref<64x80xi32, #tpu.memory_space<vmem>> -> memref<1x80xi32, #tpu.memory_space<vmem>>
    %dma_start3A_17 = tpu.memref_squeeze %dma_start3A_16 : memref<1x80xi32, #tpu.memory_space<vmem>> -> memref<80xi32, #tpu.memory_space<vmem>>
    %dma_start3A_18 = arith.constant 0 : i32
    %dma_start3A_19 = arith.constant 0 : i32
    %dma_start3A_20 = tpu.memref_slice %arg2[%dma_start3A_18, %dma_start3A_19] : memref<10000x128xf32, #tpu.memory_space<hbm>> -> memref<10000x128xf32, #tpu.memory_space<hbm>>
    tpu.enqueue_indirect_dma source(%dma_start3A_20 : memref<10000x128xf32, #tpu.memory_space<hbm>>) target(%arg9 : memref<80x128xf32, #tpu.memory_space<vmem>>) offsets(%dma_start3A_17 : memref<80xi32, #tpu.memory_space<vmem>>) semaphore(%arg12 : memref<!tpu.dma_semaphore, #tpu.memory_space<semaphore_mem>>)
    %dma_wait3A = arith.constant 0 : i32
    %dma_wait3A_21 = arith.constant 0 : i32
    %dma_wait3A_22 = tpu.memref_slice %arg6[%dma_wait3A, %dma_wait3A_21] : memref<64x80xi32, #tpu.memory_space<vmem>> -> memref<1x80xi32, #tpu.memory_space<vmem>>
    %dma_wait3A_23 = tpu.memref_squeeze %dma_wait3A_22 : memref<1x80xi32, #tpu.memory_space<vmem>> -> memref<80xi32, #tpu.memory_space<vmem>>
    %dma_wait3A_24 = arith.constant 0 : i32
    %dma_wait3A_25 = arith.constant 0 : i32
    %dma_wait3A_26 = tpu.memref_slice %arg2[%dma_wait3A_24, %dma_wait3A_25] : memref<10000x128xf32, #tpu.memory_space<hbm>> -> memref<10000x128xf32, #tpu.memory_space<hbm>>
    tpu.wait_indirect_dma semaphore(%arg11 : memref<!tpu.dma_semaphore, #tpu.memory_space<semaphore_mem>>) src(%dma_wait3A_26 : memref<10000x128xf32, #tpu.memory_space<hbm>>) dst(%arg8 : memref<80x128xf32, #tpu.memory_space<vmem>>)
    %dma_start3A_27 = arith.constant 0 : i32
    %dma_start3A_28 = arith.constant 0 : i32
    %dma_start3A_29 = tpu.memref_slice %arg7[%dma_start3A_27, %dma_start3A_28] : memref<64x80xi32, #tpu.memory_space<vmem>> -> memref<1x80xi32, #tpu.memory_space<vmem>>
    %dma_start3A_30 = tpu.memref_squeeze %dma_start3A_29 : memref<1x80xi32, #tpu.memory_space<vmem>> -> memref<80xi32, #tpu.memory_space<vmem>>
    %dma_start3A_31 = arith.constant 0 : i32
    %dma_start3A_32 = arith.constant 0 : i32
    %dma_start3A_33 = tpu.memref_slice %arg10[%dma_start3A_31, %dma_start3A_32] : memref<10000x128xf32, #tpu.memory_space<vmem_shared>> -> memref<10000x128xf32, #tpu.memory_space<vmem_shared>>
    tpu.enqueue_indirect_dma source(%arg8 : memref<80x128xf32, #tpu.memory_space<vmem>>) target(%dma_start3A_33 : memref<10000x128xf32, #tpu.memory_space<vmem_shared>>) offsets(%dma_start3A_30 : memref<80xi32, #tpu.memory_space<vmem>>) semaphore(%arg13 : memref<!tpu.dma_semaphore, #tpu.memory_space<semaphore_mem>>) {add = true}
    %scan3A = arith.constant 0 : i32
    %scan3A_34 = arith.constant 1 : i32
    %scan3A_35 = arith.constant 62 : i32
    %scan3A_36 = arith.addi %scan3A_34, %scan3A_35 : i32
    %scan3A_37 = arith.constant 1 : i32
    scf.for %scan3A_142 = %scan3A_34 to %scan3A_36 step %scan3A_37  : i32 {
      %jit3A = arith.constant 2 : i32
      %eq3A_143 = arith.constant 0 : i32
      %eq3A_144 = arith.cmpi eq, %jit3A, %eq3A_143 : i32
      %jit3A_145 = arith.constant 1 : i32
      %select_n3A = arith.select %eq3A_144, %jit3A_145, %jit3A : i32
      %rem3A = arith.remsi %scan3A_142, %select_n3A : i32
      %ne3A = arith.constant 0 : i32
      %ne3A_146 = arith.cmpi ne, %rem3A, %ne3A : i32
      %lt3A_147 = arith.constant 0 : i32
      %lt3A_148 = arith.cmpi slt, %rem3A, %lt3A_147 : i32
      %lt3A_149 = arith.constant 0 : i32
      %lt3A_150 = arith.cmpi slt, %select_n3A, %lt3A_149 : i32
      %ne3A_151 = arith.xori %lt3A_148, %lt3A_150 : i1
      %and3A = arith.andi %ne3A_151, %ne3A_146 : i1
      %add3A_152 = arith.addi %rem3A, %select_n3A : i32
      %select_n3A_153 = arith.select %and3A, %add3A_152, %rem3A : i32
      %eq3A_154 = arith.constant 0 : i32
      %eq3A_155 = arith.cmpi eq, %select_n3A_153, %eq3A_154 : i32
      %convert_element_type3A_156 = arith.extui %eq3A_155 : i1 to i32
      %cond3A_157 = arith.constant 0 : i32
      %cond3A_158 = arith.cmpi ne, %convert_element_type3A_156, %cond3A_157 : i32
      scf.if %cond3A_158 {
        %dma_wait3A_163 = arith.constant 0 : i32
        %dma_wait3A_164 = arith.constant 0 : i32
        %dma_wait3A_165 = tpu.memref_slice %arg7[%dma_wait3A_163, %dma_wait3A_164] : memref<64x80xi32, #tpu.memory_space<vmem>> -> memref<1x80xi32, #tpu.memory_space<vmem>>
        %dma_wait3A_166 = tpu.memref_squeeze %dma_wait3A_165 : memref<1x80xi32, #tpu.memory_space<vmem>> -> memref<80xi32, #tpu.memory_space<vmem>>
        %dma_wait3A_167 = arith.constant 0 : i32
        %dma_wait3A_168 = arith.constant 0 : i32
        %dma_wait3A_169 = tpu.memref_slice %arg10[%dma_wait3A_167, %dma_wait3A_168] : memref<10000x128xf32, #tpu.memory_space<vmem_shared>> -> memref<10000x128xf32, #tpu.memory_space<vmem_shared>>
        tpu.wait_indirect_dma semaphore(%arg14 : memref<!tpu.dma_semaphore, #tpu.memory_space<semaphore_mem>>) src(%arg9 : memref<80x128xf32, #tpu.memory_space<vmem>>) dst(%dma_wait3A_169 : memref<10000x128xf32, #tpu.memory_space<vmem_shared>>)
        %add3A_170 = arith.constant 1 : i32
        %add3A_171 = arith.addi %scan3A_142, %add3A_170 : i32
        %dma_start3A_172 = arith.constant 0 : i32
        %dma_start3A_173 = tpu.memref_slice %arg6[%add3A_171, %dma_start3A_172] : memref<64x80xi32, #tpu.memory_space<vmem>> -> memref<1x80xi32, #tpu.memory_space<vmem>>
        %dma_start3A_174 = tpu.memref_squeeze %dma_start3A_173 : memref<1x80xi32, #tpu.memory_space<vmem>> -> memref<80xi32, #tpu.memory_space<vmem>>
        %dma_start3A_175 = arith.constant 0 : i32
        %dma_start3A_176 = arith.constant 0 : i32
        %dma_start3A_177 = tpu.memref_slice %arg2[%dma_start3A_175, %dma_start3A_176] : memref<10000x128xf32, #tpu.memory_space<hbm>> -> memref<10000x128xf32, #tpu.memory_space<hbm>>
        tpu.enqueue_indirect_dma source(%dma_start3A_177 : memref<10000x128xf32, #tpu.memory_space<hbm>>) target(%arg9 : memref<80x128xf32, #tpu.memory_space<vmem>>) offsets(%dma_start3A_174 : memref<80xi32, #tpu.memory_space<vmem>>) semaphore(%arg12 : memref<!tpu.dma_semaphore, #tpu.memory_space<semaphore_mem>>)
        %dma_wait3A_178 = arith.constant 0 : i32
        %dma_wait3A_179 = arith.constant 0 : i32
        %dma_wait3A_180 = tpu.memref_slice %arg6[%dma_wait3A_178, %dma_wait3A_179] : memref<64x80xi32, #tpu.memory_space<vmem>> -> memref<1x80xi32, #tpu.memory_space<vmem>>
        %dma_wait3A_181 = tpu.memref_squeeze %dma_wait3A_180 : memref<1x80xi32, #tpu.memory_space<vmem>> -> memref<80xi32, #tpu.memory_space<vmem>>
        %dma_wait3A_182 = arith.constant 0 : i32
        %dma_wait3A_183 = arith.constant 0 : i32
        %dma_wait3A_184 = tpu.memref_slice %arg2[%dma_wait3A_182, %dma_wait3A_183] : memref<10000x128xf32, #tpu.memory_space<hbm>> -> memref<10000x128xf32, #tpu.memory_space<hbm>>
        tpu.wait_indirect_dma semaphore(%arg11 : memref<!tpu.dma_semaphore, #tpu.memory_space<semaphore_mem>>) src(%dma_wait3A_184 : memref<10000x128xf32, #tpu.memory_space<hbm>>) dst(%arg8 : memref<80x128xf32, #tpu.memory_space<vmem>>)
        %dma_start3A_185 = arith.constant 0 : i32
        %dma_start3A_186 = tpu.memref_slice %arg7[%scan3A_142, %dma_start3A_185] : memref<64x80xi32, #tpu.memory_space<vmem>> -> memref<1x80xi32, #tpu.memory_space<vmem>>
        %dma_start3A_187 = tpu.memref_squeeze %dma_start3A_186 : memref<1x80xi32, #tpu.memory_space<vmem>> -> memref<80xi32, #tpu.memory_space<vmem>>
        %dma_start3A_188 = arith.constant 0 : i32
        %dma_start3A_189 = arith.constant 0 : i32
        %dma_start3A_190 = tpu.memref_slice %arg10[%dma_start3A_188, %dma_start3A_189] : memref<10000x128xf32, #tpu.memory_space<vmem_shared>> -> memref<10000x128xf32, #tpu.memory_space<vmem_shared>>
        tpu.enqueue_indirect_dma source(%arg8 : memref<80x128xf32, #tpu.memory_space<vmem>>) target(%dma_start3A_190 : memref<10000x128xf32, #tpu.memory_space<vmem_shared>>) offsets(%dma_start3A_187 : memref<80xi32, #tpu.memory_space<vmem>>) semaphore(%arg13 : memref<!tpu.dma_semaphore, #tpu.memory_space<semaphore_mem>>) {add = true}
      } else {
      }
      %not3A = arith.constant true
      %not3A_159 = arith.xori %eq3A_155, %not3A : i1
      %convert_element_type3A_160 = arith.extui %not3A_159 : i1 to i32
      %cond3A_161 = arith.constant 0 : i32
      %cond3A_162 = arith.cmpi ne, %convert_element_type3A_160, %cond3A_161 : i32
      scf.if %cond3A_162 {
        %dma_wait3A_163 = arith.constant 0 : i32
        %dma_wait3A_164 = arith.constant 0 : i32
        %dma_wait3A_165 = tpu.memref_slice %arg7[%dma_wait3A_163, %dma_wait3A_164] : memref<64x80xi32, #tpu.memory_space<vmem>> -> memref<1x80xi32, #tpu.memory_space<vmem>>
        %dma_wait3A_166 = tpu.memref_squeeze %dma_wait3A_165 : memref<1x80xi32, #tpu.memory_space<vmem>> -> memref<80xi32, #tpu.memory_space<vmem>>
        %dma_wait3A_167 = arith.constant 0 : i32
        %dma_wait3A_168 = arith.constant 0 : i32
        %dma_wait3A_169 = tpu.memref_slice %arg10[%dma_wait3A_167, %dma_wait3A_168] : memref<10000x128xf32, #tpu.memory_space<vmem_shared>> -> memref<10000x128xf32, #tpu.memory_space<vmem_shared>>
        tpu.wait_indirect_dma semaphore(%arg13 : memref<!tpu.dma_semaphore, #tpu.memory_space<semaphore_mem>>) src(%arg8 : memref<80x128xf32, #tpu.memory_space<vmem>>) dst(%dma_wait3A_169 : memref<10000x128xf32, #tpu.memory_space<vmem_shared>>)
        %add3A_170 = arith.constant 1 : i32
        %add3A_171 = arith.addi %scan3A_142, %add3A_170 : i32
        %dma_start3A_172 = arith.constant 0 : i32
        %dma_start3A_173 = tpu.memref_slice %arg6[%add3A_171, %dma_start3A_172] : memref<64x80xi32, #tpu.memory_space<vmem>> -> memref<1x80xi32, #tpu.memory_space<vmem>>
        %dma_start3A_174 = tpu.memref_squeeze %dma_start3A_173 : memref<1x80xi32, #tpu.memory_space<vmem>> -> memref<80xi32, #tpu.memory_space<vmem>>
        %dma_start3A_175 = arith.constant 0 : i32
        %dma_start3A_176 = arith.constant 0 : i32
        %dma_start3A_177 = tpu.memref_slice %arg2[%dma_start3A_175, %dma_start3A_176] : memref<10000x128xf32, #tpu.memory_space<hbm>> -> memref<10000x128xf32, #tpu.memory_space<hbm>>
        tpu.enqueue_indirect_dma source(%dma_start3A_177 : memref<10000x128xf32, #tpu.memory_space<hbm>>) target(%arg8 : memref<80x128xf32, #tpu.memory_space<vmem>>) offsets(%dma_start3A_174 : memref<80xi32, #tpu.memory_space<vmem>>) semaphore(%arg11 : memref<!tpu.dma_semaphore, #tpu.memory_space<semaphore_mem>>)
        %dma_wait3A_178 = arith.constant 0 : i32
        %dma_wait3A_179 = arith.constant 0 : i32
        %dma_wait3A_180 = tpu.memref_slice %arg6[%dma_wait3A_178, %dma_wait3A_179] : memref<64x80xi32, #tpu.memory_space<vmem>> -> memref<1x80xi32, #tpu.memory_space<vmem>>
        %dma_wait3A_181 = tpu.memref_squeeze %dma_wait3A_180 : memref<1x80xi32, #tpu.memory_space<vmem>> -> memref<80xi32, #tpu.memory_space<vmem>>
        %dma_wait3A_182 = arith.constant 0 : i32
        %dma_wait3A_183 = arith.constant 0 : i32
        %dma_wait3A_184 = tpu.memref_slice %arg2[%dma_wait3A_182, %dma_wait3A_183] : memref<10000x128xf32, #tpu.memory_space<hbm>> -> memref<10000x128xf32, #tpu.memory_space<hbm>>
        tpu.wait_indirect_dma semaphore(%arg12 : memref<!tpu.dma_semaphore, #tpu.memory_space<semaphore_mem>>) src(%dma_wait3A_184 : memref<10000x128xf32, #tpu.memory_space<hbm>>) dst(%arg9 : memref<80x128xf32, #tpu.memory_space<vmem>>)
        %dma_start3A_185 = arith.constant 0 : i32
        %dma_start3A_186 = tpu.memref_slice %arg7[%scan3A_142, %dma_start3A_185] : memref<64x80xi32, #tpu.memory_space<vmem>> -> memref<1x80xi32, #tpu.memory_space<vmem>>
        %dma_start3A_187 = tpu.memref_squeeze %dma_start3A_186 : memref<1x80xi32, #tpu.memory_space<vmem>> -> memref<80xi32, #tpu.memory_space<vmem>>
        %dma_start3A_188 = arith.constant 0 : i32
        %dma_start3A_189 = arith.constant 0 : i32
        %dma_start3A_190 = tpu.memref_slice %arg10[%dma_start3A_188, %dma_start3A_189] : memref<10000x128xf32, #tpu.memory_space<vmem_shared>> -> memref<10000x128xf32, #tpu.memory_space<vmem_shared>>
        tpu.enqueue_indirect_dma source(%arg9 : memref<80x128xf32, #tpu.memory_space<vmem>>) target(%dma_start3A_190 : memref<10000x128xf32, #tpu.memory_space<vmem_shared>>) offsets(%dma_start3A_187 : memref<80xi32, #tpu.memory_space<vmem>>) semaphore(%arg14 : memref<!tpu.dma_semaphore, #tpu.memory_space<semaphore_mem>>) {add = true}
      } else {
      }
    }
    %scan3A_38 = arith.constant 62 : i32
    %dma_wait3A_39 = arith.constant 0 : i32
    %dma_wait3A_40 = arith.constant 0 : i32
    %dma_wait3A_41 = tpu.memref_slice %arg6[%dma_wait3A_39, %dma_wait3A_40] : memref<64x80xi32, #tpu.memory_space<vmem>> -> memref<1x80xi32, #tpu.memory_space<vmem>>
    %dma_wait3A_42 = tpu.memref_squeeze %dma_wait3A_41 : memref<1x80xi32, #tpu.memory_space<vmem>> -> memref<80xi32, #tpu.memory_space<vmem>>
    %dma_wait3A_43 = arith.constant 0 : i32
    %dma_wait3A_44 = arith.constant 0 : i32
    %dma_wait3A_45 = tpu.memref_slice %arg2[%dma_wait3A_43, %dma_wait3A_44] : memref<10000x128xf32, #tpu.memory_space<hbm>> -> memref<10000x128xf32, #tpu.memory_space<hbm>>
    tpu.wait_indirect_dma semaphore(%arg12 : memref<!tpu.dma_semaphore, #tpu.memory_space<semaphore_mem>>) src(%dma_wait3A_45 : memref<10000x128xf32, #tpu.memory_space<hbm>>) dst(%arg9 : memref<80x128xf32, #tpu.memory_space<vmem>>)
    %dma_start3A_46 = arith.constant 63 : i32
    %dma_start3A_47 = arith.constant 0 : i32
    %dma_start3A_48 = tpu.memref_slice %arg7[%dma_start3A_46, %dma_start3A_47] : memref<64x80xi32, #tpu.memory_space<vmem>> -> memref<1x80xi32, #tpu.memory_space<vmem>>
    %dma_start3A_49 = tpu.memref_squeeze %dma_start3A_48 : memref<1x80xi32, #tpu.memory_space<vmem>> -> memref<80xi32, #tpu.memory_space<vmem>>
    %dma_start3A_50 = arith.constant 0 : i32
    %dma_start3A_51 = arith.constant 0 : i32
    %dma_start3A_52 = tpu.memref_slice %arg10[%dma_start3A_50, %dma_start3A_51] : memref<10000x128xf32, #tpu.memory_space<vmem_shared>> -> memref<10000x128xf32, #tpu.memory_space<vmem_shared>>
    tpu.enqueue_indirect_dma source(%arg9 : memref<80x128xf32, #tpu.memory_space<vmem>>) target(%dma_start3A_52 : memref<10000x128xf32, #tpu.memory_space<vmem_shared>>) offsets(%dma_start3A_49 : memref<80xi32, #tpu.memory_space<vmem>>) semaphore(%arg14 : memref<!tpu.dma_semaphore, #tpu.memory_space<semaphore_mem>>) {add = true}
    %dma_wait3A_53 = arith.constant 0 : i32
    %dma_wait3A_54 = arith.constant 0 : i32
    %dma_wait3A_55 = tpu.memref_slice %arg7[%dma_wait3A_53, %dma_wait3A_54] : memref<64x80xi32, #tpu.memory_space<vmem>> -> memref<1x80xi32, #tpu.memory_space<vmem>>
    %dma_wait3A_56 = tpu.memref_squeeze %dma_wait3A_55 : memref<1x80xi32, #tpu.memory_space<vmem>> -> memref<80xi32, #tpu.memory_space<vmem>>
    %dma_wait3A_57 = arith.constant 0 : i32
    %dma_wait3A_58 = arith.constant 0 : i32
    %dma_wait3A_59 = tpu.memref_slice %arg10[%dma_wait3A_57, %dma_wait3A_58] : memref<10000x128xf32, #tpu.memory_space<vmem_shared>> -> memref<10000x128xf32, #tpu.memory_space<vmem_shared>>
    tpu.wait_indirect_dma semaphore(%arg13 : memref<!tpu.dma_semaphore, #tpu.memory_space<semaphore_mem>>) src(%arg8 : memref<80x128xf32, #tpu.memory_space<vmem>>) dst(%dma_wait3A_59 : memref<10000x128xf32, #tpu.memory_space<vmem_shared>>)
    %dma_wait3A_60 = arith.constant 0 : i32
    %dma_wait3A_61 = arith.constant 0 : i32
    %dma_wait3A_62 = tpu.memref_slice %arg7[%dma_wait3A_60, %dma_wait3A_61] : memref<64x80xi32, #tpu.memory_space<vmem>> -> memref<1x80xi32, #tpu.memory_space<vmem>>
    %dma_wait3A_63 = tpu.memref_squeeze %dma_wait3A_62 : memref<1x80xi32, #tpu.memory_space<vmem>> -> memref<80xi32, #tpu.memory_space<vmem>>
    %dma_wait3A_64 = arith.constant 0 : i32
    %dma_wait3A_65 = arith.constant 0 : i32
    %dma_wait3A_66 = tpu.memref_slice %arg10[%dma_wait3A_64, %dma_wait3A_65] : memref<10000x128xf32, #tpu.memory_space<vmem_shared>> -> memref<10000x128xf32, #tpu.memory_space<vmem_shared>>
    tpu.wait_indirect_dma semaphore(%arg14 : memref<!tpu.dma_semaphore, #tpu.memory_space<semaphore_mem>>) src(%arg9 : memref<80x128xf32, #tpu.memory_space<vmem>>) dst(%dma_wait3A_66 : memref<10000x128xf32, #tpu.memory_space<vmem_shared>>)
    %run_scoped3A_67 = arith.constant 0 : i32
    "tpu.region"() ({
      %run_scoped3A_142 = tpu.sem_alloc : memref<!tpu.dma_semaphore, #tpu.memory_space<semaphore_mem>>
      %dma_start3A_143 = arith.constant 0 : i32
      %dma_start3A_144 = arith.constant 0 : i32
      %dma_start3A_145 = tpu.memref_slice %arg6[%dma_start3A_143, %dma_start3A_144] : memref<64x80xi32, #tpu.memory_space<vmem>> -> memref<61x80xi32, #tpu.memory_space<vmem>>
      %dma_start3A_146 = arith.constant 64 : i32
      %dma_start3A_147 = arith.constant 0 : i32
      %dma_start3A_148 = tpu.memref_slice %arg3[%run_scoped3A_67, %add3A, %dma_start3A_146, %dma_start3A_147] : memref<2x32x125x80xi32, #tpu.memory_space<hbm>> -> memref<1x1x61x80xi32, #tpu.memory_space<hbm>>
      %dma_start3A_149 = tpu.memref_squeeze %dma_start3A_148 : memref<1x1x61x80xi32, #tpu.memory_space<hbm>> -> memref<61x80xi32, #tpu.memory_space<hbm>>
      %dma_start3A_150 = arith.constant 0 : i32
      %dma_start3A_151 = arith.constant 0 : i32
      %dma_start3A_152 = tpu.memref_slice %arg6[%dma_start3A_150, %dma_start3A_151] : memref<64x80xi32, #tpu.memory_space<vmem>> -> memref<61x80xi32, #tpu.memory_space<vmem>>
      %dma_start3A_153 = arith.constant 64 : i32
      %dma_start3A_154 = arith.constant 0 : i32
      %dma_start3A_155 = tpu.memref_slice %arg3[%run_scoped3A_67, %add3A, %dma_start3A_153, %dma_start3A_154] : memref<2x32x125x80xi32, #tpu.memory_space<hbm>> -> memref<1x1x61x80xi32, #tpu.memory_space<hbm>>
      %dma_start3A_156 = tpu.memref_squeeze %dma_start3A_155 : memref<1x1x61x80xi32, #tpu.memory_space<hbm>> -> memref<61x80xi32, #tpu.memory_space<hbm>>
      tpu.enqueue_dma source(%dma_start3A_156 : memref<61x80xi32, #tpu.memory_space<hbm>>) target(%dma_start3A_152 : memref<61x80xi32, #tpu.memory_space<vmem>>) target_semaphore(%run_scoped3A_142 : memref<!tpu.dma_semaphore, #tpu.memory_space<semaphore_mem>>)
      %dma_wait3A_157 = arith.constant 0 : i32
      %dma_wait3A_158 = arith.constant 0 : i32
      %dma_wait3A_159 = tpu.memref_slice %arg6[%dma_wait3A_157, %dma_wait3A_158] : memref<64x80xi32, #tpu.memory_space<vmem>> -> memref<61x80xi32, #tpu.memory_space<vmem>>
      %dma_wait3A_160 = arith.constant 64 : i32
      %dma_wait3A_161 = arith.constant 0 : i32
      %dma_wait3A_162 = tpu.memref_slice %arg3[%run_scoped3A_67, %add3A, %dma_wait3A_160, %dma_wait3A_161] : memref<2x32x125x80xi32, #tpu.memory_space<hbm>> -> memref<1x1x61x80xi32, #tpu.memory_space<hbm>>
      %dma_wait3A_163 = tpu.memref_squeeze %dma_wait3A_162 : memref<1x1x61x80xi32, #tpu.memory_space<hbm>> -> memref<61x80xi32, #tpu.memory_space<hbm>>
      %dma_wait3A_164 = arith.constant 0 : i32
      %dma_wait3A_165 = arith.constant 0 : i32
      %dma_wait3A_166 = tpu.memref_slice %arg6[%dma_wait3A_164, %dma_wait3A_165] : memref<64x80xi32, #tpu.memory_space<vmem>> -> memref<61x80xi32, #tpu.memory_space<vmem>>
      %dma_wait3A_167 = arith.constant 64 : i32
      %dma_wait3A_168 = arith.constant 0 : i32
      %dma_wait3A_169 = tpu.memref_slice %arg3[%run_scoped3A_67, %add3A, %dma_wait3A_167, %dma_wait3A_168] : memref<2x32x125x80xi32, #tpu.memory_space<hbm>> -> memref<1x1x61x80xi32, #tpu.memory_space<hbm>>
      %dma_wait3A_170 = tpu.memref_squeeze %dma_wait3A_169 : memref<1x1x61x80xi32, #tpu.memory_space<hbm>> -> memref<61x80xi32, #tpu.memory_space<hbm>>
      tpu.wait_dma2 semaphore(%run_scoped3A_142 : memref<!tpu.dma_semaphore, #tpu.memory_space<semaphore_mem>>) src(%dma_wait3A_170 : memref<61x80xi32, #tpu.memory_space<hbm>>) dst(%dma_wait3A_166 : memref<61x80xi32, #tpu.memory_space<vmem>>)
      tpu.yield
    }) : () -> ()
    %run_scoped3A_68 = arith.constant 1 : i32
    "tpu.region"() ({
      %run_scoped3A_142 = tpu.sem_alloc : memref<!tpu.dma_semaphore, #tpu.memory_space<semaphore_mem>>
      %dma_start3A_143 = arith.constant 0 : i32
      %dma_start3A_144 = arith.constant 0 : i32
      %dma_start3A_145 = tpu.memref_slice %arg7[%dma_start3A_143, %dma_start3A_144] : memref<64x80xi32, #tpu.memory_space<vmem>> -> memref<61x80xi32, #tpu.memory_space<vmem>>
      %dma_start3A_146 = arith.constant 64 : i32
      %dma_start3A_147 = arith.constant 0 : i32
      %dma_start3A_148 = tpu.memref_slice %arg3[%run_scoped3A_68, %add3A, %dma_start3A_146, %dma_start3A_147] : memref<2x32x125x80xi32, #tpu.memory_space<hbm>> -> memref<1x1x61x80xi32, #tpu.memory_space<hbm>>
      %dma_start3A_149 = tpu.memref_squeeze %dma_start3A_148 : memref<1x1x61x80xi32, #tpu.memory_space<hbm>> -> memref<61x80xi32, #tpu.memory_space<hbm>>
      %dma_start3A_150 = arith.constant 0 : i32
      %dma_start3A_151 = arith.constant 0 : i32
      %dma_start3A_152 = tpu.memref_slice %arg7[%dma_start3A_150, %dma_start3A_151] : memref<64x80xi32, #tpu.memory_space<vmem>> -> memref<61x80xi32, #tpu.memory_space<vmem>>
      %dma_start3A_153 = arith.constant 64 : i32
      %dma_start3A_154 = arith.constant 0 : i32
      %dma_start3A_155 = tpu.memref_slice %arg3[%run_scoped3A_68, %add3A, %dma_start3A_153, %dma_start3A_154] : memref<2x32x125x80xi32, #tpu.memory_space<hbm>> -> memref<1x1x61x80xi32, #tpu.memory_space<hbm>>
      %dma_start3A_156 = tpu.memref_squeeze %dma_start3A_155 : memref<1x1x61x80xi32, #tpu.memory_space<hbm>> -> memref<61x80xi32, #tpu.memory_space<hbm>>
      tpu.enqueue_dma source(%dma_start3A_156 : memref<61x80xi32, #tpu.memory_space<hbm>>) target(%dma_start3A_152 : memref<61x80xi32, #tpu.memory_space<vmem>>) target_semaphore(%run_scoped3A_142 : memref<!tpu.dma_semaphore, #tpu.memory_space<semaphore_mem>>)
      %dma_wait3A_157 = arith.constant 0 : i32
      %dma_wait3A_158 = arith.constant 0 : i32
      %dma_wait3A_159 = tpu.memref_slice %arg7[%dma_wait3A_157, %dma_wait3A_158] : memref<64x80xi32, #tpu.memory_space<vmem>> -> memref<61x80xi32, #tpu.memory_space<vmem>>
      %dma_wait3A_160 = arith.constant 64 : i32
      %dma_wait3A_161 = arith.constant 0 : i32
      %dma_wait3A_162 = tpu.memref_slice %arg3[%run_scoped3A_68, %add3A, %dma_wait3A_160, %dma_wait3A_161] : memref<2x32x125x80xi32, #tpu.memory_space<hbm>> -> memref<1x1x61x80xi32, #tpu.memory_space<hbm>>
      %dma_wait3A_163 = tpu.memref_squeeze %dma_wait3A_162 : memref<1x1x61x80xi32, #tpu.memory_space<hbm>> -> memref<61x80xi32, #tpu.memory_space<hbm>>
      %dma_wait3A_164 = arith.constant 0 : i32
      %dma_wait3A_165 = arith.constant 0 : i32
      %dma_wait3A_166 = tpu.memref_slice %arg7[%dma_wait3A_164, %dma_wait3A_165] : memref<64x80xi32, #tpu.memory_space<vmem>> -> memref<61x80xi32, #tpu.memory_space<vmem>>
      %dma_wait3A_167 = arith.constant 64 : i32
      %dma_wait3A_168 = arith.constant 0 : i32
      %dma_wait3A_169 = tpu.memref_slice %arg3[%run_scoped3A_68, %add3A, %dma_wait3A_167, %dma_wait3A_168] : memref<2x32x125x80xi32, #tpu.memory_space<hbm>> -> memref<1x1x61x80xi32, #tpu.memory_space<hbm>>
      %dma_wait3A_170 = tpu.memref_squeeze %dma_wait3A_169 : memref<1x1x61x80xi32, #tpu.memory_space<hbm>> -> memref<61x80xi32, #tpu.memory_space<hbm>>
      tpu.wait_dma2 semaphore(%run_scoped3A_142 : memref<!tpu.dma_semaphore, #tpu.memory_space<semaphore_mem>>) src(%dma_wait3A_170 : memref<61x80xi32, #tpu.memory_space<hbm>>) dst(%dma_wait3A_166 : memref<61x80xi32, #tpu.memory_space<vmem>>)
      tpu.yield
    }) : () -> ()
    %dma_start3A_69 = arith.constant 0 : i32
    %dma_start3A_70 = arith.constant 0 : i32
    %dma_start3A_71 = tpu.memref_slice %arg6[%dma_start3A_69, %dma_start3A_70] : memref<64x80xi32, #tpu.memory_space<vmem>> -> memref<1x80xi32, #tpu.memory_space<vmem>>
    %dma_start3A_72 = tpu.memref_squeeze %dma_start3A_71 : memref<1x80xi32, #tpu.memory_space<vmem>> -> memref<80xi32, #tpu.memory_space<vmem>>
    %dma_start3A_73 = arith.constant 0 : i32
    %dma_start3A_74 = arith.constant 0 : i32
    %dma_start3A_75 = tpu.memref_slice %arg2[%dma_start3A_73, %dma_start3A_74] : memref<10000x128xf32, #tpu.memory_space<hbm>> -> memref<10000x128xf32, #tpu.memory_space<hbm>>
    tpu.enqueue_indirect_dma source(%dma_start3A_75 : memref<10000x128xf32, #tpu.memory_space<hbm>>) target(%arg8 : memref<80x128xf32, #tpu.memory_space<vmem>>) offsets(%dma_start3A_72 : memref<80xi32, #tpu.memory_space<vmem>>) semaphore(%arg11 : memref<!tpu.dma_semaphore, #tpu.memory_space<semaphore_mem>>)
    %dma_start3A_76 = arith.constant 1 : i32
    %dma_start3A_77 = arith.constant 0 : i32
    %dma_start3A_78 = tpu.memref_slice %arg6[%dma_start3A_76, %dma_start3A_77] : memref<64x80xi32, #tpu.memory_space<vmem>> -> memref<1x80xi32, #tpu.memory_space<vmem>>
    %dma_start3A_79 = tpu.memref_squeeze %dma_start3A_78 : memref<1x80xi32, #tpu.memory_space<vmem>> -> memref<80xi32, #tpu.memory_space<vmem>>
    %dma_start3A_80 = arith.constant 0 : i32
    %dma_start3A_81 = arith.constant 0 : i32
    %dma_start3A_82 = tpu.memref_slice %arg2[%dma_start3A_80, %dma_start3A_81] : memref<10000x128xf32, #tpu.memory_space<hbm>> -> memref<10000x128xf32, #tpu.memory_space<hbm>>
    tpu.enqueue_indirect_dma source(%dma_start3A_82 : memref<10000x128xf32, #tpu.memory_space<hbm>>) target(%arg9 : memref<80x128xf32, #tpu.memory_space<vmem>>) offsets(%dma_start3A_79 : memref<80xi32, #tpu.memory_space<vmem>>) semaphore(%arg12 : memref<!tpu.dma_semaphore, #tpu.memory_space<semaphore_mem>>)
    %dma_wait3A_83 = arith.constant 0 : i32
    %dma_wait3A_84 = arith.constant 0 : i32
    %dma_wait3A_85 = tpu.memref_slice %arg6[%dma_wait3A_83, %dma_wait3A_84] : memref<64x80xi32, #tpu.memory_space<vmem>> -> memref<1x80xi32, #tpu.memory_space<vmem>>
    %dma_wait3A_86 = tpu.memref_squeeze %dma_wait3A_85 : memref<1x80xi32, #tpu.memory_space<vmem>> -> memref<80xi32, #tpu.memory_space<vmem>>
    %dma_wait3A_87 = arith.constant 0 : i32
    %dma_wait3A_88 = arith.constant 0 : i32
    %dma_wait3A_89 = tpu.memref_slice %arg2[%dma_wait3A_87, %dma_wait3A_88] : memref<10000x128xf32, #tpu.memory_space<hbm>> -> memref<10000x128xf32, #tpu.memory_space<hbm>>
    tpu.wait_indirect_dma semaphore(%arg11 : memref<!tpu.dma_semaphore, #tpu.memory_space<semaphore_mem>>) src(%dma_wait3A_89 : memref<10000x128xf32, #tpu.memory_space<hbm>>) dst(%arg8 : memref<80x128xf32, #tpu.memory_space<vmem>>)
    %dma_start3A_90 = arith.constant 0 : i32
    %dma_start3A_91 = arith.constant 0 : i32
    %dma_start3A_92 = tpu.memref_slice %arg7[%dma_start3A_90, %dma_start3A_91] : memref<64x80xi32, #tpu.memory_space<vmem>> -> memref<1x80xi32, #tpu.memory_space<vmem>>
    %dma_start3A_93 = tpu.memref_squeeze %dma_start3A_92 : memref<1x80xi32, #tpu.memory_space<vmem>> -> memref<80xi32, #tpu.memory_space<vmem>>
    %dma_start3A_94 = arith.constant 0 : i32
    %dma_start3A_95 = arith.constant 0 : i32
    %dma_start3A_96 = tpu.memref_slice %arg10[%dma_start3A_94, %dma_start3A_95] : memref<10000x128xf32, #tpu.memory_space<vmem_shared>> -> memref<10000x128xf32, #tpu.memory_space<vmem_shared>>
    tpu.enqueue_indirect_dma source(%arg8 : memref<80x128xf32, #tpu.memory_space<vmem>>) target(%dma_start3A_96 : memref<10000x128xf32, #tpu.memory_space<vmem_shared>>) offsets(%dma_start3A_93 : memref<80xi32, #tpu.memory_space<vmem>>) semaphore(%arg13 : memref<!tpu.dma_semaphore, #tpu.memory_space<semaphore_mem>>) {add = true}
    %scan3A_97 = arith.constant 0 : i32
    %scan3A_98 = arith.constant 1 : i32
    %scan3A_99 = arith.constant 59 : i32
    %scan3A_100 = arith.addi %scan3A_98, %scan3A_99 : i32
    %scan3A_101 = arith.constant 1 : i32
    scf.for %scan3A_142 = %scan3A_98 to %scan3A_100 step %scan3A_101  : i32 {
      %jit3A = arith.constant 2 : i32
      %eq3A_143 = arith.constant 0 : i32
      %eq3A_144 = arith.cmpi eq, %jit3A, %eq3A_143 : i32
      %jit3A_145 = arith.constant 1 : i32
      %select_n3A = arith.select %eq3A_144, %jit3A_145, %jit3A : i32
      %rem3A = arith.remsi %scan3A_142, %select_n3A : i32
      %ne3A = arith.constant 0 : i32
      %ne3A_146 = arith.cmpi ne, %rem3A, %ne3A : i32
      %lt3A_147 = arith.constant 0 : i32
      %lt3A_148 = arith.cmpi slt, %rem3A, %lt3A_147 : i32
      %lt3A_149 = arith.constant 0 : i32
      %lt3A_150 = arith.cmpi slt, %select_n3A, %lt3A_149 : i32
      %ne3A_151 = arith.xori %lt3A_148, %lt3A_150 : i1
      %and3A = arith.andi %ne3A_151, %ne3A_146 : i1
      %add3A_152 = arith.addi %rem3A, %select_n3A : i32
      %select_n3A_153 = arith.select %and3A, %add3A_152, %rem3A : i32
      %eq3A_154 = arith.constant 0 : i32
      %eq3A_155 = arith.cmpi eq, %select_n3A_153, %eq3A_154 : i32
      %convert_element_type3A_156 = arith.extui %eq3A_155 : i1 to i32
      %cond3A_157 = arith.constant 0 : i32
      %cond3A_158 = arith.cmpi ne, %convert_element_type3A_156, %cond3A_157 : i32
      scf.if %cond3A_158 {
        %dma_wait3A_163 = arith.constant 0 : i32
        %dma_wait3A_164 = arith.constant 0 : i32
        %dma_wait3A_165 = tpu.memref_slice %arg7[%dma_wait3A_163, %dma_wait3A_164] : memref<64x80xi32, #tpu.memory_space<vmem>> -> memref<1x80xi32, #tpu.memory_space<vmem>>
        %dma_wait3A_166 = tpu.memref_squeeze %dma_wait3A_165 : memref<1x80xi32, #tpu.memory_space<vmem>> -> memref<80xi32, #tpu.memory_space<vmem>>
        %dma_wait3A_167 = arith.constant 0 : i32
        %dma_wait3A_168 = arith.constant 0 : i32
        %dma_wait3A_169 = tpu.memref_slice %arg10[%dma_wait3A_167, %dma_wait3A_168] : memref<10000x128xf32, #tpu.memory_space<vmem_shared>> -> memref<10000x128xf32, #tpu.memory_space<vmem_shared>>
        tpu.wait_indirect_dma semaphore(%arg14 : memref<!tpu.dma_semaphore, #tpu.memory_space<semaphore_mem>>) src(%arg9 : memref<80x128xf32, #tpu.memory_space<vmem>>) dst(%dma_wait3A_169 : memref<10000x128xf32, #tpu.memory_space<vmem_shared>>)
        %add3A_170 = arith.constant 1 : i32
        %add3A_171 = arith.addi %scan3A_142, %add3A_170 : i32
        %dma_start3A_172 = arith.constant 0 : i32
        %dma_start3A_173 = tpu.memref_slice %arg6[%add3A_171, %dma_start3A_172] : memref<64x80xi32, #tpu.memory_space<vmem>> -> memref<1x80xi32, #tpu.memory_space<vmem>>
        %dma_start3A_174 = tpu.memref_squeeze %dma_start3A_173 : memref<1x80xi32, #tpu.memory_space<vmem>> -> memref<80xi32, #tpu.memory_space<vmem>>
        %dma_start3A_175 = arith.constant 0 : i32
        %dma_start3A_176 = arith.constant 0 : i32
        %dma_start3A_177 = tpu.memref_slice %arg2[%dma_start3A_175, %dma_start3A_176] : memref<10000x128xf32, #tpu.memory_space<hbm>> -> memref<10000x128xf32, #tpu.memory_space<hbm>>
        tpu.enqueue_indirect_dma source(%dma_start3A_177 : memref<10000x128xf32, #tpu.memory_space<hbm>>) target(%arg9 : memref<80x128xf32, #tpu.memory_space<vmem>>) offsets(%dma_start3A_174 : memref<80xi32, #tpu.memory_space<vmem>>) semaphore(%arg12 : memref<!tpu.dma_semaphore, #tpu.memory_space<semaphore_mem>>)
        %dma_wait3A_178 = arith.constant 0 : i32
        %dma_wait3A_179 = arith.constant 0 : i32
        %dma_wait3A_180 = tpu.memref_slice %arg6[%dma_wait3A_178, %dma_wait3A_179] : memref<64x80xi32, #tpu.memory_space<vmem>> -> memref<1x80xi32, #tpu.memory_space<vmem>>
        %dma_wait3A_181 = tpu.memref_squeeze %dma_wait3A_180 : memref<1x80xi32, #tpu.memory_space<vmem>> -> memref<80xi32, #tpu.memory_space<vmem>>
        %dma_wait3A_182 = arith.constant 0 : i32
        %dma_wait3A_183 = arith.constant 0 : i32
        %dma_wait3A_184 = tpu.memref_slice %arg2[%dma_wait3A_182, %dma_wait3A_183] : memref<10000x128xf32, #tpu.memory_space<hbm>> -> memref<10000x128xf32, #tpu.memory_space<hbm>>
        tpu.wait_indirect_dma semaphore(%arg11 : memref<!tpu.dma_semaphore, #tpu.memory_space<semaphore_mem>>) src(%dma_wait3A_184 : memref<10000x128xf32, #tpu.memory_space<hbm>>) dst(%arg8 : memref<80x128xf32, #tpu.memory_space<vmem>>)
        %dma_start3A_185 = arith.constant 0 : i32
        %dma_start3A_186 = tpu.memref_slice %arg7[%scan3A_142, %dma_start3A_185] : memref<64x80xi32, #tpu.memory_space<vmem>> -> memref<1x80xi32, #tpu.memory_space<vmem>>
        %dma_start3A_187 = tpu.memref_squeeze %dma_start3A_186 : memref<1x80xi32, #tpu.memory_space<vmem>> -> memref<80xi32, #tpu.memory_space<vmem>>
        %dma_start3A_188 = arith.constant 0 : i32
        %dma_start3A_189 = arith.constant 0 : i32
        %dma_start3A_190 = tpu.memref_slice %arg10[%dma_start3A_188, %dma_start3A_189] : memref<10000x128xf32, #tpu.memory_space<vmem_shared>> -> memref<10000x128xf32, #tpu.memory_space<vmem_shared>>
        tpu.enqueue_indirect_dma source(%arg8 : memref<80x128xf32, #tpu.memory_space<vmem>>) target(%dma_start3A_190 : memref<10000x128xf32, #tpu.memory_space<vmem_shared>>) offsets(%dma_start3A_187 : memref<80xi32, #tpu.memory_space<vmem>>) semaphore(%arg13 : memref<!tpu.dma_semaphore, #tpu.memory_space<semaphore_mem>>) {add = true}
      } else {
      }
      %not3A = arith.constant true
      %not3A_159 = arith.xori %eq3A_155, %not3A : i1
      %convert_element_type3A_160 = arith.extui %not3A_159 : i1 to i32
      %cond3A_161 = arith.constant 0 : i32
      %cond3A_162 = arith.cmpi ne, %convert_element_type3A_160, %cond3A_161 : i32
      scf.if %cond3A_162 {
        %dma_wait3A_163 = arith.constant 0 : i32
        %dma_wait3A_164 = arith.constant 0 : i32
        %dma_wait3A_165 = tpu.memref_slice %arg7[%dma_wait3A_163, %dma_wait3A_164] : memref<64x80xi32, #tpu.memory_space<vmem>> -> memref<1x80xi32, #tpu.memory_space<vmem>>
        %dma_wait3A_166 = tpu.memref_squeeze %dma_wait3A_165 : memref<1x80xi32, #tpu.memory_space<vmem>> -> memref<80xi32, #tpu.memory_space<vmem>>
        %dma_wait3A_167 = arith.constant 0 : i32
        %dma_wait3A_168 = arith.constant 0 : i32
        %dma_wait3A_169 = tpu.memref_slice %arg10[%dma_wait3A_167, %dma_wait3A_168] : memref<10000x128xf32, #tpu.memory_space<vmem_shared>> -> memref<10000x128xf32, #tpu.memory_space<vmem_shared>>
        tpu.wait_indirect_dma semaphore(%arg13 : memref<!tpu.dma_semaphore, #tpu.memory_space<semaphore_mem>>) src(%arg8 : memref<80x128xf32, #tpu.memory_space<vmem>>) dst(%dma_wait3A_169 : memref<10000x128xf32, #tpu.memory_space<vmem_shared>>)
        %add3A_170 = arith.constant 1 : i32
        %add3A_171 = arith.addi %scan3A_142, %add3A_170 : i32
        %dma_start3A_172 = arith.constant 0 : i32
        %dma_start3A_173 = tpu.memref_slice %arg6[%add3A_171, %dma_start3A_172] : memref<64x80xi32, #tpu.memory_space<vmem>> -> memref<1x80xi32, #tpu.memory_space<vmem>>
        %dma_start3A_174 = tpu.memref_squeeze %dma_start3A_173 : memref<1x80xi32, #tpu.memory_space<vmem>> -> memref<80xi32, #tpu.memory_space<vmem>>
        %dma_start3A_175 = arith.constant 0 : i32
        %dma_start3A_176 = arith.constant 0 : i32
        %dma_start3A_177 = tpu.memref_slice %arg2[%dma_start3A_175, %dma_start3A_176] : memref<10000x128xf32, #tpu.memory_space<hbm>> -> memref<10000x128xf32, #tpu.memory_space<hbm>>
        tpu.enqueue_indirect_dma source(%dma_start3A_177 : memref<10000x128xf32, #tpu.memory_space<hbm>>) target(%arg8 : memref<80x128xf32, #tpu.memory_space<vmem>>) offsets(%dma_start3A_174 : memref<80xi32, #tpu.memory_space<vmem>>) semaphore(%arg11 : memref<!tpu.dma_semaphore, #tpu.memory_space<semaphore_mem>>)
        %dma_wait3A_178 = arith.constant 0 : i32
        %dma_wait3A_179 = arith.constant 0 : i32
        %dma_wait3A_180 = tpu.memref_slice %arg6[%dma_wait3A_178, %dma_wait3A_179] : memref<64x80xi32, #tpu.memory_space<vmem>> -> memref<1x80xi32, #tpu.memory_space<vmem>>
        %dma_wait3A_181 = tpu.memref_squeeze %dma_wait3A_180 : memref<1x80xi32, #tpu.memory_space<vmem>> -> memref<80xi32, #tpu.memory_space<vmem>>
        %dma_wait3A_182 = arith.constant 0 : i32
        %dma_wait3A_183 = arith.constant 0 : i32
        %dma_wait3A_184 = tpu.memref_slice %arg2[%dma_wait3A_182, %dma_wait3A_183] : memref<10000x128xf32, #tpu.memory_space<hbm>> -> memref<10000x128xf32, #tpu.memory_space<hbm>>
        tpu.wait_indirect_dma semaphore(%arg12 : memref<!tpu.dma_semaphore, #tpu.memory_space<semaphore_mem>>) src(%dma_wait3A_184 : memref<10000x128xf32, #tpu.memory_space<hbm>>) dst(%arg9 : memref<80x128xf32, #tpu.memory_space<vmem>>)
        %dma_start3A_185 = arith.constant 0 : i32
        %dma_start3A_186 = tpu.memref_slice %arg7[%scan3A_142, %dma_start3A_185] : memref<64x80xi32, #tpu.memory_space<vmem>> -> memref<1x80xi32, #tpu.memory_space<vmem>>
        %dma_start3A_187 = tpu.memref_squeeze %dma_start3A_186 : memref<1x80xi32, #tpu.memory_space<vmem>> -> memref<80xi32, #tpu.memory_space<vmem>>
        %dma_start3A_188 = arith.constant 0 : i32
        %dma_start3A_189 = arith.constant 0 : i32
        %dma_start3A_190 = tpu.memref_slice %arg10[%dma_start3A_188, %dma_start3A_189] : memref<10000x128xf32, #tpu.memory_space<vmem_shared>> -> memref<10000x128xf32, #tpu.memory_space<vmem_shared>>
        tpu.enqueue_indirect_dma source(%arg9 : memref<80x128xf32, #tpu.memory_space<vmem>>) target(%dma_start3A_190 : memref<10000x128xf32, #tpu.memory_space<vmem_shared>>) offsets(%dma_start3A_187 : memref<80xi32, #tpu.memory_space<vmem>>) semaphore(%arg14 : memref<!tpu.dma_semaphore, #tpu.memory_space<semaphore_mem>>) {add = true}
      } else {
      }
    }
    %scan3A_102 = arith.constant 59 : i32
    %dma_wait3A_103 = arith.constant 0 : i32
    %dma_wait3A_104 = arith.constant 0 : i32
    %dma_wait3A_105 = tpu.memref_slice %arg6[%dma_wait3A_103, %dma_wait3A_104] : memref<64x80xi32, #tpu.memory_space<vmem>> -> memref<1x80xi32, #tpu.memory_space<vmem>>
    %dma_wait3A_106 = tpu.memref_squeeze %dma_wait3A_105 : memref<1x80xi32, #tpu.memory_space<vmem>> -> memref<80xi32, #tpu.memory_space<vmem>>
    %dma_wait3A_107 = arith.constant 0 : i32
    %dma_wait3A_108 = arith.constant 0 : i32
    %dma_wait3A_109 = tpu.memref_slice %arg2[%dma_wait3A_107, %dma_wait3A_108] : memref<10000x128xf32, #tpu.memory_space<hbm>> -> memref<10000x128xf32, #tpu.memory_space<hbm>>
    tpu.wait_indirect_dma semaphore(%arg11 : memref<!tpu.dma_semaphore, #tpu.memory_space<semaphore_mem>>) src(%dma_wait3A_109 : memref<10000x128xf32, #tpu.memory_space<hbm>>) dst(%arg8 : memref<80x128xf32, #tpu.memory_space<vmem>>)
    %dma_start3A_110 = arith.constant 60 : i32
    %dma_start3A_111 = arith.constant 0 : i32
    %dma_start3A_112 = tpu.memref_slice %arg7[%dma_start3A_110, %dma_start3A_111] : memref<64x80xi32, #tpu.memory_space<vmem>> -> memref<1x80xi32, #tpu.memory_space<vmem>>
    %dma_start3A_113 = tpu.memref_squeeze %dma_start3A_112 : memref<1x80xi32, #tpu.memory_space<vmem>> -> memref<80xi32, #tpu.memory_space<vmem>>
    %dma_start3A_114 = arith.constant 0 : i32
    %dma_start3A_115 = arith.constant 0 : i32
    %dma_start3A_116 = tpu.memref_slice %arg10[%dma_start3A_114, %dma_start3A_115] : memref<10000x128xf32, #tpu.memory_space<vmem_shared>> -> memref<10000x128xf32, #tpu.memory_space<vmem_shared>>
    tpu.enqueue_indirect_dma source(%arg8 : memref<80x128xf32, #tpu.memory_space<vmem>>) target(%dma_start3A_116 : memref<10000x128xf32, #tpu.memory_space<vmem_shared>>) offsets(%dma_start3A_113 : memref<80xi32, #tpu.memory_space<vmem>>) semaphore(%arg13 : memref<!tpu.dma_semaphore, #tpu.memory_space<semaphore_mem>>) {add = true}
    %dma_wait3A_117 = arith.constant 0 : i32
    %dma_wait3A_118 = arith.constant 0 : i32
    %dma_wait3A_119 = tpu.memref_slice %arg7[%dma_wait3A_117, %dma_wait3A_118] : memref<64x80xi32, #tpu.memory_space<vmem>> -> memref<1x80xi32, #tpu.memory_space<vmem>>
    %dma_wait3A_120 = tpu.memref_squeeze %dma_wait3A_119 : memref<1x80xi32, #tpu.memory_space<vmem>> -> memref<80xi32, #tpu.memory_space<vmem>>
    %dma_wait3A_121 = arith.constant 0 : i32
    %dma_wait3A_122 = arith.constant 0 : i32
    %dma_wait3A_123 = tpu.memref_slice %arg10[%dma_wait3A_121, %dma_wait3A_122] : memref<10000x128xf32, #tpu.memory_space<vmem_shared>> -> memref<10000x128xf32, #tpu.memory_space<vmem_shared>>
    tpu.wait_indirect_dma semaphore(%arg14 : memref<!tpu.dma_semaphore, #tpu.memory_space<semaphore_mem>>) src(%arg9 : memref<80x128xf32, #tpu.memory_space<vmem>>) dst(%dma_wait3A_123 : memref<10000x128xf32, #tpu.memory_space<vmem_shared>>)
    %dma_wait3A_124 = arith.constant 0 : i32
    %dma_wait3A_125 = arith.constant 0 : i32
    %dma_wait3A_126 = tpu.memref_slice %arg7[%dma_wait3A_124, %dma_wait3A_125] : memref<64x80xi32, #tpu.memory_space<vmem>> -> memref<1x80xi32, #tpu.memory_space<vmem>>
    %dma_wait3A_127 = tpu.memref_squeeze %dma_wait3A_126 : memref<1x80xi32, #tpu.memory_space<vmem>> -> memref<80xi32, #tpu.memory_space<vmem>>
    %dma_wait3A_128 = arith.constant 0 : i32
    %dma_wait3A_129 = arith.constant 0 : i32
    %dma_wait3A_130 = tpu.memref_slice %arg10[%dma_wait3A_128, %dma_wait3A_129] : memref<10000x128xf32, #tpu.memory_space<vmem_shared>> -> memref<10000x128xf32, #tpu.memory_space<vmem_shared>>
    tpu.wait_indirect_dma semaphore(%arg13 : memref<!tpu.dma_semaphore, #tpu.memory_space<semaphore_mem>>) src(%arg8 : memref<80x128xf32, #tpu.memory_space<vmem>>) dst(%dma_wait3A_130 : memref<10000x128xf32, #tpu.memory_space<vmem_shared>>)
    %barrier3A_131 = arith.constant 0 : index
    tpu.barrier barrier_id(%barrier3A_131)
    %lt3A_132 = arith.constant 15 : i32
    %lt3A_133 = arith.cmpi slt, %arg1, %lt3A_132 : i32
    %convert_element_type3A_134 = arith.extui %lt3A_133 : i1 to i32
    %cond3A_135 = arith.constant 0 : i32
    %cond3A_136 = arith.cmpi ne, %convert_element_type3A_134, %cond3A_135 : i32
    scf.if %cond3A_136 {
      %mul3A_142 = arith.constant 640 : i32
      %mul3A_143 = arith.muli %arg1, %mul3A_142 : i32
      %mul3A_144 = arith.constant 640 : i32
      %mul3A_145 = arith.muli %arg1, %mul3A_144 : i32
      "tpu.region"() ({
        %run_scoped3A_146 = tpu.sem_alloc : memref<!tpu.dma_semaphore, #tpu.memory_space<semaphore_mem>>
        %dma_start3A_147 = arith.constant 0 : i32
        %dma_start3A_148 = tpu.memref_slice %arg5[%arg0, %mul3A_145, %dma_start3A_147] : memref<2x10000x128xf32, #tpu.memory_space<hbm>> -> memref<1x640x128xf32, #tpu.memory_space<hbm>>
        %dma_start3A_149 = tpu.memref_squeeze %dma_start3A_148 : memref<1x640x128xf32, #tpu.memory_space<hbm>> -> memref<640x128xf32, #tpu.memory_space<hbm>>
        %dma_start3A_150 = arith.constant 0 : i32
        %dma_start3A_151 = tpu.memref_slice %arg10[%mul3A_143, %dma_start3A_150] : memref<10000x128xf32, #tpu.memory_space<vmem_shared>> -> memref<640x128xf32, #tpu.memory_space<vmem_shared>>
        tpu.enqueue_dma source(%dma_start3A_151 : memref<640x128xf32, #tpu.memory_space<vmem_shared>>) target(%dma_start3A_149 : memref<640x128xf32, #tpu.memory_space<hbm>>) target_semaphore(%run_scoped3A_146 : memref<!tpu.dma_semaphore, #tpu.memory_space<semaphore_mem>>)
        %dma_wait3A_152 = arith.constant 0 : i32
        %dma_wait3A_153 = tpu.memref_slice %arg5[%arg0, %mul3A_145, %dma_wait3A_152] : memref<2x10000x128xf32, #tpu.memory_space<hbm>> -> memref<1x640x128xf32, #tpu.memory_space<hbm>>
        %dma_wait3A_154 = tpu.memref_squeeze %dma_wait3A_153 : memref<1x640x128xf32, #tpu.memory_space<hbm>> -> memref<640x128xf32, #tpu.memory_space<hbm>>
        %dma_wait3A_155 = arith.constant 0 : i32
        %dma_wait3A_156 = tpu.memref_slice %arg10[%mul3A_143, %dma_wait3A_155] : memref<10000x128xf32, #tpu.memory_space<vmem_shared>> -> memref<640x128xf32, #tpu.memory_space<vmem_shared>>
        tpu.wait_dma2 semaphore(%run_scoped3A_146 : memref<!tpu.dma_semaphore, #tpu.memory_space<semaphore_mem>>) src(%dma_wait3A_156 : memref<640x128xf32, #tpu.memory_space<vmem_shared>>) dst(%dma_wait3A_154 : memref<640x128xf32, #tpu.memory_space<hbm>>)
        tpu.yield
      }) : () -> ()
    } else {
    }
    %eq3A_137 = arith.constant 15 : i32
    %eq3A_138 = arith.cmpi eq, %arg1, %eq3A_137 : i32
    %convert_element_type3A_139 = arith.extui %eq3A_138 : i1 to i32
    %cond3A_140 = arith.constant 0 : i32
    %cond3A_141 = arith.cmpi ne, %convert_element_type3A_139, %cond3A_140 : i32
    scf.if %cond3A_141 {
      "tpu.region"() ({
        %run_scoped3A_142 = tpu.sem_alloc : memref<!tpu.dma_semaphore, #tpu.memory_space<semaphore_mem>>
        %dma_start3A_143 = arith.constant 9600 : i32
        %dma_start3A_144 = arith.constant 0 : i32
        %dma_start3A_145 = tpu.memref_slice %arg5[%arg0, %dma_start3A_143, %dma_start3A_144] : memref<2x10000x128xf32, #tpu.memory_space<hbm>> -> memref<1x400x128xf32, #tpu.memory_space<hbm>>
        %dma_start3A_146 = tpu.memref_squeeze %dma_start3A_145 : memref<1x400x128xf32, #tpu.memory_space<hbm>> -> memref<400x128xf32, #tpu.memory_space<hbm>>
        %dma_start3A_147 = arith.constant 9600 : i32
        %dma_start3A_148 = arith.constant 0 : i32
        %dma_start3A_149 = tpu.memref_slice %arg10[%dma_start3A_147, %dma_start3A_148] : memref<10000x128xf32, #tpu.memory_space<vmem_shared>> -> memref<400x128xf32, #tpu.memory_space<vmem_shared>>
        tpu.enqueue_dma source(%dma_start3A_149 : memref<400x128xf32, #tpu.memory_space<vmem_shared>>) target(%dma_start3A_146 : memref<400x128xf32, #tpu.memory_space<hbm>>) target_semaphore(%run_scoped3A_142 : memref<!tpu.dma_semaphore, #tpu.memory_space<semaphore_mem>>)
        %dma_wait3A_150 = arith.constant 9600 : i32
        %dma_wait3A_151 = arith.constant 0 : i32
        %dma_wait3A_152 = tpu.memref_slice %arg5[%arg0, %dma_wait3A_150, %dma_wait3A_151] : memref<2x10000x128xf32, #tpu.memory_space<hbm>> -> memref<1x400x128xf32, #tpu.memory_space<hbm>>
        %dma_wait3A_153 = tpu.memref_squeeze %dma_wait3A_152 : memref<1x400x128xf32, #tpu.memory_space<hbm>> -> memref<400x128xf32, #tpu.memory_space<hbm>>
        %dma_wait3A_154 = arith.constant 9600 : i32
        %dma_wait3A_155 = arith.constant 0 : i32
        %dma_wait3A_156 = tpu.memref_slice %arg10[%dma_wait3A_154, %dma_wait3A_155] : memref<10000x128xf32, #tpu.memory_space<vmem_shared>> -> memref<400x128xf32, #tpu.memory_space<vmem_shared>>
        tpu.wait_dma2 semaphore(%run_scoped3A_142 : memref<!tpu.dma_semaphore, #tpu.memory_space<semaphore_mem>>) src(%dma_wait3A_156 : memref<400x128xf32, #tpu.memory_space<vmem_shared>>) dst(%dma_wait3A_153 : memref<400x128xf32, #tpu.memory_space<hbm>>)
        tpu.yield
      }) : () -> ()
    } else {
    }
    return
  }
}

#map = affine_map<(d0, d1) -> (0, 0)>
#map1 = affine_map<(d0, d1) -> (0, 0, 0, 0)>
#map2 = affine_map<(d0, d1) -> (0, 0, 0)>
module attributes {stable_mosaic.version = 14 : i64} {
  func.func @_msg_kernel(%arg0: i32, %arg1: i32, %arg2: memref<10000x128xf32, #tpu.memory_space<hbm>>, %arg3: memref<2x32x125x80xi32, #tpu.memory_space<hbm>>, %arg4: memref<640x128xf32, #tpu.memory_space<hbm>>, %arg5: memref<2x10000x128xf32, #tpu.memory_space<hbm>>, %arg6: memref<64x80xi32, #tpu.memory_space<vmem>>, %arg7: memref<64x80xi32, #tpu.memory_space<vmem>>, %arg8: memref<80x128xf32, #tpu.memory_space<vmem>>, %arg9: memref<80x128xf32, #tpu.memory_space<vmem>>, %arg10: memref<10000x128xf32, #tpu.memory_space<vmem_shared>>, %arg11: memref<!tpu.dma_semaphore, #tpu.memory_space<semaphore_mem>>, %arg12: memref<!tpu.dma_semaphore, #tpu.memory_space<semaphore_mem>>, %arg13: memref<!tpu.dma_semaphore, #tpu.memory_space<semaphore_mem>>, %arg14: memref<!tpu.dma_semaphore, #tpu.memory_space<semaphore_mem>>) attributes {dimension_semantics = [#tpu.dimension_semantics<core_parallel>, #tpu.dimension_semantics<subcore_parallel>], iteration_bounds = array<i64: 2, 16>, scalar_prefetch = 0 : i64, scratch_operands = 9 : i64, tpu.core_type = #tpu.core_type<sc_vector_subcore>, window_params = [{transform_indices = #map}, {transform_indices = #map1}, {transform_indices = #map}, {transform_indices = #map2}]} {
    %mul3A = arith.constant 2 : i32
    %mul3A_0 = arith.muli %arg1, %mul3A : i32
    %add3A = arith.addi %mul3A_0, %arg0 : i32
    %lt3A = arith.constant 15 : i32
    %lt3A_1 = arith.cmpi slt, %arg1, %lt3A : i32
    %convert_element_type3A = arith.extui %lt3A_1 : i1 to i32
    %cond3A = arith.constant 0 : i32
    %cond3A_2 = arith.cmpi ne, %convert_element_type3A, %cond3A : i32
    scf.if %cond3A_2 {
      %mul3A_142 = arith.constant 640 : i32
      %mul3A_143 = arith.muli %arg1, %mul3A_142 : i32
      "tpu.region"() ({
        %run_scoped3A_144 = tpu.sem_alloc : memref<!tpu.dma_semaphore, #tpu.memory_space<semaphore_mem>>
        %dma_start3A_145 = arith.constant 0 : i32
        %dma_start3A_146 = tpu.memref_slice %arg10[%mul3A_143, %dma_start3A_145] : memref<10000x128xf32, #tpu.memory_space<vmem_shared>> -> memref<640x128xf32, #tpu.memory_space<vmem_shared>>
        tpu.enqueue_dma source(%arg4 : memref<640x128xf32, #tpu.memory_space<hbm>>) target(%dma_start3A_146 : memref<640x128xf32, #tpu.memory_space<vmem_shared>>) target_semaphore(%run_scoped3A_144 : memref<!tpu.dma_semaphore, #tpu.memory_space<semaphore_mem>>)
        %dma_wait3A_147 = arith.constant 0 : i32
        %dma_wait3A_148 = tpu.memref_slice %arg10[%mul3A_143, %dma_wait3A_147] : memref<10000x128xf32, #tpu.memory_space<vmem_shared>> -> memref<640x128xf32, #tpu.memory_space<vmem_shared>>
        tpu.wait_dma2 semaphore(%run_scoped3A_144 : memref<!tpu.dma_semaphore, #tpu.memory_space<semaphore_mem>>) src(%arg4 : memref<640x128xf32, #tpu.memory_space<hbm>>) dst(%dma_wait3A_148 : memref<640x128xf32, #tpu.memory_space<vmem_shared>>)
        tpu.yield
      }) : () -> ()
    } else {
    }
    %eq3A = arith.constant 15 : i32
    %eq3A_3 = arith.cmpi eq, %arg1, %eq3A : i32
    %convert_element_type3A_4 = arith.extui %eq3A_3 : i1 to i32
    %cond3A_5 = arith.constant 0 : i32
    %cond3A_6 = arith.cmpi ne, %convert_element_type3A_4, %cond3A_5 : i32
    scf.if %cond3A_6 {
      "tpu.region"() ({
        %run_scoped3A_142 = tpu.sem_alloc : memref<!tpu.dma_semaphore, #tpu.memory_space<semaphore_mem>>
        %dma_start3A_143 = arith.constant 9600 : i32
        %dma_start3A_144 = arith.constant 0 : i32
        %dma_start3A_145 = tpu.memref_slice %arg10[%dma_start3A_143, %dma_start3A_144] : memref<10000x128xf32, #tpu.memory_space<vmem_shared>> -> memref<400x128xf32, #tpu.memory_space<vmem_shared>>
        %dma_start3A_146 = arith.constant 0 : i32
        %dma_start3A_147 = arith.constant 0 : i32
        %dma_start3A_148 = tpu.memref_slice %arg4[%dma_start3A_146, %dma_start3A_147] : memref<640x128xf32, #tpu.memory_space<hbm>> -> memref<400x128xf32, #tpu.memory_space<hbm>>
        tpu.enqueue_dma source(%dma_start3A_148 : memref<400x128xf32, #tpu.memory_space<hbm>>) target(%dma_start3A_145 : memref<400x128xf32, #tpu.memory_space<vmem_shared>>) target_semaphore(%run_scoped3A_142 : memref<!tpu.dma_semaphore, #tpu.memory_space<semaphore_mem>>)
        %dma_wait3A_149 = arith.constant 9600 : i32
        %dma_wait3A_150 = arith.constant 0 : i32
        %dma_wait3A_151 = tpu.memref_slice %arg10[%dma_wait3A_149, %dma_wait3A_150] : memref<10000x128xf32, #tpu.memory_space<vmem_shared>> -> memref<400x128xf32, #tpu.memory_space<vmem_shared>>
        %dma_wait3A_152 = arith.constant 0 : i32
        %dma_wait3A_153 = arith.constant 0 : i32
        %dma_wait3A_154 = tpu.memref_slice %arg4[%dma_wait3A_152, %dma_wait3A_153] : memref<640x128xf32, #tpu.memory_space<hbm>> -> memref<400x128xf32, #tpu.memory_space<hbm>>
        tpu.wait_dma2 semaphore(%run_scoped3A_142 : memref<!tpu.dma_semaphore, #tpu.memory_space<semaphore_mem>>) src(%dma_wait3A_154 : memref<400x128xf32, #tpu.memory_space<hbm>>) dst(%dma_wait3A_151 : memref<400x128xf32, #tpu.memory_space<vmem_shared>>)
        tpu.yield
      }) : () -> ()
    } else {
    }
    %barrier3A = arith.constant 0 : index
    tpu.barrier barrier_id(%barrier3A)
    %run_scoped3A = arith.constant 0 : i32
    "tpu.region"() ({
      %run_scoped3A_142 = tpu.sem_alloc : memref<!tpu.dma_semaphore, #tpu.memory_space<semaphore_mem>>
      %dma_start3A_143 = arith.constant 0 : i32
      %dma_start3A_144 = arith.constant 0 : i32
      %dma_start3A_145 = tpu.memref_slice %arg6[%dma_start3A_143, %dma_start3A_144] : memref<64x80xi32, #tpu.memory_space<vmem>> -> memref<64x80xi32, #tpu.memory_space<vmem>>
      %dma_start3A_146 = arith.constant 0 : i32
      %dma_start3A_147 = arith.constant 0 : i32
      %dma_start3A_148 = tpu.memref_slice %arg3[%run_scoped3A, %add3A, %dma_start3A_146, %dma_start3A_147] : memref<2x32x125x80xi32, #tpu.memory_space<hbm>> -> memref<1x1x64x80xi32, #tpu.memory_space<hbm>>
      %dma_start3A_149 = tpu.memref_squeeze %dma_start3A_148 : memref<1x1x64x80xi32, #tpu.memory_space<hbm>> -> memref<64x80xi32, #tpu.memory_space<hbm>>
      %dma_start3A_150 = arith.constant 0 : i32
      %dma_start3A_151 = arith.constant 0 : i32
      %dma_start3A_152 = tpu.memref_slice %arg6[%dma_start3A_150, %dma_start3A_151] : memref<64x80xi32, #tpu.memory_space<vmem>> -> memref<64x80xi32, #tpu.memory_space<vmem>>
      %dma_start3A_153 = arith.constant 0 : i32
      %dma_start3A_154 = arith.constant 0 : i32
      %dma_start3A_155 = tpu.memref_slice %arg3[%run_scoped3A, %add3A, %dma_start3A_153, %dma_start3A_154] : memref<2x32x125x80xi32, #tpu.memory_space<hbm>> -> memref<1x1x64x80xi32, #tpu.memory_space<hbm>>
      %dma_start3A_156 = tpu.memref_squeeze %dma_start3A_155 : memref<1x1x64x80xi32, #tpu.memory_space<hbm>> -> memref<64x80xi32, #tpu.memory_space<hbm>>
      tpu.enqueue_dma source(%dma_start3A_156 : memref<64x80xi32, #tpu.memory_space<hbm>>) target(%dma_start3A_152 : memref<64x80xi32, #tpu.memory_space<vmem>>) target_semaphore(%run_scoped3A_142 : memref<!tpu.dma_semaphore, #tpu.memory_space<semaphore_mem>>)
      %dma_wait3A_157 = arith.constant 0 : i32
      %dma_wait3A_158 = arith.constant 0 : i32
      %dma_wait3A_159 = tpu.memref_slice %arg6[%dma_wait3A_157, %dma_wait3A_158] : memref<64x80xi32, #tpu.memory_space<vmem>> -> memref<64x80xi32, #tpu.memory_space<vmem>>
      %dma_wait3A_160 = arith.constant 0 : i32
      %dma_wait3A_161 = arith.constant 0 : i32
      %dma_wait3A_162 = tpu.memref_slice %arg3[%run_scoped3A, %add3A, %dma_wait3A_160, %dma_wait3A_161] : memref<2x32x125x80xi32, #tpu.memory_space<hbm>> -> memref<1x1x64x80xi32, #tpu.memory_space<hbm>>
      %dma_wait3A_163 = tpu.memref_squeeze %dma_wait3A_162 : memref<1x1x64x80xi32, #tpu.memory_space<hbm>> -> memref<64x80xi32, #tpu.memory_space<hbm>>
      %dma_wait3A_164 = arith.constant 0 : i32
      %dma_wait3A_165 = arith.constant 0 : i32
      %dma_wait3A_166 = tpu.memref_slice %arg6[%dma_wait3A_164, %dma_wait3A_165] : memref<64x80xi32, #tpu.memory_space<vmem>> -> memref<64x80xi32, #tpu.memory_space<vmem>>
      %dma_wait3A_167 = arith.constant 0 : i32
      %dma_wait3A_168 = arith.constant 0 : i32
      %dma_wait3A_169 = tpu.memref_slice %arg3[%run_scoped3A, %add3A, %dma_wait3A_167, %dma_wait3A_168] : memref<2x32x125x80xi32, #tpu.memory_space<hbm>> -> memref<1x1x64x80xi32, #tpu.memory_space<hbm>>
      %dma_wait3A_170 = tpu.memref_squeeze %dma_wait3A_169 : memref<1x1x64x80xi32, #tpu.memory_space<hbm>> -> memref<64x80xi32, #tpu.memory_space<hbm>>
      tpu.wait_dma2 semaphore(%run_scoped3A_142 : memref<!tpu.dma_semaphore, #tpu.memory_space<semaphore_mem>>) src(%dma_wait3A_170 : memref<64x80xi32, #tpu.memory_space<hbm>>) dst(%dma_wait3A_166 : memref<64x80xi32, #tpu.memory_space<vmem>>)
      tpu.yield
    }) : () -> ()
    %run_scoped3A_7 = arith.constant 1 : i32
    "tpu.region"() ({
      %run_scoped3A_142 = tpu.sem_alloc : memref<!tpu.dma_semaphore, #tpu.memory_space<semaphore_mem>>
      %dma_start3A_143 = arith.constant 0 : i32
      %dma_start3A_144 = arith.constant 0 : i32
      %dma_start3A_145 = tpu.memref_slice %arg7[%dma_start3A_143, %dma_start3A_144] : memref<64x80xi32, #tpu.memory_space<vmem>> -> memref<64x80xi32, #tpu.memory_space<vmem>>
      %dma_start3A_146 = arith.constant 0 : i32
      %dma_start3A_147 = arith.constant 0 : i32
      %dma_start3A_148 = tpu.memref_slice %arg3[%run_scoped3A_7, %add3A, %dma_start3A_146, %dma_start3A_147] : memref<2x32x125x80xi32, #tpu.memory_space<hbm>> -> memref<1x1x64x80xi32, #tpu.memory_space<hbm>>
      %dma_start3A_149 = tpu.memref_squeeze %dma_start3A_148 : memref<1x1x64x80xi32, #tpu.memory_space<hbm>> -> memref<64x80xi32, #tpu.memory_space<hbm>>
      %dma_start3A_150 = arith.constant 0 : i32
      %dma_start3A_151 = arith.constant 0 : i32
      %dma_start3A_152 = tpu.memref_slice %arg7[%dma_start3A_150, %dma_start3A_151] : memref<64x80xi32, #tpu.memory_space<vmem>> -> memref<64x80xi32, #tpu.memory_space<vmem>>
      %dma_start3A_153 = arith.constant 0 : i32
      %dma_start3A_154 = arith.constant 0 : i32
      %dma_start3A_155 = tpu.memref_slice %arg3[%run_scoped3A_7, %add3A, %dma_start3A_153, %dma_start3A_154] : memref<2x32x125x80xi32, #tpu.memory_space<hbm>> -> memref<1x1x64x80xi32, #tpu.memory_space<hbm>>
      %dma_start3A_156 = tpu.memref_squeeze %dma_start3A_155 : memref<1x1x64x80xi32, #tpu.memory_space<hbm>> -> memref<64x80xi32, #tpu.memory_space<hbm>>
      tpu.enqueue_dma source(%dma_start3A_156 : memref<64x80xi32, #tpu.memory_space<hbm>>) target(%dma_start3A_152 : memref<64x80xi32, #tpu.memory_space<vmem>>) target_semaphore(%run_scoped3A_142 : memref<!tpu.dma_semaphore, #tpu.memory_space<semaphore_mem>>)
      %dma_wait3A_157 = arith.constant 0 : i32
      %dma_wait3A_158 = arith.constant 0 : i32
      %dma_wait3A_159 = tpu.memref_slice %arg7[%dma_wait3A_157, %dma_wait3A_158] : memref<64x80xi32, #tpu.memory_space<vmem>> -> memref<64x80xi32, #tpu.memory_space<vmem>>
      %dma_wait3A_160 = arith.constant 0 : i32
      %dma_wait3A_161 = arith.constant 0 : i32
      %dma_wait3A_162 = tpu.memref_slice %arg3[%run_scoped3A_7, %add3A, %dma_wait3A_160, %dma_wait3A_161] : memref<2x32x125x80xi32, #tpu.memory_space<hbm>> -> memref<1x1x64x80xi32, #tpu.memory_space<hbm>>
      %dma_wait3A_163 = tpu.memref_squeeze %dma_wait3A_162 : memref<1x1x64x80xi32, #tpu.memory_space<hbm>> -> memref<64x80xi32, #tpu.memory_space<hbm>>
      %dma_wait3A_164 = arith.constant 0 : i32
      %dma_wait3A_165 = arith.constant 0 : i32
      %dma_wait3A_166 = tpu.memref_slice %arg7[%dma_wait3A_164, %dma_wait3A_165] : memref<64x80xi32, #tpu.memory_space<vmem>> -> memref<64x80xi32, #tpu.memory_space<vmem>>
      %dma_wait3A_167 = arith.constant 0 : i32
      %dma_wait3A_168 = arith.constant 0 : i32
      %dma_wait3A_169 = tpu.memref_slice %arg3[%run_scoped3A_7, %add3A, %dma_wait3A_167, %dma_wait3A_168] : memref<2x32x125x80xi32, #tpu.memory_space<hbm>> -> memref<1x1x64x80xi32, #tpu.memory_space<hbm>>
      %dma_wait3A_170 = tpu.memref_squeeze %dma_wait3A_169 : memref<1x1x64x80xi32, #tpu.memory_space<hbm>> -> memref<64x80xi32, #tpu.memory_space<hbm>>
      tpu.wait_dma2 semaphore(%run_scoped3A_142 : memref<!tpu.dma_semaphore, #tpu.memory_space<semaphore_mem>>) src(%dma_wait3A_170 : memref<64x80xi32, #tpu.memory_space<hbm>>) dst(%dma_wait3A_166 : memref<64x80xi32, #tpu.memory_space<vmem>>)
      tpu.yield
    }) : () -> ()
    %dma_start3A = arith.constant 0 : i32
    %dma_start3A_8 = arith.constant 0 : i32
    %dma_start3A_9 = tpu.memref_slice %arg6[%dma_start3A, %dma_start3A_8] : memref<64x80xi32, #tpu.memory_space<vmem>> -> memref<1x80xi32, #tpu.memory_space<vmem>>
    %dma_start3A_10 = tpu.memref_squeeze %dma_start3A_9 : memref<1x80xi32, #tpu.memory_space<vmem>> -> memref<80xi32, #tpu.memory_space<vmem>>
    %dma_start3A_11 = arith.constant 0 : i32
    %dma_start3A_12 = arith.constant 0 : i32
    %dma_start3A_13 = tpu.memref_slice %arg2[%dma_start3A_11, %dma_start3A_12] : memref<10000x128xf32, #tpu.memory_space<hbm>> -> memref<10000x128xf32, #tpu.memory_space<hbm>>
    tpu.enqueue_indirect_dma source(%dma_start3A_13 : memref<10000x128xf32, #tpu.memory_space<hbm>>) target(%arg8 : memref<80x128xf32, #tpu.memory_space<vmem>>) offsets(%dma_start3A_10 : memref<80xi32, #tpu.memory_space<vmem>>) semaphore(%arg11 : memref<!tpu.dma_semaphore, #tpu.memory_space<semaphore_mem>>)
    %dma_start3A_14 = arith.constant 1 : i32
    %dma_start3A_15 = arith.constant 0 : i32
    %dma_start3A_16 = tpu.memref_slice %arg6[%dma_start3A_14, %dma_start3A_15] : memref<64x80xi32, #tpu.memory_space<vmem>> -> memref<1x80xi32, #tpu.memory_space<vmem>>
    %dma_start3A_17 = tpu.memref_squeeze %dma_start3A_16 : memref<1x80xi32, #tpu.memory_space<vmem>> -> memref<80xi32, #tpu.memory_space<vmem>>
    %dma_start3A_18 = arith.constant 0 : i32
    %dma_start3A_19 = arith.constant 0 : i32
    %dma_start3A_20 = tpu.memref_slice %arg2[%dma_start3A_18, %dma_start3A_19] : memref<10000x128xf32, #tpu.memory_space<hbm>> -> memref<10000x128xf32, #tpu.memory_space<hbm>>
    tpu.enqueue_indirect_dma source(%dma_start3A_20 : memref<10000x128xf32, #tpu.memory_space<hbm>>) target(%arg9 : memref<80x128xf32, #tpu.memory_space<vmem>>) offsets(%dma_start3A_17 : memref<80xi32, #tpu.memory_space<vmem>>) semaphore(%arg12 : memref<!tpu.dma_semaphore, #tpu.memory_space<semaphore_mem>>)
    %dma_wait3A = arith.constant 0 : i32
    %dma_wait3A_21 = arith.constant 0 : i32
    %dma_wait3A_22 = tpu.memref_slice %arg6[%dma_wait3A, %dma_wait3A_21] : memref<64x80xi32, #tpu.memory_space<vmem>> -> memref<1x80xi32, #tpu.memory_space<vmem>>
    %dma_wait3A_23 = tpu.memref_squeeze %dma_wait3A_22 : memref<1x80xi32, #tpu.memory_space<vmem>> -> memref<80xi32, #tpu.memory_space<vmem>>
    %dma_wait3A_24 = arith.constant 0 : i32
    %dma_wait3A_25 = arith.constant 0 : i32
    %dma_wait3A_26 = tpu.memref_slice %arg2[%dma_wait3A_24, %dma_wait3A_25] : memref<10000x128xf32, #tpu.memory_space<hbm>> -> memref<10000x128xf32, #tpu.memory_space<hbm>>
    tpu.wait_indirect_dma semaphore(%arg11 : memref<!tpu.dma_semaphore, #tpu.memory_space<semaphore_mem>>) src(%dma_wait3A_26 : memref<10000x128xf32, #tpu.memory_space<hbm>>) dst(%arg8 : memref<80x128xf32, #tpu.memory_space<vmem>>)
    %dma_start3A_27 = arith.constant 0 : i32
    %dma_start3A_28 = arith.constant 0 : i32
    %dma_start3A_29 = tpu.memref_slice %arg7[%dma_start3A_27, %dma_start3A_28] : memref<64x80xi32, #tpu.memory_space<vmem>> -> memref<1x80xi32, #tpu.memory_space<vmem>>
    %dma_start3A_30 = tpu.memref_squeeze %dma_start3A_29 : memref<1x80xi32, #tpu.memory_space<vmem>> -> memref<80xi32, #tpu.memory_space<vmem>>
    %dma_start3A_31 = arith.constant 0 : i32
    %dma_start3A_32 = arith.constant 0 : i32
    %dma_start3A_33 = tpu.memref_slice %arg10[%dma_start3A_31, %dma_start3A_32] : memref<10000x128xf32, #tpu.memory_space<vmem_shared>> -> memref<10000x128xf32, #tpu.memory_space<vmem_shared>>
    tpu.enqueue_indirect_dma source(%arg8 : memref<80x128xf32, #tpu.memory_space<vmem>>) target(%dma_start3A_33 : memref<10000x128xf32, #tpu.memory_space<vmem_shared>>) offsets(%dma_start3A_30 : memref<80xi32, #tpu.memory_space<vmem>>) semaphore(%arg13 : memref<!tpu.dma_semaphore, #tpu.memory_space<semaphore_mem>>) {add = true}
    %scan3A = arith.constant 0 : i32
    %scan3A_34 = arith.constant 1 : i32
    %scan3A_35 = arith.constant 62 : i32
    %scan3A_36 = arith.addi %scan3A_34, %scan3A_35 : i32
    %scan3A_37 = arith.constant 1 : i32
    scf.for %scan3A_142 = %scan3A_34 to %scan3A_36 step %scan3A_37  : i32 {
      %jit3A = arith.constant 2 : i32
      %eq3A_143 = arith.constant 0 : i32
      %eq3A_144 = arith.cmpi eq, %jit3A, %eq3A_143 : i32
      %jit3A_145 = arith.constant 1 : i32
      %select_n3A = arith.select %eq3A_144, %jit3A_145, %jit3A : i32
      %rem3A = arith.remsi %scan3A_142, %select_n3A : i32
      %ne3A = arith.constant 0 : i32
      %ne3A_146 = arith.cmpi ne, %rem3A, %ne3A : i32
      %lt3A_147 = arith.constant 0 : i32
      %lt3A_148 = arith.cmpi slt, %rem3A, %lt3A_147 : i32
      %lt3A_149 = arith.constant 0 : i32
      %lt3A_150 = arith.cmpi slt, %select_n3A, %lt3A_149 : i32
      %ne3A_151 = arith.xori %lt3A_148, %lt3A_150 : i1
      %and3A = arith.andi %ne3A_151, %ne3A_146 : i1
      %add3A_152 = arith.addi %rem3A, %select_n3A : i32
      %select_n3A_153 = arith.select %and3A, %add3A_152, %rem3A : i32
      %eq3A_154 = arith.constant 0 : i32
      %eq3A_155 = arith.cmpi eq, %select_n3A_153, %eq3A_154 : i32
      %convert_element_type3A_156 = arith.extui %eq3A_155 : i1 to i32
      %cond3A_157 = arith.constant 0 : i32
      %cond3A_158 = arith.cmpi ne, %convert_element_type3A_156, %cond3A_157 : i32
      scf.if %cond3A_158 {
        %dma_wait3A_163 = arith.constant 0 : i32
        %dma_wait3A_164 = arith.constant 0 : i32
        %dma_wait3A_165 = tpu.memref_slice %arg7[%dma_wait3A_163, %dma_wait3A_164] : memref<64x80xi32, #tpu.memory_space<vmem>> -> memref<1x80xi32, #tpu.memory_space<vmem>>
        %dma_wait3A_166 = tpu.memref_squeeze %dma_wait3A_165 : memref<1x80xi32, #tpu.memory_space<vmem>> -> memref<80xi32, #tpu.memory_space<vmem>>
        %dma_wait3A_167 = arith.constant 0 : i32
        %dma_wait3A_168 = arith.constant 0 : i32
        %dma_wait3A_169 = tpu.memref_slice %arg10[%dma_wait3A_167, %dma_wait3A_168] : memref<10000x128xf32, #tpu.memory_space<vmem_shared>> -> memref<10000x128xf32, #tpu.memory_space<vmem_shared>>
        tpu.wait_indirect_dma semaphore(%arg14 : memref<!tpu.dma_semaphore, #tpu.memory_space<semaphore_mem>>) src(%arg9 : memref<80x128xf32, #tpu.memory_space<vmem>>) dst(%dma_wait3A_169 : memref<10000x128xf32, #tpu.memory_space<vmem_shared>>)
        %add3A_170 = arith.constant 1 : i32
        %add3A_171 = arith.addi %scan3A_142, %add3A_170 : i32
        %dma_start3A_172 = arith.constant 0 : i32
        %dma_start3A_173 = tpu.memref_slice %arg6[%add3A_171, %dma_start3A_172] : memref<64x80xi32, #tpu.memory_space<vmem>> -> memref<1x80xi32, #tpu.memory_space<vmem>>
        %dma_start3A_174 = tpu.memref_squeeze %dma_start3A_173 : memref<1x80xi32, #tpu.memory_space<vmem>> -> memref<80xi32, #tpu.memory_space<vmem>>
        %dma_start3A_175 = arith.constant 0 : i32
        %dma_start3A_176 = arith.constant 0 : i32
        %dma_start3A_177 = tpu.memref_slice %arg2[%dma_start3A_175, %dma_start3A_176] : memref<10000x128xf32, #tpu.memory_space<hbm>> -> memref<10000x128xf32, #tpu.memory_space<hbm>>
        tpu.enqueue_indirect_dma source(%dma_start3A_177 : memref<10000x128xf32, #tpu.memory_space<hbm>>) target(%arg9 : memref<80x128xf32, #tpu.memory_space<vmem>>) offsets(%dma_start3A_174 : memref<80xi32, #tpu.memory_space<vmem>>) semaphore(%arg12 : memref<!tpu.dma_semaphore, #tpu.memory_space<semaphore_mem>>)
        %dma_wait3A_178 = arith.constant 0 : i32
        %dma_wait3A_179 = arith.constant 0 : i32
        %dma_wait3A_180 = tpu.memref_slice %arg6[%dma_wait3A_178, %dma_wait3A_179] : memref<64x80xi32, #tpu.memory_space<vmem>> -> memref<1x80xi32, #tpu.memory_space<vmem>>
        %dma_wait3A_181 = tpu.memref_squeeze %dma_wait3A_180 : memref<1x80xi32, #tpu.memory_space<vmem>> -> memref<80xi32, #tpu.memory_space<vmem>>
        %dma_wait3A_182 = arith.constant 0 : i32
        %dma_wait3A_183 = arith.constant 0 : i32
        %dma_wait3A_184 = tpu.memref_slice %arg2[%dma_wait3A_182, %dma_wait3A_183] : memref<10000x128xf32, #tpu.memory_space<hbm>> -> memref<10000x128xf32, #tpu.memory_space<hbm>>
        tpu.wait_indirect_dma semaphore(%arg11 : memref<!tpu.dma_semaphore, #tpu.memory_space<semaphore_mem>>) src(%dma_wait3A_184 : memref<10000x128xf32, #tpu.memory_space<hbm>>) dst(%arg8 : memref<80x128xf32, #tpu.memory_space<vmem>>)
        %dma_start3A_185 = arith.constant 0 : i32
        %dma_start3A_186 = tpu.memref_slice %arg7[%scan3A_142, %dma_start3A_185] : memref<64x80xi32, #tpu.memory_space<vmem>> -> memref<1x80xi32, #tpu.memory_space<vmem>>
        %dma_start3A_187 = tpu.memref_squeeze %dma_start3A_186 : memref<1x80xi32, #tpu.memory_space<vmem>> -> memref<80xi32, #tpu.memory_space<vmem>>
        %dma_start3A_188 = arith.constant 0 : i32
        %dma_start3A_189 = arith.constant 0 : i32
        %dma_start3A_190 = tpu.memref_slice %arg10[%dma_start3A_188, %dma_start3A_189] : memref<10000x128xf32, #tpu.memory_space<vmem_shared>> -> memref<10000x128xf32, #tpu.memory_space<vmem_shared>>
        tpu.enqueue_indirect_dma source(%arg8 : memref<80x128xf32, #tpu.memory_space<vmem>>) target(%dma_start3A_190 : memref<10000x128xf32, #tpu.memory_space<vmem_shared>>) offsets(%dma_start3A_187 : memref<80xi32, #tpu.memory_space<vmem>>) semaphore(%arg13 : memref<!tpu.dma_semaphore, #tpu.memory_space<semaphore_mem>>) {add = true}
      } else {
      }
      %not3A = arith.constant true
      %not3A_159 = arith.xori %eq3A_155, %not3A : i1
      %convert_element_type3A_160 = arith.extui %not3A_159 : i1 to i32
      %cond3A_161 = arith.constant 0 : i32
      %cond3A_162 = arith.cmpi ne, %convert_element_type3A_160, %cond3A_161 : i32
      scf.if %cond3A_162 {
        %dma_wait3A_163 = arith.constant 0 : i32
        %dma_wait3A_164 = arith.constant 0 : i32
        %dma_wait3A_165 = tpu.memref_slice %arg7[%dma_wait3A_163, %dma_wait3A_164] : memref<64x80xi32, #tpu.memory_space<vmem>> -> memref<1x80xi32, #tpu.memory_space<vmem>>
        %dma_wait3A_166 = tpu.memref_squeeze %dma_wait3A_165 : memref<1x80xi32, #tpu.memory_space<vmem>> -> memref<80xi32, #tpu.memory_space<vmem>>
        %dma_wait3A_167 = arith.constant 0 : i32
        %dma_wait3A_168 = arith.constant 0 : i32
        %dma_wait3A_169 = tpu.memref_slice %arg10[%dma_wait3A_167, %dma_wait3A_168] : memref<10000x128xf32, #tpu.memory_space<vmem_shared>> -> memref<10000x128xf32, #tpu.memory_space<vmem_shared>>
        tpu.wait_indirect_dma semaphore(%arg13 : memref<!tpu.dma_semaphore, #tpu.memory_space<semaphore_mem>>) src(%arg8 : memref<80x128xf32, #tpu.memory_space<vmem>>) dst(%dma_wait3A_169 : memref<10000x128xf32, #tpu.memory_space<vmem_shared>>)
        %add3A_170 = arith.constant 1 : i32
        %add3A_171 = arith.addi %scan3A_142, %add3A_170 : i32
        %dma_start3A_172 = arith.constant 0 : i32
        %dma_start3A_173 = tpu.memref_slice %arg6[%add3A_171, %dma_start3A_172] : memref<64x80xi32, #tpu.memory_space<vmem>> -> memref<1x80xi32, #tpu.memory_space<vmem>>
        %dma_start3A_174 = tpu.memref_squeeze %dma_start3A_173 : memref<1x80xi32, #tpu.memory_space<vmem>> -> memref<80xi32, #tpu.memory_space<vmem>>
        %dma_start3A_175 = arith.constant 0 : i32
        %dma_start3A_176 = arith.constant 0 : i32
        %dma_start3A_177 = tpu.memref_slice %arg2[%dma_start3A_175, %dma_start3A_176] : memref<10000x128xf32, #tpu.memory_space<hbm>> -> memref<10000x128xf32, #tpu.memory_space<hbm>>
        tpu.enqueue_indirect_dma source(%dma_start3A_177 : memref<10000x128xf32, #tpu.memory_space<hbm>>) target(%arg8 : memref<80x128xf32, #tpu.memory_space<vmem>>) offsets(%dma_start3A_174 : memref<80xi32, #tpu.memory_space<vmem>>) semaphore(%arg11 : memref<!tpu.dma_semaphore, #tpu.memory_space<semaphore_mem>>)
        %dma_wait3A_178 = arith.constant 0 : i32
        %dma_wait3A_179 = arith.constant 0 : i32
        %dma_wait3A_180 = tpu.memref_slice %arg6[%dma_wait3A_178, %dma_wait3A_179] : memref<64x80xi32, #tpu.memory_space<vmem>> -> memref<1x80xi32, #tpu.memory_space<vmem>>
        %dma_wait3A_181 = tpu.memref_squeeze %dma_wait3A_180 : memref<1x80xi32, #tpu.memory_space<vmem>> -> memref<80xi32, #tpu.memory_space<vmem>>
        %dma_wait3A_182 = arith.constant 0 : i32
        %dma_wait3A_183 = arith.constant 0 : i32
        %dma_wait3A_184 = tpu.memref_slice %arg2[%dma_wait3A_182, %dma_wait3A_183] : memref<10000x128xf32, #tpu.memory_space<hbm>> -> memref<10000x128xf32, #tpu.memory_space<hbm>>
        tpu.wait_indirect_dma semaphore(%arg12 : memref<!tpu.dma_semaphore, #tpu.memory_space<semaphore_mem>>) src(%dma_wait3A_184 : memref<10000x128xf32, #tpu.memory_space<hbm>>) dst(%arg9 : memref<80x128xf32, #tpu.memory_space<vmem>>)
        %dma_start3A_185 = arith.constant 0 : i32
        %dma_start3A_186 = tpu.memref_slice %arg7[%scan3A_142, %dma_start3A_185] : memref<64x80xi32, #tpu.memory_space<vmem>> -> memref<1x80xi32, #tpu.memory_space<vmem>>
        %dma_start3A_187 = tpu.memref_squeeze %dma_start3A_186 : memref<1x80xi32, #tpu.memory_space<vmem>> -> memref<80xi32, #tpu.memory_space<vmem>>
        %dma_start3A_188 = arith.constant 0 : i32
        %dma_start3A_189 = arith.constant 0 : i32
        %dma_start3A_190 = tpu.memref_slice %arg10[%dma_start3A_188, %dma_start3A_189] : memref<10000x128xf32, #tpu.memory_space<vmem_shared>> -> memref<10000x128xf32, #tpu.memory_space<vmem_shared>>
        tpu.enqueue_indirect_dma source(%arg9 : memref<80x128xf32, #tpu.memory_space<vmem>>) target(%dma_start3A_190 : memref<10000x128xf32, #tpu.memory_space<vmem_shared>>) offsets(%dma_start3A_187 : memref<80xi32, #tpu.memory_space<vmem>>) semaphore(%arg14 : memref<!tpu.dma_semaphore, #tpu.memory_space<semaphore_mem>>) {add = true}
      } else {
      }
    }
    %scan3A_38 = arith.constant 62 : i32
    %dma_wait3A_39 = arith.constant 0 : i32
    %dma_wait3A_40 = arith.constant 0 : i32
    %dma_wait3A_41 = tpu.memref_slice %arg6[%dma_wait3A_39, %dma_wait3A_40] : memref<64x80xi32, #tpu.memory_space<vmem>> -> memref<1x80xi32, #tpu.memory_space<vmem>>
    %dma_wait3A_42 = tpu.memref_squeeze %dma_wait3A_41 : memref<1x80xi32, #tpu.memory_space<vmem>> -> memref<80xi32, #tpu.memory_space<vmem>>
    %dma_wait3A_43 = arith.constant 0 : i32
    %dma_wait3A_44 = arith.constant 0 : i32
    %dma_wait3A_45 = tpu.memref_slice %arg2[%dma_wait3A_43, %dma_wait3A_44] : memref<10000x128xf32, #tpu.memory_space<hbm>> -> memref<10000x128xf32, #tpu.memory_space<hbm>>
    tpu.wait_indirect_dma semaphore(%arg12 : memref<!tpu.dma_semaphore, #tpu.memory_space<semaphore_mem>>) src(%dma_wait3A_45 : memref<10000x128xf32, #tpu.memory_space<hbm>>) dst(%arg9 : memref<80x128xf32, #tpu.memory_space<vmem>>)
    %dma_start3A_46 = arith.constant 63 : i32
    %dma_start3A_47 = arith.constant 0 : i32
    %dma_start3A_48 = tpu.memref_slice %arg7[%dma_start3A_46, %dma_start3A_47] : memref<64x80xi32, #tpu.memory_space<vmem>> -> memref<1x80xi32, #tpu.memory_space<vmem>>
    %dma_start3A_49 = tpu.memref_squeeze %dma_start3A_48 : memref<1x80xi32, #tpu.memory_space<vmem>> -> memref<80xi32, #tpu.memory_space<vmem>>
    %dma_start3A_50 = arith.constant 0 : i32
    %dma_start3A_51 = arith.constant 0 : i32
    %dma_start3A_52 = tpu.memref_slice %arg10[%dma_start3A_50, %dma_start3A_51] : memref<10000x128xf32, #tpu.memory_space<vmem_shared>> -> memref<10000x128xf32, #tpu.memory_space<vmem_shared>>
    tpu.enqueue_indirect_dma source(%arg9 : memref<80x128xf32, #tpu.memory_space<vmem>>) target(%dma_start3A_52 : memref<10000x128xf32, #tpu.memory_space<vmem_shared>>) offsets(%dma_start3A_49 : memref<80xi32, #tpu.memory_space<vmem>>) semaphore(%arg14 : memref<!tpu.dma_semaphore, #tpu.memory_space<semaphore_mem>>) {add = true}
    %dma_wait3A_53 = arith.constant 0 : i32
    %dma_wait3A_54 = arith.constant 0 : i32
    %dma_wait3A_55 = tpu.memref_slice %arg7[%dma_wait3A_53, %dma_wait3A_54] : memref<64x80xi32, #tpu.memory_space<vmem>> -> memref<1x80xi32, #tpu.memory_space<vmem>>
    %dma_wait3A_56 = tpu.memref_squeeze %dma_wait3A_55 : memref<1x80xi32, #tpu.memory_space<vmem>> -> memref<80xi32, #tpu.memory_space<vmem>>
    %dma_wait3A_57 = arith.constant 0 : i32
    %dma_wait3A_58 = arith.constant 0 : i32
    %dma_wait3A_59 = tpu.memref_slice %arg10[%dma_wait3A_57, %dma_wait3A_58] : memref<10000x128xf32, #tpu.memory_space<vmem_shared>> -> memref<10000x128xf32, #tpu.memory_space<vmem_shared>>
    tpu.wait_indirect_dma semaphore(%arg13 : memref<!tpu.dma_semaphore, #tpu.memory_space<semaphore_mem>>) src(%arg8 : memref<80x128xf32, #tpu.memory_space<vmem>>) dst(%dma_wait3A_59 : memref<10000x128xf32, #tpu.memory_space<vmem_shared>>)
    %dma_wait3A_60 = arith.constant 0 : i32
    %dma_wait3A_61 = arith.constant 0 : i32
    %dma_wait3A_62 = tpu.memref_slice %arg7[%dma_wait3A_60, %dma_wait3A_61] : memref<64x80xi32, #tpu.memory_space<vmem>> -> memref<1x80xi32, #tpu.memory_space<vmem>>
    %dma_wait3A_63 = tpu.memref_squeeze %dma_wait3A_62 : memref<1x80xi32, #tpu.memory_space<vmem>> -> memref<80xi32, #tpu.memory_space<vmem>>
    %dma_wait3A_64 = arith.constant 0 : i32
    %dma_wait3A_65 = arith.constant 0 : i32
    %dma_wait3A_66 = tpu.memref_slice %arg10[%dma_wait3A_64, %dma_wait3A_65] : memref<10000x128xf32, #tpu.memory_space<vmem_shared>> -> memref<10000x128xf32, #tpu.memory_space<vmem_shared>>
    tpu.wait_indirect_dma semaphore(%arg14 : memref<!tpu.dma_semaphore, #tpu.memory_space<semaphore_mem>>) src(%arg9 : memref<80x128xf32, #tpu.memory_space<vmem>>) dst(%dma_wait3A_66 : memref<10000x128xf32, #tpu.memory_space<vmem_shared>>)
    %run_scoped3A_67 = arith.constant 0 : i32
    "tpu.region"() ({
      %run_scoped3A_142 = tpu.sem_alloc : memref<!tpu.dma_semaphore, #tpu.memory_space<semaphore_mem>>
      %dma_start3A_143 = arith.constant 0 : i32
      %dma_start3A_144 = arith.constant 0 : i32
      %dma_start3A_145 = tpu.memref_slice %arg6[%dma_start3A_143, %dma_start3A_144] : memref<64x80xi32, #tpu.memory_space<vmem>> -> memref<61x80xi32, #tpu.memory_space<vmem>>
      %dma_start3A_146 = arith.constant 64 : i32
      %dma_start3A_147 = arith.constant 0 : i32
      %dma_start3A_148 = tpu.memref_slice %arg3[%run_scoped3A_67, %add3A, %dma_start3A_146, %dma_start3A_147] : memref<2x32x125x80xi32, #tpu.memory_space<hbm>> -> memref<1x1x61x80xi32, #tpu.memory_space<hbm>>
      %dma_start3A_149 = tpu.memref_squeeze %dma_start3A_148 : memref<1x1x61x80xi32, #tpu.memory_space<hbm>> -> memref<61x80xi32, #tpu.memory_space<hbm>>
      %dma_start3A_150 = arith.constant 0 : i32
      %dma_start3A_151 = arith.constant 0 : i32
      %dma_start3A_152 = tpu.memref_slice %arg6[%dma_start3A_150, %dma_start3A_151] : memref<64x80xi32, #tpu.memory_space<vmem>> -> memref<61x80xi32, #tpu.memory_space<vmem>>
      %dma_start3A_153 = arith.constant 64 : i32
      %dma_start3A_154 = arith.constant 0 : i32
      %dma_start3A_155 = tpu.memref_slice %arg3[%run_scoped3A_67, %add3A, %dma_start3A_153, %dma_start3A_154] : memref<2x32x125x80xi32, #tpu.memory_space<hbm>> -> memref<1x1x61x80xi32, #tpu.memory_space<hbm>>
      %dma_start3A_156 = tpu.memref_squeeze %dma_start3A_155 : memref<1x1x61x80xi32, #tpu.memory_space<hbm>> -> memref<61x80xi32, #tpu.memory_space<hbm>>
      tpu.enqueue_dma source(%dma_start3A_156 : memref<61x80xi32, #tpu.memory_space<hbm>>) target(%dma_start3A_152 : memref<61x80xi32, #tpu.memory_space<vmem>>) target_semaphore(%run_scoped3A_142 : memref<!tpu.dma_semaphore, #tpu.memory_space<semaphore_mem>>)
      %dma_wait3A_157 = arith.constant 0 : i32
      %dma_wait3A_158 = arith.constant 0 : i32
      %dma_wait3A_159 = tpu.memref_slice %arg6[%dma_wait3A_157, %dma_wait3A_158] : memref<64x80xi32, #tpu.memory_space<vmem>> -> memref<61x80xi32, #tpu.memory_space<vmem>>
      %dma_wait3A_160 = arith.constant 64 : i32
      %dma_wait3A_161 = arith.constant 0 : i32
      %dma_wait3A_162 = tpu.memref_slice %arg3[%run_scoped3A_67, %add3A, %dma_wait3A_160, %dma_wait3A_161] : memref<2x32x125x80xi32, #tpu.memory_space<hbm>> -> memref<1x1x61x80xi32, #tpu.memory_space<hbm>>
      %dma_wait3A_163 = tpu.memref_squeeze %dma_wait3A_162 : memref<1x1x61x80xi32, #tpu.memory_space<hbm>> -> memref<61x80xi32, #tpu.memory_space<hbm>>
      %dma_wait3A_164 = arith.constant 0 : i32
      %dma_wait3A_165 = arith.constant 0 : i32
      %dma_wait3A_166 = tpu.memref_slice %arg6[%dma_wait3A_164, %dma_wait3A_165] : memref<64x80xi32, #tpu.memory_space<vmem>> -> memref<61x80xi32, #tpu.memory_space<vmem>>
      %dma_wait3A_167 = arith.constant 64 : i32
      %dma_wait3A_168 = arith.constant 0 : i32
      %dma_wait3A_169 = tpu.memref_slice %arg3[%run_scoped3A_67, %add3A, %dma_wait3A_167, %dma_wait3A_168] : memref<2x32x125x80xi32, #tpu.memory_space<hbm>> -> memref<1x1x61x80xi32, #tpu.memory_space<hbm>>
      %dma_wait3A_170 = tpu.memref_squeeze %dma_wait3A_169 : memref<1x1x61x80xi32, #tpu.memory_space<hbm>> -> memref<61x80xi32, #tpu.memory_space<hbm>>
      tpu.wait_dma2 semaphore(%run_scoped3A_142 : memref<!tpu.dma_semaphore, #tpu.memory_space<semaphore_mem>>) src(%dma_wait3A_170 : memref<61x80xi32, #tpu.memory_space<hbm>>) dst(%dma_wait3A_166 : memref<61x80xi32, #tpu.memory_space<vmem>>)
      tpu.yield
    }) : () -> ()
    %run_scoped3A_68 = arith.constant 1 : i32
    "tpu.region"() ({
      %run_scoped3A_142 = tpu.sem_alloc : memref<!tpu.dma_semaphore, #tpu.memory_space<semaphore_mem>>
      %dma_start3A_143 = arith.constant 0 : i32
      %dma_start3A_144 = arith.constant 0 : i32
      %dma_start3A_145 = tpu.memref_slice %arg7[%dma_start3A_143, %dma_start3A_144] : memref<64x80xi32, #tpu.memory_space<vmem>> -> memref<61x80xi32, #tpu.memory_space<vmem>>
      %dma_start3A_146 = arith.constant 64 : i32
      %dma_start3A_147 = arith.constant 0 : i32
      %dma_start3A_148 = tpu.memref_slice %arg3[%run_scoped3A_68, %add3A, %dma_start3A_146, %dma_start3A_147] : memref<2x32x125x80xi32, #tpu.memory_space<hbm>> -> memref<1x1x61x80xi32, #tpu.memory_space<hbm>>
      %dma_start3A_149 = tpu.memref_squeeze %dma_start3A_148 : memref<1x1x61x80xi32, #tpu.memory_space<hbm>> -> memref<61x80xi32, #tpu.memory_space<hbm>>
      %dma_start3A_150 = arith.constant 0 : i32
      %dma_start3A_151 = arith.constant 0 : i32
      %dma_start3A_152 = tpu.memref_slice %arg7[%dma_start3A_150, %dma_start3A_151] : memref<64x80xi32, #tpu.memory_space<vmem>> -> memref<61x80xi32, #tpu.memory_space<vmem>>
      %dma_start3A_153 = arith.constant 64 : i32
      %dma_start3A_154 = arith.constant 0 : i32
      %dma_start3A_155 = tpu.memref_slice %arg3[%run_scoped3A_68, %add3A, %dma_start3A_153, %dma_start3A_154] : memref<2x32x125x80xi32, #tpu.memory_space<hbm>> -> memref<1x1x61x80xi32, #tpu.memory_space<hbm>>
      %dma_start3A_156 = tpu.memref_squeeze %dma_start3A_155 : memref<1x1x61x80xi32, #tpu.memory_space<hbm>> -> memref<61x80xi32, #tpu.memory_space<hbm>>
      tpu.enqueue_dma source(%dma_start3A_156 : memref<61x80xi32, #tpu.memory_space<hbm>>) target(%dma_start3A_152 : memref<61x80xi32, #tpu.memory_space<vmem>>) target_semaphore(%run_scoped3A_142 : memref<!tpu.dma_semaphore, #tpu.memory_space<semaphore_mem>>)
      %dma_wait3A_157 = arith.constant 0 : i32
      %dma_wait3A_158 = arith.constant 0 : i32
      %dma_wait3A_159 = tpu.memref_slice %arg7[%dma_wait3A_157, %dma_wait3A_158] : memref<64x80xi32, #tpu.memory_space<vmem>> -> memref<61x80xi32, #tpu.memory_space<vmem>>
      %dma_wait3A_160 = arith.constant 64 : i32
      %dma_wait3A_161 = arith.constant 0 : i32
      %dma_wait3A_162 = tpu.memref_slice %arg3[%run_scoped3A_68, %add3A, %dma_wait3A_160, %dma_wait3A_161] : memref<2x32x125x80xi32, #tpu.memory_space<hbm>> -> memref<1x1x61x80xi32, #tpu.memory_space<hbm>>
      %dma_wait3A_163 = tpu.memref_squeeze %dma_wait3A_162 : memref<1x1x61x80xi32, #tpu.memory_space<hbm>> -> memref<61x80xi32, #tpu.memory_space<hbm>>
      %dma_wait3A_164 = arith.constant 0 : i32
      %dma_wait3A_165 = arith.constant 0 : i32
      %dma_wait3A_166 = tpu.memref_slice %arg7[%dma_wait3A_164, %dma_wait3A_165] : memref<64x80xi32, #tpu.memory_space<vmem>> -> memref<61x80xi32, #tpu.memory_space<vmem>>
      %dma_wait3A_167 = arith.constant 64 : i32
      %dma_wait3A_168 = arith.constant 0 : i32
      %dma_wait3A_169 = tpu.memref_slice %arg3[%run_scoped3A_68, %add3A, %dma_wait3A_167, %dma_wait3A_168] : memref<2x32x125x80xi32, #tpu.memory_space<hbm>> -> memref<1x1x61x80xi32, #tpu.memory_space<hbm>>
      %dma_wait3A_170 = tpu.memref_squeeze %dma_wait3A_169 : memref<1x1x61x80xi32, #tpu.memory_space<hbm>> -> memref<61x80xi32, #tpu.memory_space<hbm>>
      tpu.wait_dma2 semaphore(%run_scoped3A_142 : memref<!tpu.dma_semaphore, #tpu.memory_space<semaphore_mem>>) src(%dma_wait3A_170 : memref<61x80xi32, #tpu.memory_space<hbm>>) dst(%dma_wait3A_166 : memref<61x80xi32, #tpu.memory_space<vmem>>)
      tpu.yield
    }) : () -> ()
    %dma_start3A_69 = arith.constant 0 : i32
    %dma_start3A_70 = arith.constant 0 : i32
    %dma_start3A_71 = tpu.memref_slice %arg6[%dma_start3A_69, %dma_start3A_70] : memref<64x80xi32, #tpu.memory_space<vmem>> -> memref<1x80xi32, #tpu.memory_space<vmem>>
    %dma_start3A_72 = tpu.memref_squeeze %dma_start3A_71 : memref<1x80xi32, #tpu.memory_space<vmem>> -> memref<80xi32, #tpu.memory_space<vmem>>
    %dma_start3A_73 = arith.constant 0 : i32
    %dma_start3A_74 = arith.constant 0 : i32
    %dma_start3A_75 = tpu.memref_slice %arg2[%dma_start3A_73, %dma_start3A_74] : memref<10000x128xf32, #tpu.memory_space<hbm>> -> memref<10000x128xf32, #tpu.memory_space<hbm>>
    tpu.enqueue_indirect_dma source(%dma_start3A_75 : memref<10000x128xf32, #tpu.memory_space<hbm>>) target(%arg8 : memref<80x128xf32, #tpu.memory_space<vmem>>) offsets(%dma_start3A_72 : memref<80xi32, #tpu.memory_space<vmem>>) semaphore(%arg11 : memref<!tpu.dma_semaphore, #tpu.memory_space<semaphore_mem>>)
    %dma_start3A_76 = arith.constant 1 : i32
    %dma_start3A_77 = arith.constant 0 : i32
    %dma_start3A_78 = tpu.memref_slice %arg6[%dma_start3A_76, %dma_start3A_77] : memref<64x80xi32, #tpu.memory_space<vmem>> -> memref<1x80xi32, #tpu.memory_space<vmem>>
    %dma_start3A_79 = tpu.memref_squeeze %dma_start3A_78 : memref<1x80xi32, #tpu.memory_space<vmem>> -> memref<80xi32, #tpu.memory_space<vmem>>
    %dma_start3A_80 = arith.constant 0 : i32
    %dma_start3A_81 = arith.constant 0 : i32
    %dma_start3A_82 = tpu.memref_slice %arg2[%dma_start3A_80, %dma_start3A_81] : memref<10000x128xf32, #tpu.memory_space<hbm>> -> memref<10000x128xf32, #tpu.memory_space<hbm>>
    tpu.enqueue_indirect_dma source(%dma_start3A_82 : memref<10000x128xf32, #tpu.memory_space<hbm>>) target(%arg9 : memref<80x128xf32, #tpu.memory_space<vmem>>) offsets(%dma_start3A_79 : memref<80xi32, #tpu.memory_space<vmem>>) semaphore(%arg12 : memref<!tpu.dma_semaphore, #tpu.memory_space<semaphore_mem>>)
    %dma_wait3A_83 = arith.constant 0 : i32
    %dma_wait3A_84 = arith.constant 0 : i32
    %dma_wait3A_85 = tpu.memref_slice %arg6[%dma_wait3A_83, %dma_wait3A_84] : memref<64x80xi32, #tpu.memory_space<vmem>> -> memref<1x80xi32, #tpu.memory_space<vmem>>
    %dma_wait3A_86 = tpu.memref_squeeze %dma_wait3A_85 : memref<1x80xi32, #tpu.memory_space<vmem>> -> memref<80xi32, #tpu.memory_space<vmem>>
    %dma_wait3A_87 = arith.constant 0 : i32
    %dma_wait3A_88 = arith.constant 0 : i32
    %dma_wait3A_89 = tpu.memref_slice %arg2[%dma_wait3A_87, %dma_wait3A_88] : memref<10000x128xf32, #tpu.memory_space<hbm>> -> memref<10000x128xf32, #tpu.memory_space<hbm>>
    tpu.wait_indirect_dma semaphore(%arg11 : memref<!tpu.dma_semaphore, #tpu.memory_space<semaphore_mem>>) src(%dma_wait3A_89 : memref<10000x128xf32, #tpu.memory_space<hbm>>) dst(%arg8 : memref<80x128xf32, #tpu.memory_space<vmem>>)
    %dma_start3A_90 = arith.constant 0 : i32
    %dma_start3A_91 = arith.constant 0 : i32
    %dma_start3A_92 = tpu.memref_slice %arg7[%dma_start3A_90, %dma_start3A_91] : memref<64x80xi32, #tpu.memory_space<vmem>> -> memref<1x80xi32, #tpu.memory_space<vmem>>
    %dma_start3A_93 = tpu.memref_squeeze %dma_start3A_92 : memref<1x80xi32, #tpu.memory_space<vmem>> -> memref<80xi32, #tpu.memory_space<vmem>>
    %dma_start3A_94 = arith.constant 0 : i32
    %dma_start3A_95 = arith.constant 0 : i32
    %dma_start3A_96 = tpu.memref_slice %arg10[%dma_start3A_94, %dma_start3A_95] : memref<10000x128xf32, #tpu.memory_space<vmem_shared>> -> memref<10000x128xf32, #tpu.memory_space<vmem_shared>>
    tpu.enqueue_indirect_dma source(%arg8 : memref<80x128xf32, #tpu.memory_space<vmem>>) target(%dma_start3A_96 : memref<10000x128xf32, #tpu.memory_space<vmem_shared>>) offsets(%dma_start3A_93 : memref<80xi32, #tpu.memory_space<vmem>>) semaphore(%arg13 : memref<!tpu.dma_semaphore, #tpu.memory_space<semaphore_mem>>) {add = true}
    %scan3A_97 = arith.constant 0 : i32
    %scan3A_98 = arith.constant 1 : i32
    %scan3A_99 = arith.constant 59 : i32
    %scan3A_100 = arith.addi %scan3A_98, %scan3A_99 : i32
    %scan3A_101 = arith.constant 1 : i32
    scf.for %scan3A_142 = %scan3A_98 to %scan3A_100 step %scan3A_101  : i32 {
      %jit3A = arith.constant 2 : i32
      %eq3A_143 = arith.constant 0 : i32
      %eq3A_144 = arith.cmpi eq, %jit3A, %eq3A_143 : i32
      %jit3A_145 = arith.constant 1 : i32
      %select_n3A = arith.select %eq3A_144, %jit3A_145, %jit3A : i32
      %rem3A = arith.remsi %scan3A_142, %select_n3A : i32
      %ne3A = arith.constant 0 : i32
      %ne3A_146 = arith.cmpi ne, %rem3A, %ne3A : i32
      %lt3A_147 = arith.constant 0 : i32
      %lt3A_148 = arith.cmpi slt, %rem3A, %lt3A_147 : i32
      %lt3A_149 = arith.constant 0 : i32
      %lt3A_150 = arith.cmpi slt, %select_n3A, %lt3A_149 : i32
      %ne3A_151 = arith.xori %lt3A_148, %lt3A_150 : i1
      %and3A = arith.andi %ne3A_151, %ne3A_146 : i1
      %add3A_152 = arith.addi %rem3A, %select_n3A : i32
      %select_n3A_153 = arith.select %and3A, %add3A_152, %rem3A : i32
      %eq3A_154 = arith.constant 0 : i32
      %eq3A_155 = arith.cmpi eq, %select_n3A_153, %eq3A_154 : i32
      %convert_element_type3A_156 = arith.extui %eq3A_155 : i1 to i32
      %cond3A_157 = arith.constant 0 : i32
      %cond3A_158 = arith.cmpi ne, %convert_element_type3A_156, %cond3A_157 : i32
      scf.if %cond3A_158 {
        %dma_wait3A_163 = arith.constant 0 : i32
        %dma_wait3A_164 = arith.constant 0 : i32
        %dma_wait3A_165 = tpu.memref_slice %arg7[%dma_wait3A_163, %dma_wait3A_164] : memref<64x80xi32, #tpu.memory_space<vmem>> -> memref<1x80xi32, #tpu.memory_space<vmem>>
        %dma_wait3A_166 = tpu.memref_squeeze %dma_wait3A_165 : memref<1x80xi32, #tpu.memory_space<vmem>> -> memref<80xi32, #tpu.memory_space<vmem>>
        %dma_wait3A_167 = arith.constant 0 : i32
        %dma_wait3A_168 = arith.constant 0 : i32
        %dma_wait3A_169 = tpu.memref_slice %arg10[%dma_wait3A_167, %dma_wait3A_168] : memref<10000x128xf32, #tpu.memory_space<vmem_shared>> -> memref<10000x128xf32, #tpu.memory_space<vmem_shared>>
        tpu.wait_indirect_dma semaphore(%arg14 : memref<!tpu.dma_semaphore, #tpu.memory_space<semaphore_mem>>) src(%arg9 : memref<80x128xf32, #tpu.memory_space<vmem>>) dst(%dma_wait3A_169 : memref<10000x128xf32, #tpu.memory_space<vmem_shared>>)
        %add3A_170 = arith.constant 1 : i32
        %add3A_171 = arith.addi %scan3A_142, %add3A_170 : i32
        %dma_start3A_172 = arith.constant 0 : i32
        %dma_start3A_173 = tpu.memref_slice %arg6[%add3A_171, %dma_start3A_172] : memref<64x80xi32, #tpu.memory_space<vmem>> -> memref<1x80xi32, #tpu.memory_space<vmem>>
        %dma_start3A_174 = tpu.memref_squeeze %dma_start3A_173 : memref<1x80xi32, #tpu.memory_space<vmem>> -> memref<80xi32, #tpu.memory_space<vmem>>
        %dma_start3A_175 = arith.constant 0 : i32
        %dma_start3A_176 = arith.constant 0 : i32
        %dma_start3A_177 = tpu.memref_slice %arg2[%dma_start3A_175, %dma_start3A_176] : memref<10000x128xf32, #tpu.memory_space<hbm>> -> memref<10000x128xf32, #tpu.memory_space<hbm>>
        tpu.enqueue_indirect_dma source(%dma_start3A_177 : memref<10000x128xf32, #tpu.memory_space<hbm>>) target(%arg9 : memref<80x128xf32, #tpu.memory_space<vmem>>) offsets(%dma_start3A_174 : memref<80xi32, #tpu.memory_space<vmem>>) semaphore(%arg12 : memref<!tpu.dma_semaphore, #tpu.memory_space<semaphore_mem>>)
        %dma_wait3A_178 = arith.constant 0 : i32
        %dma_wait3A_179 = arith.constant 0 : i32
        %dma_wait3A_180 = tpu.memref_slice %arg6[%dma_wait3A_178, %dma_wait3A_179] : memref<64x80xi32, #tpu.memory_space<vmem>> -> memref<1x80xi32, #tpu.memory_space<vmem>>
        %dma_wait3A_181 = tpu.memref_squeeze %dma_wait3A_180 : memref<1x80xi32, #tpu.memory_space<vmem>> -> memref<80xi32, #tpu.memory_space<vmem>>
        %dma_wait3A_182 = arith.constant 0 : i32
        %dma_wait3A_183 = arith.constant 0 : i32
        %dma_wait3A_184 = tpu.memref_slice %arg2[%dma_wait3A_182, %dma_wait3A_183] : memref<10000x128xf32, #tpu.memory_space<hbm>> -> memref<10000x128xf32, #tpu.memory_space<hbm>>
        tpu.wait_indirect_dma semaphore(%arg11 : memref<!tpu.dma_semaphore, #tpu.memory_space<semaphore_mem>>) src(%dma_wait3A_184 : memref<10000x128xf32, #tpu.memory_space<hbm>>) dst(%arg8 : memref<80x128xf32, #tpu.memory_space<vmem>>)
        %dma_start3A_185 = arith.constant 0 : i32
        %dma_start3A_186 = tpu.memref_slice %arg7[%scan3A_142, %dma_start3A_185] : memref<64x80xi32, #tpu.memory_space<vmem>> -> memref<1x80xi32, #tpu.memory_space<vmem>>
        %dma_start3A_187 = tpu.memref_squeeze %dma_start3A_186 : memref<1x80xi32, #tpu.memory_space<vmem>> -> memref<80xi32, #tpu.memory_space<vmem>>
        %dma_start3A_188 = arith.constant 0 : i32
        %dma_start3A_189 = arith.constant 0 : i32
        %dma_start3A_190 = tpu.memref_slice %arg10[%dma_start3A_188, %dma_start3A_189] : memref<10000x128xf32, #tpu.memory_space<vmem_shared>> -> memref<10000x128xf32, #tpu.memory_space<vmem_shared>>
        tpu.enqueue_indirect_dma source(%arg8 : memref<80x128xf32, #tpu.memory_space<vmem>>) target(%dma_start3A_190 : memref<10000x128xf32, #tpu.memory_space<vmem_shared>>) offsets(%dma_start3A_187 : memref<80xi32, #tpu.memory_space<vmem>>) semaphore(%arg13 : memref<!tpu.dma_semaphore, #tpu.memory_space<semaphore_mem>>) {add = true}
      } else {
      }
      %not3A = arith.constant true
      %not3A_159 = arith.xori %eq3A_155, %not3A : i1
      %convert_element_type3A_160 = arith.extui %not3A_159 : i1 to i32
      %cond3A_161 = arith.constant 0 : i32
      %cond3A_162 = arith.cmpi ne, %convert_element_type3A_160, %cond3A_161 : i32
      scf.if %cond3A_162 {
        %dma_wait3A_163 = arith.constant 0 : i32
        %dma_wait3A_164 = arith.constant 0 : i32
        %dma_wait3A_165 = tpu.memref_slice %arg7[%dma_wait3A_163, %dma_wait3A_164] : memref<64x80xi32, #tpu.memory_space<vmem>> -> memref<1x80xi32, #tpu.memory_space<vmem>>
        %dma_wait3A_166 = tpu.memref_squeeze %dma_wait3A_165 : memref<1x80xi32, #tpu.memory_space<vmem>> -> memref<80xi32, #tpu.memory_space<vmem>>
        %dma_wait3A_167 = arith.constant 0 : i32
        %dma_wait3A_168 = arith.constant 0 : i32
        %dma_wait3A_169 = tpu.memref_slice %arg10[%dma_wait3A_167, %dma_wait3A_168] : memref<10000x128xf32, #tpu.memory_space<vmem_shared>> -> memref<10000x128xf32, #tpu.memory_space<vmem_shared>>
        tpu.wait_indirect_dma semaphore(%arg13 : memref<!tpu.dma_semaphore, #tpu.memory_space<semaphore_mem>>) src(%arg8 : memref<80x128xf32, #tpu.memory_space<vmem>>) dst(%dma_wait3A_169 : memref<10000x128xf32, #tpu.memory_space<vmem_shared>>)
        %add3A_170 = arith.constant 1 : i32
        %add3A_171 = arith.addi %scan3A_142, %add3A_170 : i32
        %dma_start3A_172 = arith.constant 0 : i32
        %dma_start3A_173 = tpu.memref_slice %arg6[%add3A_171, %dma_start3A_172] : memref<64x80xi32, #tpu.memory_space<vmem>> -> memref<1x80xi32, #tpu.memory_space<vmem>>
        %dma_start3A_174 = tpu.memref_squeeze %dma_start3A_173 : memref<1x80xi32, #tpu.memory_space<vmem>> -> memref<80xi32, #tpu.memory_space<vmem>>
        %dma_start3A_175 = arith.constant 0 : i32
        %dma_start3A_176 = arith.constant 0 : i32
        %dma_start3A_177 = tpu.memref_slice %arg2[%dma_start3A_175, %dma_start3A_176] : memref<10000x128xf32, #tpu.memory_space<hbm>> -> memref<10000x128xf32, #tpu.memory_space<hbm>>
        tpu.enqueue_indirect_dma source(%dma_start3A_177 : memref<10000x128xf32, #tpu.memory_space<hbm>>) target(%arg8 : memref<80x128xf32, #tpu.memory_space<vmem>>) offsets(%dma_start3A_174 : memref<80xi32, #tpu.memory_space<vmem>>) semaphore(%arg11 : memref<!tpu.dma_semaphore, #tpu.memory_space<semaphore_mem>>)
        %dma_wait3A_178 = arith.constant 0 : i32
        %dma_wait3A_179 = arith.constant 0 : i32
        %dma_wait3A_180 = tpu.memref_slice %arg6[%dma_wait3A_178, %dma_wait3A_179] : memref<64x80xi32, #tpu.memory_space<vmem>> -> memref<1x80xi32, #tpu.memory_space<vmem>>
        %dma_wait3A_181 = tpu.memref_squeeze %dma_wait3A_180 : memref<1x80xi32, #tpu.memory_space<vmem>> -> memref<80xi32, #tpu.memory_space<vmem>>
        %dma_wait3A_182 = arith.constant 0 : i32
        %dma_wait3A_183 = arith.constant 0 : i32
        %dma_wait3A_184 = tpu.memref_slice %arg2[%dma_wait3A_182, %dma_wait3A_183] : memref<10000x128xf32, #tpu.memory_space<hbm>> -> memref<10000x128xf32, #tpu.memory_space<hbm>>
        tpu.wait_indirect_dma semaphore(%arg12 : memref<!tpu.dma_semaphore, #tpu.memory_space<semaphore_mem>>) src(%dma_wait3A_184 : memref<10000x128xf32, #tpu.memory_space<hbm>>) dst(%arg9 : memref<80x128xf32, #tpu.memory_space<vmem>>)
        %dma_start3A_185 = arith.constant 0 : i32
        %dma_start3A_186 = tpu.memref_slice %arg7[%scan3A_142, %dma_start3A_185] : memref<64x80xi32, #tpu.memory_space<vmem>> -> memref<1x80xi32, #tpu.memory_space<vmem>>
        %dma_start3A_187 = tpu.memref_squeeze %dma_start3A_186 : memref<1x80xi32, #tpu.memory_space<vmem>> -> memref<80xi32, #tpu.memory_space<vmem>>
        %dma_start3A_188 = arith.constant 0 : i32
        %dma_start3A_189 = arith.constant 0 : i32
        %dma_start3A_190 = tpu.memref_slice %arg10[%dma_start3A_188, %dma_start3A_189] : memref<10000x128xf32, #tpu.memory_space<vmem_shared>> -> memref<10000x128xf32, #tpu.memory_space<vmem_shared>>
        tpu.enqueue_indirect_dma source(%arg9 : memref<80x128xf32, #tpu.memory_space<vmem>>) target(%dma_start3A_190 : memref<10000x128xf32, #tpu.memory_space<vmem_shared>>) offsets(%dma_start3A_187 : memref<80xi32, #tpu.memory_space<vmem>>) semaphore(%arg14 : memref<!tpu.dma_semaphore, #tpu.memory_space<semaphore_mem>>) {add = true}
      } else {
      }
    }
    %scan3A_102 = arith.constant 59 : i32
    %dma_wait3A_103 = arith.constant 0 : i32
    %dma_wait3A_104 = arith.constant 0 : i32
    %dma_wait3A_105 = tpu.memref_slice %arg6[%dma_wait3A_103, %dma_wait3A_104] : memref<64x80xi32, #tpu.memory_space<vmem>> -> memref<1x80xi32, #tpu.memory_space<vmem>>
    %dma_wait3A_106 = tpu.memref_squeeze %dma_wait3A_105 : memref<1x80xi32, #tpu.memory_space<vmem>> -> memref<80xi32, #tpu.memory_space<vmem>>
    %dma_wait3A_107 = arith.constant 0 : i32
    %dma_wait3A_108 = arith.constant 0 : i32
    %dma_wait3A_109 = tpu.memref_slice %arg2[%dma_wait3A_107, %dma_wait3A_108] : memref<10000x128xf32, #tpu.memory_space<hbm>> -> memref<10000x128xf32, #tpu.memory_space<hbm>>
    tpu.wait_indirect_dma semaphore(%arg11 : memref<!tpu.dma_semaphore, #tpu.memory_space<semaphore_mem>>) src(%dma_wait3A_109 : memref<10000x128xf32, #tpu.memory_space<hbm>>) dst(%arg8 : memref<80x128xf32, #tpu.memory_space<vmem>>)
    %dma_start3A_110 = arith.constant 60 : i32
    %dma_start3A_111 = arith.constant 0 : i32
    %dma_start3A_112 = tpu.memref_slice %arg7[%dma_start3A_110, %dma_start3A_111] : memref<64x80xi32, #tpu.memory_space<vmem>> -> memref<1x80xi32, #tpu.memory_space<vmem>>
    %dma_start3A_113 = tpu.memref_squeeze %dma_start3A_112 : memref<1x80xi32, #tpu.memory_space<vmem>> -> memref<80xi32, #tpu.memory_space<vmem>>
    %dma_start3A_114 = arith.constant 0 : i32
    %dma_start3A_115 = arith.constant 0 : i32
    %dma_start3A_116 = tpu.memref_slice %arg10[%dma_start3A_114, %dma_start3A_115] : memref<10000x128xf32, #tpu.memory_space<vmem_shared>> -> memref<10000x128xf32, #tpu.memory_space<vmem_shared>>
    tpu.enqueue_indirect_dma source(%arg8 : memref<80x128xf32, #tpu.memory_space<vmem>>) target(%dma_start3A_116 : memref<10000x128xf32, #tpu.memory_space<vmem_shared>>) offsets(%dma_start3A_113 : memref<80xi32, #tpu.memory_space<vmem>>) semaphore(%arg13 : memref<!tpu.dma_semaphore, #tpu.memory_space<semaphore_mem>>) {add = true}
    %dma_wait3A_117 = arith.constant 0 : i32
    %dma_wait3A_118 = arith.constant 0 : i32
    %dma_wait3A_119 = tpu.memref_slice %arg7[%dma_wait3A_117, %dma_wait3A_118] : memref<64x80xi32, #tpu.memory_space<vmem>> -> memref<1x80xi32, #tpu.memory_space<vmem>>
    %dma_wait3A_120 = tpu.memref_squeeze %dma_wait3A_119 : memref<1x80xi32, #tpu.memory_space<vmem>> -> memref<80xi32, #tpu.memory_space<vmem>>
    %dma_wait3A_121 = arith.constant 0 : i32
    %dma_wait3A_122 = arith.constant 0 : i32
    %dma_wait3A_123 = tpu.memref_slice %arg10[%dma_wait3A_121, %dma_wait3A_122] : memref<10000x128xf32, #tpu.memory_space<vmem_shared>> -> memref<10000x128xf32, #tpu.memory_space<vmem_shared>>
    tpu.wait_indirect_dma semaphore(%arg14 : memref<!tpu.dma_semaphore, #tpu.memory_space<semaphore_mem>>) src(%arg9 : memref<80x128xf32, #tpu.memory_space<vmem>>) dst(%dma_wait3A_123 : memref<10000x128xf32, #tpu.memory_space<vmem_shared>>)
    %dma_wait3A_124 = arith.constant 0 : i32
    %dma_wait3A_125 = arith.constant 0 : i32
    %dma_wait3A_126 = tpu.memref_slice %arg7[%dma_wait3A_124, %dma_wait3A_125] : memref<64x80xi32, #tpu.memory_space<vmem>> -> memref<1x80xi32, #tpu.memory_space<vmem>>
    %dma_wait3A_127 = tpu.memref_squeeze %dma_wait3A_126 : memref<1x80xi32, #tpu.memory_space<vmem>> -> memref<80xi32, #tpu.memory_space<vmem>>
    %dma_wait3A_128 = arith.constant 0 : i32
    %dma_wait3A_129 = arith.constant 0 : i32
    %dma_wait3A_130 = tpu.memref_slice %arg10[%dma_wait3A_128, %dma_wait3A_129] : memref<10000x128xf32, #tpu.memory_space<vmem_shared>> -> memref<10000x128xf32, #tpu.memory_space<vmem_shared>>
    tpu.wait_indirect_dma semaphore(%arg13 : memref<!tpu.dma_semaphore, #tpu.memory_space<semaphore_mem>>) src(%arg8 : memref<80x128xf32, #tpu.memory_space<vmem>>) dst(%dma_wait3A_130 : memref<10000x128xf32, #tpu.memory_space<vmem_shared>>)
    %barrier3A_131 = arith.constant 0 : index
    tpu.barrier barrier_id(%barrier3A_131)
    %lt3A_132 = arith.constant 15 : i32
    %lt3A_133 = arith.cmpi slt, %arg1, %lt3A_132 : i32
    %convert_element_type3A_134 = arith.extui %lt3A_133 : i1 to i32
    %cond3A_135 = arith.constant 0 : i32
    %cond3A_136 = arith.cmpi ne, %convert_element_type3A_134, %cond3A_135 : i32
    scf.if %cond3A_136 {
      %mul3A_142 = arith.constant 640 : i32
      %mul3A_143 = arith.muli %arg1, %mul3A_142 : i32
      %mul3A_144 = arith.constant 640 : i32
      %mul3A_145 = arith.muli %arg1, %mul3A_144 : i32
      "tpu.region"() ({
        %run_scoped3A_146 = tpu.sem_alloc : memref<!tpu.dma_semaphore, #tpu.memory_space<semaphore_mem>>
        %dma_start3A_147 = arith.constant 0 : i32
        %dma_start3A_148 = tpu.memref_slice %arg5[%arg0, %mul3A_145, %dma_start3A_147] : memref<2x10000x128xf32, #tpu.memory_space<hbm>> -> memref<1x640x128xf32, #tpu.memory_space<hbm>>
        %dma_start3A_149 = tpu.memref_squeeze %dma_start3A_148 : memref<1x640x128xf32, #tpu.memory_space<hbm>> -> memref<640x128xf32, #tpu.memory_space<hbm>>
        %dma_start3A_150 = arith.constant 0 : i32
        %dma_start3A_151 = tpu.memref_slice %arg10[%mul3A_143, %dma_start3A_150] : memref<10000x128xf32, #tpu.memory_space<vmem_shared>> -> memref<640x128xf32, #tpu.memory_space<vmem_shared>>
        tpu.enqueue_dma source(%dma_start3A_151 : memref<640x128xf32, #tpu.memory_space<vmem_shared>>) target(%dma_start3A_149 : memref<640x128xf32, #tpu.memory_space<hbm>>) target_semaphore(%run_scoped3A_146 : memref<!tpu.dma_semaphore, #tpu.memory_space<semaphore_mem>>)
        %dma_wait3A_152 = arith.constant 0 : i32
        %dma_wait3A_153 = tpu.memref_slice %arg5[%arg0, %mul3A_145, %dma_wait3A_152] : memref<2x10000x128xf32, #tpu.memory_space<hbm>> -> memref<1x640x128xf32, #tpu.memory_space<hbm>>
        %dma_wait3A_154 = tpu.memref_squeeze %dma_wait3A_153 : memref<1x640x128xf32, #tpu.memory_space<hbm>> -> memref<640x128xf32, #tpu.memory_space<hbm>>
        %dma_wait3A_155 = arith.constant 0 : i32
        %dma_wait3A_156 = tpu.memref_slice %arg10[%mul3A_143, %dma_wait3A_155] : memref<10000x128xf32, #tpu.memory_space<vmem_shared>> -> memref<640x128xf32, #tpu.memory_space<vmem_shared>>
        tpu.wait_dma2 semaphore(%run_scoped3A_146 : memref<!tpu.dma_semaphore, #tpu.memory_space<semaphore_mem>>) src(%dma_wait3A_156 : memref<640x128xf32, #tpu.memory_space<vmem_shared>>) dst(%dma_wait3A_154 : memref<640x128xf32, #tpu.memory_space<hbm>>)
        tpu.yield
      }) : () -> ()
    } else {
    }
    %eq3A_137 = arith.constant 15 : i32
    %eq3A_138 = arith.cmpi eq, %arg1, %eq3A_137 : i32
    %convert_element_type3A_139 = arith.extui %eq3A_138 : i1 to i32
    %cond3A_140 = arith.constant 0 : i32
    %cond3A_141 = arith.cmpi ne, %convert_element_type3A_139, %cond3A_140 : i32
    scf.if %cond3A_141 {
      "tpu.region"() ({
        %run_scoped3A_142 = tpu.sem_alloc : memref<!tpu.dma_semaphore, #tpu.memory_space<semaphore_mem>>
        %dma_start3A_143 = arith.constant 9600 : i32
        %dma_start3A_144 = arith.constant 0 : i32
        %dma_start3A_145 = tpu.memref_slice %arg5[%arg0, %dma_start3A_143, %dma_start3A_144] : memref<2x10000x128xf32, #tpu.memory_space<hbm>> -> memref<1x400x128xf32, #tpu.memory_space<hbm>>
        %dma_start3A_146 = tpu.memref_squeeze %dma_start3A_145 : memref<1x400x128xf32, #tpu.memory_space<hbm>> -> memref<400x128xf32, #tpu.memory_space<hbm>>
        %dma_start3A_147 = arith.constant 9600 : i32
        %dma_start3A_148 = arith.constant 0 : i32
        %dma_start3A_149 = tpu.memref_slice %arg10[%dma_start3A_147, %dma_start3A_148] : memref<10000x128xf32, #tpu.memory_space<vmem_shared>> -> memref<400x128xf32, #tpu.memory_space<vmem_shared>>
        tpu.enqueue_dma source(%dma_start3A_149 : memref<400x128xf32, #tpu.memory_space<vmem_shared>>) target(%dma_start3A_146 : memref<400x128xf32, #tpu.memory_space<hbm>>) target_semaphore(%run_scoped3A_142 : memref<!tpu.dma_semaphore, #tpu.memory_space<semaphore_mem>>)
        %dma_wait3A_150 = arith.constant 9600 : i32
        %dma_wait3A_151 = arith.constant 0 : i32
        %dma_wait3A_152 = tpu.memref_slice %arg5[%arg0, %dma_wait3A_150, %dma_wait3A_151] : memref<2x10000x128xf32, #tpu.memory_space<hbm>> -> memref<1x400x128xf32, #tpu.memory_space<hbm>>
        %dma_wait3A_153 = tpu.memref_squeeze %dma_wait3A_152 : memref<1x400x128xf32, #tpu.memory_space<hbm>> -> memref<400x128xf32, #tpu.memory_space<hbm>>
        %dma_wait3A_154 = arith.constant 9600 : i32
        %dma_wait3A_155 = arith.constant 0 : i32
        %dma_wait3A_156 = tpu.memref_slice %arg10[%dma_wait3A_154, %dma_wait3A_155] : memref<10000x128xf32, #tpu.memory_space<vmem_shared>> -> memref<400x128xf32, #tpu.memory_space<vmem_shared>>
        tpu.wait_dma2 semaphore(%run_scoped3A_142 : memref<!tpu.dma_semaphore, #tpu.memory_space<semaphore_mem>>) src(%dma_wait3A_156 : memref<400x128xf32, #tpu.memory_space<vmem_shared>>) dst(%dma_wait3A_153 : memref<400x128xf32, #tpu.memory_space<hbm>>)
        tpu.yield
      }) : () -> ()
    } else {
    }
    return
  }
}

module attributes {stable_mosaic.version = 14 : i64} {
  func.func @_dense_mid_body(%arg0: memref<2x10000x128xf32, #tpu.memory_space<vmem>>, %arg1: memref<10000x128xf32, #tpu.memory_space<vmem>>, %arg2: memref<2x10000x8xf32, #tpu.memory_space<vmem>>, %arg3: memref<1x128xf32, #tpu.memory_space<vmem>>, %arg4: memref<1x128xf32, #tpu.memory_space<vmem>>, %arg5: memref<128x128xf32, #tpu.memory_space<vmem>>, %arg6: memref<1x128xf32, #tpu.memory_space<vmem>>, %arg7: memref<10000x128xf32, #tpu.memory_space<vmem>>) attributes {dimension_semantics = [], scalar_prefetch = 0 : i64, scratch_operands = 0 : i64, tpu.core_type = #tpu.core_type<tc>} {
    %get3A = arith.constant 0 : index
    %get3A_0 = arith.constant 0 : index
    %get3A_1 = arith.constant 0 : index
    %get3A_2 = vector.load %arg2[%get3A, %get3A_0, %get3A_1] : memref<2x10000x8xf32, #tpu.memory_space<vmem>>, vector<1x10000x1xf32>
    %get3A_3 = vector.shape_cast %get3A_2 : vector<1x10000x1xf32> to vector<10000x1xf32>
    %get3A_4 = arith.constant 1 : index
    %get3A_5 = arith.constant 0 : index
    %get3A_6 = arith.constant 0 : index
    %get3A_7 = vector.load %arg2[%get3A_4, %get3A_5, %get3A_6] : memref<2x10000x8xf32, #tpu.memory_space<vmem>>, vector<1x10000x1xf32>
    %get3A_8 = vector.shape_cast %get3A_7 : vector<1x10000x1xf32> to vector<10000x1xf32>
    %add3A = arith.addf %get3A_3, %get3A_8 : vector<10000x1xf32>
    %add3A_9 = arith.constant 1.000000e+00 : f32
    %add3A_10 = vector.broadcast %add3A_9 : f32 to vector<10000x1xf32>
    %add3A_11 = arith.addf %add3A, %add3A_10 : vector<10000x1xf32>
    %rsqrt3A = math.rsqrt %add3A_11 : vector<10000x1xf32>
    %get3A_12 = arith.constant 0 : index
    %get3A_13 = arith.constant 0 : index
    %get3A_14 = arith.constant 0 : index
    %get3A_15 = vector.load %arg0[%get3A_12, %get3A_13, %get3A_14] : memref<2x10000x128xf32, #tpu.memory_space<vmem>>, vector<1x10000x128xf32>
    %get3A_16 = vector.shape_cast %get3A_15 : vector<1x10000x128xf32> to vector<10000x128xf32>
    %get3A_17 = arith.constant 1 : index
    %get3A_18 = arith.constant 0 : index
    %get3A_19 = arith.constant 0 : index
    %get3A_20 = vector.load %arg0[%get3A_17, %get3A_18, %get3A_19] : memref<2x10000x128xf32, #tpu.memory_space<vmem>>, vector<1x10000x128xf32>
    %get3A_21 = vector.shape_cast %get3A_20 : vector<1x10000x128xf32> to vector<10000x128xf32>
    %add3A_22 = arith.addf %get3A_16, %get3A_21 : vector<10000x128xf32>
    %get3A_23 = arith.constant 0 : index
    %get3A_24 = arith.constant 0 : index
    %get3A_25 = vector.load %arg1[%get3A_23, %get3A_24] : memref<10000x128xf32, #tpu.memory_space<vmem>>, vector<10000x128xf32>
    %add3A_26 = arith.addf %add3A_22, %get3A_25 : vector<10000x128xf32>
    %mul3A = vector.broadcast %rsqrt3A : vector<10000x1xf32> to vector<10000x128xf32>
    %mul3A_27 = arith.mulf %add3A_26, %mul3A : vector<10000x128xf32>
    %reduce_sum3A = arith.constant dense<0.000000e+00> : vector<128xf32>
    %reduce_sum3A_28 = vector.multi_reduction <add>, %mul3A_27, %reduce_sum3A [0] : vector<10000x128xf32> to vector<128xf32>
    %broadcast_in_dim3A = vector.shape_cast %reduce_sum3A_28 : vector<128xf32> to vector<1x128xf32>
    %div3A = arith.constant 1.000000e+04 : f32
    %div3A_29 = vector.broadcast %div3A : f32 to vector<1x128xf32>
    %div3A_30 = arith.divf %broadcast_in_dim3A, %div3A_29 : vector<1x128xf32>
    %sub3A = vector.broadcast %div3A_30 : vector<1x128xf32> to vector<10000x128xf32>
    %sub3A_31 = arith.subf %mul3A_27, %sub3A : vector<10000x128xf32>
    %integer_pow3A = arith.mulf %sub3A_31, %sub3A_31 : vector<10000x128xf32>
    %reduce_sum3A_32 = arith.constant dense<0.000000e+00> : vector<128xf32>
    %reduce_sum3A_33 = vector.multi_reduction <add>, %integer_pow3A, %reduce_sum3A_32 [0] : vector<10000x128xf32> to vector<128xf32>
    %broadcast_in_dim3A_34 = vector.shape_cast %reduce_sum3A_33 : vector<128xf32> to vector<1x128xf32>
    %div3A_35 = arith.constant 1.000000e+04 : f32
    %div3A_36 = vector.broadcast %div3A_35 : f32 to vector<1x128xf32>
    %div3A_37 = arith.divf %broadcast_in_dim3A_34, %div3A_36 : vector<1x128xf32>
    %sub3A_38 = vector.broadcast %div3A_30 : vector<1x128xf32> to vector<10000x128xf32>
    %sub3A_39 = arith.subf %mul3A_27, %sub3A_38 : vector<10000x128xf32>
    %add3A_40 = arith.constant 9.99999974E-6 : f32
    %add3A_41 = vector.broadcast %add3A_40 : f32 to vector<1x128xf32>
    %add3A_42 = arith.addf %div3A_37, %add3A_41 : vector<1x128xf32>
    %rsqrt3A_43 = math.rsqrt %add3A_42 : vector<1x128xf32>
    %mul3A_44 = vector.broadcast %rsqrt3A_43 : vector<1x128xf32> to vector<10000x128xf32>
    %mul3A_45 = arith.mulf %sub3A_39, %mul3A_44 : vector<10000x128xf32>
    %get3A_46 = arith.constant 0 : index
    %get3A_47 = arith.constant 0 : index
    %get3A_48 = vector.load %arg3[%get3A_46, %get3A_47] : memref<1x128xf32, #tpu.memory_space<vmem>>, vector<1x128xf32>
    %mul3A_49 = vector.broadcast %get3A_48 : vector<1x128xf32> to vector<10000x128xf32>
    %mul3A_50 = arith.mulf %mul3A_45, %mul3A_49 : vector<10000x128xf32>
    %get3A_51 = arith.constant 0 : index
    %get3A_52 = arith.constant 0 : index
    %get3A_53 = vector.load %arg4[%get3A_51, %get3A_52] : memref<1x128xf32, #tpu.memory_space<vmem>>, vector<1x128xf32>
    %add3A_54 = vector.broadcast %get3A_53 : vector<1x128xf32> to vector<10000x128xf32>
    %add3A_55 = arith.addf %mul3A_50, %add3A_54 : vector<10000x128xf32>
    %max3A = arith.constant 0.000000e+00 : f32
    %max3A_56 = vector.broadcast %max3A : f32 to vector<10000x128xf32>
    %max3A_57 = arith.maximumf %add3A_55, %max3A_56 : vector<10000x128xf32>
    %get3A_58 = arith.constant 0 : index
    %get3A_59 = arith.constant 0 : index
    %get3A_60 = vector.load %arg5[%get3A_58, %get3A_59] : memref<128x128xf32, #tpu.memory_space<vmem>>, vector<128x128xf32>
    %dot_general3A = arith.constant dense<0.000000e+00> : vector<10000x128xf32>
    %dot_general3A_61 = tpu.matmul %max3A_57, %get3A_60, %dot_general3A {dimension_numbers = #tpu.dot_dimension_numbers<[1], [0], [0], [1], [0, 0, 1, 1], [], []>, transpose_lhs_hint = false} : vector<10000x128xf32>, vector<128x128xf32>, vector<10000x128xf32> -> vector<10000x128xf32>
    %get3A_62 = arith.constant 0 : index
    %get3A_63 = arith.constant 0 : index
    %get3A_64 = vector.load %arg6[%get3A_62, %get3A_63] : memref<1x128xf32, #tpu.memory_space<vmem>>, vector<1x128xf32>
    %add3A_65 = vector.broadcast %get3A_64 : vector<1x128xf32> to vector<10000x128xf32>
    %add3A_66 = arith.addf %dot_general3A_61, %add3A_65 : vector<10000x128xf32>
    %mul3A_67 = vector.broadcast %rsqrt3A : vector<10000x1xf32> to vector<10000x128xf32>
    %mul3A_68 = arith.mulf %add3A_66, %mul3A_67 : vector<10000x128xf32>
    %swap3A = arith.constant 0 : index
    %swap3A_69 = arith.constant 0 : index
    %swap3A_70 = vector.load %arg7[%swap3A, %swap3A_69] : memref<10000x128xf32, #tpu.memory_space<vmem>>, vector<10000x128xf32>
    tpu.vector_store %arg7[%swap3A, %swap3A_69], %mul3A_68 {strides = array<i32>} : memref<10000x128xf32, #tpu.memory_space<vmem>>, vector<10000x128xf32>,
    return
  }
}

module attributes {stable_mosaic.version = 14 : i64} {
  func.func @_dense_in_body(%arg0: memref<2x10000x8xf32, #tpu.memory_space<vmem>>, %arg1: memref<10000x128xf32, #tpu.memory_space<vmem>>, %arg2: memref<128x128xf32, #tpu.memory_space<vmem>>, %arg3: memref<1x128xf32, #tpu.memory_space<vmem>>, %arg4: memref<10000x128xf32, #tpu.memory_space<vmem>>) attributes {dimension_semantics = [], scalar_prefetch = 0 : i64, scratch_operands = 0 : i64, tpu.core_type = #tpu.core_type<tc>} {
    %get3A = arith.constant 0 : index
    %get3A_0 = arith.constant 0 : index
    %get3A_1 = vector.load %arg1[%get3A, %get3A_0] : memref<10000x128xf32, #tpu.memory_space<vmem>>, vector<10000x128xf32>
    %get3A_2 = arith.constant 0 : index
    %get3A_3 = arith.constant 0 : index
    %get3A_4 = vector.load %arg2[%get3A_2, %get3A_3] : memref<128x128xf32, #tpu.memory_space<vmem>>, vector<128x128xf32>
    %dot_general3A = arith.constant dense<0.000000e+00> : vector<10000x128xf32>
    %dot_general3A_5 = tpu.matmul %get3A_1, %get3A_4, %dot_general3A {dimension_numbers = #tpu.dot_dimension_numbers<[1], [0], [0], [1], [0, 0, 1, 1], [], []>, transpose_lhs_hint = false} : vector<10000x128xf32>, vector<128x128xf32>, vector<10000x128xf32> -> vector<10000x128xf32>
    %get3A_6 = arith.constant 0 : index
    %get3A_7 = arith.constant 0 : index
    %get3A_8 = vector.load %arg3[%get3A_6, %get3A_7] : memref<1x128xf32, #tpu.memory_space<vmem>>, vector<1x128xf32>
    %add3A = vector.broadcast %get3A_8 : vector<1x128xf32> to vector<10000x128xf32>
    %add3A_9 = arith.addf %dot_general3A_5, %add3A : vector<10000x128xf32>
    %get3A_10 = arith.constant 0 : index
    %get3A_11 = arith.constant 0 : index
    %get3A_12 = arith.constant 0 : index
    %get3A_13 = vector.load %arg0[%get3A_10, %get3A_11, %get3A_12] : memref<2x10000x8xf32, #tpu.memory_space<vmem>>, vector<1x10000x1xf32>
    %get3A_14 = vector.shape_cast %get3A_13 : vector<1x10000x1xf32> to vector<10000x1xf32>
    %get3A_15 = arith.constant 1 : index
    %get3A_16 = arith.constant 0 : index
    %get3A_17 = arith.constant 0 : index
    %get3A_18 = vector.load %arg0[%get3A_15, %get3A_16, %get3A_17] : memref<2x10000x8xf32, #tpu.memory_space<vmem>>, vector<1x10000x1xf32>
    %get3A_19 = vector.shape_cast %get3A_18 : vector<1x10000x1xf32> to vector<10000x1xf32>
    %add3A_20 = arith.addf %get3A_14, %get3A_19 : vector<10000x1xf32>
    %add3A_21 = arith.constant 1.000000e+00 : f32
    %add3A_22 = vector.broadcast %add3A_21 : f32 to vector<10000x1xf32>
    %add3A_23 = arith.addf %add3A_20, %add3A_22 : vector<10000x1xf32>
    %rsqrt3A = math.rsqrt %add3A_23 : vector<10000x1xf32>
    %mul3A = vector.broadcast %rsqrt3A : vector<10000x1xf32> to vector<10000x128xf32>
    %mul3A_24 = arith.mulf %add3A_9, %mul3A : vector<10000x128xf32>
    %swap3A = arith.constant 0 : index
    %swap3A_25 = arith.constant 0 : index
    %swap3A_26 = vector.load %arg4[%swap3A, %swap3A_25] : memref<10000x128xf32, #tpu.memory_space<vmem>>, vector<10000x128xf32>
    tpu.vector_store %arg4[%swap3A, %swap3A_25], %mul3A_24 {strides = array<i32>} : memref<10000x128xf32, #tpu.memory_space<vmem>>, vector<10000x128xf32>,
    return
  }
}

module attributes {stable_mosaic.version = 14 : i64} {
  func.func @_dense_out_body(%arg0: memref<2x10000x128xf32, #tpu.memory_space<vmem>>, %arg1: memref<10000x128xf32, #tpu.memory_space<vmem>>, %arg2: memref<2x10000x8xf32, #tpu.memory_space<vmem>>, %arg3: memref<1x128xf32, #tpu.memory_space<vmem>>, %arg4: memref<1x128xf32, #tpu.memory_space<vmem>>, %arg5: memref<1x10000xi32, #tpu.memory_space<vmem>>, %arg6: memref<128x128xf32, #tpu.memory_space<vmem>>, %arg7: memref<1x128xf32, #tpu.memory_space<vmem>>, %arg8: memref<128x10xf32, #tpu.memory_space<vmem>>, %arg9: memref<1x10xf32, #tpu.memory_space<vmem>>, %arg10: memref<64x10xf32, #tpu.memory_space<vmem>>) attributes {dimension_semantics = [], scalar_prefetch = 0 : i64, scratch_operands = 0 : i64, tpu.core_type = #tpu.core_type<tc>} {
    %get3A = arith.constant 0 : index
    %get3A_0 = arith.constant 0 : index
    %get3A_1 = arith.constant 0 : index
    %get3A_2 = vector.load %arg0[%get3A, %get3A_0, %get3A_1] : memref<2x10000x128xf32, #tpu.memory_space<vmem>>, vector<1x10000x128xf32>
    %get3A_3 = vector.shape_cast %get3A_2 : vector<1x10000x128xf32> to vector<10000x128xf32>
    %get3A_4 = arith.constant 1 : index
    %get3A_5 = arith.constant 0 : index
    %get3A_6 = arith.constant 0 : index
    %get3A_7 = vector.load %arg0[%get3A_4, %get3A_5, %get3A_6] : memref<2x10000x128xf32, #tpu.memory_space<vmem>>, vector<1x10000x128xf32>
    %get3A_8 = vector.shape_cast %get3A_7 : vector<1x10000x128xf32> to vector<10000x128xf32>
    %add3A = arith.addf %get3A_3, %get3A_8 : vector<10000x128xf32>
    %get3A_9 = arith.constant 0 : index
    %get3A_10 = arith.constant 0 : index
    %get3A_11 = vector.load %arg1[%get3A_9, %get3A_10] : memref<10000x128xf32, #tpu.memory_space<vmem>>, vector<10000x128xf32>
    %add3A_12 = arith.addf %add3A, %get3A_11 : vector<10000x128xf32>
    %get3A_13 = arith.constant 0 : index
    %get3A_14 = arith.constant 0 : index
    %get3A_15 = arith.constant 0 : index
    %get3A_16 = vector.load %arg2[%get3A_13, %get3A_14, %get3A_15] : memref<2x10000x8xf32, #tpu.memory_space<vmem>>, vector<1x10000x1xf32>
    %get3A_17 = vector.shape_cast %get3A_16 : vector<1x10000x1xf32> to vector<10000x1xf32>
    %get3A_18 = arith.constant 1 : index
    %get3A_19 = arith.constant 0 : index
    %get3A_20 = arith.constant 0 : index
    %get3A_21 = vector.load %arg2[%get3A_18, %get3A_19, %get3A_20] : memref<2x10000x8xf32, #tpu.memory_space<vmem>>, vector<1x10000x1xf32>
    %get3A_22 = vector.shape_cast %get3A_21 : vector<1x10000x1xf32> to vector<10000x1xf32>
    %add3A_23 = arith.addf %get3A_17, %get3A_22 : vector<10000x1xf32>
    %add3A_24 = arith.constant 1.000000e+00 : f32
    %add3A_25 = vector.broadcast %add3A_24 : f32 to vector<10000x1xf32>
    %add3A_26 = arith.addf %add3A_23, %add3A_25 : vector<10000x1xf32>
    %rsqrt3A = math.rsqrt %add3A_26 : vector<10000x1xf32>
    %mul3A = vector.broadcast %rsqrt3A : vector<10000x1xf32> to vector<10000x128xf32>
    %mul3A_27 = arith.mulf %add3A_12, %mul3A : vector<10000x128xf32>
    %reduce_sum3A = arith.constant dense<0.000000e+00> : vector<128xf32>
    %reduce_sum3A_28 = vector.multi_reduction <add>, %mul3A_27, %reduce_sum3A [0] : vector<10000x128xf32> to vector<128xf32>
    %broadcast_in_dim3A = vector.shape_cast %reduce_sum3A_28 : vector<128xf32> to vector<1x128xf32>
    %div3A = arith.constant 1.000000e+04 : f32
    %div3A_29 = vector.broadcast %div3A : f32 to vector<1x128xf32>
    %div3A_30 = arith.divf %broadcast_in_dim3A, %div3A_29 : vector<1x128xf32>
    %sub3A = vector.broadcast %div3A_30 : vector<1x128xf32> to vector<10000x128xf32>
    %sub3A_31 = arith.subf %mul3A_27, %sub3A : vector<10000x128xf32>
    %integer_pow3A = arith.mulf %sub3A_31, %sub3A_31 : vector<10000x128xf32>
    %reduce_sum3A_32 = arith.constant dense<0.000000e+00> : vector<128xf32>
    %reduce_sum3A_33 = vector.multi_reduction <add>, %integer_pow3A, %reduce_sum3A_32 [0] : vector<10000x128xf32> to vector<128xf32>
    %broadcast_in_dim3A_34 = vector.shape_cast %reduce_sum3A_33 : vector<128xf32> to vector<1x128xf32>
    %div3A_35 = arith.constant 1.000000e+04 : f32
    %div3A_36 = vector.broadcast %div3A_35 : f32 to vector<1x128xf32>
    %div3A_37 = arith.divf %broadcast_in_dim3A_34, %div3A_36 : vector<1x128xf32>
    %sub3A_38 = vector.broadcast %div3A_30 : vector<1x128xf32> to vector<10000x128xf32>
    %sub3A_39 = arith.subf %mul3A_27, %sub3A_38 : vector<10000x128xf32>
    %add3A_40 = arith.constant 9.99999974E-6 : f32
    %add3A_41 = vector.broadcast %add3A_40 : f32 to vector<1x128xf32>
    %add3A_42 = arith.addf %div3A_37, %add3A_41 : vector<1x128xf32>
    %rsqrt3A_43 = math.rsqrt %add3A_42 : vector<1x128xf32>
    %mul3A_44 = vector.broadcast %rsqrt3A_43 : vector<1x128xf32> to vector<10000x128xf32>
    %mul3A_45 = arith.mulf %sub3A_39, %mul3A_44 : vector<10000x128xf32>
    %get3A_46 = arith.constant 0 : index
    %get3A_47 = arith.constant 0 : index
    %get3A_48 = vector.load %arg3[%get3A_46, %get3A_47] : memref<1x128xf32, #tpu.memory_space<vmem>>, vector<1x128xf32>
    %mul3A_49 = vector.broadcast %get3A_48 : vector<1x128xf32> to vector<10000x128xf32>
    %mul3A_50 = arith.mulf %mul3A_45, %mul3A_49 : vector<10000x128xf32>
    %get3A_51 = arith.constant 0 : index
    %get3A_52 = arith.constant 0 : index
    %get3A_53 = vector.load %arg4[%get3A_51, %get3A_52] : memref<1x128xf32, #tpu.memory_space<vmem>>, vector<1x128xf32>
    %add3A_54 = vector.broadcast %get3A_53 : vector<1x128xf32> to vector<10000x128xf32>
    %add3A_55 = arith.addf %mul3A_50, %add3A_54 : vector<10000x128xf32>
    %max3A = arith.constant 0.000000e+00 : f32
    %max3A_56 = vector.broadcast %max3A : f32 to vector<10000x128xf32>
    %max3A_57 = arith.maximumf %add3A_55, %max3A_56 : vector<10000x128xf32>
    %iota3A = tpu.iota {dimensions = array<i32: 0>} : vector<64x10000xi32>
    %get3A_58 = arith.constant 0 : index
    %get3A_59 = arith.constant 0 : index
    %get3A_60 = vector.load %arg5[%get3A_58, %get3A_59] : memref<1x10000xi32, #tpu.memory_space<vmem>>, vector<1x10000xi32>
    %eq3A = vector.broadcast %get3A_60 : vector<1x10000xi32> to vector<64x10000xi32>
    %eq3A_61 = arith.cmpi eq, %iota3A, %eq3A : vector<64x10000xi32>
    %convert_element_type3A = arith.extui %eq3A_61 : vector<64x10000xi1> to vector<64x10000xi32>
    %convert_element_type3A_62 = arith.sitofp %convert_element_type3A : vector<64x10000xi32> to vector<64x10000xf32>
    %dot_general3A = arith.constant dense<0.000000e+00> : vector<64x128xf32>
    %dot_general3A_63 = tpu.matmul %convert_element_type3A_62, %max3A_57, %dot_general3A {dimension_numbers = #tpu.dot_dimension_numbers<[1], [0], [0], [1], [0, 0, 1, 1], [], []>, transpose_lhs_hint = false} : vector<64x10000xf32>, vector<10000x128xf32>, vector<64x128xf32> -> vector<64x128xf32>
    %get3A_64 = arith.constant 0 : index
    %get3A_65 = arith.constant 0 : index
    %get3A_66 = vector.load %arg6[%get3A_64, %get3A_65] : memref<128x128xf32, #tpu.memory_space<vmem>>, vector<128x128xf32>
    %dot_general3A_67 = arith.constant dense<0.000000e+00> : vector<64x128xf32>
    %dot_general3A_68 = tpu.matmul %dot_general3A_63, %get3A_66, %dot_general3A_67 {dimension_numbers = #tpu.dot_dimension_numbers<[1], [0], [0], [1], [0, 0, 1, 1], [], []>, transpose_lhs_hint = false} : vector<64x128xf32>, vector<128x128xf32>, vector<64x128xf32> -> vector<64x128xf32>
    %get3A_69 = arith.constant 0 : index
    %get3A_70 = arith.constant 0 : index
    %get3A_71 = vector.load %arg7[%get3A_69, %get3A_70] : memref<1x128xf32, #tpu.memory_space<vmem>>, vector<1x128xf32>
    %add3A_72 = vector.broadcast %get3A_71 : vector<1x128xf32> to vector<64x128xf32>
    %add3A_73 = arith.addf %dot_general3A_68, %add3A_72 : vector<64x128xf32>
    %max3A_74 = arith.constant 0.000000e+00 : f32
    %max3A_75 = vector.broadcast %max3A_74 : f32 to vector<64x128xf32>
    %max3A_76 = arith.maximumf %add3A_73, %max3A_75 : vector<64x128xf32>
    %get3A_77 = arith.constant 0 : index
    %get3A_78 = arith.constant 0 : index
    %get3A_79 = vector.load %arg8[%get3A_77, %get3A_78] : memref<128x10xf32, #tpu.memory_space<vmem>>, vector<128x10xf32>
    %dot_general3A_80 = arith.constant dense<0.000000e+00> : vector<64x10xf32>
    %dot_general3A_81 = tpu.matmul %max3A_76, %get3A_79, %dot_general3A_80 {dimension_numbers = #tpu.dot_dimension_numbers<[1], [0], [0], [1], [0, 0, 1, 1], [], []>, transpose_lhs_hint = false} : vector<64x128xf32>, vector<128x10xf32>, vector<64x10xf32> -> vector<64x10xf32>
    %get3A_82 = arith.constant 0 : index
    %get3A_83 = arith.constant 0 : index
    %get3A_84 = vector.load %arg9[%get3A_82, %get3A_83] : memref<1x10xf32, #tpu.memory_space<vmem>>, vector<1x10xf32>
    %add3A_85 = vector.broadcast %get3A_84 : vector<1x10xf32> to vector<64x10xf32>
    %add3A_86 = arith.addf %dot_general3A_81, %add3A_85 : vector<64x10xf32>
    %swap3A = arith.constant 0 : index
    %swap3A_87 = arith.constant 0 : index
    %swap3A_88 = vector.load %arg10[%swap3A, %swap3A_87] : memref<64x10xf32, #tpu.memory_space<vmem>>, vector<64x10xf32>
    tpu.vector_store %arg10[%swap3A, %swap3A_87], %add3A_86 {strides = array<i32>} : memref<64x10xf32, #tpu.memory_space<vmem>>, vector<64x10xf32>,
    return
  }
}

</mosaic_0001>

<sc_bundles>
// kernel: kernel.10.cloned.1.call-start
scs
__scs_entry_jumppad:
0x0: {  	(pc) =	sbr.rel $0x88, $3  }
0x1: {  	(tag) =	ssettag $0x0;
	lr =	simm.s32 $0x1  }
0x2: {  	[smem:$0x3F8E] =	sst lr;
	_ =	strace $0xD0000000  }
0x3: {  	_ = 	snop  }
0x4: {  	_ = 	snop  }
0x5: {  	_ = 	snop  }
0x6: {  	_ = 	snop  }
0x7: {  	_ = 	snop  }
__scs_overlays_trampoline_lowered:
0x8: {  	[smem:$0x3F9D] =	sst s0  }
0x9: {  	[smem:$0x3F9E] =	sst s1  }
0xa: {  	[smem:$0x3F9F] =	sst s2  }
0xb: {  	[smem:$0x3FA0] =	sst s3  }
0xc: {  	[smem:$0x3FA1] =	sst s4  }
0xd: {  	[smem:$0x3FA2] =	sst s5  }
0xe: {  	[smem:$0x3FA3] =	sst s6  }
0xf: {  	[smem:$0x3FA4] =	sst s7  }
0x10: {  	[smem:$0x3FA5] =	sst s8  }
0x11: {  	[smem:$0x3FA6] =	sst s9;
	s0 =	simm.s32 @!p0 $0x0  }
0x12: {  	s1 =	sld [smem:$0x3F8C];
	s0 =	simm.s32 @p0 $0x1  }
0x13: {  	[smem:$0x3FA7] =	sst s0;
	s0 =	simm.s32 @!p1 $0x0  }
0x14: {  	s2 =	sld [smem:$0x3F8B];
	s0 =	simm.s32 @p1 $0x1  }
0x15: {  	[smem:$0x3FA8] =	sst s0;
	s0 =	simm.s32 @!p2 $0x0  }
0x16: {  	s3 =	sld [smem:$0x3FDB];
	s0 =	simm.s32 @p2 $0x1  }
0x17: {  	s4 =	simm.s32 $0x1BF5;
	[smem:$0x3FAA] =	sst s0  }
0x18: {  	s0 =	sld [smem:$0x3F8D];
	_ =	swait.ge [sflag:s4], $0x0  }
0x19: {  	s7 =	sld [smem:$0x3F8E]  }
0x1a: {  	s8 =	sadd.s32 $0xFFFFE003, lr  }
0x1b: {  	s9 =	sadd.s32 $0xFFFFFEF7, lr;
	s5 =	simm.s32 $0xFFFFFFFF;
	p2 =	slt.u32 s8, $0xFFFFF086  }
0x1c: {  	p1 =	slt.u32 s9, $0xF7A;
	s5 =	simm.s32 @!p2 $0x0  }
0x1d: {  	s5 =	simm.s32 @p1 $0x1;
	p0 =	seq.s32 s7, s2  }
0x1e: {  	s7 =	smul.u32 @!p0 $0xF7A, s2;
	p2 =	seq.s32 @!p0 s5, $0x0  }
0x1f: {  	s9 =	smul.u32 $0xF7A, s1;
	s8 =	simm.s32 @!p0 $0x1BF5;
	p2 =	por !p2, p0  }
0x20: {  	[sflag:s8] =	ssyncset.s32 @!p0 $0xFFFFF086;
	s6 =	sadd.s32 @!p0 s3, s7;
	s7 =	simm.s32 @!p0 $0x108  }
0x21: {  	s3 =	sadd.s32 s3, s9;
	s6 =	sadd.s32 @!p0 $0x88, s6;
	s7 =	simm.s32 @p2 $0x1082  }
0x22: {  	[simem:s7], [sflag:s8] =	dma.local @!p0 [hbm:s6], $0xF7A  }
0x23: {  	s9 =	sor.u32 $0xD0000000, s2;
	s6 =	simm.s32 $0x108;
	_ =	swait.ge @!p0 [sflag:s8], $0x0  }
0x24: {  	s3 =	sadd.s32 $0x88, s3;
	s6 =	simm.s32 @!p1 $0x1082;
	[sflag:s4] =	ssyncset.s32 $0xFFFFF086  }
0x25: {  	[simem:s6], [sflag:s4] =	dma.local [hbm:s3], $0xF7A  }
0x26: {  	[smem:$0x3F8E] =	sst s1;
	(tag) =	ssettag s2;
	_ =	strace s9  }
0x27: {  	s1 =	sld [smem:$0x3F9E]  }
0x28: {  	s2 =	sld [smem:$0x3F9F]  }
0x29: {  	s4 =	sld [smem:$0x3FA1]  }
0x2a: {  	p0 =	seq.s32 s5, $0x0;
	s5 =	sld [smem:$0x3FA2]  }
0x2b: {  	s6 =	sld [smem:$0x3FA3]  }
0x2c: {  	s7 =	sld [smem:$0x3FA4]  }
0x2d: {  	s3 =	simm.s32 $0x108;
	s8 =	sld [smem:$0x3FA5]  }
0x2e: {  	s3 =	simm.s32 @!p0 $0x1082;
	s9 =	sld [smem:$0x3FA6]  }
0x2f: {  	lr =	sadd.s32 s0, s3;
	s0 =	sld [smem:$0x3F9D]  }
0x30: {  	s3 =	sld [smem:$0x3FA0]  }
0x31: {  	[smem:$0x3FA9] =	sst s10  }
0x32: {  	s10 =	sld [smem:$0x3FA7];
	_ =	sdelay $0x3  }
0x33: {  	p0 =	seq.s32 s10, $0x1;
	s10 =	sld [smem:$0x3FA9];
	_ =	sdelay $0x3  }
0x34: {  	[smem:$0x3FA9] =	sst s10  }
0x35: {  	s10 =	sld [smem:$0x3FA8];
	_ =	sdelay $0x3  }
0x36: {  	p1 =	seq.s32 s10, $0x1;
	s10 =	sld [smem:$0x3FA9];
	_ =	sdelay $0x3  }
0x37: {  	[smem:$0x3FA9] =	sst s10  }
0x38: {  	s10 =	sld [smem:$0x3FAA]  }
0x39: {  	_ = 	snop;
	(pc) =	sbr.ind lr, $3  }
0x3a: {  	_ = 	snop  }
0x3b: {  	_ = 	snop  }
0x3c: {  	p2 =	seq.s32 s10, $0x1;
	s10 =	sld [smem:$0x3FA9]  }
0x3d: {  	_ =	shalt  }
0x3e: {  	_ =	shalt  }
0x3f: {  	_ =	shalt  }
0x40: {  	_ =	shalt  }
0x41: {  	_ =	shalt  }
0x42: {  	_ =	shalt  }
0x43: {  	_ =	shalt  }
0x44: {  	_ =	shalt  }
0x45: {  	_ =	shalt  }
0x46: {  	_ =	shalt  }
0x47: {  	_ =	shalt  }
0x48: {  	_ =	shalt  }
0x49: {  	_ =	shalt  }
0x4a: {  	_ =	shalt  }
0x4b: {  	_ =	shalt  }
0x4c: {  	_ =	shalt  }
0x4d: {  	_ =	shalt  }
0x4e: {  	_ =	shalt  }
0x4f: {  	_ =	shalt  }
0x50: {  	_ =	shalt  }
0x51: {  	_ =	shalt  }
0x52: {  	_ =	shalt  }
0x53: {  	_ =	shalt  }
0x54: {  	_ =	shalt  }
0x55: {  	_ =	shalt  }
0x56: {  	_ =	shalt  }
0x57: {  	_ =	shalt  }
0x58: {  	_ =	shalt  }
0x59: {  	_ =	shalt  }
0x5a: {  	_ =	shalt  }
0x5b: {  	_ =	shalt  }
0x5c: {  	_ =	shalt  }
0x5d: {  	_ =	shalt  }
0x5e: {  	_ =	shalt  }
0x5f: {  	_ =	shalt  }
0x60: {  	_ =	shalt  }
0x61: {  	_ =	shalt  }
0x62: {  	_ =	shalt  }
0x63: {  	_ =	shalt  }
0x64: {  	_ =	shalt  }
0x65: {  	_ =	shalt  }
0x66: {  	_ =	shalt  }
0x67: {  	_ =	shalt  }
0x68: {  	_ =	shalt  }
0x69: {  	_ =	shalt  }
0x6a: {  	_ =	shalt  }
0x6b: {  	_ =	shalt  }
0x6c: {  	_ =	shalt  }
0x6d: {  	_ =	shalt  }
0x6e: {  	_ =	shalt  }
0x6f: {  	_ =	shalt  }
0x70: {  	_ =	shalt  }
0x71: {  	_ =	shalt  }
0x72: {  	_ =	shalt  }
0x73: {  	_ =	shalt  }
0x74: {  	_ =	shalt  }
0x75: {  	_ =	shalt  }
0x76: {  	_ =	shalt  }
0x77: {  	_ =	shalt  }
0x78: {  	_ =	shalt  }
0x79: {  	_ =	shalt  }
0x7a: {  	_ =	shalt  }
0x7b: {  	_ =	shalt  }
0x7c: {  	_ =	shalt  }
0x7d: {  	_ =	shalt  }
0x7e: {  	_ =	shalt  }
0x7f: {  	_ =	shalt  }
0x80: {  	_ =	shalt  }
0x81: {  	_ =	shalt  }
0x82: {  	_ =	shalt  }
0x83: {  	_ =	shalt  }
0x84: {  	_ =	shalt  }
0x85: {  	_ =	shalt  }
0x86: {  	_ =	shalt  }
0x87: {  	_ =	shalt  }
.Lfunc_end0:
.L_simem_size_0:
called_computation_lowered:
.L_overlay_start_0:
0x88: {  	s2 =	sld [smem:$0x3FD9]  }
0x89: {  	s3 =	sld [smem:$0x3FFE];
	_ =	sdelay $0x1  }
0x8a: {  	s1 =	srdreg.scid  }
0x8b: {  	s0 =	sand.u32 $0x1, s1  }
0x8c: {  	s16 =	sshll.u32 s0, $0xA;
	s2 =	sadd.s32 s3, s2  }
0x8d: {  	s2 =	sadd.s32 s2, s16  }
0x8e: {  	[smem:$0x3FB5] =	sst s2  }
0x8f: {  	_ = 	snop  }
0x90: {  	(tm) =	ssettm $0x1  }
0x91: {  	s17 =	sld [smem:$0x3FFB];
	_ =	sdelay $0x3  }
0x92: {  	_ =	strace s17  }
0x93: {  	s2 =	sld [smem:$0x3FFC];
	_ =	sdelay $0x3  }
0x94: {  	_ =	strace s2  }
0x95: {  	s2 =	sld [smem:$0x3FFD];
	_ =	sdelay $0x3  }
0x96: {  	_ =	strace s2  }
0x97: {  	_ =	strace $0x8FFFFFFF  }
0x98: {  	s18 =	sld [smem:$0x3FDB];
	_ =	sdelay $0x1  }
0x99: {  	s19 =	simm.s32 $_scs_section_size  }
0x9a: {  	s4 =	simm.s32 $_size__tile_overlayer_lowered;
	s5 =	simm.s32 $_tile_overlayer_lowered  }
0x9b: {  	s22 =	simm.s32 $0x1BFF;
	s21 =	sshll.u32 s5, $0x1;
	s2 =	sadd.s32 s19, s18  }
0x9c: {  	s6 =	simm.s32 $0x0;
	s20 =	sshll.u32 s4, $0x1;
	s4 =	sadd.s32 s21, s2  }
0x9d: {  	[timem:s6], [sflag:s22] =	dma.local [hbm:s4], s20  }
0x9e: {  	_ =	swait.ge [sflag:s22], s20  }
0x9f: {  	s3 =	ssub.s32 $0x0, s20;
	[sflag:s22] =	ssyncset.done $0x0  }
0xa0: {  	[sflag:s22] =	ssyncadd.s32 s3;
	_ =	sdelay $0x1  }
0xa1: {  	s23 =	simm.s32 $0x1B8B  }
0xa2: {  	_ =	swait.ge [sflag:s23], $0x1  }
0xa3: {  	[sflag:s23] =	ssyncset.done $0x0  }
0xa4: {  	s25 =	simm.s32 $0x1B8E;
	s24 =	sld [smem:$0x3FFE];
	[sflag:s23] =	ssyncadd.s32 $0xFFFFFFFF  }
0xa5: {  	s26 =	simm.s32 $execute0_lowered;
	[smem:$0x3FD2] =	sst s25  }
0xa6: {  	s4 =	sshll.u32 s26, $0x1;
	_ =	strace $0x80000046;
	[dreg:$0x1] =	wrdreg $0xFFFFFFFF  }
0xa7: {  	s28 =	simm.s32 $_size_execute0_lowered;
	s2 =	sadd.s32 s2, s4;
	[dreg:$0x0] =	wrdreg $0x0  }
0xa8: {  	s4 =	sshll.u32 s28, $0x1;
	[dreg:$0x2] =	wrdreg s2  }
0xa9: {  	[dreg:$0x3] =	wrdreg s4  }
0xaa: {  	[dreg:$0x4] =	wrdreg $0xC0  }
0xab: {  	_ =	task [dreg:s6], $0x5FFFF  }
0xac: {  	[dreg:$0x1] =	wrdreg $0xFFFFFFFF  }
0xad: {  	[dreg:$0x0] =	wrdreg $0x60  }
0xae: {  	[dreg:$0x2] =	wrdreg s24  }
0xaf: {  	[dreg:$0x3] =	wrdreg $0x68000  }
0xb0: {  	[dreg:$0x4] =	wrdreg $0x9  }
0xb1: {  	_ =	task.clear_ibuf [dreg:s6], $0x5FFFF;
	_ =	strace $0x90000046  }
0xb2: {  	s29 =	simm.s32 $0x9;
	_ =	strace $0x80000048  }
0xb3: {  	_ =	swait.ge [sflag:s29], $0x1  }
0xb4: {  	[sflag:s29] =	ssyncadd.s32 $0xFFFFFFFF  }
0xb5: {  	_ =	strace $0x90000048  }
0xb6: {  	_ =	sfence  }
0xb7: {  	s30 =	sld [smem:$0x0];
	_ =	sdelay $0x2  }
0xb8: {  	s31 =	sshll.u32 s1, $0xD;
	s1 =	sshrl.u32 s1, $0x2  }
0xb9: {  	s3 =	sand.u32 $0x4000, s31;
	s1 =	sadd.s32 s1, s30  }
0xba: {  	s0 =	sor.u32 s3, s0;
	s1 =	sshll.u32 s1, $0x11  }
0xbb: {  	s0 =	sor.u32 s1, s0  }
0xbc: {  	s0 =	sadd.s32 $0x8F2B, s0  }
0xbd: {  	[sflag:s0] =	ssyncadd.remote.s32 $0x1  }
0xbe: {  	_ =	sfence.sel $0xFFFF  }
0xbf: {  	[dreg:$0x0] =	wrdreg $0xFFFFFFFF;
	(pc) =	sbr.abs _section_cstart, $3  }
0xc0: {  	[dreg:$0x1] =	wrdreg $0xFFFFFFFF  }
0xc1: {  	_ =	task.clear_ibuf [dreg:s6], $0x2FFFF;
	_ =	strace $0x9FFFFFFF  }
0xc2: {  	(tm) =	ssettm $0x7FFFFFFF  }
0xc3: {  	_ =	shalt  }
tec
execute0_lowered:
.L_overlay_start_1:
0x0: {  	(tag) =	ssettag $0x1  }
0x1: {  	s0 =	rddreg [dreg:$0x0]  }
0x2: {  	s1 =	rddreg [dreg:$0x1]  }
0x3: {  	s3 =	simm.s32 $0x0;
	s2 =	srdreg.scid;
	s10 =	stileid.u32  }
0x4: {  	s12 =	simm.s32 $0x1;
	s13 =	simm.s32 $0x4000;
	s17 =	simm.s32 $0x6000  }
0x5: {  	s18 =	simm.s32 $0x6080;
	s19 =	simm.s32 $0x6100;
	s20 =	simm.s32 $0x6180  }
0x6: {  	s21 =	simm.s32 $0x6200;
	s28 =	simm.s32 $0x6500;
	s29 =	simm.s32 $0x6580  }
0x7: {  	s30 =	simm.s32 $0x6600;
	s31 =	simm.s32 $0x6680;
	s14 =	simm.s32 $0x0  }
0x8: {  	[smem:$0x7FF] =	sst s3;
	s2 =	sand.u32 $0x1, s2;
	s7 =	smul.u32 $0x50000, s10  }
0x9: {  	s4 =	sadd.s32 $0x24E00, s0;
	s24 =	sshll.u32 s10, $0xC;
	s25 =	smul.u32 $0x14000, s10  }
0xa: {  	s9 =	sadd.s32 $0x12C000, s1;
	p0 =	seq.s32 s10, $0xF;
	_ =	strace $0x80000047  }
0xb: {  	s22 =	sshll.u32 s2, $0xB;
	s5 =	ssub.s32 $0x2, s2;
	s2 =	smul.u32 $0x138800, s2  }
0xc: {  	s9 =	sshrl.u32 @p0 s9, $0x3;
	s3 =	sadd.s32 s22, s0;
	s6 =	sshrl.u32 s5, $0x1  }
0xd: {  	s0 =	sadd.s32 $0x27600, s0;
	s23 =	sshrl.u32 s7, $0x2;
	s22 =	simm.s32 $0x6280  }
0xe: {  	s8 =	ssub.s32 s5, s6;
	s11 =	sadd.s32 s23, s1;
	s3 =	sadd.s32 s24, s3  }
0xf: {  	s26 =	sadd.s32 s25, s2;
	s2 =	sshrl.u32 s2, $0x3;
	s23 =	simm.s32 $0x6300  }
0x10: {  	s24 =	simm.s32 $0x6380;
	s25 =	simm.s32 $0x6400;
	s5 =	sadd.s32 $0x14E00, s3  }
0x11: {  	s3 =	sshrl.u32 s26, $0x3;
	s2 =	sadd.s32 s0, s2;
	s8 =	smax.u32 s8, $0x1  }
0x12: {  	s11 =	sshrl.u32 @!p0 s11, $0x3;
	s26 =	simm.s32 $0x6480;
	s6 =	sadd.s32 s0, s3  }
0x13: {  	s7 =	sadd.s32 $0x25800, s2;
	s0 =	sshll.u32 @!p0 s10, $0x6;
	s3 =	simm.s32 $0x6780  }
0x14: {  	v0 =	vimm.f32 $1.000000000e+00;
	s2 =	simm.s32 $0x50;
	s10 =	sor.u32 @!p0 $0x1C01, s0;
	s0 =	simm.s32 $0x6700  }
.LBB2_1:
0x15: {  	s15 =	simm.s32 @p0 $0x1FC1  }
0x16: {  	[spmem:s9], [sflag:s15] =	dma.local @p0 [hbm:s4], $0x1900  }
0x17: {  	s15 =	simm.s32 @p0 $0x1  }
0x18: {  	_ =	swait.ge @p0 [sflag:s15], $0x1900  }
0x19: {  	[sflag:s15] =	ssyncset.done @p0 $0x0  }
0x1a: {  	[sflag:s15] =	ssyncadd.s32 @p0 $0xFFFFE700;
	s15 =	simm.s32 @!p0 $0x1  }
0x1b: {  	[spmem:s11], [sflag:s10] =	dma.local @!p0 [hbm:s4], $0x2800  }
0x1c: {  	_ =	swait.ge @!p0 [sflag:s15], $0x2800  }
0x1d: {  	[sflag:s15] =	ssyncset.done @!p0 $0x0  }
0x1e: {  	s16 =	simm.s32 $0x0;
	[sflag:s15] =	ssyncadd.s32 @!p0 $0xFFFFD800  }
0x1f: {  	[tilespmem:s16], [sflag:$0x1] =	stream.linear.gather [hbm4b:s5+s16], $0x3E80, $0x38;
	[tilespmem:$0x7B88] =	vst v63  }
0x20: {  	_ =	swait.ge [sflag:s12], $0x3E80  }
0x21: {  	[sflag:s12] =	ssyncset.done $0x0  }
0x22: {  	[sflag:s12] =	ssyncadd.s32 $0xFFFFC180  }
0x23: {  	s16 =	simm.s32 $0x4080;
	[tilespmem:s13+$0x0] =	vst.msk $0xff, v0  }
0x24: {  	[tilespmem:s16+$0x0] =	vst.msk $0xff, v0;
	s16 =	simm.s32 $0x4100  }
0x25: {  	[tilespmem:s16+$0x0] =	vst.msk $0xff, v0;
	s16 =	simm.s32 $0x4180  }
0x26: {  	[tilespmem:s16+$0x0] =	vst.msk $0xff, v0;
	s16 =	simm.s32 $0x4200  }
0x27: {  	[tilespmem:s16+$0x0] =	vst.msk $0xff, v0;
	s16 =	simm.s32 $0x4280  }
0x28: {  	[tilespmem:s16+$0x0] =	vst.msk $0xff, v0;
	s16 =	simm.s32 $0x4300  }
0x29: {  	[tilespmem:s16+$0x0] =	vst.msk $0xff, v0;
	s16 =	simm.s32 $0x4380  }
0x2a: {  	[tilespmem:s16+$0x0] =	vst.msk $0xff, v0;
	s16 =	simm.s32 $0x4400  }
0x2b: {  	[tilespmem:s16+$0x0] =	vst.msk $0xff, v0;
	s16 =	simm.s32 $0x4480  }
0x2c: {  	[tilespmem:s16+$0x0] =	vst.msk $0xff, v0;
	s16 =	simm.s32 $0x4500  }
0x2d: {  	[tilespmem:s16+$0x0] =	vst.msk $0xff, v0;
	s16 =	simm.s32 $0x4580  }
0x2e: {  	[tilespmem:s16+$0x0] =	vst.msk $0xff, v0;
	s16 =	simm.s32 $0x4600  }
0x2f: {  	[tilespmem:s16+$0x0] =	vst.msk $0xff, v0;
	s16 =	simm.s32 $0x4680  }
0x30: {  	[tilespmem:s16+$0x0] =	vst.msk $0xff, v0;
	s16 =	simm.s32 $0x4700  }
0x31: {  	[tilespmem:s16+$0x0] =	vst.msk $0xff, v0;
	s16 =	simm.s32 $0x4780  }
0x32: {  	[tilespmem:s16+$0x0] =	vst.msk $0xff, v0;
	s16 =	simm.s32 $0x4800  }
0x33: {  	[tilespmem:s16+$0x0] =	vst.msk $0xff, v0;
	s16 =	simm.s32 $0x4880  }
0x34: {  	[tilespmem:s16+$0x0] =	vst.msk $0xff, v0;
	s16 =	simm.s32 $0x4900  }
0x35: {  	[tilespmem:s16+$0x0] =	vst.msk $0xff, v0;
	s16 =	simm.s32 $0x4980  }
0x36: {  	[tilespmem:s16+$0x0] =	vst.msk $0xff, v0;
	s16 =	simm.s32 $0x4A00  }
0x37: {  	[tilespmem:s16+$0x0] =	vst.msk $0xff, v0;
	s16 =	simm.s32 $0x4A80  }
0x38: {  	[tilespmem:s16+$0x0] =	vst.msk $0xff, v0;
	s16 =	simm.s32 $0x4B00  }
0x39: {  	[tilespmem:s16+$0x0] =	vst.msk $0xff, v0;
	s16 =	simm.s32 $0x4B80  }
0x3a: {  	[tilespmem:s16+$0x0] =	vst.msk $0xff, v0;
	s16 =	simm.s32 $0x4C00  }
0x3b: {  	[tilespmem:s16+$0x0] =	vst.msk $0xff, v0;
	s16 =	simm.s32 $0x4C80  }
0x3c: {  	[tilespmem:s16+$0x0] =	vst.msk $0xff, v0;
	s16 =	simm.s32 $0x4D00  }
0x3d: {  	[tilespmem:s16+$0x0] =	vst.msk $0xff, v0;
	s16 =	simm.s32 $0x4D80  }
0x3e: {  	[tilespmem:s16+$0x0] =	vst.msk $0xff, v0;
	s16 =	simm.s32 $0x4E00  }
0x3f: {  	[tilespmem:s16+$0x0] =	vst.msk $0xff, v0;
	s16 =	simm.s32 $0x4E80  }
0x40: {  	[tilespmem:s16+$0x0] =	vst.msk $0xff, v0;
	s16 =	simm.s32 $0x4F00  }
0x41: {  	[tilespmem:s16+$0x0] =	vst.msk $0xff, v0;
	s16 =	simm.s32 $0x4F80  }
0x42: {  	[tilespmem:s16+$0x0] =	vst.msk $0xff, v0;
	s16 =	simm.s32 $0x5000  }
0x43: {  	[tilespmem:s16+$0x0] =	vst.msk $0xff, v0;
	s16 =	simm.s32 $0x5080  }
0x44: {  	[tilespmem:s16+$0x0] =	vst.msk $0xff, v0;
	s16 =	simm.s32 $0x5100  }
0x45: {  	[tilespmem:s16+$0x0] =	vst.msk $0xff, v0;
	s16 =	simm.s32 $0x5180  }
0x46: {  	[tilespmem:s16+$0x0] =	vst.msk $0xff, v0;
	s16 =	simm.s32 $0x5200  }
0x47: {  	[tilespmem:s16+$0x0] =	vst.msk $0xff, v0;
	s16 =	simm.s32 $0x5280  }
0x48: {  	[tilespmem:s16+$0x0] =	vst.msk $0xff, v0;
	s16 =	simm.s32 $0x5300  }
0x49: {  	[tilespmem:s16+$0x0] =	vst.msk $0xff, v0;
	s16 =	simm.s32 $0x5380  }
0x4a: {  	[tilespmem:s16+$0x0] =	vst.msk $0xff, v0;
	s16 =	simm.s32 $0x5400  }
0x4b: {  	[tilespmem:s16+$0x0] =	vst.msk $0xff, v0;
	s16 =	simm.s32 $0x5480  }
0x4c: {  	[tilespmem:s16+$0x0] =	vst.msk $0xff, v0;
	s16 =	simm.s32 $0x5500  }
0x4d: {  	[tilespmem:s16+$0x0] =	vst.msk $0xff, v0;
	s16 =	simm.s32 $0x5580  }
0x4e: {  	[tilespmem:s16+$0x0] =	vst.msk $0xff, v0;
	s16 =	simm.s32 $0x5600  }
0x4f: {  	[tilespmem:s16+$0x0] =	vst.msk $0xff, v0;
	s16 =	simm.s32 $0x5680  }
0x50: {  	[tilespmem:s16+$0x0] =	vst.msk $0xff, v0;
	s16 =	simm.s32 $0x5700  }
0x51: {  	[tilespmem:s16+$0x0] =	vst.msk $0xff, v0;
	s16 =	simm.s32 $0x5780  }
0x52: {  	[tilespmem:s16+$0x0] =	vst.msk $0xff, v0;
	s16 =	simm.s32 $0x5800  }
0x53: {  	[tilespmem:s16+$0x0] =	vst.msk $0xff, v0;
	s16 =	simm.s32 $0x5880  }
0x54: {  	[tilespmem:s16+$0x0] =	vst.msk $0xff, v0;
	s16 =	simm.s32 $0x5900  }
0x55: {  	[tilespmem:s16+$0x0] =	vst.msk $0xff, v0;
	s16 =	simm.s32 $0x5980  }
0x56: {  	[tilespmem:s16+$0x0] =	vst.msk $0xff, v0;
	s16 =	simm.s32 $0x5A00  }
0x57: {  	[tilespmem:s16+$0x0] =	vst.msk $0xff, v0;
	s16 =	simm.s32 $0x5A80  }
0x58: {  	[tilespmem:s16+$0x0] =	vst.msk $0xff, v0;
	s16 =	simm.s32 $0x5B00  }
0x59: {  	[tilespmem:s16+$0x0] =	vst.msk $0xff, v0;
	s16 =	simm.s32 $0x5B80  }
0x5a: {  	[tilespmem:s16+$0x0] =	vst.msk $0xff, v0;
	s16 =	simm.s32 $0x5C00  }
0x5b: {  	[tilespmem:s16+$0x0] =	vst.msk $0xff, v0;
	s16 =	simm.s32 $0x5C80  }
0x5c: {  	[tilespmem:s16+$0x0] =	vst.msk $0xff, v0;
	s16 =	simm.s32 $0x5D00  }
0x5d: {  	[tilespmem:s16+$0x0] =	vst.msk $0xff, v0;
	s16 =	simm.s32 $0x5D80  }
0x5e: {  	[tilespmem:s16+$0x0] =	vst.msk $0xff, v0;
	s16 =	simm.s32 $0x5E00  }
0x5f: {  	[tilespmem:s16+$0x0] =	vst.msk $0xff, v0;
	s16 =	simm.s32 $0x5E80  }
0x60: {  	[tilespmem:s16+$0x0] =	vst.msk $0xff, v0;
	s16 =	simm.s32 $0x5F00  }
0x61: {  	[tilespmem:s16+$0x0] =	vst.msk $0xff, v0;
	s16 =	simm.s32 $0x5F80  }
0x62: {  	[tilespmem:s16+$0x0] =	vst.msk $0xff, v0  }
0x63: {  	[tilespmem:s17+$0x0] =	vst.msk $0xff, v0  }
0x64: {  	[tilespmem:s18+$0x0] =	vst.msk $0xff, v0  }
0x65: {  	[tilespmem:s19+$0x0] =	vst.msk $0xff, v0  }
0x66: {  	[tilespmem:s20+$0x0] =	vst.msk $0xff, v0  }
0x67: {  	[tilespmem:s21+$0x0] =	vst.msk $0xff, v0  }
0x68: {  	[tilespmem:s22+$0x0] =	vst.msk $0xff, v0  }
0x69: {  	[tilespmem:s23+$0x0] =	vst.msk $0xff, v0  }
0x6a: {  	[tilespmem:s24+$0x0] =	vst.msk $0xff, v0  }
0x6b: {  	[tilespmem:s25+$0x0] =	vst.msk $0xff, v0  }
0x6c: {  	[tilespmem:s26+$0x0] =	vst.msk $0xff, v0  }
0x6d: {  	[tilespmem:s28+$0x0] =	vst.msk $0xff, v0  }
0x6e: {  	[tilespmem:s29+$0x0] =	vst.msk $0xff, v0  }
0x6f: {  	[tilespmem:s30+$0x0] =	vst.msk $0xff, v0  }
0x70: {  	[tilespmem:s31+$0x0] =	vst.msk $0xff, v0  }
0x71: {  	[tilespmem:s0+$0x0] =	vst.msk $0xff, v0  }
0x72: {  	[tilespmem:s3+$0x0] =	vst.msk $0xff, v0  }
0x73: {  	s16 =	simm.s32 $0x0;
	[bflag:$0x0] =	sbarrier.arrive $0xFFFF  }
0x74: {  	[spmem:s1] =	stream.indirect.scatter.add.f32 [tilespmem:s13], [sflag:$0x1], $0x8, s16, s2, $0xb8;
	[tilespmem:$0x7B88] =	vst v63  }
0x75: {  	_ =	swait.ge [sflag:s12], $0x280  }
0x76: {  	s15 =	simm.s32 $0x200;
	[sflag:s12] =	ssyncset.done $0x0  }
.LBB2_2:
0x77: {  	s16 =	sshra.s32 s15, $0x2;
	[sflag:s12] =	ssyncadd.s32 $0xFFFFFD80;
	p1 =	sne.s32 s15, $0xF800  }
0x78: {  	[spmem:s1] =	stream.indirect.scatter.add.f32 [tilespmem:s13], [sflag:$0x1], $0x8, s16, s2, $0xb8;
	[tilespmem:$0x7B88] =	vst v63  }
.Ltmp0:
0x79: {  	_ = 	snop;
	(pc) =	sbr.rel @p1 .LBB2_2-.Ltmp0, $4  }
0x7a: {  	_ = 	snop  }
0x7b: {  	s15 =	sadd.s32 $0x200, s15  }
0x7c: {  	_ =	swait.ge [sflag:s12], $0x280  }
0x7d: {  	[sflag:s12] =	ssyncset.done $0x0  }
0x7e: {  	[sflag:s12] =	ssyncadd.s32 $0xFFFFFD80  }
0x7f: {  	s15 =	simm.s32 @p0 $0x1FC1;
	[bflag:$0x0] =	sbarrier.arrive $0xFFFF  }
0x80: {  	[hbm:s7], [sflag:s15] =	dma.local @p0 [spmem:s9], $0x1900  }
0x81: {  	s15 =	simm.s32 @p0 $0x1  }
0x82: {  	s14 =	sadd.s32 $0x1, s14;
	_ =	swait.ge @p0 [sflag:s15], $0x1900  }
0x83: {  	p1 =	sne.s32 s14, s8;
	[sflag:s15] =	ssyncset.done @p0 $0x0  }
.Ltmp1:
0x84: {  	[sflag:s15] =	ssyncadd.s32 @p0 $0xFFFFE700;
	s15 =	simm.s32 @!p0 $0x1;
	(pc) =	sbr.rel @p1 .LBB2_1-.Ltmp1, $4  }
0x85: {  	[hbm:s6], [sflag:s10] =	dma.local @!p0 [spmem:s11], $0x2800  }
0x86: {  	_ =	swait.ge @!p0 [sflag:s15], $0x2800  }
0x87: {  	[sflag:s15] =	ssyncset.done @!p0 $0x0  }
0x88: {  	[sflag:s15] =	ssyncadd.s32 @!p0 $0xFFFFD800  }
0x89: {  	_ =	sfence.sel $0x180000  }
0x8a: {  	[bflag:$0x0] =	sbarrier.arrive $0xFFFF  }
0x8b: {  	_ =	strace $0x90000047  }
0x8c: {  	s0 =	stileid.u32;
	[bflag:$0x2] =	sbarrier.arrive $0xFFFF  }
0x8d: {  	p0 =	sne.s32 s0, $0x0;
	s0 =	rddreg [dreg:$0x2]  }
0x8e: {  	s0 =	sadd.s32 @!p0 $0x100000, s0  }
0x8f: {  	[sflag:s0] =	ssyncadd.tile.s32 @!p0 $0x1;
	_ =	shalt  }
.Lfunc_end2:
_tile_overlayer_lowered:
.L_overlay_start_2:
0x90: {  	(tag) =	ssettag $0x2  }
0x91: {  	s0 =	rddreg [dreg:$0x0];
	s2 =	stileid.u32  }
0x92: {  	s1 =	rddreg [dreg:$0x1];
	p0 =	sne.s32 s2, $0x0  }
0x93: {  	s3 =	rddreg [dreg:$0x2];
	[bflag:$0x3] =	sbarrier.arrive $0xFFFF;
	s2 =	simm.s32 @!p0 $0x1C01  }
0x94: {  	[timem:s3], [sflag:s2] =	dma.local @!p0 [hbm:s0], s1  }
0x95: {  	s0 =	simm.s32 @!p0 $0x1  }
0x96: {  	_ =	swait.ge @!p0 [sflag:s0], s1  }
0x97: {  	s1 =	ssub.s32 @!p0 $0x0, s1;
	[sflag:s0] =	ssyncset.done @!p0 $0x0  }
0x98: {  	[sflag:s0] =	ssyncadd.s32 @!p0 s1  }
0x99: {  	[bflag:$0x3] =	sbarrier.arrive $0xFFFF  }
0x9a: {  	_ =	shalt  }

// kernel: kernel.13.cloned.1.call-start
scs
__scs_entry_jumppad:
0x0: {  	(pc) =	sbr.rel $0x88, $3  }
0x1: {  	(tag) =	ssettag $0x0;
	lr =	simm.s32 $0x1  }
0x2: {  	[smem:$0x3F8E] =	sst lr;
	_ =	strace $0xD0000000  }
0x3: {  	_ = 	snop  }
0x4: {  	_ = 	snop  }
0x5: {  	_ = 	snop  }
0x6: {  	_ = 	snop  }
0x7: {  	_ = 	snop  }
__scs_overlays_trampoline_lowered:
0x8: {  	[smem:$0x3F9D] =	sst s0  }
0x9: {  	[smem:$0x3F9E] =	sst s1  }
0xa: {  	[smem:$0x3F9F] =	sst s2  }
0xb: {  	[smem:$0x3FA0] =	sst s3  }
0xc: {  	[smem:$0x3FA1] =	sst s4  }
0xd: {  	[smem:$0x3FA2] =	sst s5  }
0xe: {  	[smem:$0x3FA3] =	sst s6  }
0xf: {  	[smem:$0x3FA4] =	sst s7  }
0x10: {  	[smem:$0x3FA5] =	sst s8  }
0x11: {  	[smem:$0x3FA6] =	sst s9;
	s0 =	simm.s32 @!p0 $0x0  }
0x12: {  	s1 =	sld [smem:$0x3F8C];
	s0 =	simm.s32 @p0 $0x1  }
0x13: {  	[smem:$0x3FA7] =	sst s0;
	s0 =	simm.s32 @!p1 $0x0  }
0x14: {  	s2 =	sld [smem:$0x3F8B];
	s0 =	simm.s32 @p1 $0x1  }
0x15: {  	[smem:$0x3FA8] =	sst s0;
	s0 =	simm.s32 @!p2 $0x0  }
0x16: {  	s3 =	sld [smem:$0x3FDB];
	s0 =	simm.s32 @p2 $0x1  }
0x17: {  	s4 =	simm.s32 $0x1BF5;
	[smem:$0x3FAA] =	sst s0  }
0x18: {  	s0 =	sld [smem:$0x3F8D];
	_ =	swait.ge [sflag:s4], $0x0  }
0x19: {  	s7 =	sld [smem:$0x3F8E]  }
0x1a: {  	s8 =	sadd.s32 $0xFFFFE003, lr  }
0x1b: {  	s9 =	sadd.s32 $0xFFFFFEF7, lr;
	s5 =	simm.s32 $0xFFFFFFFF;
	p2 =	slt.u32 s8, $0xFFFFF086  }
0x1c: {  	p1 =	slt.u32 s9, $0xF7A;
	s5 =	simm.s32 @!p2 $0x0  }
0x1d: {  	s5 =	simm.s32 @p1 $0x1;
	p0 =	seq.s32 s7, s2  }
0x1e: {  	s7 =	smul.u32 @!p0 $0xF7A, s2;
	p2 =	seq.s32 @!p0 s5, $0x0  }
0x1f: {  	s9 =	smul.u32 $0xF7A, s1;
	s8 =	simm.s32 @!p0 $0x1BF5;
	p2 =	por !p2, p0  }
0x20: {  	[sflag:s8] =	ssyncset.s32 @!p0 $0xFFFFF086;
	s6 =	sadd.s32 @!p0 s3, s7;
	s7 =	simm.s32 @!p0 $0x108  }
0x21: {  	s3 =	sadd.s32 s3, s9;
	s6 =	sadd.s32 @!p0 $0x88, s6;
	s7 =	simm.s32 @p2 $0x1082  }
0x22: {  	[simem:s7], [sflag:s8] =	dma.local @!p0 [hbm:s6], $0xF7A  }
0x23: {  	s9 =	sor.u32 $0xD0000000, s2;
	s6 =	simm.s32 $0x108;
	_ =	swait.ge @!p0 [sflag:s8], $0x0  }
0x24: {  	s3 =	sadd.s32 $0x88, s3;
	s6 =	simm.s32 @!p1 $0x1082;
	[sflag:s4] =	ssyncset.s32 $0xFFFFF086  }
0x25: {  	[simem:s6], [sflag:s4] =	dma.local [hbm:s3], $0xF7A  }
0x26: {  	[smem:$0x3F8E] =	sst s1;
	(tag) =	ssettag s2;
	_ =	strace s9  }
0x27: {  	s1 =	sld [smem:$0x3F9E]  }
0x28: {  	s2 =	sld [smem:$0x3F9F]  }
0x29: {  	s4 =	sld [smem:$0x3FA1]  }
0x2a: {  	p0 =	seq.s32 s5, $0x0;
	s5 =	sld [smem:$0x3FA2]  }
0x2b: {  	s6 =	sld [smem:$0x3FA3]  }
0x2c: {  	s7 =	sld [smem:$0x3FA4]  }
0x2d: {  	s3 =	simm.s32 $0x108;
	s8 =	sld [smem:$0x3FA5]  }
0x2e: {  	s3 =	simm.s32 @!p0 $0x1082;
	s9 =	sld [smem:$0x3FA6]  }
0x2f: {  	lr =	sadd.s32 s0, s3;
	s0 =	sld [smem:$0x3F9D]  }
0x30: {  	s3 =	sld [smem:$0x3FA0]  }
0x31: {  	[smem:$0x3FA9] =	sst s10  }
0x32: {  	s10 =	sld [smem:$0x3FA7];
	_ =	sdelay $0x3  }
0x33: {  	p0 =	seq.s32 s10, $0x1;
	s10 =	sld [smem:$0x3FA9];
	_ =	sdelay $0x3  }
0x34: {  	[smem:$0x3FA9] =	sst s10  }
0x35: {  	s10 =	sld [smem:$0x3FA8];
	_ =	sdelay $0x3  }
0x36: {  	p1 =	seq.s32 s10, $0x1;
	s10 =	sld [smem:$0x3FA9];
	_ =	sdelay $0x3  }
0x37: {  	[smem:$0x3FA9] =	sst s10  }
0x38: {  	s10 =	sld [smem:$0x3FAA]  }
0x39: {  	_ = 	snop;
	(pc) =	sbr.ind lr, $3  }
0x3a: {  	_ = 	snop  }
0x3b: {  	_ = 	snop  }
0x3c: {  	p2 =	seq.s32 s10, $0x1;
	s10 =	sld [smem:$0x3FA9]  }
0x3d: {  	_ =	shalt  }
0x3e: {  	_ =	shalt  }
0x3f: {  	_ =	shalt  }
0x40: {  	_ =	shalt  }
0x41: {  	_ =	shalt  }
0x42: {  	_ =	shalt  }
0x43: {  	_ =	shalt  }
0x44: {  	_ =	shalt  }
0x45: {  	_ =	shalt  }
0x46: {  	_ =	shalt  }
0x47: {  	_ =	shalt  }
0x48: {  	_ =	shalt  }
0x49: {  	_ =	shalt  }
0x4a: {  	_ =	shalt  }
0x4b: {  	_ =	shalt  }
0x4c: {  	_ =	shalt  }
0x4d: {  	_ =	shalt  }
0x4e: {  	_ =	shalt  }
0x4f: {  	_ =	shalt  }
0x50: {  	_ =	shalt  }
0x51: {  	_ =	shalt  }
0x52: {  	_ =	shalt  }
0x53: {  	_ =	shalt  }
0x54: {  	_ =	shalt  }
0x55: {  	_ =	shalt  }
0x56: {  	_ =	shalt  }
0x57: {  	_ =	shalt  }
0x58: {  	_ =	shalt  }
0x59: {  	_ =	shalt  }
0x5a: {  	_ =	shalt  }
0x5b: {  	_ =	shalt  }
0x5c: {  	_ =	shalt  }
0x5d: {  	_ =	shalt  }
0x5e: {  	_ =	shalt  }
0x5f: {  	_ =	shalt  }
0x60: {  	_ =	shalt  }
0x61: {  	_ =	shalt  }
0x62: {  	_ =	shalt  }
0x63: {  	_ =	shalt  }
0x64: {  	_ =	shalt  }
0x65: {  	_ =	shalt  }
0x66: {  	_ =	shalt  }
0x67: {  	_ =	shalt  }
0x68: {  	_ =	shalt  }
0x69: {  	_ =	shalt  }
0x6a: {  	_ =	shalt  }
0x6b: {  	_ =	shalt  }
0x6c: {  	_ =	shalt  }
0x6d: {  	_ =	shalt  }
0x6e: {  	_ =	shalt  }
0x6f: {  	_ =	shalt  }
0x70: {  	_ =	shalt  }
0x71: {  	_ =	shalt  }
0x72: {  	_ =	shalt  }
0x73: {  	_ =	shalt  }
0x74: {  	_ =	shalt  }
0x75: {  	_ =	shalt  }
0x76: {  	_ =	shalt  }
0x77: {  	_ =	shalt  }
0x78: {  	_ =	shalt  }
0x79: {  	_ =	shalt  }
0x7a: {  	_ =	shalt  }
0x7b: {  	_ =	shalt  }
0x7c: {  	_ =	shalt  }
0x7d: {  	_ =	shalt  }
0x7e: {  	_ =	shalt  }
0x7f: {  	_ =	shalt  }
0x80: {  	_ =	shalt  }
0x81: {  	_ =	shalt  }
0x82: {  	_ =	shalt  }
0x83: {  	_ =	shalt  }
0x84: {  	_ =	shalt  }
0x85: {  	_ =	shalt  }
0x86: {  	_ =	shalt  }
0x87: {  	_ =	shalt  }
.Lfunc_end0:
.L_simem_size_0:
called_computation.1_lowered:
.L_overlay_start_0:
0x88: {  	s2 =	sld [smem:$0x3FD9]  }
0x89: {  	s3 =	sld [smem:$0x3FFE];
	_ =	sdelay $0x1  }
0x8a: {  	s1 =	srdreg.scid  }
0x8b: {  	s0 =	sand.u32 $0x1, s1  }
0x8c: {  	s16 =	sshll.u32 s0, $0xA;
	s2 =	sadd.s32 s3, s2  }
0x8d: {  	s2 =	sadd.s32 s2, s16  }
0x8e: {  	[smem:$0x3FB5] =	sst s2  }
0x8f: {  	_ = 	snop  }
0x90: {  	(tm) =	ssettm $0x1  }
0x91: {  	s17 =	sld [smem:$0x3FFB];
	_ =	sdelay $0x3  }
0x92: {  	_ =	strace s17  }
0x93: {  	s2 =	sld [smem:$0x3FFC];
	_ =	sdelay $0x3  }
0x94: {  	_ =	strace s2  }
0x95: {  	s2 =	sld [smem:$0x3FFD];
	_ =	sdelay $0x3  }
0x96: {  	_ =	strace s2  }
0x97: {  	_ =	strace $0x8FFFFFFF  }
0x98: {  	s18 =	sld [smem:$0x3FDB];
	_ =	sdelay $0x1  }
0x99: {  	s19 =	simm.s32 $_scs_section_size  }
0x9a: {  	s4 =	simm.s32 $_size__tile_overlayer_lowered;
	s5 =	simm.s32 $_tile_overlayer_lowered  }
0x9b: {  	s22 =	simm.s32 $0x1BFF;
	s21 =	sshll.u32 s5, $0x1;
	s2 =	sadd.s32 s19, s18  }
0x9c: {  	s6 =	simm.s32 $0x0;
	s20 =	sshll.u32 s4, $0x1;
	s4 =	sadd.s32 s21, s2  }
0x9d: {  	[timem:s6], [sflag:s22] =	dma.local [hbm:s4], s20  }
0x9e: {  	_ =	swait.ge [sflag:s22], s20  }
0x9f: {  	s3 =	ssub.s32 $0x0, s20;
	[sflag:s22] =	ssyncset.done $0x0  }
0xa0: {  	[sflag:s22] =	ssyncadd.s32 s3;
	_ =	sdelay $0x1  }
0xa1: {  	s23 =	simm.s32 $0x1B8B  }
0xa2: {  	_ =	swait.ge [sflag:s23], $0x1  }
0xa3: {  	[sflag:s23] =	ssyncset.done $0x0  }
0xa4: {  	s25 =	simm.s32 $0x1B8E;
	s24 =	sld [smem:$0x3FFE];
	[sflag:s23] =	ssyncadd.s32 $0xFFFFFFFF  }
0xa5: {  	s26 =	simm.s32 $execute0_lowered;
	[smem:$0x3FD2] =	sst s25  }
0xa6: {  	s4 =	sshll.u32 s26, $0x1;
	_ =	strace $0x80000049;
	[dreg:$0x1] =	wrdreg $0xFFFFFFFF  }
0xa7: {  	s28 =	simm.s32 $_size_execute0_lowered;
	s2 =	sadd.s32 s2, s4;
	[dreg:$0x0] =	wrdreg $0x0  }
0xa8: {  	s4 =	sshll.u32 s28, $0x1;
	[dreg:$0x2] =	wrdreg s2  }
0xa9: {  	[dreg:$0x3] =	wrdreg s4  }
0xaa: {  	[dreg:$0x4] =	wrdreg $0xC0  }
0xab: {  	_ =	task [dreg:s6], $0x5FFFF  }
0xac: {  	[dreg:$0x1] =	wrdreg $0xFFFFFFFF  }
0xad: {  	[dreg:$0x0] =	wrdreg $0x60  }
0xae: {  	[dreg:$0x2] =	wrdreg s24  }
0xaf: {  	[dreg:$0x3] =	wrdreg $0x90000  }
0xb0: {  	[dreg:$0x4] =	wrdreg $0x9  }
0xb1: {  	_ =	task.clear_ibuf [dreg:s6], $0x5FFFF;
	_ =	strace $0x90000049  }
0xb2: {  	s29 =	simm.s32 $0x9;
	_ =	strace $0x8000004B  }
0xb3: {  	_ =	swait.ge [sflag:s29], $0x1  }
0xb4: {  	[sflag:s29] =	ssyncadd.s32 $0xFFFFFFFF  }
0xb5: {  	_ =	strace $0x9000004B  }
0xb6: {  	_ =	sfence  }
0xb7: {  	s30 =	sld [smem:$0x0];
	_ =	sdelay $0x2  }
0xb8: {  	s31 =	sshll.u32 s1, $0xD;
	s1 =	sshrl.u32 s1, $0x2  }
0xb9: {  	s3 =	sand.u32 $0x4000, s31;
	s1 =	sadd.s32 s1, s30  }
0xba: {  	s0 =	sor.u32 s3, s0;
	s1 =	sshll.u32 s1, $0x11  }
0xbb: {  	s0 =	sor.u32 s1, s0  }
0xbc: {  	s0 =	sadd.s32 $0x8F2B, s0  }
0xbd: {  	[sflag:s0] =	ssyncadd.remote.s32 $0x1  }
0xbe: {  	_ =	sfence.sel $0xFFFF  }
0xbf: {  	[dreg:$0x0] =	wrdreg $0xFFFFFFFF;
	(pc) =	sbr.abs _section_cstart, $3  }
0xc0: {  	[dreg:$0x1] =	wrdreg $0xFFFFFFFF  }
0xc1: {  	_ =	task.clear_ibuf [dreg:s6], $0x2FFFF;
	_ =	strace $0x9FFFFFFF  }
0xc2: {  	(tm) =	ssettm $0x7FFFFFFF  }
0xc3: {  	_ =	shalt  }
tec
execute0_lowered:
.L_overlay_start_1:
0x0: {  	(tag) =	ssettag $0x1  }
0x1: {  	s0 =	rddreg [dreg:$0x0]  }
0x2: {  	s2 =	rddreg [dreg:$0x1];
	s1 =	srdreg.scid;
	s3 =	simm.s32 $0x0  }
0x3: {  	s14 =	stileid.u32;
	s16 =	simm.s32 $0x5;
	s17 =	simm.s32 $0x2000  }
0x4: {  	s18 =	simm.s32 $0x50;
	s19 =	simm.s32 $0x4000;
	s20 =	simm.s32 $0x80  }
0x5: {  	s21 =	simm.s32 $0x6800;
	s22 =	simm.s32 $0x2;
	s24 =	simm.s32 $0x3  }
0x6: {  	s29 =	simm.s32 $0x0;
	s1 =	sand.u32 $0x1, s1;
	s7 =	smul.u32 $0x50000, s14  }
0x7: {  	[smem:$0x7FF] =	sst s3;
	s4 =	sshll.u32 s14, $0xC;
	s25 =	smul.u32 $0x14000, s14  }
0x8: {  	s13 =	sadd.s32 $0x12C000, s2;
	p0 =	seq.s32 s14, $0xF;
	s5 =	sshll.u32 s1, $0xB  }
0x9: {  	_ =	strace $0x8000004A;
	s8 =	ssub.s32 $0x2, s1;
	s1 =	smul.u32 $0x138800, s1  }
0xa: {  	s13 =	sshrl.u32 @p0 s13, $0x3;
	s5 =	sor.u32 s5, s4;
	s4 =	sadd.s32 $0x75800, s0  }
0xb: {  	s9 =	sshrl.u32 s8, $0x1;
	s7 =	sshrl.u32 s7, $0x2;
	s6 =	sadd.s32 s5, s0  }
0xc: {  	s5 =	sadd.s32 $0x24E00, s0;
	s0 =	sadd.s32 $0x9CA00, s0;
	s12 =	ssub.s32 s8, s9  }
0xd: {  	s15 =	sadd.s32 s7, s2;
	s10 =	sadd.s32 s25, s1;
	s1 =	sshrl.u32 s1, $0x3  }
0xe: {  	s25 =	simm.s32 $0x4;
	s26 =	sadd.s32 $0x4E00, s6;
	s28 =	sadd.s32 $0x14E00, s6  }
0xf: {  	s30 =	sadd.s32 $0x5200, s6;
	s6 =	sadd.s32 $0x15200, s6;
	[dreg:$0x3] =	wrdreg s26  }
0x10: {  	s31 =	sshrl.u32 s10, $0x3;
	s1 =	sadd.s32 s0, s1;
	[dreg:$0x4] =	wrdreg s28  }
0x11: {  	s12 =	smax.u32 s12, $0x1;
	s15 =	sshrl.u32 @!p0 s15, $0x3;
	[dreg:$0x5] =	wrdreg s30  }
0x12: {  	[dreg:$0x6] =	wrdreg s6;
	s10 =	sadd.s32 s0, s31;
	s0 =	sshll.u32 @!p0 s14, $0x6  }
0x13: {  	s11 =	sadd.s32 $0x25800, s1;
	s26 =	simm.s32 $0x1;
	s14 =	sor.u32 @!p0 $0x1C05, s0  }
.LBB2_1:
0x14: {  	s0 =	simm.s32 @p0 $0x1FC5  }
0x15: {  	[spmem:s13], [sflag:s0] =	dma.local @p0 [hbm:s5], $0x1900  }
0x16: {  	s0 =	simm.s32 @p0 $0x5  }
0x17: {  	_ =	swait.ge @p0 [sflag:s0], $0x1900  }
0x18: {  	[sflag:s0] =	ssyncset.done @p0 $0x0  }
0x19: {  	[sflag:s0] =	ssyncadd.s32 @p0 $0xFFFFE700;
	s0 =	simm.s32 @!p0 $0x5  }
0x1a: {  	[spmem:s15], [sflag:s14] =	dma.local @!p0 [hbm:s5], $0x2800  }
0x1b: {  	_ =	swait.ge @!p0 [sflag:s0], $0x2800  }
0x1c: {  	[sflag:s0] =	ssyncset.done @!p0 $0x0  }
0x1d: {  	[sflag:s0] =	ssyncadd.s32 @!p0 $0xFFFFD800  }
0x1e: {  	[bflag:$0x0] =	sbarrier.arrive $0xFFFF  }
0x1f: {  	s6 =	rddreg [dreg:$0x3]  }
0x20: {  	[tilespmem:s3], [sflag:$0x5] =	stream.linear.gather [hbm4b:s6+s3], $0x2000, $0x38;
	[tilespmem:$0x1C880] =	vst v63  }
0x21: {  	_ =	swait.ge [sflag:s16], $0x2000  }
0x22: {  	[sflag:s16] =	ssyncset.done $0x0  }
0x23: {  	s7 =	rddreg [dreg:$0x4];
	[sflag:s16] =	ssyncadd.s32 $0xFFFFE000  }
0x24: {  	[tilespmem:s17], [sflag:$0x5] =	stream.linear.gather [hbm4b:s7+s3], $0x2000, $0x38;
	[tilespmem:$0x1C880] =	vst v63  }
0x25: {  	_ =	swait.ge [sflag:s16], $0x2000  }
0x26: {  	[sflag:s16] =	ssyncset.done $0x0  }
0x27: {  	[sflag:s16] =	ssyncadd.s32 $0xFFFFE000  }
0x28: {  	[tilespmem:s19], [sflag:$0x1] =	stream.indirect.gather [hbm4b:s4+s18], $0x80, s3, s18, $0xb8;
	[tilespmem:$0x1C880] =	vst v63  }
0x29: {  	_ = 	snop  }
0x2a: {  	[tilespmem:s21], [sflag:$0x2] =	stream.indirect.gather [hbm4b:s4+s18], $0x80, s20, s18, $0xb8;
	[tilespmem:$0x1C880] =	vst v63  }
0x2b: {  	s8 =	sand.u32 $0x1, s26;
	_ =	swait.ge [sflag:s26], $0x2800  }
0x2c: {  	p1 =	seq.s32 s8, $0x1;
	[sflag:s26] =	ssyncset.done $0x0  }
0x2d: {  	s0 =	simm.s32 @p1 $0x3;
	[sflag:s26] =	ssyncadd.s32 $0xFFFFD800  }
0x2e: {  	[spmem:s2] =	stream.indirect.scatter.add.f32 [tilespmem:s19], [sflag:$0x3], $0x80, s17, s18, $0xb8;
	[tilespmem:$0x1C880] =	vst v63  }
0x2f: {  	s1 =	simm.s32 @p1 $0x2;
	_ =	swait.ge @p1 [sflag:s0], $0x2800  }
0x30: {  	s6 =	simm.s32 $0x100;
	[sflag:s0] =	ssyncset.done @p1 $0x0;
	p1 =	por p1, p1  }
0x31: {  	[sflag:s0] =	ssyncadd.s32 @p1 $0xFFFFD800;
	s23 =	simm.s32 @p1 $0x50;
	s0 =	simm.s32 @p1 $0x4000  }
0x32: {  	[tilespmem:s0], [sflag:$0x1] =	stream.indirect.gather @p1 [hbm4b:s4+s23], $0x80, s6, s23, $0xb8;
	[tilespmem:$0x1C880] =	vst v63  }
0x33: {  	_ =	swait.ge @p1 [sflag:s1], $0x2800  }
0x34: {  	s31 =	simm.s32 @!p1 $0x4;
	[sflag:s1] =	ssyncset.done @p1 $0x0  }
0x35: {  	s0 =	simm.s32 $0x2080;
	[sflag:s1] =	ssyncadd.s32 @p1 $0xFFFFD800;
	s1 =	simm.s32 @p1 $0x6800  }
0x36: {  	[spmem:s2] =	stream.indirect.scatter.add.f32 @p1 [tilespmem:s1], [sflag:$0x4], $0x80, s0, s23, $0xb8;
	[tilespmem:$0x1C880] =	vst v63  }
0x37: {  	s30 =	simm.s32 $0x180;
	s7 =	simm.s32 $0x2;
	_ =	swait.ge @!p1 [sflag:s31], $0x2800  }
0x38: {  	s9 =	sand.u32 $0x1, s7;
	s28 =	simm.s32 @!p1 $0x1;
	[sflag:s31] =	ssyncset.done @!p1 $0x0  }
0x39: {  	s23 =	simm.s32 @!p1 $0x50;
	[sflag:s31] =	ssyncadd.s32 @!p1 $0xFFFFD800;
	s31 =	simm.s32 @!p1 $0x6800  }
0x3a: {  	[tilespmem:s31], [sflag:$0x2] =	stream.indirect.gather @!p1 [hbm4b:s4+s23], $0x80, s6, s23, $0xb8;
	[tilespmem:$0x1C880] =	vst v63  }
0x3b: {  	p3 =	seq.s32 s9, $0x1;
	s1 =	simm.s32 $0x3;
	_ =	swait.ge @!p1 [sflag:s28], $0x2800  }
0x3c: {  	s31 =	simm.s32 $0x2100;
	s6 =	simm.s32 @!p1 $0x4000;
	[sflag:s28] =	ssyncset.done @!p1 $0x0  }
.LBB2_2:
0x3d: {  	s7 =	simm.s32 @p3 $0x3;
	[sflag:s28] =	ssyncadd.s32 @!p1 $0xFFFFD800  }
0x3e: {  	s8 =	smov.u32 s1;
	s1 =	sadd.s32 $0x1, s1;
	s9 =	smov.u32 s30  }
0x3f: {  	[spmem:s2] =	stream.indirect.scatter.add.f32 @!p1 [tilespmem:s6], [sflag:$0x3], $0x80, s0, s23, $0xb8;
	[tilespmem:$0x1C880] =	vst v63  }
0x40: {  	p2 =	sne.s32 s1, $0x3F;
	s0 =	smov.u32 s31;
	_ =	swait.ge @p3 [sflag:s7], $0x2800  }
0x41: {  	s6 =	simm.s32 @p3 $0x2;
	p1 =	por p3, p3;
	[sflag:s7] =	ssyncset.done @p3 $0x0  }
0x42: {  	s23 =	simm.s32 @p1 $0x4000;
	[sflag:s7] =	ssyncadd.s32 @p1 $0xFFFFD800;
	s7 =	simm.s32 @p1 $0x50  }
0x43: {  	[tilespmem:s23], [sflag:$0x1] =	stream.indirect.gather @p1 [hbm4b:s4+s7], $0x80, s30, s7, $0xb8;
	[tilespmem:$0x1C880] =	vst v63  }
0x44: {  	_ =	swait.ge @p1 [sflag:s6], $0x2800  }
0x45: {  	[sflag:s6] =	ssyncset.done @p1 $0x0  }
0x46: {  	s23 =	simm.s32 @!p1 $0x4;
	[sflag:s6] =	ssyncadd.s32 @p1 $0xFFFFD800;
	s6 =	simm.s32 @p1 $0x6800  }
0x47: {  	[spmem:s2] =	stream.indirect.scatter.add.f32 @p1 [tilespmem:s6], [sflag:$0x4], $0x80, s31, s7, $0xb8;
	[tilespmem:$0x1C880] =	vst v63  }
0x48: {  	s30 =	sadd.s32 $0x80, s30;
	_ =	swait.ge @!p1 [sflag:s23], $0x2800  }
.Ltmp0:
0x49: {  	s28 =	simm.s32 @!p1 $0x1;
	[sflag:s23] =	ssyncset.done @!p1 $0x0;
	(pc) =	sbr.rel @p2 .LBB2_2-.Ltmp0, $4  }
0x4a: {  	s6 =	simm.s32 @!p1 $0x6800;
	[sflag:s23] =	ssyncadd.s32 @!p1 $0xFFFFD800;
	s23 =	simm.s32 @!p1 $0x50  }
0x4b: {  	[tilespmem:s6], [sflag:$0x2] =	stream.indirect.gather @!p1 [hbm4b:s4+s23], $0x80, s9, s23, $0xb8;
	[tilespmem:$0x1C880] =	vst v63  }
0x4c: {  	s31 =	sadd.s32 $0x80, s31;
	s6 =	sand.u32 $0x1, s8;
	_ =	swait.ge @!p1 [sflag:s28], $0x2800  }
0x4d: {  	p3 =	seq.s32 s6, $0x1;
	s6 =	simm.s32 @!p1 $0x4000;
	[sflag:s28] =	ssyncset.done @!p1 $0x0  }
0x4e: {  	s1 =	simm.s32 @p3 $0x3;
	[sflag:s28] =	ssyncadd.s32 @!p1 $0xFFFFD800  }
0x4f: {  	[spmem:s2] =	stream.indirect.scatter.add.f32 @!p1 [tilespmem:s6], [sflag:$0x3], $0x80, s0, s23, $0xb8;
	[tilespmem:$0x1C880] =	vst v63  }
0x50: {  	_ =	swait.ge @p3 [sflag:s1], $0x2800  }
0x51: {  	s0 =	simm.s32 @p3 $0x2;
	p1 =	por p3, p3;
	[sflag:s1] =	ssyncset.done @p3 $0x0  }
0x52: {  	s6 =	simm.s32 @p1 $0x4000;
	[sflag:s1] =	ssyncadd.s32 @p1 $0xFFFFD800;
	s1 =	simm.s32 @p1 $0x50  }
0x53: {  	[tilespmem:s6], [sflag:$0x1] =	stream.indirect.gather @p1 [hbm4b:s4+s1], $0x80, s30, s1, $0xb8;
	[tilespmem:$0x1C880] =	vst v63  }
0x54: {  	_ =	swait.ge @p1 [sflag:s0], $0x2800  }
0x55: {  	[sflag:s0] =	ssyncset.done @p1 $0x0  }
0x56: {  	s6 =	simm.s32 @!p1 $0x4;
	[sflag:s0] =	ssyncadd.s32 @p1 $0xFFFFD800;
	s0 =	simm.s32 @p1 $0x6800  }
0x57: {  	[spmem:s2] =	stream.indirect.scatter.add.f32 @p1 [tilespmem:s0], [sflag:$0x4], $0x80, s31, s1, $0xb8;
	[tilespmem:$0x1C880] =	vst v63  }
0x58: {  	_ =	swait.ge @!p1 [sflag:s6], $0x2800  }
0x59: {  	s0 =	simm.s32 @!p1 $0x1;
	[sflag:s6] =	ssyncset.done @!p1 $0x0  }
0x5a: {  	s1 =	simm.s32 @!p1 $0x50;
	[sflag:s6] =	ssyncadd.s32 @!p1 $0xFFFFD800;
	s6 =	simm.s32 @!p1 $0x6800  }
0x5b: {  	[tilespmem:s6], [sflag:$0x2] =	stream.indirect.gather @!p1 [hbm4b:s4+s1], $0x80, s30, s1, $0xb8;
	[tilespmem:$0x1C880] =	vst v63  }
0x5c: {  	_ =	swait.ge @!p1 [sflag:s0], $0x2800  }
0x5d: {  	[sflag:s0] =	ssyncset.done @!p1 $0x0  }
0x5e: {  	s6 =	simm.s32 @!p1 $0x4000;
	[sflag:s0] =	ssyncadd.s32 @!p1 $0xFFFFD800  }
0x5f: {  	[spmem:s2] =	stream.indirect.scatter.add.f32 @!p1 [tilespmem:s6], [sflag:$0x3], $0x80, s31, s1, $0xb8;
	[tilespmem:$0x1C880] =	vst v63  }
0x60: {  	_ =	swait.ge [sflag:s22], $0x2800  }
0x61: {  	[sflag:s22] =	ssyncset.done $0x0  }
0x62: {  	s1 =	simm.s32 $0x3F80;
	[sflag:s22] =	ssyncadd.s32 $0xFFFFD800  }
0x63: {  	[spmem:s2] =	stream.indirect.scatter.add.f32 [tilespmem:s21], [sflag:$0x4], $0x80, s1, s18, $0xb8;
	[tilespmem:$0x1C880] =	vst v63  }
0x64: {  	_ =	swait.ge [sflag:s24], $0x2800  }
0x65: {  	[sflag:s24] =	ssyncset.done $0x0  }
0x66: {  	[sflag:s24] =	ssyncadd.s32 $0xFFFFD800  }
0x67: {  	_ =	swait.ge [sflag:s25], $0x2800  }
0x68: {  	[sflag:s25] =	ssyncset.done $0x0  }
0x69: {  	s6 =	rddreg [dreg:$0x5];
	[sflag:s25] =	ssyncadd.s32 $0xFFFFD800  }
0x6a: {  	[tilespmem:s3], [sflag:$0x5] =	stream.linear.gather [hbm4b:s6+s3], $0x1E80, $0x38;
	[tilespmem:$0x1C880] =	vst v63  }
0x6b: {  	_ =	swait.ge [sflag:s16], $0x1E80  }
0x6c: {  	[sflag:s16] =	ssyncset.done $0x0  }
0x6d: {  	s7 =	rddreg [dreg:$0x6];
	[sflag:s16] =	ssyncadd.s32 $0xFFFFE180  }
0x6e: {  	[tilespmem:s17], [sflag:$0x5] =	stream.linear.gather [hbm4b:s7+s3], $0x1E80, $0x38;
	[tilespmem:$0x1C880] =	vst v63  }
0x6f: {  	_ =	swait.ge [sflag:s16], $0x1E80  }
0x70: {  	[sflag:s16] =	ssyncset.done $0x0  }
0x71: {  	[sflag:s16] =	ssyncadd.s32 $0xFFFFE180  }
0x72: {  	[tilespmem:s19], [sflag:$0x1] =	stream.indirect.gather [hbm4b:s4+s18], $0x80, s3, s18, $0xb8;
	[tilespmem:$0x1C880] =	vst v63  }
0x73: {  	s8 =	simm.s32 $0x1  }
0x74: {  	[tilespmem:s21], [sflag:$0x2] =	stream.indirect.gather [hbm4b:s4+s18], $0x80, s20, s18, $0xb8;
	[tilespmem:$0x1C880] =	vst v63  }
0x75: {  	s0 =	sand.u32 $0x1, s8;
	_ =	swait.ge [sflag:s8], $0x2800  }
0x76: {  	p1 =	seq.s32 s0, $0x1;
	[sflag:s8] =	ssyncset.done $0x0  }
0x77: {  	s0 =	simm.s32 @p1 $0x3;
	[sflag:s8] =	ssyncadd.s32 $0xFFFFD800  }
0x78: {  	[spmem:s2] =	stream.indirect.scatter.add.f32 [tilespmem:s19], [sflag:$0x3], $0x80, s17, s18, $0xb8;
	[tilespmem:$0x1C880] =	vst v63  }
0x79: {  	s1 =	simm.s32 @p1 $0x2;
	_ =	swait.ge @p1 [sflag:s0], $0x2800  }
0x7a: {  	s6 =	simm.s32 $0x100;
	[sflag:s0] =	ssyncset.done @p1 $0x0;
	p1 =	por p1, p1  }
0x7b: {  	[sflag:s0] =	ssyncadd.s32 @p1 $0xFFFFD800;
	s7 =	simm.s32 @p1 $0x50;
	s0 =	simm.s32 @p1 $0x4000  }
0x7c: {  	[tilespmem:s0], [sflag:$0x1] =	stream.indirect.gather @p1 [hbm4b:s4+s7], $0x80, s6, s7, $0xb8;
	[tilespmem:$0x1C880] =	vst v63  }
0x7d: {  	_ =	swait.ge @p1 [sflag:s1], $0x2800  }
0x7e: {  	s9 =	simm.s32 $0x2;
	s8 =	simm.s32 @!p1 $0x4;
	[sflag:s1] =	ssyncset.done @p1 $0x0  }
0x7f: {  	s0 =	simm.s32 $0x2080;
	[sflag:s1] =	ssyncadd.s32 @p1 $0xFFFFD800;
	s1 =	simm.s32 @p1 $0x6800  }
0x80: {  	[spmem:s2] =	stream.indirect.scatter.add.f32 @p1 [tilespmem:s1], [sflag:$0x4], $0x80, s0, s7, $0xb8;
	[tilespmem:$0x1C880] =	vst v63  }
0x81: {  	s9 =	sand.u32 $0x1, s9;
	_ =	swait.ge @!p1 [sflag:s8], $0x2800  }
0x82: {  	p3 =	seq.s32 s9, $0x1;
	s28 =	simm.s32 @!p1 $0x1;
	[sflag:s8] =	ssyncset.done @!p1 $0x0  }
0x83: {  	s23 =	simm.s32 @!p1 $0x50;
	[sflag:s8] =	ssyncadd.s32 @!p1 $0xFFFFD800;
	s8 =	simm.s32 @!p1 $0x6800  }
0x84: {  	[tilespmem:s8], [sflag:$0x2] =	stream.indirect.gather @!p1 [hbm4b:s4+s23], $0x80, s6, s23, $0xb8;
	[tilespmem:$0x1C880] =	vst v63  }
0x85: {  	s30 =	simm.s32 $0x180;
	s31 =	simm.s32 $0x2100;
	_ =	swait.ge @!p1 [sflag:s28], $0x2800  }
0x86: {  	s1 =	simm.s32 $0x3;
	s6 =	simm.s32 @!p1 $0x4000;
	[sflag:s28] =	ssyncset.done @!p1 $0x0  }
.LBB2_4:
0x87: {  	s7 =	simm.s32 @p3 $0x3;
	[sflag:s28] =	ssyncadd.s32 @!p1 $0xFFFFD800  }
0x88: {  	s8 =	smov.u32 s1;
	s1 =	sadd.s32 $0x1, s1;
	s9 =	smov.u32 s30  }
0x89: {  	[spmem:s2] =	stream.indirect.scatter.add.f32 @!p1 [tilespmem:s6], [sflag:$0x3], $0x80, s0, s23, $0xb8;
	[tilespmem:$0x1C880] =	vst v63  }
0x8a: {  	p2 =	sne.s32 s1, $0x3C;
	s0 =	smov.u32 s31;
	_ =	swait.ge @p3 [sflag:s7], $0x2800  }
0x8b: {  	s6 =	simm.s32 @p3 $0x2;
	p1 =	por p3, p3;
	[sflag:s7] =	ssyncset.done @p3 $0x0  }
0x8c: {  	s23 =	simm.s32 @p1 $0x4000;
	[sflag:s7] =	ssyncadd.s32 @p1 $0xFFFFD800;
	s7 =	simm.s32 @p1 $0x50  }
0x8d: {  	[tilespmem:s23], [sflag:$0x1] =	stream.indirect.gather @p1 [hbm4b:s4+s7], $0x80, s30, s7, $0xb8;
	[tilespmem:$0x1C880] =	vst v63  }
0x8e: {  	_ =	swait.ge @p1 [sflag:s6], $0x2800  }
0x8f: {  	[sflag:s6] =	ssyncset.done @p1 $0x0  }
0x90: {  	s23 =	simm.s32 @!p1 $0x4;
	[sflag:s6] =	ssyncadd.s32 @p1 $0xFFFFD800;
	s6 =	simm.s32 @p1 $0x6800  }
0x91: {  	[spmem:s2] =	stream.indirect.scatter.add.f32 @p1 [tilespmem:s6], [sflag:$0x4], $0x80, s31, s7, $0xb8;
	[tilespmem:$0x1C880] =	vst v63  }
0x92: {  	s30 =	sadd.s32 $0x80, s30;
	_ =	swait.ge @!p1 [sflag:s23], $0x2800  }
.Ltmp1:
0x93: {  	s28 =	simm.s32 @!p1 $0x1;
	[sflag:s23] =	ssyncset.done @!p1 $0x0;
	(pc) =	sbr.rel @p2 .LBB2_4-.Ltmp1, $4  }
0x94: {  	s6 =	simm.s32 @!p1 $0x6800;
	[sflag:s23] =	ssyncadd.s32 @!p1 $0xFFFFD800;
	s23 =	simm.s32 @!p1 $0x50  }
0x95: {  	[tilespmem:s6], [sflag:$0x2] =	stream.indirect.gather @!p1 [hbm4b:s4+s23], $0x80, s9, s23, $0xb8;
	[tilespmem:$0x1C880] =	vst v63  }
0x96: {  	s31 =	sadd.s32 $0x80, s31;
	s6 =	sand.u32 $0x1, s8;
	_ =	swait.ge @!p1 [sflag:s28], $0x2800  }
0x97: {  	p3 =	seq.s32 s6, $0x1;
	s6 =	simm.s32 @!p1 $0x4000;
	[sflag:s28] =	ssyncset.done @!p1 $0x0  }
0x98: {  	s1 =	simm.s32 @p3 $0x3;
	[sflag:s28] =	ssyncadd.s32 @!p1 $0xFFFFD800  }
0x99: {  	[spmem:s2] =	stream.indirect.scatter.add.f32 @!p1 [tilespmem:s6], [sflag:$0x3], $0x80, s0, s23, $0xb8;
	[tilespmem:$0x1C880] =	vst v63  }
0x9a: {  	_ =	swait.ge @p3 [sflag:s1], $0x2800  }
0x9b: {  	s0 =	simm.s32 @p3 $0x2;
	p1 =	por p3, p3;
	[sflag:s1] =	ssyncset.done @p3 $0x0  }
0x9c: {  	s6 =	simm.s32 @p1 $0x4000;
	[sflag:s1] =	ssyncadd.s32 @p1 $0xFFFFD800;
	s1 =	simm.s32 @p1 $0x50  }
0x9d: {  	[tilespmem:s6], [sflag:$0x1] =	stream.indirect.gather @p1 [hbm4b:s4+s1], $0x80, s30, s1, $0xb8;
	[tilespmem:$0x1C880] =	vst v63  }
0x9e: {  	_ =	swait.ge @p1 [sflag:s0], $0x2800  }
0x9f: {  	[sflag:s0] =	ssyncset.done @p1 $0x0  }
0xa0: {  	s6 =	simm.s32 @!p1 $0x4;
	[sflag:s0] =	ssyncadd.s32 @p1 $0xFFFFD800;
	s0 =	simm.s32 @p1 $0x6800  }
0xa1: {  	[spmem:s2] =	stream.indirect.scatter.add.f32 @p1 [tilespmem:s0], [sflag:$0x4], $0x80, s31, s1, $0xb8;
	[tilespmem:$0x1C880] =	vst v63  }
0xa2: {  	_ =	swait.ge @!p1 [sflag:s6], $0x2800  }
0xa3: {  	s0 =	simm.s32 @!p1 $0x1;
	[sflag:s6] =	ssyncset.done @!p1 $0x0  }
0xa4: {  	s1 =	simm.s32 @!p1 $0x50;
	[sflag:s6] =	ssyncadd.s32 @!p1 $0xFFFFD800;
	s6 =	simm.s32 @!p1 $0x6800  }
0xa5: {  	[tilespmem:s6], [sflag:$0x2] =	stream.indirect.gather @!p1 [hbm4b:s4+s1], $0x80, s30, s1, $0xb8;
	[tilespmem:$0x1C880] =	vst v63  }
0xa6: {  	_ =	swait.ge @!p1 [sflag:s0], $0x2800  }
0xa7: {  	[sflag:s0] =	ssyncset.done @!p1 $0x0  }
0xa8: {  	s6 =	simm.s32 @!p1 $0x4000;
	[sflag:s0] =	ssyncadd.s32 @!p1 $0xFFFFD800  }
0xa9: {  	[spmem:s2] =	stream.indirect.scatter.add.f32 @!p1 [tilespmem:s6], [sflag:$0x3], $0x80, s31, s1, $0xb8;
	[tilespmem:$0x1C880] =	vst v63  }
0xaa: {  	_ =	swait.ge [sflag:s26], $0x2800  }
0xab: {  	[sflag:s26] =	ssyncset.done $0x0  }
0xac: {  	s31 =	simm.s32 $0x3E00;
	[sflag:s26] =	ssyncadd.s32 $0xFFFFD800  }
0xad: {  	[spmem:s2] =	stream.indirect.scatter.add.f32 [tilespmem:s19], [sflag:$0x3], $0x80, s31, s18, $0xb8;
	[tilespmem:$0x1C880] =	vst v63  }
0xae: {  	_ =	swait.ge [sflag:s25], $0x2800  }
0xaf: {  	[sflag:s25] =	ssyncset.done $0x0  }
0xb0: {  	[sflag:s25] =	ssyncadd.s32 $0xFFFFD800  }
0xb1: {  	_ =	swait.ge [sflag:s24], $0x2800  }
0xb2: {  	[sflag:s24] =	ssyncset.done $0x0  }
0xb3: {  	[sflag:s24] =	ssyncadd.s32 $0xFFFFD800  }
0xb4: {  	s0 =	simm.s32 @p0 $0x1FC5;
	[bflag:$0x0] =	sbarrier.arrive $0xFFFF  }
0xb5: {  	[hbm:s11], [sflag:s0] =	dma.local @p0 [spmem:s13], $0x1900  }
0xb6: {  	s0 =	simm.s32 @p0 $0x5  }
0xb7: {  	s29 =	sadd.s32 $0x1, s29;
	_ =	swait.ge @p0 [sflag:s0], $0x1900  }
0xb8: {  	p1 =	sne.s32 s29, s12;
	[sflag:s0] =	ssyncset.done @p0 $0x0  }
.Ltmp2:
0xb9: {  	[sflag:s0] =	ssyncadd.s32 @p0 $0xFFFFE700;
	s0 =	simm.s32 @!p0 $0x5;
	(pc) =	sbr.rel @p1 .LBB2_1-.Ltmp2, $4  }
0xba: {  	[hbm:s10], [sflag:s14] =	dma.local @!p0 [spmem:s15], $0x2800  }
0xbb: {  	_ =	swait.ge @!p0 [sflag:s0], $0x2800  }
0xbc: {  	[sflag:s0] =	ssyncset.done @!p0 $0x0  }
0xbd: {  	[sflag:s0] =	ssyncadd.s32 @!p0 $0xFFFFD800  }
0xbe: {  	_ =	sfence.sel $0x180000  }
0xbf: {  	[bflag:$0x0] =	sbarrier.arrive $0xFFFF  }
0xc0: {  	_ =	strace $0x9000004A  }
0xc1: {  	s0 =	stileid.u32;
	[bflag:$0x2] =	sbarrier.arrive $0xFFFF  }
0xc2: {  	p0 =	sne.s32 s0, $0x0;
	s0 =	rddreg [dreg:$0x2]  }
0xc3: {  	s0 =	sadd.s32 @!p0 $0x100000, s0  }
0xc4: {  	[sflag:s0] =	ssyncadd.tile.s32 @!p0 $0x1;
	_ =	shalt  }
.Lfunc_end2:
_tile_overlayer_lowered:
.L_overlay_start_2:
0xc5: {  	(tag) =	ssettag $0x2  }
0xc6: {  	s0 =	rddreg [dreg:$0x0];
	s2 =	stileid.u32  }
0xc7: {  	s1 =	rddreg [dreg:$0x1];
	p0 =	sne.s32 s2, $0x0  }
0xc8: {  	s3 =	rddreg [dreg:$0x2];
	[bflag:$0x3] =	sbarrier.arrive $0xFFFF;
	s2 =	simm.s32 @!p0 $0x1C05  }
0xc9: {  	[timem:s3], [sflag:s2] =	dma.local @!p0 [hbm:s0], s1  }
0xca: {  	s0 =	simm.s32 @!p0 $0x5  }
0xcb: {  	_ =	swait.ge @!p0 [sflag:s0], s1  }
0xcc: {  	s1 =	ssub.s32 @!p0 $0x0, s1;
	[sflag:s0] =	ssyncset.done @!p0 $0x0  }
0xcd: {  	[sflag:s0] =	ssyncadd.s32 @!p0 s1  }
0xce: {  	[bflag:$0x3] =	sbarrier.arrive $0xFFFF  }
0xcf: {  	_ =	shalt  }

// kernel: kernel.16.cloned.1.call-start
scs
__scs_entry_jumppad:
0x0: {  	(pc) =	sbr.rel $0x88, $3  }
0x1: {  	(tag) =	ssettag $0x0;
	lr =	simm.s32 $0x1  }
0x2: {  	[smem:$0x3F8E] =	sst lr;
	_ =	strace $0xD0000000  }
0x3: {  	_ = 	snop  }
0x4: {  	_ = 	snop  }
0x5: {  	_ = 	snop  }
0x6: {  	_ = 	snop  }
0x7: {  	_ = 	snop  }
__scs_overlays_trampoline_lowered:
0x8: {  	[smem:$0x3F9D] =	sst s0  }
0x9: {  	[smem:$0x3F9E] =	sst s1  }
0xa: {  	[smem:$0x3F9F] =	sst s2  }
0xb: {  	[smem:$0x3FA0] =	sst s3  }
0xc: {  	[smem:$0x3FA1] =	sst s4  }
0xd: {  	[smem:$0x3FA2] =	sst s5  }
0xe: {  	[smem:$0x3FA3] =	sst s6  }
0xf: {  	[smem:$0x3FA4] =	sst s7  }
0x10: {  	[smem:$0x3FA5] =	sst s8  }
0x11: {  	[smem:$0x3FA6] =	sst s9;
	s0 =	simm.s32 @!p0 $0x0  }
0x12: {  	s1 =	sld [smem:$0x3F8C];
	s0 =	simm.s32 @p0 $0x1  }
0x13: {  	[smem:$0x3FA7] =	sst s0;
	s0 =	simm.s32 @!p1 $0x0  }
0x14: {  	s2 =	sld [smem:$0x3F8B];
	s0 =	simm.s32 @p1 $0x1  }
0x15: {  	[smem:$0x3FA8] =	sst s0;
	s0 =	simm.s32 @!p2 $0x0  }
0x16: {  	s3 =	sld [smem:$0x3FDB];
	s0 =	simm.s32 @p2 $0x1  }
0x17: {  	s4 =	simm.s32 $0x1BF5;
	[smem:$0x3FAA] =	sst s0  }
0x18: {  	s0 =	sld [smem:$0x3F8D];
	_ =	swait.ge [sflag:s4], $0x0  }
0x19: {  	s7 =	sld [smem:$0x3F8E]  }
0x1a: {  	s8 =	sadd.s32 $0xFFFFE003, lr  }
0x1b: {  	s9 =	sadd.s32 $0xFFFFFEF7, lr;
	s5 =	simm.s32 $0xFFFFFFFF;
	p2 =	slt.u32 s8, $0xFFFFF086  }
0x1c: {  	p1 =	slt.u32 s9, $0xF7A;
	s5 =	simm.s32 @!p2 $0x0  }
0x1d: {  	s5 =	simm.s32 @p1 $0x1;
	p0 =	seq.s32 s7, s2  }
0x1e: {  	s7 =	smul.u32 @!p0 $0xF7A, s2;
	p2 =	seq.s32 @!p0 s5, $0x0  }
0x1f: {  	s9 =	smul.u32 $0xF7A, s1;
	s8 =	simm.s32 @!p0 $0x1BF5;
	p2 =	por !p2, p0  }
0x20: {  	[sflag:s8] =	ssyncset.s32 @!p0 $0xFFFFF086;
	s6 =	sadd.s32 @!p0 s3, s7;
	s7 =	simm.s32 @!p0 $0x108  }
0x21: {  	s3 =	sadd.s32 s3, s9;
	s6 =	sadd.s32 @!p0 $0x88, s6;
	s7 =	simm.s32 @p2 $0x1082  }
0x22: {  	[simem:s7], [sflag:s8] =	dma.local @!p0 [hbm:s6], $0xF7A  }
0x23: {  	s9 =	sor.u32 $0xD0000000, s2;
	s6 =	simm.s32 $0x108;
	_ =	swait.ge @!p0 [sflag:s8], $0x0  }
0x24: {  	s3 =	sadd.s32 $0x88, s3;
	s6 =	simm.s32 @!p1 $0x1082;
	[sflag:s4] =	ssyncset.s32 $0xFFFFF086  }
0x25: {  	[simem:s6], [sflag:s4] =	dma.local [hbm:s3], $0xF7A  }
0x26: {  	[smem:$0x3F8E] =	sst s1;
	(tag) =	ssettag s2;
	_ =	strace s9  }
0x27: {  	s1 =	sld [smem:$0x3F9E]  }
0x28: {  	s2 =	sld [smem:$0x3F9F]  }
0x29: {  	s4 =	sld [smem:$0x3FA1]  }
0x2a: {  	p0 =	seq.s32 s5, $0x0;
	s5 =	sld [smem:$0x3FA2]  }
0x2b: {  	s6 =	sld [smem:$0x3FA3]  }
0x2c: {  	s7 =	sld [smem:$0x3FA4]  }
0x2d: {  	s3 =	simm.s32 $0x108;
	s8 =	sld [smem:$0x3FA5]  }
0x2e: {  	s3 =	simm.s32 @!p0 $0x1082;
	s9 =	sld [smem:$0x3FA6]  }
0x2f: {  	lr =	sadd.s32 s0, s3;
	s0 =	sld [smem:$0x3F9D]  }
0x30: {  	s3 =	sld [smem:$0x3FA0]  }
0x31: {  	[smem:$0x3FA9] =	sst s10  }
0x32: {  	s10 =	sld [smem:$0x3FA7];
	_ =	sdelay $0x3  }
0x33: {  	p0 =	seq.s32 s10, $0x1;
	s10 =	sld [smem:$0x3FA9];
	_ =	sdelay $0x3  }
0x34: {  	[smem:$0x3FA9] =	sst s10  }
0x35: {  	s10 =	sld [smem:$0x3FA8];
	_ =	sdelay $0x3  }
0x36: {  	p1 =	seq.s32 s10, $0x1;
	s10 =	sld [smem:$0x3FA9];
	_ =	sdelay $0x3  }
0x37: {  	[smem:$0x3FA9] =	sst s10  }
0x38: {  	s10 =	sld [smem:$0x3FAA]  }
0x39: {  	_ = 	snop;
	(pc) =	sbr.ind lr, $3  }
0x3a: {  	_ = 	snop  }
0x3b: {  	_ = 	snop  }
0x3c: {  	p2 =	seq.s32 s10, $0x1;
	s10 =	sld [smem:$0x3FA9]  }
0x3d: {  	_ =	shalt  }
0x3e: {  	_ =	shalt  }
0x3f: {  	_ =	shalt  }
0x40: {  	_ =	shalt  }
0x41: {  	_ =	shalt  }
0x42: {  	_ =	shalt  }
0x43: {  	_ =	shalt  }
0x44: {  	_ =	shalt  }
0x45: {  	_ =	shalt  }
0x46: {  	_ =	shalt  }
0x47: {  	_ =	shalt  }
0x48: {  	_ =	shalt  }
0x49: {  	_ =	shalt  }
0x4a: {  	_ =	shalt  }
0x4b: {  	_ =	shalt  }
0x4c: {  	_ =	shalt  }
0x4d: {  	_ =	shalt  }
0x4e: {  	_ =	shalt  }
0x4f: {  	_ =	shalt  }
0x50: {  	_ =	shalt  }
0x51: {  	_ =	shalt  }
0x52: {  	_ =	shalt  }
0x53: {  	_ =	shalt  }
0x54: {  	_ =	shalt  }
0x55: {  	_ =	shalt  }
0x56: {  	_ =	shalt  }
0x57: {  	_ =	shalt  }
0x58: {  	_ =	shalt  }
0x59: {  	_ =	shalt  }
0x5a: {  	_ =	shalt  }
0x5b: {  	_ =	shalt  }
0x5c: {  	_ =	shalt  }
0x5d: {  	_ =	shalt  }
0x5e: {  	_ =	shalt  }
0x5f: {  	_ =	shalt  }
0x60: {  	_ =	shalt  }
0x61: {  	_ =	shalt  }
0x62: {  	_ =	shalt  }
0x63: {  	_ =	shalt  }
0x64: {  	_ =	shalt  }
0x65: {  	_ =	shalt  }
0x66: {  	_ =	shalt  }
0x67: {  	_ =	shalt  }
0x68: {  	_ =	shalt  }
0x69: {  	_ =	shalt  }
0x6a: {  	_ =	shalt  }
0x6b: {  	_ =	shalt  }
0x6c: {  	_ =	shalt  }
0x6d: {  	_ =	shalt  }
0x6e: {  	_ =	shalt  }
0x6f: {  	_ =	shalt  }
0x70: {  	_ =	shalt  }
0x71: {  	_ =	shalt  }
0x72: {  	_ =	shalt  }
0x73: {  	_ =	shalt  }
0x74: {  	_ =	shalt  }
0x75: {  	_ =	shalt  }
0x76: {  	_ =	shalt  }
0x77: {  	_ =	shalt  }
0x78: {  	_ =	shalt  }
0x79: {  	_ =	shalt  }
0x7a: {  	_ =	shalt  }
0x7b: {  	_ =	shalt  }
0x7c: {  	_ =	shalt  }
0x7d: {  	_ =	shalt  }
0x7e: {  	_ =	shalt  }
0x7f: {  	_ =	shalt  }
0x80: {  	_ =	shalt  }
0x81: {  	_ =	shalt  }
0x82: {  	_ =	shalt  }
0x83: {  	_ =	shalt  }
0x84: {  	_ =	shalt  }
0x85: {  	_ =	shalt  }
0x86: {  	_ =	shalt  }
0x87: {  	_ =	shalt  }
.Lfunc_end0:
.L_simem_size_0:
called_computation.2_lowered:
.L_overlay_start_0:
0x88: {  	s2 =	sld [smem:$0x3FD9]  }
0x89: {  	s3 =	sld [smem:$0x3FFE];
	_ =	sdelay $0x1  }
0x8a: {  	s1 =	srdreg.scid  }
0x8b: {  	s0 =	sand.u32 $0x1, s1  }
0x8c: {  	s16 =	sshll.u32 s0, $0xA;
	s2 =	sadd.s32 s3, s2  }
0x8d: {  	s2 =	sadd.s32 s2, s16  }
0x8e: {  	[smem:$0x3FB5] =	sst s2  }
0x8f: {  	_ = 	snop  }
0x90: {  	(tm) =	ssettm $0x1  }
0x91: {  	s17 =	sld [smem:$0x3FFB];
	_ =	sdelay $0x3  }
0x92: {  	_ =	strace s17  }
0x93: {  	s2 =	sld [smem:$0x3FFC];
	_ =	sdelay $0x3  }
0x94: {  	_ =	strace s2  }
0x95: {  	s2 =	sld [smem:$0x3FFD];
	_ =	sdelay $0x3  }
0x96: {  	_ =	strace s2  }
0x97: {  	_ =	strace $0x8FFFFFFF  }
0x98: {  	s18 =	sld [smem:$0x3FDB];
	_ =	sdelay $0x1  }
0x99: {  	s19 =	simm.s32 $_scs_section_size  }
0x9a: {  	s4 =	simm.s32 $_size__tile_overlayer_lowered;
	s5 =	simm.s32 $_tile_overlayer_lowered  }
0x9b: {  	s22 =	simm.s32 $0x1BFF;
	s21 =	sshll.u32 s5, $0x1;
	s2 =	sadd.s32 s19, s18  }
0x9c: {  	s6 =	simm.s32 $0x0;
	s20 =	sshll.u32 s4, $0x1;
	s4 =	sadd.s32 s21, s2  }
0x9d: {  	[timem:s6], [sflag:s22] =	dma.local [hbm:s4], s20  }
0x9e: {  	_ =	swait.ge [sflag:s22], s20  }
0x9f: {  	s3 =	ssub.s32 $0x0, s20;
	[sflag:s22] =	ssyncset.done $0x0  }
0xa0: {  	[sflag:s22] =	ssyncadd.s32 s3;
	_ =	sdelay $0x1  }
0xa1: {  	s23 =	simm.s32 $0x1B8B  }
0xa2: {  	_ =	swait.ge [sflag:s23], $0x1  }
0xa3: {  	[sflag:s23] =	ssyncset.done $0x0  }
0xa4: {  	s25 =	simm.s32 $0x1B8E;
	s24 =	sld [smem:$0x3FFE];
	[sflag:s23] =	ssyncadd.s32 $0xFFFFFFFF  }
0xa5: {  	s26 =	simm.s32 $execute0_lowered;
	[smem:$0x3FD2] =	sst s25  }
0xa6: {  	s4 =	sshll.u32 s26, $0x1;
	_ =	strace $0x8000004C;
	[dreg:$0x1] =	wrdreg $0xFFFFFFFF  }
0xa7: {  	s28 =	simm.s32 $_size_execute0_lowered;
	s2 =	sadd.s32 s2, s4;
	[dreg:$0x0] =	wrdreg $0x0  }
0xa8: {  	s4 =	sshll.u32 s28, $0x1;
	[dreg:$0x2] =	wrdreg s2  }
0xa9: {  	[dreg:$0x3] =	wrdreg s4  }
0xaa: {  	[dreg:$0x4] =	wrdreg $0xC0  }
0xab: {  	_ =	task [dreg:s6], $0x5FFFF  }
0xac: {  	[dreg:$0x1] =	wrdreg $0xFFFFFFFF  }
0xad: {  	[dreg:$0x0] =	wrdreg $0x60  }
0xae: {  	[dreg:$0x2] =	wrdreg s24  }
0xaf: {  	[dreg:$0x3] =	wrdreg $0x90000  }
0xb0: {  	[dreg:$0x4] =	wrdreg $0x9  }
0xb1: {  	_ =	task.clear_ibuf [dreg:s6], $0x5FFFF;
	_ =	strace $0x9000004C  }
0xb2: {  	s29 =	simm.s32 $0x9;
	_ =	strace $0x8000004E  }
0xb3: {  	_ =	swait.ge [sflag:s29], $0x1  }
0xb4: {  	[sflag:s29] =	ssyncadd.s32 $0xFFFFFFFF  }
0xb5: {  	_ =	strace $0x9000004E  }
0xb6: {  	_ =	sfence  }
0xb7: {  	s30 =	sld [smem:$0x0];
	_ =	sdelay $0x2  }
0xb8: {  	s31 =	sshll.u32 s1, $0xD;
	s1 =	sshrl.u32 s1, $0x2  }
0xb9: {  	s3 =	sand.u32 $0x4000, s31;
	s1 =	sadd.s32 s1, s30  }
0xba: {  	s0 =	sor.u32 s3, s0;
	s1 =	sshll.u32 s1, $0x11  }
0xbb: {  	s0 =	sor.u32 s1, s0  }
0xbc: {  	s0 =	sadd.s32 $0x8F2B, s0  }
0xbd: {  	[sflag:s0] =	ssyncadd.remote.s32 $0x1  }
0xbe: {  	_ =	sfence.sel $0xFFFF  }
0xbf: {  	[dreg:$0x0] =	wrdreg $0xFFFFFFFF;
	(pc) =	sbr.abs _section_cstart, $3  }
0xc0: {  	[dreg:$0x1] =	wrdreg $0xFFFFFFFF  }
0xc1: {  	_ =	task.clear_ibuf [dreg:s6], $0x2FFFF;
	_ =	strace $0x9FFFFFFF  }
0xc2: {  	(tm) =	ssettm $0x7FFFFFFF  }
0xc3: {  	_ =	shalt  }
tec
execute0_lowered:
.L_overlay_start_1:
0x0: {  	(tag) =	ssettag $0x1  }
0x1: {  	s0 =	rddreg [dreg:$0x0]  }
0x2: {  	s2 =	rddreg [dreg:$0x1];
	s1 =	srdreg.scid;
	s3 =	simm.s32 $0x0  }
0x3: {  	s14 =	stileid.u32;
	s16 =	simm.s32 $0x5;
	s17 =	simm.s32 $0x2000  }
0x4: {  	s18 =	simm.s32 $0x50;
	s19 =	simm.s32 $0x4000;
	s20 =	simm.s32 $0x80  }
0x5: {  	s21 =	simm.s32 $0x6800;
	s22 =	simm.s32 $0x2;
	s24 =	simm.s32 $0x3  }
0x6: {  	s29 =	simm.s32 $0x0;
	s1 =	sand.u32 $0x1, s1;
	s7 =	smul.u32 $0x50000, s14  }
0x7: {  	[smem:$0x7FF] =	sst s3;
	s4 =	sshll.u32 s14, $0xC;
	s25 =	smul.u32 $0x14000, s14  }
0x8: {  	s13 =	sadd.s32 $0x12C000, s2;
	p0 =	seq.s32 s14, $0xF;
	s5 =	sshll.u32 s1, $0xB  }
0x9: {  	_ =	strace $0x8000004D;
	s8 =	ssub.s32 $0x2, s1;
	s1 =	smul.u32 $0x138800, s1  }
0xa: {  	s13 =	sshrl.u32 @p0 s13, $0x3;
	s5 =	sor.u32 s5, s4;
	s4 =	sadd.s32 $0x75800, s0  }
0xb: {  	s9 =	sshrl.u32 s8, $0x1;
	s7 =	sshrl.u32 s7, $0x2;
	s6 =	sadd.s32 s5, s0  }
0xc: {  	s5 =	sadd.s32 $0x24E00, s0;
	s0 =	sadd.s32 $0x9CA00, s0;
	s12 =	ssub.s32 s8, s9  }
0xd: {  	s15 =	sadd.s32 s7, s2;
	s10 =	sadd.s32 s25, s1;
	s1 =	sshrl.u32 s1, $0x3  }
0xe: {  	s25 =	simm.s32 $0x4;
	s26 =	sadd.s32 $0x4E00, s6;
	s28 =	sadd.s32 $0x14E00, s6  }
0xf: {  	s30 =	sadd.s32 $0x5200, s6;
	s6 =	sadd.s32 $0x15200, s6;
	[dreg:$0x3] =	wrdreg s26  }
0x10: {  	s31 =	sshrl.u32 s10, $0x3;
	s1 =	sadd.s32 s0, s1;
	[dreg:$0x4] =	wrdreg s28  }
0x11: {  	s12 =	smax.u32 s12, $0x1;
	s15 =	sshrl.u32 @!p0 s15, $0x3;
	[dreg:$0x5] =	wrdreg s30  }
0x12: {  	[dreg:$0x6] =	wrdreg s6;
	s10 =	sadd.s32 s0, s31;
	s0 =	sshll.u32 @!p0 s14, $0x6  }
0x13: {  	s11 =	sadd.s32 $0x25800, s1;
	s26 =	simm.s32 $0x1;
	s14 =	sor.u32 @!p0 $0x1C05, s0  }
.LBB2_1:
0x14: {  	s0 =	simm.s32 @p0 $0x1FC5  }
0x15: {  	[spmem:s13], [sflag:s0] =	dma.local @p0 [hbm:s5], $0x1900  }
0x16: {  	s0 =	simm.s32 @p0 $0x5  }
0x17: {  	_ =	swait.ge @p0 [sflag:s0], $0x1900  }
0x18: {  	[sflag:s0] =	ssyncset.done @p0 $0x0  }
0x19: {  	[sflag:s0] =	ssyncadd.s32 @p0 $0xFFFFE700;
	s0 =	simm.s32 @!p0 $0x5  }
0x1a: {  	[spmem:s15], [sflag:s14] =	dma.local @!p0 [hbm:s5], $0x2800  }
0x1b: {  	_ =	swait.ge @!p0 [sflag:s0], $0x2800  }
0x1c: {  	[sflag:s0] =	ssyncset.done @!p0 $0x0  }
0x1d: {  	[sflag:s0] =	ssyncadd.s32 @!p0 $0xFFFFD800  }
0x1e: {  	[bflag:$0x0] =	sbarrier.arrive $0xFFFF  }
0x1f: {  	s6 =	rddreg [dreg:$0x3]  }
0x20: {  	[tilespmem:s3], [sflag:$0x5] =	stream.linear.gather [hbm4b:s6+s3], $0x2000, $0x38;
	[tilespmem:$0x1C880] =	vst v63  }
0x21: {  	_ =	swait.ge [sflag:s16], $0x2000  }
0x22: {  	[sflag:s16] =	ssyncset.done $0x0  }
0x23: {  	s7 =	rddreg [dreg:$0x4];
	[sflag:s16] =	ssyncadd.s32 $0xFFFFE000  }
0x24: {  	[tilespmem:s17], [sflag:$0x5] =	stream.linear.gather [hbm4b:s7+s3], $0x2000, $0x38;
	[tilespmem:$0x1C880] =	vst v63  }
0x25: {  	_ =	swait.ge [sflag:s16], $0x2000  }
0x26: {  	[sflag:s16] =	ssyncset.done $0x0  }
0x27: {  	[sflag:s16] =	ssyncadd.s32 $0xFFFFE000  }
0x28: {  	[tilespmem:s19], [sflag:$0x1] =	stream.indirect.gather [hbm4b:s4+s18], $0x80, s3, s18, $0xb8;
	[tilespmem:$0x1C880] =	vst v63  }
0x29: {  	_ = 	snop  }
0x2a: {  	[tilespmem:s21], [sflag:$0x2] =	stream.indirect.gather [hbm4b:s4+s18], $0x80, s20, s18, $0xb8;
	[tilespmem:$0x1C880] =	vst v63  }
0x2b: {  	s8 =	sand.u32 $0x1, s26;
	_ =	swait.ge [sflag:s26], $0x2800  }
0x2c: {  	p1 =	seq.s32 s8, $0x1;
	[sflag:s26] =	ssyncset.done $0x0  }
0x2d: {  	s0 =	simm.s32 @p1 $0x3;
	[sflag:s26] =	ssyncadd.s32 $0xFFFFD800  }
0x2e: {  	[spmem:s2] =	stream.indirect.scatter.add.f32 [tilespmem:s19], [sflag:$0x3], $0x80, s17, s18, $0xb8;
	[tilespmem:$0x1C880] =	vst v63  }
0x2f: {  	s1 =	simm.s32 @p1 $0x2;
	_ =	swait.ge @p1 [sflag:s0], $0x2800  }
0x30: {  	s6 =	simm.s32 $0x100;
	[sflag:s0] =	ssyncset.done @p1 $0x0;
	p1 =	por p1, p1  }
0x31: {  	[sflag:s0] =	ssyncadd.s32 @p1 $0xFFFFD800;
	s23 =	simm.s32 @p1 $0x50;
	s0 =	simm.s32 @p1 $0x4000  }
0x32: {  	[tilespmem:s0], [sflag:$0x1] =	stream.indirect.gather @p1 [hbm4b:s4+s23], $0x80, s6, s23, $0xb8;
	[tilespmem:$0x1C880] =	vst v63  }
0x33: {  	_ =	swait.ge @p1 [sflag:s1], $0x2800  }
0x34: {  	s31 =	simm.s32 @!p1 $0x4;
	[sflag:s1] =	ssyncset.done @p1 $0x0  }
0x35: {  	s0 =	simm.s32 $0x2080;
	[sflag:s1] =	ssyncadd.s32 @p1 $0xFFFFD800;
	s1 =	simm.s32 @p1 $0x6800  }
0x36: {  	[spmem:s2] =	stream.indirect.scatter.add.f32 @p1 [tilespmem:s1], [sflag:$0x4], $0x80, s0, s23, $0xb8;
	[tilespmem:$0x1C880] =	vst v63  }
0x37: {  	s30 =	simm.s32 $0x180;
	s7 =	simm.s32 $0x2;
	_ =	swait.ge @!p1 [sflag:s31], $0x2800  }
0x38: {  	s9 =	sand.u32 $0x1, s7;
	s28 =	simm.s32 @!p1 $0x1;
	[sflag:s31] =	ssyncset.done @!p1 $0x0  }
0x39: {  	s23 =	simm.s32 @!p1 $0x50;
	[sflag:s31] =	ssyncadd.s32 @!p1 $0xFFFFD800;
	s31 =	simm.s32 @!p1 $0x6800  }
0x3a: {  	[tilespmem:s31], [sflag:$0x2] =	stream.indirect.gather @!p1 [hbm4b:s4+s23], $0x80, s6, s23, $0xb8;
	[tilespmem:$0x1C880] =	vst v63  }
0x3b: {  	p3 =	seq.s32 s9, $0x1;
	s1 =	simm.s32 $0x3;
	_ =	swait.ge @!p1 [sflag:s28], $0x2800  }
0x3c: {  	s31 =	simm.s32 $0x2100;
	s6 =	simm.s32 @!p1 $0x4000;
	[sflag:s28] =	ssyncset.done @!p1 $0x0  }
.LBB2_2:
0x3d: {  	s7 =	simm.s32 @p3 $0x3;
	[sflag:s28] =	ssyncadd.s32 @!p1 $0xFFFFD800  }
0x3e: {  	s8 =	smov.u32 s1;
	s1 =	sadd.s32 $0x1, s1;
	s9 =	smov.u32 s30  }
0x3f: {  	[spmem:s2] =	stream.indirect.scatter.add.f32 @!p1 [tilespmem:s6], [sflag:$0x3], $0x80, s0, s23, $0xb8;
	[tilespmem:$0x1C880] =	vst v63  }
0x40: {  	p2 =	sne.s32 s1, $0x3F;
	s0 =	smov.u32 s31;
	_ =	swait.ge @p3 [sflag:s7], $0x2800  }
0x41: {  	s6 =	simm.s32 @p3 $0x2;
	p1 =	por p3, p3;
	[sflag:s7] =	ssyncset.done @p3 $0x0  }
0x42: {  	s23 =	simm.s32 @p1 $0x4000;
	[sflag:s7] =	ssyncadd.s32 @p1 $0xFFFFD800;
	s7 =	simm.s32 @p1 $0x50  }
0x43: {  	[tilespmem:s23], [sflag:$0x1] =	stream.indirect.gather @p1 [hbm4b:s4+s7], $0x80, s30, s7, $0xb8;
	[tilespmem:$0x1C880] =	vst v63  }
0x44: {  	_ =	swait.ge @p1 [sflag:s6], $0x2800  }
0x45: {  	[sflag:s6] =	ssyncset.done @p1 $0x0  }
0x46: {  	s23 =	simm.s32 @!p1 $0x4;
	[sflag:s6] =	ssyncadd.s32 @p1 $0xFFFFD800;
	s6 =	simm.s32 @p1 $0x6800  }
0x47: {  	[spmem:s2] =	stream.indirect.scatter.add.f32 @p1 [tilespmem:s6], [sflag:$0x4], $0x80, s31, s7, $0xb8;
	[tilespmem:$0x1C880] =	vst v63  }
0x48: {  	s30 =	sadd.s32 $0x80, s30;
	_ =	swait.ge @!p1 [sflag:s23], $0x2800  }
.Ltmp0:
0x49: {  	s28 =	simm.s32 @!p1 $0x1;
	[sflag:s23] =	ssyncset.done @!p1 $0x0;
	(pc) =	sbr.rel @p2 .LBB2_2-.Ltmp0, $4  }
0x4a: {  	s6 =	simm.s32 @!p1 $0x6800;
	[sflag:s23] =	ssyncadd.s32 @!p1 $0xFFFFD800;
	s23 =	simm.s32 @!p1 $0x50  }
0x4b: {  	[tilespmem:s6], [sflag:$0x2] =	stream.indirect.gather @!p1 [hbm4b:s4+s23], $0x80, s9, s23, $0xb8;
	[tilespmem:$0x1C880] =	vst v63  }
0x4c: {  	s31 =	sadd.s32 $0x80, s31;
	s6 =	sand.u32 $0x1, s8;
	_ =	swait.ge @!p1 [sflag:s28], $0x2800  }
0x4d: {  	p3 =	seq.s32 s6, $0x1;
	s6 =	simm.s32 @!p1 $0x4000;
	[sflag:s28] =	ssyncset.done @!p1 $0x0  }
0x4e: {  	s1 =	simm.s32 @p3 $0x3;
	[sflag:s28] =	ssyncadd.s32 @!p1 $0xFFFFD800  }
0x4f: {  	[spmem:s2] =	stream.indirect.scatter.add.f32 @!p1 [tilespmem:s6], [sflag:$0x3], $0x80, s0, s23, $0xb8;
	[tilespmem:$0x1C880] =	vst v63  }
0x50: {  	_ =	swait.ge @p3 [sflag:s1], $0x2800  }
0x51: {  	s0 =	simm.s32 @p3 $0x2;
	p1 =	por p3, p3;
	[sflag:s1] =	ssyncset.done @p3 $0x0  }
0x52: {  	s6 =	simm.s32 @p1 $0x4000;
	[sflag:s1] =	ssyncadd.s32 @p1 $0xFFFFD800;
	s1 =	simm.s32 @p1 $0x50  }
0x53: {  	[tilespmem:s6], [sflag:$0x1] =	stream.indirect.gather @p1 [hbm4b:s4+s1], $0x80, s30, s1, $0xb8;
	[tilespmem:$0x1C880] =	vst v63  }
0x54: {  	_ =	swait.ge @p1 [sflag:s0], $0x2800  }
0x55: {  	[sflag:s0] =	ssyncset.done @p1 $0x0  }
0x56: {  	s6 =	simm.s32 @!p1 $0x4;
	[sflag:s0] =	ssyncadd.s32 @p1 $0xFFFFD800;
	s0 =	simm.s32 @p1 $0x6800  }
0x57: {  	[spmem:s2] =	stream.indirect.scatter.add.f32 @p1 [tilespmem:s0], [sflag:$0x4], $0x80, s31, s1, $0xb8;
	[tilespmem:$0x1C880] =	vst v63  }
0x58: {  	_ =	swait.ge @!p1 [sflag:s6], $0x2800  }
0x59: {  	s0 =	simm.s32 @!p1 $0x1;
	[sflag:s6] =	ssyncset.done @!p1 $0x0  }
0x5a: {  	s1 =	simm.s32 @!p1 $0x50;
	[sflag:s6] =	ssyncadd.s32 @!p1 $0xFFFFD800;
	s6 =	simm.s32 @!p1 $0x6800  }
0x5b: {  	[tilespmem:s6], [sflag:$0x2] =	stream.indirect.gather @!p1 [hbm4b:s4+s1], $0x80, s30, s1, $0xb8;
	[tilespmem:$0x1C880] =	vst v63  }
0x5c: {  	_ =	swait.ge @!p1 [sflag:s0], $0x2800  }
0x5d: {  	[sflag:s0] =	ssyncset.done @!p1 $0x0  }
0x5e: {  	s6 =	simm.s32 @!p1 $0x4000;
	[sflag:s0] =	ssyncadd.s32 @!p1 $0xFFFFD800  }
0x5f: {  	[spmem:s2] =	stream.indirect.scatter.add.f32 @!p1 [tilespmem:s6], [sflag:$0x3], $0x80, s31, s1, $0xb8;
	[tilespmem:$0x1C880] =	vst v63  }
0x60: {  	_ =	swait.ge [sflag:s22], $0x2800  }
0x61: {  	[sflag:s22] =	ssyncset.done $0x0  }
0x62: {  	s1 =	simm.s32 $0x3F80;
	[sflag:s22] =	ssyncadd.s32 $0xFFFFD800  }
0x63: {  	[spmem:s2] =	stream.indirect.scatter.add.f32 [tilespmem:s21], [sflag:$0x4], $0x80, s1, s18, $0xb8;
	[tilespmem:$0x1C880] =	vst v63  }
0x64: {  	_ =	swait.ge [sflag:s24], $0x2800  }
0x65: {  	[sflag:s24] =	ssyncset.done $0x0  }
0x66: {  	[sflag:s24] =	ssyncadd.s32 $0xFFFFD800  }
0x67: {  	_ =	swait.ge [sflag:s25], $0x2800  }
0x68: {  	[sflag:s25] =	ssyncset.done $0x0  }
0x69: {  	s6 =	rddreg [dreg:$0x5];
	[sflag:s25] =	ssyncadd.s32 $0xFFFFD800  }
0x6a: {  	[tilespmem:s3], [sflag:$0x5] =	stream.linear.gather [hbm4b:s6+s3], $0x1E80, $0x38;
	[tilespmem:$0x1C880] =	vst v63  }
0x6b: {  	_ =	swait.ge [sflag:s16], $0x1E80  }
0x6c: {  	[sflag:s16] =	ssyncset.done $0x0  }
0x6d: {  	s7 =	rddreg [dreg:$0x6];
	[sflag:s16] =	ssyncadd.s32 $0xFFFFE180  }
0x6e: {  	[tilespmem:s17], [sflag:$0x5] =	stream.linear.gather [hbm4b:s7+s3], $0x1E80, $0x38;
	[tilespmem:$0x1C880] =	vst v63  }
0x6f: {  	_ =	swait.ge [sflag:s16], $0x1E80  }
0x70: {  	[sflag:s16] =	ssyncset.done $0x0  }
0x71: {  	[sflag:s16] =	ssyncadd.s32 $0xFFFFE180  }
0x72: {  	[tilespmem:s19], [sflag:$0x1] =	stream.indirect.gather [hbm4b:s4+s18], $0x80, s3, s18, $0xb8;
	[tilespmem:$0x1C880] =	vst v63  }
0x73: {  	s8 =	simm.s32 $0x1  }
0x74: {  	[tilespmem:s21], [sflag:$0x2] =	stream.indirect.gather [hbm4b:s4+s18], $0x80, s20, s18, $0xb8;
	[tilespmem:$0x1C880] =	vst v63  }
0x75: {  	s0 =	sand.u32 $0x1, s8;
	_ =	swait.ge [sflag:s8], $0x2800  }
0x76: {  	p1 =	seq.s32 s0, $0x1;
	[sflag:s8] =	ssyncset.done $0x0  }
0x77: {  	s0 =	simm.s32 @p1 $0x3;
	[sflag:s8] =	ssyncadd.s32 $0xFFFFD800  }
0x78: {  	[spmem:s2] =	stream.indirect.scatter.add.f32 [tilespmem:s19], [sflag:$0x3], $0x80, s17, s18, $0xb8;
	[tilespmem:$0x1C880] =	vst v63  }
0x79: {  	s1 =	simm.s32 @p1 $0x2;
	_ =	swait.ge @p1 [sflag:s0], $0x2800  }
0x7a: {  	s6 =	simm.s32 $0x100;
	[sflag:s0] =	ssyncset.done @p1 $0x0;
	p1 =	por p1, p1  }
0x7b: {  	[sflag:s0] =	ssyncadd.s32 @p1 $0xFFFFD800;
	s7 =	simm.s32 @p1 $0x50;
	s0 =	simm.s32 @p1 $0x4000  }
0x7c: {  	[tilespmem:s0], [sflag:$0x1] =	stream.indirect.gather @p1 [hbm4b:s4+s7], $0x80, s6, s7, $0xb8;
	[tilespmem:$0x1C880] =	vst v63  }
0x7d: {  	_ =	swait.ge @p1 [sflag:s1], $0x2800  }
0x7e: {  	s9 =	simm.s32 $0x2;
	s8 =	simm.s32 @!p1 $0x4;
	[sflag:s1] =	ssyncset.done @p1 $0x0  }
0x7f: {  	s0 =	simm.s32 $0x2080;
	[sflag:s1] =	ssyncadd.s32 @p1 $0xFFFFD800;
	s1 =	simm.s32 @p1 $0x6800  }
0x80: {  	[spmem:s2] =	stream.indirect.scatter.add.f32 @p1 [tilespmem:s1], [sflag:$0x4], $0x80, s0, s7, $0xb8;
	[tilespmem:$0x1C880] =	vst v63  }
0x81: {  	s9 =	sand.u32 $0x1, s9;
	_ =	swait.ge @!p1 [sflag:s8], $0x2800  }
0x82: {  	p3 =	seq.s32 s9, $0x1;
	s28 =	simm.s32 @!p1 $0x1;
	[sflag:s8] =	ssyncset.done @!p1 $0x0  }
0x83: {  	s23 =	simm.s32 @!p1 $0x50;
	[sflag:s8] =	ssyncadd.s32 @!p1 $0xFFFFD800;
	s8 =	simm.s32 @!p1 $0x6800  }
0x84: {  	[tilespmem:s8], [sflag:$0x2] =	stream.indirect.gather @!p1 [hbm4b:s4+s23], $0x80, s6, s23, $0xb8;
	[tilespmem:$0x1C880] =	vst v63  }
0x85: {  	s30 =	simm.s32 $0x180;
	s31 =	simm.s32 $0x2100;
	_ =	swait.ge @!p1 [sflag:s28], $0x2800  }
0x86: {  	s1 =	simm.s32 $0x3;
	s6 =	simm.s32 @!p1 $0x4000;
	[sflag:s28] =	ssyncset.done @!p1 $0x0  }
.LBB2_4:
0x87: {  	s7 =	simm.s32 @p3 $0x3;
	[sflag:s28] =	ssyncadd.s32 @!p1 $0xFFFFD800  }
0x88: {  	s8 =	smov.u32 s1;
	s1 =	sadd.s32 $0x1, s1;
	s9 =	smov.u32 s30  }
0x89: {  	[spmem:s2] =	stream.indirect.scatter.add.f32 @!p1 [tilespmem:s6], [sflag:$0x3], $0x80, s0, s23, $0xb8;
	[tilespmem:$0x1C880] =	vst v63  }
0x8a: {  	p2 =	sne.s32 s1, $0x3C;
	s0 =	smov.u32 s31;
	_ =	swait.ge @p3 [sflag:s7], $0x2800  }
0x8b: {  	s6 =	simm.s32 @p3 $0x2;
	p1 =	por p3, p3;
	[sflag:s7] =	ssyncset.done @p3 $0x0  }
0x8c: {  	s23 =	simm.s32 @p1 $0x4000;
	[sflag:s7] =	ssyncadd.s32 @p1 $0xFFFFD800;
	s7 =	simm.s32 @p1 $0x50  }
0x8d: {  	[tilespmem:s23], [sflag:$0x1] =	stream.indirect.gather @p1 [hbm4b:s4+s7], $0x80, s30, s7, $0xb8;
	[tilespmem:$0x1C880] =	vst v63  }
0x8e: {  	_ =	swait.ge @p1 [sflag:s6], $0x2800  }
0x8f: {  	[sflag:s6] =	ssyncset.done @p1 $0x0  }
0x90: {  	s23 =	simm.s32 @!p1 $0x4;
	[sflag:s6] =	ssyncadd.s32 @p1 $0xFFFFD800;
	s6 =	simm.s32 @p1 $0x6800  }
0x91: {  	[spmem:s2] =	stream.indirect.scatter.add.f32 @p1 [tilespmem:s6], [sflag:$0x4], $0x80, s31, s7, $0xb8;
	[tilespmem:$0x1C880] =	vst v63  }
0x92: {  	s30 =	sadd.s32 $0x80, s30;
	_ =	swait.ge @!p1 [sflag:s23], $0x2800  }
.Ltmp1:
0x93: {  	s28 =	simm.s32 @!p1 $0x1;
	[sflag:s23] =	ssyncset.done @!p1 $0x0;
	(pc) =	sbr.rel @p2 .LBB2_4-.Ltmp1, $4  }
0x94: {  	s6 =	simm.s32 @!p1 $0x6800;
	[sflag:s23] =	ssyncadd.s32 @!p1 $0xFFFFD800;
	s23 =	simm.s32 @!p1 $0x50  }
0x95: {  	[tilespmem:s6], [sflag:$0x2] =	stream.indirect.gather @!p1 [hbm4b:s4+s23], $0x80, s9, s23, $0xb8;
	[tilespmem:$0x1C880] =	vst v63  }
0x96: {  	s31 =	sadd.s32 $0x80, s31;
	s6 =	sand.u32 $0x1, s8;
	_ =	swait.ge @!p1 [sflag:s28], $0x2800  }
0x97: {  	p3 =	seq.s32 s6, $0x1;
	s6 =	simm.s32 @!p1 $0x4000;
	[sflag:s28] =	ssyncset.done @!p1 $0x0  }
0x98: {  	s1 =	simm.s32 @p3 $0x3;
	[sflag:s28] =	ssyncadd.s32 @!p1 $0xFFFFD800  }
0x99: {  	[spmem:s2] =	stream.indirect.scatter.add.f32 @!p1 [tilespmem:s6], [sflag:$0x3], $0x80, s0, s23, $0xb8;
	[tilespmem:$0x1C880] =	vst v63  }
0x9a: {  	_ =	swait.ge @p3 [sflag:s1], $0x2800  }
0x9b: {  	s0 =	simm.s32 @p3 $0x2;
	p1 =	por p3, p3;
	[sflag:s1] =	ssyncset.done @p3 $0x0  }
0x9c: {  	s6 =	simm.s32 @p1 $0x4000;
	[sflag:s1] =	ssyncadd.s32 @p1 $0xFFFFD800;
	s1 =	simm.s32 @p1 $0x50  }
0x9d: {  	[tilespmem:s6], [sflag:$0x1] =	stream.indirect.gather @p1 [hbm4b:s4+s1], $0x80, s30, s1, $0xb8;
	[tilespmem:$0x1C880] =	vst v63  }
0x9e: {  	_ =	swait.ge @p1 [sflag:s0], $0x2800  }
0x9f: {  	[sflag:s0] =	ssyncset.done @p1 $0x0  }
0xa0: {  	s6 =	simm.s32 @!p1 $0x4;
	[sflag:s0] =	ssyncadd.s32 @p1 $0xFFFFD800;
	s0 =	simm.s32 @p1 $0x6800  }
0xa1: {  	[spmem:s2] =	stream.indirect.scatter.add.f32 @p1 [tilespmem:s0], [sflag:$0x4], $0x80, s31, s1, $0xb8;
	[tilespmem:$0x1C880] =	vst v63  }
0xa2: {  	_ =	swait.ge @!p1 [sflag:s6], $0x2800  }
0xa3: {  	s0 =	simm.s32 @!p1 $0x1;
	[sflag:s6] =	ssyncset.done @!p1 $0x0  }
0xa4: {  	s1 =	simm.s32 @!p1 $0x50;
	[sflag:s6] =	ssyncadd.s32 @!p1 $0xFFFFD800;
	s6 =	simm.s32 @!p1 $0x6800  }
0xa5: {  	[tilespmem:s6], [sflag:$0x2] =	stream.indirect.gather @!p1 [hbm4b:s4+s1], $0x80, s30, s1, $0xb8;
	[tilespmem:$0x1C880] =	vst v63  }
0xa6: {  	_ =	swait.ge @!p1 [sflag:s0], $0x2800  }
0xa7: {  	[sflag:s0] =	ssyncset.done @!p1 $0x0  }
0xa8: {  	s6 =	simm.s32 @!p1 $0x4000;
	[sflag:s0] =	ssyncadd.s32 @!p1 $0xFFFFD800  }
0xa9: {  	[spmem:s2] =	stream.indirect.scatter.add.f32 @!p1 [tilespmem:s6], [sflag:$0x3], $0x80, s31, s1, $0xb8;
	[tilespmem:$0x1C880] =	vst v63  }
0xaa: {  	_ =	swait.ge [sflag:s26], $0x2800  }
0xab: {  	[sflag:s26] =	ssyncset.done $0x0  }
0xac: {  	s31 =	simm.s32 $0x3E00;
	[sflag:s26] =	ssyncadd.s32 $0xFFFFD800  }
0xad: {  	[spmem:s2] =	stream.indirect.scatter.add.f32 [tilespmem:s19], [sflag:$0x3], $0x80, s31, s18, $0xb8;
	[tilespmem:$0x1C880] =	vst v63  }
0xae: {  	_ =	swait.ge [sflag:s25], $0x2800  }
0xaf: {  	[sflag:s25] =	ssyncset.done $0x0  }
0xb0: {  	[sflag:s25] =	ssyncadd.s32 $0xFFFFD800  }
0xb1: {  	_ =	swait.ge [sflag:s24], $0x2800  }
0xb2: {  	[sflag:s24] =	ssyncset.done $0x0  }
0xb3: {  	[sflag:s24] =	ssyncadd.s32 $0xFFFFD800  }
0xb4: {  	s0 =	simm.s32 @p0 $0x1FC5;
	[bflag:$0x0] =	sbarrier.arrive $0xFFFF  }
0xb5: {  	[hbm:s11], [sflag:s0] =	dma.local @p0 [spmem:s13], $0x1900  }
0xb6: {  	s0 =	simm.s32 @p0 $0x5  }
0xb7: {  	s29 =	sadd.s32 $0x1, s29;
	_ =	swait.ge @p0 [sflag:s0], $0x1900  }
0xb8: {  	p1 =	sne.s32 s29, s12;
	[sflag:s0] =	ssyncset.done @p0 $0x0  }
.Ltmp2:
0xb9: {  	[sflag:s0] =	ssyncadd.s32 @p0 $0xFFFFE700;
	s0 =	simm.s32 @!p0 $0x5;
	(pc) =	sbr.rel @p1 .LBB2_1-.Ltmp2, $4  }
0xba: {  	[hbm:s10], [sflag:s14] =	dma.local @!p0 [spmem:s15], $0x2800  }
0xbb: {  	_ =	swait.ge @!p0 [sflag:s0], $0x2800  }
0xbc: {  	[sflag:s0] =	ssyncset.done @!p0 $0x0  }
0xbd: {  	[sflag:s0] =	ssyncadd.s32 @!p0 $0xFFFFD800  }
0xbe: {  	_ =	sfence.sel $0x180000  }
0xbf: {  	[bflag:$0x0] =	sbarrier.arrive $0xFFFF  }
0xc0: {  	_ =	strace $0x9000004D  }
0xc1: {  	s0 =	stileid.u32;
	[bflag:$0x2] =	sbarrier.arrive $0xFFFF  }
0xc2: {  	p0 =	sne.s32 s0, $0x0;
	s0 =	rddreg [dreg:$0x2]  }
0xc3: {  	s0 =	sadd.s32 @!p0 $0x100000, s0  }
0xc4: {  	[sflag:s0] =	ssyncadd.tile.s32 @!p0 $0x1;
	_ =	shalt  }
.Lfunc_end2:
_tile_overlayer_lowered:
.L_overlay_start_2:
0xc5: {  	(tag) =	ssettag $0x2  }
0xc6: {  	s0 =	rddreg [dreg:$0x0];
	s2 =	stileid.u32  }
0xc7: {  	s1 =	rddreg [dreg:$0x1];
	p0 =	sne.s32 s2, $0x0  }
0xc8: {  	s3 =	rddreg [dreg:$0x2];
	[bflag:$0x3] =	sbarrier.arrive $0xFFFF;
	s2 =	simm.s32 @!p0 $0x1C05  }
0xc9: {  	[timem:s3], [sflag:s2] =	dma.local @!p0 [hbm:s0], s1  }
0xca: {  	s0 =	simm.s32 @!p0 $0x5  }
0xcb: {  	_ =	swait.ge @!p0 [sflag:s0], s1  }
0xcc: {  	s1 =	ssub.s32 @!p0 $0x0, s1;
	[sflag:s0] =	ssyncset.done @!p0 $0x0  }
0xcd: {  	[sflag:s0] =	ssyncadd.s32 @!p0 s1  }
0xce: {  	[bflag:$0x3] =	sbarrier.arrive $0xFFFF  }
0xcf: {  	_ =	shalt  }

// kernel: kernel.19.cloned.1.call-start
scs
__scs_entry_jumppad:
0x0: {  	(pc) =	sbr.rel $0x88, $3  }
0x1: {  	(tag) =	ssettag $0x0;
	lr =	simm.s32 $0x1  }
0x2: {  	[smem:$0x3F8E] =	sst lr;
	_ =	strace $0xD0000000  }
0x3: {  	_ = 	snop  }
0x4: {  	_ = 	snop  }
0x5: {  	_ = 	snop  }
0x6: {  	_ = 	snop  }
0x7: {  	_ = 	snop  }
__scs_overlays_trampoline_lowered:
0x8: {  	[smem:$0x3F9D] =	sst s0  }
0x9: {  	[smem:$0x3F9E] =	sst s1  }
0xa: {  	[smem:$0x3F9F] =	sst s2  }
0xb: {  	[smem:$0x3FA0] =	sst s3  }
0xc: {  	[smem:$0x3FA1] =	sst s4  }
0xd: {  	[smem:$0x3FA2] =	sst s5  }
0xe: {  	[smem:$0x3FA3] =	sst s6  }
0xf: {  	[smem:$0x3FA4] =	sst s7  }
0x10: {  	[smem:$0x3FA5] =	sst s8  }
0x11: {  	[smem:$0x3FA6] =	sst s9;
	s0 =	simm.s32 @!p0 $0x0  }
0x12: {  	s1 =	sld [smem:$0x3F8C];
	s0 =	simm.s32 @p0 $0x1  }
0x13: {  	[smem:$0x3FA7] =	sst s0;
	s0 =	simm.s32 @!p1 $0x0  }
0x14: {  	s2 =	sld [smem:$0x3F8B];
	s0 =	simm.s32 @p1 $0x1  }
0x15: {  	[smem:$0x3FA8] =	sst s0;
	s0 =	simm.s32 @!p2 $0x0  }
0x16: {  	s3 =	sld [smem:$0x3FDB];
	s0 =	simm.s32 @p2 $0x1  }
0x17: {  	s4 =	simm.s32 $0x1BF5;
	[smem:$0x3FAA] =	sst s0  }
0x18: {  	s0 =	sld [smem:$0x3F8D];
	_ =	swait.ge [sflag:s4], $0x0  }
0x19: {  	s7 =	sld [smem:$0x3F8E]  }
0x1a: {  	s8 =	sadd.s32 $0xFFFFE003, lr  }
0x1b: {  	s9 =	sadd.s32 $0xFFFFFEF7, lr;
	s5 =	simm.s32 $0xFFFFFFFF;
	p2 =	slt.u32 s8, $0xFFFFF086  }
0x1c: {  	p1 =	slt.u32 s9, $0xF7A;
	s5 =	simm.s32 @!p2 $0x0  }
0x1d: {  	s5 =	simm.s32 @p1 $0x1;
	p0 =	seq.s32 s7, s2  }
0x1e: {  	s7 =	smul.u32 @!p0 $0xF7A, s2;
	p2 =	seq.s32 @!p0 s5, $0x0  }
0x1f: {  	s9 =	smul.u32 $0xF7A, s1;
	s8 =	simm.s32 @!p0 $0x1BF5;
	p2 =	por !p2, p0  }
0x20: {  	[sflag:s8] =	ssyncset.s32 @!p0 $0xFFFFF086;
	s6 =	sadd.s32 @!p0 s3, s7;
	s7 =	simm.s32 @!p0 $0x108  }
0x21: {  	s3 =	sadd.s32 s3, s9;
	s6 =	sadd.s32 @!p0 $0x88, s6;
	s7 =	simm.s32 @p2 $0x1082  }
0x22: {  	[simem:s7], [sflag:s8] =	dma.local @!p0 [hbm:s6], $0xF7A  }
0x23: {  	s9 =	sor.u32 $0xD0000000, s2;
	s6 =	simm.s32 $0x108;
	_ =	swait.ge @!p0 [sflag:s8], $0x0  }
0x24: {  	s3 =	sadd.s32 $0x88, s3;
	s6 =	simm.s32 @!p1 $0x1082;
	[sflag:s4] =	ssyncset.s32 $0xFFFFF086  }
0x25: {  	[simem:s6], [sflag:s4] =	dma.local [hbm:s3], $0xF7A  }
0x26: {  	[smem:$0x3F8E] =	sst s1;
	(tag) =	ssettag s2;
	_ =	strace s9  }
0x27: {  	s1 =	sld [smem:$0x3F9E]  }
0x28: {  	s2 =	sld [smem:$0x3F9F]  }
0x29: {  	s4 =	sld [smem:$0x3FA1]  }
0x2a: {  	p0 =	seq.s32 s5, $0x0;
	s5 =	sld [smem:$0x3FA2]  }
0x2b: {  	s6 =	sld [smem:$0x3FA3]  }
0x2c: {  	s7 =	sld [smem:$0x3FA4]  }
0x2d: {  	s3 =	simm.s32 $0x108;
	s8 =	sld [smem:$0x3FA5]  }
0x2e: {  	s3 =	simm.s32 @!p0 $0x1082;
	s9 =	sld [smem:$0x3FA6]  }
0x2f: {  	lr =	sadd.s32 s0, s3;
	s0 =	sld [smem:$0x3F9D]  }
0x30: {  	s3 =	sld [smem:$0x3FA0]  }
0x31: {  	[smem:$0x3FA9] =	sst s10  }
0x32: {  	s10 =	sld [smem:$0x3FA7];
	_ =	sdelay $0x3  }
0x33: {  	p0 =	seq.s32 s10, $0x1;
	s10 =	sld [smem:$0x3FA9];
	_ =	sdelay $0x3  }
0x34: {  	[smem:$0x3FA9] =	sst s10  }
0x35: {  	s10 =	sld [smem:$0x3FA8];
	_ =	sdelay $0x3  }
0x36: {  	p1 =	seq.s32 s10, $0x1;
	s10 =	sld [smem:$0x3FA9];
	_ =	sdelay $0x3  }
0x37: {  	[smem:$0x3FA9] =	sst s10  }
0x38: {  	s10 =	sld [smem:$0x3FAA]  }
0x39: {  	_ = 	snop;
	(pc) =	sbr.ind lr, $3  }
0x3a: {  	_ = 	snop  }
0x3b: {  	_ = 	snop  }
0x3c: {  	p2 =	seq.s32 s10, $0x1;
	s10 =	sld [smem:$0x3FA9]  }
0x3d: {  	_ =	shalt  }
0x3e: {  	_ =	shalt  }
0x3f: {  	_ =	shalt  }
0x40: {  	_ =	shalt  }
0x41: {  	_ =	shalt  }
0x42: {  	_ =	shalt  }
0x43: {  	_ =	shalt  }
0x44: {  	_ =	shalt  }
0x45: {  	_ =	shalt  }
0x46: {  	_ =	shalt  }
0x47: {  	_ =	shalt  }
0x48: {  	_ =	shalt  }
0x49: {  	_ =	shalt  }
0x4a: {  	_ =	shalt  }
0x4b: {  	_ =	shalt  }
0x4c: {  	_ =	shalt  }
0x4d: {  	_ =	shalt  }
0x4e: {  	_ =	shalt  }
0x4f: {  	_ =	shalt  }
0x50: {  	_ =	shalt  }
0x51: {  	_ =	shalt  }
0x52: {  	_ =	shalt  }
0x53: {  	_ =	shalt  }
0x54: {  	_ =	shalt  }
0x55: {  	_ =	shalt  }
0x56: {  	_ =	shalt  }
0x57: {  	_ =	shalt  }
0x58: {  	_ =	shalt  }
0x59: {  	_ =	shalt  }
0x5a: {  	_ =	shalt  }
0x5b: {  	_ =	shalt  }
0x5c: {  	_ =	shalt  }
0x5d: {  	_ =	shalt  }
0x5e: {  	_ =	shalt  }
0x5f: {  	_ =	shalt  }
0x60: {  	_ =	shalt  }
0x61: {  	_ =	shalt  }
0x62: {  	_ =	shalt  }
0x63: {  	_ =	shalt  }
0x64: {  	_ =	shalt  }
0x65: {  	_ =	shalt  }
0x66: {  	_ =	shalt  }
0x67: {  	_ =	shalt  }
0x68: {  	_ =	shalt  }
0x69: {  	_ =	shalt  }
0x6a: {  	_ =	shalt  }
0x6b: {  	_ =	shalt  }
0x6c: {  	_ =	shalt  }
0x6d: {  	_ =	shalt  }
0x6e: {  	_ =	shalt  }
0x6f: {  	_ =	shalt  }
0x70: {  	_ =	shalt  }
0x71: {  	_ =	shalt  }
0x72: {  	_ =	shalt  }
0x73: {  	_ =	shalt  }
0x74: {  	_ =	shalt  }
0x75: {  	_ =	shalt  }
0x76: {  	_ =	shalt  }
0x77: {  	_ =	shalt  }
0x78: {  	_ =	shalt  }
0x79: {  	_ =	shalt  }
0x7a: {  	_ =	shalt  }
0x7b: {  	_ =	shalt  }
0x7c: {  	_ =	shalt  }
0x7d: {  	_ =	shalt  }
0x7e: {  	_ =	shalt  }
0x7f: {  	_ =	shalt  }
0x80: {  	_ =	shalt  }
0x81: {  	_ =	shalt  }
0x82: {  	_ =	shalt  }
0x83: {  	_ =	shalt  }
0x84: {  	_ =	shalt  }
0x85: {  	_ =	shalt  }
0x86: {  	_ =	shalt  }
0x87: {  	_ =	shalt  }
.Lfunc_end0:
.L_simem_size_0:
called_computation.3_lowered:
.L_overlay_start_0:
0x88: {  	s2 =	sld [smem:$0x3FD9]  }
0x89: {  	s3 =	sld [smem:$0x3FFE];
	_ =	sdelay $0x1  }
0x8a: {  	s1 =	srdreg.scid  }
0x8b: {  	s0 =	sand.u32 $0x1, s1  }
0x8c: {  	s16 =	sshll.u32 s0, $0xA;
	s2 =	sadd.s32 s3, s2  }
0x8d: {  	s2 =	sadd.s32 s2, s16  }
0x8e: {  	[smem:$0x3FB5] =	sst s2  }
0x8f: {  	_ = 	snop  }
0x90: {  	(tm) =	ssettm $0x1  }
0x91: {  	s17 =	sld [smem:$0x3FFB];
	_ =	sdelay $0x3  }
0x92: {  	_ =	strace s17  }
0x93: {  	s2 =	sld [smem:$0x3FFC];
	_ =	sdelay $0x3  }
0x94: {  	_ =	strace s2  }
0x95: {  	s2 =	sld [smem:$0x3FFD];
	_ =	sdelay $0x3  }
0x96: {  	_ =	strace s2  }
0x97: {  	_ =	strace $0x8FFFFFFF  }
0x98: {  	s18 =	sld [smem:$0x3FDB];
	_ =	sdelay $0x1  }
0x99: {  	s19 =	simm.s32 $_scs_section_size  }
0x9a: {  	s4 =	simm.s32 $_size__tile_overlayer_lowered;
	s5 =	simm.s32 $_tile_overlayer_lowered  }
0x9b: {  	s22 =	simm.s32 $0x1BFF;
	s21 =	sshll.u32 s5, $0x1;
	s2 =	sadd.s32 s19, s18  }
0x9c: {  	s6 =	simm.s32 $0x0;
	s20 =	sshll.u32 s4, $0x1;
	s4 =	sadd.s32 s21, s2  }
0x9d: {  	[timem:s6], [sflag:s22] =	dma.local [hbm:s4], s20  }
0x9e: {  	_ =	swait.ge [sflag:s22], s20  }
0x9f: {  	s3 =	ssub.s32 $0x0, s20;
	[sflag:s22] =	ssyncset.done $0x0  }
0xa0: {  	[sflag:s22] =	ssyncadd.s32 s3;
	_ =	sdelay $0x1  }
0xa1: {  	s23 =	simm.s32 $0x1B8B  }
0xa2: {  	_ =	swait.ge [sflag:s23], $0x1  }
0xa3: {  	[sflag:s23] =	ssyncset.done $0x0  }
0xa4: {  	s25 =	simm.s32 $0x1B8E;
	s24 =	sld [smem:$0x3FFE];
	[sflag:s23] =	ssyncadd.s32 $0xFFFFFFFF  }
0xa5: {  	s26 =	simm.s32 $execute0_lowered;
	[smem:$0x3FD2] =	sst s25  }
0xa6: {  	s4 =	sshll.u32 s26, $0x1;
	_ =	strace $0x8000004F;
	[dreg:$0x1] =	wrdreg $0xFFFFFFFF  }
0xa7: {  	s28 =	simm.s32 $_size_execute0_lowered;
	s2 =	sadd.s32 s2, s4;
	[dreg:$0x0] =	wrdreg $0x0  }
0xa8: {  	s4 =	sshll.u32 s28, $0x1;
	[dreg:$0x2] =	wrdreg s2  }
0xa9: {  	[dreg:$0x3] =	wrdreg s4  }
0xaa: {  	[dreg:$0x4] =	wrdreg $0xC0  }
0xab: {  	_ =	task [dreg:s6], $0x5FFFF  }
0xac: {  	[dreg:$0x1] =	wrdreg $0xFFFFFFFF  }
0xad: {  	[dreg:$0x0] =	wrdreg $0x60  }
0xae: {  	[dreg:$0x2] =	wrdreg s24  }
0xaf: {  	[dreg:$0x3] =	wrdreg $0x90000  }
0xb0: {  	[dreg:$0x4] =	wrdreg $0x9  }
0xb1: {  	_ =	task.clear_ibuf [dreg:s6], $0x5FFFF;
	_ =	strace $0x9000004F  }
0xb2: {  	s29 =	simm.s32 $0x9;
	_ =	strace $0x80000051  }
0xb3: {  	_ =	swait.ge [sflag:s29], $0x1  }
0xb4: {  	[sflag:s29] =	ssyncadd.s32 $0xFFFFFFFF  }
0xb5: {  	_ =	strace $0x90000051  }
0xb6: {  	_ =	sfence  }
0xb7: {  	s30 =	sld [smem:$0x0];
	_ =	sdelay $0x2  }
0xb8: {  	s31 =	sshll.u32 s1, $0xD;
	s1 =	sshrl.u32 s1, $0x2  }
0xb9: {  	s3 =	sand.u32 $0x4000, s31;
	s1 =	sadd.s32 s1, s30  }
0xba: {  	s0 =	sor.u32 s3, s0;
	s1 =	sshll.u32 s1, $0x11  }
0xbb: {  	s0 =	sor.u32 s1, s0  }
0xbc: {  	s0 =	sadd.s32 $0x8F2B, s0  }
0xbd: {  	[sflag:s0] =	ssyncadd.remote.s32 $0x1  }
0xbe: {  	_ =	sfence.sel $0xFFFF  }
0xbf: {  	[dreg:$0x0] =	wrdreg $0xFFFFFFFF;
	(pc) =	sbr.abs _section_cstart, $3  }
0xc0: {  	[dreg:$0x1] =	wrdreg $0xFFFFFFFF  }
0xc1: {  	_ =	task.clear_ibuf [dreg:s6], $0x2FFFF;
	_ =	strace $0x9FFFFFFF  }
0xc2: {  	(tm) =	ssettm $0x7FFFFFFF  }
0xc3: {  	_ =	shalt  }
tec
execute0_lowered:
.L_overlay_start_1:
0x0: {  	(tag) =	ssettag $0x1  }
0x1: {  	s0 =	rddreg [dreg:$0x0]  }
0x2: {  	s2 =	rddreg [dreg:$0x1];
	s1 =	srdreg.scid;
	s3 =	simm.s32 $0x0  }
0x3: {  	s14 =	stileid.u32;
	s16 =	simm.s32 $0x5;
	s17 =	simm.s32 $0x2000  }
0x4: {  	s18 =	simm.s32 $0x50;
	s19 =	simm.s32 $0x4000;
	s20 =	simm.s32 $0x80  }
0x5: {  	s21 =	simm.s32 $0x6800;
	s22 =	simm.s32 $0x2;
	s24 =	simm.s32 $0x3  }
0x6: {  	s29 =	simm.s32 $0x0;
	s1 =	sand.u32 $0x1, s1;
	s7 =	smul.u32 $0x50000, s14  }
0x7: {  	[smem:$0x7FF] =	sst s3;
	s4 =	sshll.u32 s14, $0xC;
	s25 =	smul.u32 $0x14000, s14  }
0x8: {  	s13 =	sadd.s32 $0x12C000, s2;
	p0 =	seq.s32 s14, $0xF;
	s5 =	sshll.u32 s1, $0xB  }
0x9: {  	_ =	strace $0x80000050;
	s8 =	ssub.s32 $0x2, s1;
	s1 =	smul.u32 $0x138800, s1  }
0xa: {  	s13 =	sshrl.u32 @p0 s13, $0x3;
	s5 =	sor.u32 s5, s4;
	s4 =	sadd.s32 $0x75800, s0  }
0xb: {  	s9 =	sshrl.u32 s8, $0x1;
	s7 =	sshrl.u32 s7, $0x2;
	s6 =	sadd.s32 s5, s0  }
0xc: {  	s5 =	sadd.s32 $0x24E00, s0;
	s0 =	sadd.s32 $0x9CA00, s0;
	s12 =	ssub.s32 s8, s9  }
0xd: {  	s15 =	sadd.s32 s7, s2;
	s10 =	sadd.s32 s25, s1;
	s1 =	sshrl.u32 s1, $0x3  }
0xe: {  	s25 =	simm.s32 $0x4;
	s26 =	sadd.s32 $0x4E00, s6;
	s28 =	sadd.s32 $0x14E00, s6  }
0xf: {  	s30 =	sadd.s32 $0x5200, s6;
	s6 =	sadd.s32 $0x15200, s6;
	[dreg:$0x3] =	wrdreg s26  }
0x10: {  	s31 =	sshrl.u32 s10, $0x3;
	s1 =	sadd.s32 s0, s1;
	[dreg:$0x4] =	wrdreg s28  }
0x11: {  	s12 =	smax.u32 s12, $0x1;
	s15 =	sshrl.u32 @!p0 s15, $0x3;
	[dreg:$0x5] =	wrdreg s30  }
0x12: {  	[dreg:$0x6] =	wrdreg s6;
	s10 =	sadd.s32 s0, s31;
	s0 =	sshll.u32 @!p0 s14, $0x6  }
0x13: {  	s11 =	sadd.s32 $0x25800, s1;
	s26 =	simm.s32 $0x1;
	s14 =	sor.u32 @!p0 $0x1C05, s0  }
.LBB2_1:
0x14: {  	s0 =	simm.s32 @p0 $0x1FC5  }
0x15: {  	[spmem:s13], [sflag:s0] =	dma.local @p0 [hbm:s5], $0x1900  }
0x16: {  	s0 =	simm.s32 @p0 $0x5  }
0x17: {  	_ =	swait.ge @p0 [sflag:s0], $0x1900  }
0x18: {  	[sflag:s0] =	ssyncset.done @p0 $0x0  }
0x19: {  	[sflag:s0] =	ssyncadd.s32 @p0 $0xFFFFE700;
	s0 =	simm.s32 @!p0 $0x5  }
0x1a: {  	[spmem:s15], [sflag:s14] =	dma.local @!p0 [hbm:s5], $0x2800  }
0x1b: {  	_ =	swait.ge @!p0 [sflag:s0], $0x2800  }
0x1c: {  	[sflag:s0] =	ssyncset.done @!p0 $0x0  }
0x1d: {  	[sflag:s0] =	ssyncadd.s32 @!p0 $0xFFFFD800  }
0x1e: {  	[bflag:$0x0] =	sbarrier.arrive $0xFFFF  }
0x1f: {  	s6 =	rddreg [dreg:$0x3]  }
0x20: {  	[tilespmem:s3], [sflag:$0x5] =	stream.linear.gather [hbm4b:s6+s3], $0x2000, $0x38;
	[tilespmem:$0x1C880] =	vst v63  }
0x21: {  	_ =	swait.ge [sflag:s16], $0x2000  }
0x22: {  	[sflag:s16] =	ssyncset.done $0x0  }
0x23: {  	s7 =	rddreg [dreg:$0x4];
	[sflag:s16] =	ssyncadd.s32 $0xFFFFE000  }
0x24: {  	[tilespmem:s17], [sflag:$0x5] =	stream.linear.gather [hbm4b:s7+s3], $0x2000, $0x38;
	[tilespmem:$0x1C880] =	vst v63  }
0x25: {  	_ =	swait.ge [sflag:s16], $0x2000  }
0x26: {  	[sflag:s16] =	ssyncset.done $0x0  }
0x27: {  	[sflag:s16] =	ssyncadd.s32 $0xFFFFE000  }
0x28: {  	[tilespmem:s19], [sflag:$0x1] =	stream.indirect.gather [hbm4b:s4+s18], $0x80, s3, s18, $0xb8;
	[tilespmem:$0x1C880] =	vst v63  }
0x29: {  	_ = 	snop  }
0x2a: {  	[tilespmem:s21], [sflag:$0x2] =	stream.indirect.gather [hbm4b:s4+s18], $0x80, s20, s18, $0xb8;
	[tilespmem:$0x1C880] =	vst v63  }
0x2b: {  	s8 =	sand.u32 $0x1, s26;
	_ =	swait.ge [sflag:s26], $0x2800  }
0x2c: {  	p1 =	seq.s32 s8, $0x1;
	[sflag:s26] =	ssyncset.done $0x0  }
0x2d: {  	s0 =	simm.s32 @p1 $0x3;
	[sflag:s26] =	ssyncadd.s32 $0xFFFFD800  }
0x2e: {  	[spmem:s2] =	stream.indirect.scatter.add.f32 [tilespmem:s19], [sflag:$0x3], $0x80, s17, s18, $0xb8;
	[tilespmem:$0x1C880] =	vst v63  }
0x2f: {  	s1 =	simm.s32 @p1 $0x2;
	_ =	swait.ge @p1 [sflag:s0], $0x2800  }
0x30: {  	s6 =	simm.s32 $0x100;
	[sflag:s0] =	ssyncset.done @p1 $0x0;
	p1 =	por p1, p1  }
0x31: {  	[sflag:s0] =	ssyncadd.s32 @p1 $0xFFFFD800;
	s23 =	simm.s32 @p1 $0x50;
	s0 =	simm.s32 @p1 $0x4000  }
0x32: {  	[tilespmem:s0], [sflag:$0x1] =	stream.indirect.gather @p1 [hbm4b:s4+s23], $0x80, s6, s23, $0xb8;
	[tilespmem:$0x1C880] =	vst v63  }
0x33: {  	_ =	swait.ge @p1 [sflag:s1], $0x2800  }
0x34: {  	s31 =	simm.s32 @!p1 $0x4;
	[sflag:s1] =	ssyncset.done @p1 $0x0  }
0x35: {  	s0 =	simm.s32 $0x2080;
	[sflag:s1] =	ssyncadd.s32 @p1 $0xFFFFD800;
	s1 =	simm.s32 @p1 $0x6800  }
0x36: {  	[spmem:s2] =	stream.indirect.scatter.add.f32 @p1 [tilespmem:s1], [sflag:$0x4], $0x80, s0, s23, $0xb8;
	[tilespmem:$0x1C880] =	vst v63  }
0x37: {  	s30 =	simm.s32 $0x180;
	s7 =	simm.s32 $0x2;
	_ =	swait.ge @!p1 [sflag:s31], $0x2800  }
0x38: {  	s9 =	sand.u32 $0x1, s7;
	s28 =	simm.s32 @!p1 $0x1;
	[sflag:s31] =	ssyncset.done @!p1 $0x0  }
0x39: {  	s23 =	simm.s32 @!p1 $0x50;
	[sflag:s31] =	ssyncadd.s32 @!p1 $0xFFFFD800;
	s31 =	simm.s32 @!p1 $0x6800  }
0x3a: {  	[tilespmem:s31], [sflag:$0x2] =	stream.indirect.gather @!p1 [hbm4b:s4+s23], $0x80, s6, s23, $0xb8;
	[tilespmem:$0x1C880] =	vst v63  }
0x3b: {  	p3 =	seq.s32 s9, $0x1;
	s1 =	simm.s32 $0x3;
	_ =	swait.ge @!p1 [sflag:s28], $0x2800  }
0x3c: {  	s31 =	simm.s32 $0x2100;
	s6 =	simm.s32 @!p1 $0x4000;
	[sflag:s28] =	ssyncset.done @!p1 $0x0  }
.LBB2_2:
0x3d: {  	s7 =	simm.s32 @p3 $0x3;
	[sflag:s28] =	ssyncadd.s32 @!p1 $0xFFFFD800  }
0x3e: {  	s8 =	smov.u32 s1;
	s1 =	sadd.s32 $0x1, s1;
	s9 =	smov.u32 s30  }
0x3f: {  	[spmem:s2] =	stream.indirect.scatter.add.f32 @!p1 [tilespmem:s6], [sflag:$0x3], $0x80, s0, s23, $0xb8;
	[tilespmem:$0x1C880] =	vst v63  }
0x40: {  	p2 =	sne.s32 s1, $0x3F;
	s0 =	smov.u32 s31;
	_ =	swait.ge @p3 [sflag:s7], $0x2800  }
0x41: {  	s6 =	simm.s32 @p3 $0x2;
	p1 =	por p3, p3;
	[sflag:s7] =	ssyncset.done @p3 $0x0  }
0x42: {  	s23 =	simm.s32 @p1 $0x4000;
	[sflag:s7] =	ssyncadd.s32 @p1 $0xFFFFD800;
	s7 =	simm.s32 @p1 $0x50  }
0x43: {  	[tilespmem:s23], [sflag:$0x1] =	stream.indirect.gather @p1 [hbm4b:s4+s7], $0x80, s30, s7, $0xb8;
	[tilespmem:$0x1C880] =	vst v63  }
0x44: {  	_ =	swait.ge @p1 [sflag:s6], $0x2800  }
0x45: {  	[sflag:s6] =	ssyncset.done @p1 $0x0  }
0x46: {  	s23 =	simm.s32 @!p1 $0x4;
	[sflag:s6] =	ssyncadd.s32 @p1 $0xFFFFD800;
	s6 =	simm.s32 @p1 $0x6800  }
0x47: {  	[spmem:s2] =	stream.indirect.scatter.add.f32 @p1 [tilespmem:s6], [sflag:$0x4], $0x80, s31, s7, $0xb8;
	[tilespmem:$0x1C880] =	vst v63  }
0x48: {  	s30 =	sadd.s32 $0x80, s30;
	_ =	swait.ge @!p1 [sflag:s23], $0x2800  }
.Ltmp0:
0x49: {  	s28 =	simm.s32 @!p1 $0x1;
	[sflag:s23] =	ssyncset.done @!p1 $0x0;
	(pc) =	sbr.rel @p2 .LBB2_2-.Ltmp0, $4  }
0x4a: {  	s6 =	simm.s32 @!p1 $0x6800;
	[sflag:s23] =	ssyncadd.s32 @!p1 $0xFFFFD800;
	s23 =	simm.s32 @!p1 $0x50  }
0x4b: {  	[tilespmem:s6], [sflag:$0x2] =	stream.indirect.gather @!p1 [hbm4b:s4+s23], $0x80, s9, s23, $0xb8;
	[tilespmem:$0x1C880] =	vst v63  }
0x4c: {  	s31 =	sadd.s32 $0x80, s31;
	s6 =	sand.u32 $0x1, s8;
	_ =	swait.ge @!p1 [sflag:s28], $0x2800  }
0x4d: {  	p3 =	seq.s32 s6, $0x1;
	s6 =	simm.s32 @!p1 $0x4000;
	[sflag:s28] =	ssyncset.done @!p1 $0x0  }
0x4e: {  	s1 =	simm.s32 @p3 $0x3;
	[sflag:s28] =	ssyncadd.s32 @!p1 $0xFFFFD800  }
0x4f: {  	[spmem:s2] =	stream.indirect.scatter.add.f32 @!p1 [tilespmem:s6], [sflag:$0x3], $0x80, s0, s23, $0xb8;
	[tilespmem:$0x1C880] =	vst v63  }
0x50: {  	_ =	swait.ge @p3 [sflag:s1], $0x2800  }
0x51: {  	s0 =	simm.s32 @p3 $0x2;
	p1 =	por p3, p3;
	[sflag:s1] =	ssyncset.done @p3 $0x0  }
0x52: {  	s6 =	simm.s32 @p1 $0x4000;
	[sflag:s1] =	ssyncadd.s32 @p1 $0xFFFFD800;
	s1 =	simm.s32 @p1 $0x50  }
0x53: {  	[tilespmem:s6], [sflag:$0x1] =	stream.indirect.gather @p1 [hbm4b:s4+s1], $0x80, s30, s1, $0xb8;
	[tilespmem:$0x1C880] =	vst v63  }
0x54: {  	_ =	swait.ge @p1 [sflag:s0], $0x2800  }
0x55: {  	[sflag:s0] =	ssyncset.done @p1 $0x0  }
0x56: {  	s6 =	simm.s32 @!p1 $0x4;
	[sflag:s0] =	ssyncadd.s32 @p1 $0xFFFFD800;
	s0 =	simm.s32 @p1 $0x6800  }
0x57: {  	[spmem:s2] =	stream.indirect.scatter.add.f32 @p1 [tilespmem:s0], [sflag:$0x4], $0x80, s31, s1, $0xb8;
	[tilespmem:$0x1C880] =	vst v63  }
0x58: {  	_ =	swait.ge @!p1 [sflag:s6], $0x2800  }
0x59: {  	s0 =	simm.s32 @!p1 $0x1;
	[sflag:s6] =	ssyncset.done @!p1 $0x0  }
0x5a: {  	s1 =	simm.s32 @!p1 $0x50;
	[sflag:s6] =	ssyncadd.s32 @!p1 $0xFFFFD800;
	s6 =	simm.s32 @!p1 $0x6800  }
0x5b: {  	[tilespmem:s6], [sflag:$0x2] =	stream.indirect.gather @!p1 [hbm4b:s4+s1], $0x80, s30, s1, $0xb8;
	[tilespmem:$0x1C880] =	vst v63  }
0x5c: {  	_ =	swait.ge @!p1 [sflag:s0], $0x2800  }
0x5d: {  	[sflag:s0] =	ssyncset.done @!p1 $0x0  }
0x5e: {  	s6 =	simm.s32 @!p1 $0x4000;
	[sflag:s0] =	ssyncadd.s32 @!p1 $0xFFFFD800  }
0x5f: {  	[spmem:s2] =	stream.indirect.scatter.add.f32 @!p1 [tilespmem:s6], [sflag:$0x3], $0x80, s31, s1, $0xb8;
	[tilespmem:$0x1C880] =	vst v63  }
0x60: {  	_ =	swait.ge [sflag:s22], $0x2800  }
0x61: {  	[sflag:s22] =	ssyncset.done $0x0  }
0x62: {  	s1 =	simm.s32 $0x3F80;
	[sflag:s22] =	ssyncadd.s32 $0xFFFFD800  }
0x63: {  	[spmem:s2] =	stream.indirect.scatter.add.f32 [tilespmem:s21], [sflag:$0x4], $0x80, s1, s18, $0xb8;
	[tilespmem:$0x1C880] =	vst v63  }
0x64: {  	_ =	swait.ge [sflag:s24], $0x2800  }
0x65: {  	[sflag:s24] =	ssyncset.done $0x0  }
0x66: {  	[sflag:s24] =	ssyncadd.s32 $0xFFFFD800  }
0x67: {  	_ =	swait.ge [sflag:s25], $0x2800  }
0x68: {  	[sflag:s25] =	ssyncset.done $0x0  }
0x69: {  	s6 =	rddreg [dreg:$0x5];
	[sflag:s25] =	ssyncadd.s32 $0xFFFFD800  }
0x6a: {  	[tilespmem:s3], [sflag:$0x5] =	stream.linear.gather [hbm4b:s6+s3], $0x1E80, $0x38;
	[tilespmem:$0x1C880] =	vst v63  }
0x6b: {  	_ =	swait.ge [sflag:s16], $0x1E80  }
0x6c: {  	[sflag:s16] =	ssyncset.done $0x0  }
0x6d: {  	s7 =	rddreg [dreg:$0x6];
	[sflag:s16] =	ssyncadd.s32 $0xFFFFE180  }
0x6e: {  	[tilespmem:s17], [sflag:$0x5] =	stream.linear.gather [hbm4b:s7+s3], $0x1E80, $0x38;
	[tilespmem:$0x1C880] =	vst v63  }
0x6f: {  	_ =	swait.ge [sflag:s16], $0x1E80  }
0x70: {  	[sflag:s16] =	ssyncset.done $0x0  }
0x71: {  	[sflag:s16] =	ssyncadd.s32 $0xFFFFE180  }
0x72: {  	[tilespmem:s19], [sflag:$0x1] =	stream.indirect.gather [hbm4b:s4+s18], $0x80, s3, s18, $0xb8;
	[tilespmem:$0x1C880] =	vst v63  }
0x73: {  	s8 =	simm.s32 $0x1  }
0x74: {  	[tilespmem:s21], [sflag:$0x2] =	stream.indirect.gather [hbm4b:s4+s18], $0x80, s20, s18, $0xb8;
	[tilespmem:$0x1C880] =	vst v63  }
0x75: {  	s0 =	sand.u32 $0x1, s8;
	_ =	swait.ge [sflag:s8], $0x2800  }
0x76: {  	p1 =	seq.s32 s0, $0x1;
	[sflag:s8] =	ssyncset.done $0x0  }
0x77: {  	s0 =	simm.s32 @p1 $0x3;
	[sflag:s8] =	ssyncadd.s32 $0xFFFFD800  }
0x78: {  	[spmem:s2] =	stream.indirect.scatter.add.f32 [tilespmem:s19], [sflag:$0x3], $0x80, s17, s18, $0xb8;
	[tilespmem:$0x1C880] =	vst v63  }
0x79: {  	s1 =	simm.s32 @p1 $0x2;
	_ =	swait.ge @p1 [sflag:s0], $0x2800  }
0x7a: {  	s6 =	simm.s32 $0x100;
	[sflag:s0] =	ssyncset.done @p1 $0x0;
	p1 =	por p1, p1  }
0x7b: {  	[sflag:s0] =	ssyncadd.s32 @p1 $0xFFFFD800;
	s7 =	simm.s32 @p1 $0x50;
	s0 =	simm.s32 @p1 $0x4000  }
0x7c: {  	[tilespmem:s0], [sflag:$0x1] =	stream.indirect.gather @p1 [hbm4b:s4+s7], $0x80, s6, s7, $0xb8;
	[tilespmem:$0x1C880] =	vst v63  }
0x7d: {  	_ =	swait.ge @p1 [sflag:s1], $0x2800  }
0x7e: {  	s9 =	simm.s32 $0x2;
	s8 =	simm.s32 @!p1 $0x4;
	[sflag:s1] =	ssyncset.done @p1 $0x0  }
0x7f: {  	s0 =	simm.s32 $0x2080;
	[sflag:s1] =	ssyncadd.s32 @p1 $0xFFFFD800;
	s1 =	simm.s32 @p1 $0x6800  }
0x80: {  	[spmem:s2] =	stream.indirect.scatter.add.f32 @p1 [tilespmem:s1], [sflag:$0x4], $0x80, s0, s7, $0xb8;
	[tilespmem:$0x1C880] =	vst v63  }
0x81: {  	s9 =	sand.u32 $0x1, s9;
	_ =	swait.ge @!p1 [sflag:s8], $0x2800  }
0x82: {  	p3 =	seq.s32 s9, $0x1;
	s28 =	simm.s32 @!p1 $0x1;
	[sflag:s8] =	ssyncset.done @!p1 $0x0  }
0x83: {  	s23 =	simm.s32 @!p1 $0x50;
	[sflag:s8] =	ssyncadd.s32 @!p1 $0xFFFFD800;
	s8 =	simm.s32 @!p1 $0x6800  }
0x84: {  	[tilespmem:s8], [sflag:$0x2] =	stream.indirect.gather @!p1 [hbm4b:s4+s23], $0x80, s6, s23, $0xb8;
	[tilespmem:$0x1C880] =	vst v63  }
0x85: {  	s30 =	simm.s32 $0x180;
	s31 =	simm.s32 $0x2100;
	_ =	swait.ge @!p1 [sflag:s28], $0x2800  }
0x86: {  	s1 =	simm.s32 $0x3;
	s6 =	simm.s32 @!p1 $0x4000;
	[sflag:s28] =	ssyncset.done @!p1 $0x0  }
.LBB2_4:
0x87: {  	s7 =	simm.s32 @p3 $0x3;
	[sflag:s28] =	ssyncadd.s32 @!p1 $0xFFFFD800  }
0x88: {  	s8 =	smov.u32 s1;
	s1 =	sadd.s32 $0x1, s1;
	s9 =	smov.u32 s30  }
0x89: {  	[spmem:s2] =	stream.indirect.scatter.add.f32 @!p1 [tilespmem:s6], [sflag:$0x3], $0x80, s0, s23, $0xb8;
	[tilespmem:$0x1C880] =	vst v63  }
0x8a: {  	p2 =	sne.s32 s1, $0x3C;
	s0 =	smov.u32 s31;
	_ =	swait.ge @p3 [sflag:s7], $0x2800  }
0x8b: {  	s6 =	simm.s32 @p3 $0x2;
	p1 =	por p3, p3;
	[sflag:s7] =	ssyncset.done @p3 $0x0  }
0x8c: {  	s23 =	simm.s32 @p1 $0x4000;
	[sflag:s7] =	ssyncadd.s32 @p1 $0xFFFFD800;
	s7 =	simm.s32 @p1 $0x50  }
0x8d: {  	[tilespmem:s23], [sflag:$0x1] =	stream.indirect.gather @p1 [hbm4b:s4+s7], $0x80, s30, s7, $0xb8;
	[tilespmem:$0x1C880] =	vst v63  }
0x8e: {  	_ =	swait.ge @p1 [sflag:s6], $0x2800  }
0x8f: {  	[sflag:s6] =	ssyncset.done @p1 $0x0  }
0x90: {  	s23 =	simm.s32 @!p1 $0x4;
	[sflag:s6] =	ssyncadd.s32 @p1 $0xFFFFD800;
	s6 =	simm.s32 @p1 $0x6800  }
0x91: {  	[spmem:s2] =	stream.indirect.scatter.add.f32 @p1 [tilespmem:s6], [sflag:$0x4], $0x80, s31, s7, $0xb8;
	[tilespmem:$0x1C880] =	vst v63  }
0x92: {  	s30 =	sadd.s32 $0x80, s30;
	_ =	swait.ge @!p1 [sflag:s23], $0x2800  }
.Ltmp1:
0x93: {  	s28 =	simm.s32 @!p1 $0x1;
	[sflag:s23] =	ssyncset.done @!p1 $0x0;
	(pc) =	sbr.rel @p2 .LBB2_4-.Ltmp1, $4  }
0x94: {  	s6 =	simm.s32 @!p1 $0x6800;
	[sflag:s23] =	ssyncadd.s32 @!p1 $0xFFFFD800;
	s23 =	simm.s32 @!p1 $0x50  }
0x95: {  	[tilespmem:s6], [sflag:$0x2] =	stream.indirect.gather @!p1 [hbm4b:s4+s23], $0x80, s9, s23, $0xb8;
	[tilespmem:$0x1C880] =	vst v63  }
0x96: {  	s31 =	sadd.s32 $0x80, s31;
	s6 =	sand.u32 $0x1, s8;
	_ =	swait.ge @!p1 [sflag:s28], $0x2800  }
0x97: {  	p3 =	seq.s32 s6, $0x1;
	s6 =	simm.s32 @!p1 $0x4000;
	[sflag:s28] =	ssyncset.done @!p1 $0x0  }
0x98: {  	s1 =	simm.s32 @p3 $0x3;
	[sflag:s28] =	ssyncadd.s32 @!p1 $0xFFFFD800  }
0x99: {  	[spmem:s2] =	stream.indirect.scatter.add.f32 @!p1 [tilespmem:s6], [sflag:$0x3], $0x80, s0, s23, $0xb8;
	[tilespmem:$0x1C880] =	vst v63  }
0x9a: {  	_ =	swait.ge @p3 [sflag:s1], $0x2800  }
0x9b: {  	s0 =	simm.s32 @p3 $0x2;
	p1 =	por p3, p3;
	[sflag:s1] =	ssyncset.done @p3 $0x0  }
0x9c: {  	s6 =	simm.s32 @p1 $0x4000;
	[sflag:s1] =	ssyncadd.s32 @p1 $0xFFFFD800;
	s1 =	simm.s32 @p1 $0x50  }
0x9d: {  	[tilespmem:s6], [sflag:$0x1] =	stream.indirect.gather @p1 [hbm4b:s4+s1], $0x80, s30, s1, $0xb8;
	[tilespmem:$0x1C880] =	vst v63  }
0x9e: {  	_ =	swait.ge @p1 [sflag:s0], $0x2800  }
0x9f: {  	[sflag:s0] =	ssyncset.done @p1 $0x0  }
0xa0: {  	s6 =	simm.s32 @!p1 $0x4;
	[sflag:s0] =	ssyncadd.s32 @p1 $0xFFFFD800;
	s0 =	simm.s32 @p1 $0x6800  }
0xa1: {  	[spmem:s2] =	stream.indirect.scatter.add.f32 @p1 [tilespmem:s0], [sflag:$0x4], $0x80, s31, s1, $0xb8;
	[tilespmem:$0x1C880] =	vst v63  }
0xa2: {  	_ =	swait.ge @!p1 [sflag:s6], $0x2800  }
0xa3: {  	s0 =	simm.s32 @!p1 $0x1;
	[sflag:s6] =	ssyncset.done @!p1 $0x0  }
0xa4: {  	s1 =	simm.s32 @!p1 $0x50;
	[sflag:s6] =	ssyncadd.s32 @!p1 $0xFFFFD800;
	s6 =	simm.s32 @!p1 $0x6800  }
0xa5: {  	[tilespmem:s6], [sflag:$0x2] =	stream.indirect.gather @!p1 [hbm4b:s4+s1], $0x80, s30, s1, $0xb8;
	[tilespmem:$0x1C880] =	vst v63  }
0xa6: {  	_ =	swait.ge @!p1 [sflag:s0], $0x2800  }
0xa7: {  	[sflag:s0] =	ssyncset.done @!p1 $0x0  }
0xa8: {  	s6 =	simm.s32 @!p1 $0x4000;
	[sflag:s0] =	ssyncadd.s32 @!p1 $0xFFFFD800  }
0xa9: {  	[spmem:s2] =	stream.indirect.scatter.add.f32 @!p1 [tilespmem:s6], [sflag:$0x3], $0x80, s31, s1, $0xb8;
	[tilespmem:$0x1C880] =	vst v63  }
0xaa: {  	_ =	swait.ge [sflag:s26], $0x2800  }
0xab: {  	[sflag:s26] =	ssyncset.done $0x0  }
0xac: {  	s31 =	simm.s32 $0x3E00;
	[sflag:s26] =	ssyncadd.s32 $0xFFFFD800  }
0xad: {  	[spmem:s2] =	stream.indirect.scatter.add.f32 [tilespmem:s19], [sflag:$0x3], $0x80, s31, s18, $0xb8;
	[tilespmem:$0x1C880] =	vst v63  }
0xae: {  	_ =	swait.ge [sflag:s25], $0x2800  }
0xaf: {  	[sflag:s25] =	ssyncset.done $0x0  }
0xb0: {  	[sflag:s25] =	ssyncadd.s32 $0xFFFFD800  }
0xb1: {  	_ =	swait.ge [sflag:s24], $0x2800  }
0xb2: {  	[sflag:s24] =	ssyncset.done $0x0  }
0xb3: {  	[sflag:s24] =	ssyncadd.s32 $0xFFFFD800  }
0xb4: {  	s0 =	simm.s32 @p0 $0x1FC5;
	[bflag:$0x0] =	sbarrier.arrive $0xFFFF  }
0xb5: {  	[hbm:s11], [sflag:s0] =	dma.local @p0 [spmem:s13], $0x1900  }
0xb6: {  	s0 =	simm.s32 @p0 $0x5  }
0xb7: {  	s29 =	sadd.s32 $0x1, s29;
	_ =	swait.ge @p0 [sflag:s0], $0x1900  }
0xb8: {  	p1 =	sne.s32 s29, s12;
	[sflag:s0] =	ssyncset.done @p0 $0x0  }
.Ltmp2:
0xb9: {  	[sflag:s0] =	ssyncadd.s32 @p0 $0xFFFFE700;
	s0 =	simm.s32 @!p0 $0x5;
	(pc) =	sbr.rel @p1 .LBB2_1-.Ltmp2, $4  }
0xba: {  	[hbm:s10], [sflag:s14] =	dma.local @!p0 [spmem:s15], $0x2800  }
0xbb: {  	_ =	swait.ge @!p0 [sflag:s0], $0x2800  }
0xbc: {  	[sflag:s0] =	ssyncset.done @!p0 $0x0  }
0xbd: {  	[sflag:s0] =	ssyncadd.s32 @!p0 $0xFFFFD800  }
0xbe: {  	_ =	sfence.sel $0x180000  }
0xbf: {  	[bflag:$0x0] =	sbarrier.arrive $0xFFFF  }
0xc0: {  	_ =	strace $0x90000050  }
0xc1: {  	s0 =	stileid.u32;
	[bflag:$0x2] =	sbarrier.arrive $0xFFFF  }
0xc2: {  	p0 =	sne.s32 s0, $0x0;
	s0 =	rddreg [dreg:$0x2]  }
0xc3: {  	s0 =	sadd.s32 @!p0 $0x100000, s0  }
0xc4: {  	[sflag:s0] =	ssyncadd.tile.s32 @!p0 $0x1;
	_ =	shalt  }
.Lfunc_end2:
_tile_overlayer_lowered:
.L_overlay_start_2:
0xc5: {  	(tag) =	ssettag $0x2  }
0xc6: {  	s0 =	rddreg [dreg:$0x0];
	s2 =	stileid.u32  }
0xc7: {  	s1 =	rddreg [dreg:$0x1];
	p0 =	sne.s32 s2, $0x0  }
0xc8: {  	s3 =	rddreg [dreg:$0x2];
	[bflag:$0x3] =	sbarrier.arrive $0xFFFF;
	s2 =	simm.s32 @!p0 $0x1C05  }
0xc9: {  	[timem:s3], [sflag:s2] =	dma.local @!p0 [hbm:s0], s1  }
0xca: {  	s0 =	simm.s32 @!p0 $0x5  }
0xcb: {  	_ =	swait.ge @!p0 [sflag:s0], s1  }
0xcc: {  	s1 =	ssub.s32 @!p0 $0x0, s1;
	[sflag:s0] =	ssyncset.done @!p0 $0x0  }
0xcd: {  	[sflag:s0] =	ssyncadd.s32 @!p0 s1  }
0xce: {  	[bflag:$0x3] =	sbarrier.arrive $0xFFFF  }
0xcf: {  	_ =	shalt  }

</sc_bundles>
